<compile_context>
chip_gen: v7x
topology: tpu7x:2x2x1
jax: 0.10.2.dev20260603
libtpu: 0.0.44.dev20260713+nightly
codegen_flags: <defaults>
</compile_context>

<pallas_src>
import functools

import jax
import jax.numpy as jnp
from jax import lax
from jax.experimental import pallas as pl
from jax.experimental.pallas import tpu as pltpu
from jax.experimental.pallas import tpu_sc as plsc

N_BUCKETS = 1_000_000
DIM = 64
NQ = 128
K = 8
EPS = 1e-8
BLK = 8192
NBLK = (N_BUCKETS + BLK - 1) // BLK


def _topk_body(q_ref, e_ref, ts_ref, ti_ref, w_ref, s_ref, rv_ref, ri_ref):
    i = pl.program_id(0)

    @pl.when(i == 0)
    def _init():
        rv_ref[...] = jnp.full((NQ, K), -jnp.inf, jnp.float32)
        ri_ref[...] = jnp.zeros((NQ, K), jnp.int32)

    q = q_ref[...]
    qn = q / (jnp.sqrt(jnp.sum(q * q, axis=1, keepdims=True)) + EPS)
    e = e_ref[...]
    en = e / (jnp.sqrt(jnp.sum(e * e, axis=1, keepdims=True)) + EPS)
    s = lax.dot_general(qn, en, (((1,), (1,)), ((), ())),
                        preferred_element_type=jnp.float32)

    col = lax.broadcasted_iota(jnp.int32, (NQ, BLK), 1)
    gidx = col + i * BLK
    s = jnp.where(gidx < N_BUCKETS, s, -jnp.inf)
    s_ref[...] = s

    thr = jnp.min(rv_ref[...], axis=1)
    cnt = jnp.sum(jnp.where(s > thr[:, None], 1, 0), axis=1)
    need = jnp.minimum(jnp.max(cnt), K)

    k8 = lax.broadcasted_iota(jnp.int32, (NQ, K), 1)
    big = jnp.int32(2147483647)
    for t in range(K):
        @pl.when(t < need)
        def _extract():
            sc = s_ref[...]
            bm = jnp.max(sc, axis=1)
            eqm = sc == bm[:, None]
            bpos = jnp.min(jnp.where(eqm, gidx, big), axis=1)
            s_ref[...] = jnp.where(eqm, -jnp.inf, sc)
            rv = rv_ref[...]
            ri = ri_ref[...]
            rmin = jnp.min(rv, axis=1)
            rpos = jnp.min(jnp.where(rv == rmin[:, None], k8, K), axis=1)
            upd = bm > rmin
            sel = (k8 == rpos[:, None]) & upd[:, None]
            rv_ref[...] = jnp.where(sel, bm[:, None], rv)
            ri_ref[...] = jnp.where(sel, bpos[:, None], ri)

    @pl.when(i == NBLK - 1)
    def _finalize():
        v = rv_ref[...]
        idx = ri_ref[...]
        ts = jnp.zeros((NQ, K), jnp.float32)
        ti = jnp.zeros((NQ, K), jnp.int32)
        for t in range(K):
            m = jnp.max(v, axis=1)
            p = jnp.min(jnp.where(v == m[:, None], k8, K), axis=1)
            oh = k8 == p[:, None]
            ts = jnp.where(k8 == t, m[:, None], ts)
            ti = jnp.where(k8 == t,
                           jnp.sum(jnp.where(oh, idx, 0), axis=1)[:, None], ti)
            v = jnp.where(oh, -jnp.inf, v)
        ex = jnp.exp(ts - ts[:, 0:1])
        w = ex / jnp.sum(ex, axis=1, keepdims=True)
        ts_ref[...] = ts
        ti_ref[...] = ti
        w_ref[...] = w


def _topk_call(query, bucket_embeddings):
    return pl.pallas_call(
        _topk_body,
        grid=(NBLK,),
        in_specs=[
            pl.BlockSpec((NQ, DIM), lambda i: (0, 0)),
            pl.BlockSpec((BLK, DIM), lambda i: (i, 0)),
        ],
        out_specs=[
            pl.BlockSpec((NQ, K), lambda i: (0, 0)),
            pl.BlockSpec((NQ, K), lambda i: (0, 0)),
            pl.BlockSpec((NQ, K), lambda i: (0, 0)),
        ],
        out_shape=[
            jax.ShapeDtypeStruct((NQ, K), jnp.float32),
            jax.ShapeDtypeStruct((NQ, K), jnp.int32),
            jax.ShapeDtypeStruct((NQ, K), jnp.float32),
        ],
        scratch_shapes=[
            pltpu.VMEM((NQ, BLK), jnp.float32),
            pltpu.VMEM((NQ, K), jnp.float32),
            pltpu.VMEM((NQ, K), jnp.int32),
        ],
        compiler_params=pltpu.CompilerParams(
            dimension_semantics=("arbitrary",),
        ),
    )(query, bucket_embeddings)


def _gather_weighted(bucket_values, idx_flat, w_flat):
    info = plsc.get_sparse_core_info()
    nc, ns = info.num_cores, info.num_subcores
    nw = nc * ns
    qpw = NQ // nw
    rpw = qpw * K
    mesh = plsc.VectorSubcoreMesh(core_axis_name="c", subcore_axis_name="s")
    values2 = bucket_values.reshape(N_BUCKETS // 2, 2 * DIM)

    @functools.partial(
        pl.kernel,
        mesh=mesh,
        out_type=jax.ShapeDtypeStruct((NQ, DIM), jnp.float32),
        scratch_types=[
            pltpu.VMEM((rpw,), jnp.int32),
            pltpu.VMEM((rpw,), jnp.int32),
            pltpu.VMEM((rpw,), jnp.float32),
            pltpu.VMEM((rpw, 2 * DIM), jnp.float32),
            pltpu.VMEM((qpw, DIM), jnp.float32),
            pltpu.SemaphoreType.DMA,
        ],
    )
    def gather_kernel(values_hbm, idx_hbm, w_hbm, out_hbm,
                      idx_v, g_v, w_v, rows_v, out_v, sem):
        wid = lax.axis_index("s") * nc + lax.axis_index("c")
        base = wid * rpw
        pltpu.sync_copy(idx_hbm.at[pl.ds(base, rpw)], idx_v)
        pltpu.sync_copy(w_hbm.at[pl.ds(base, rpw)], w_v)
        for j in range(rpw // 16):
            g_v[pl.ds(j * 16, 16)] = lax.shift_right_logical(
                idx_v[pl.ds(j * 16, 16)], 1)
        pltpu.async_copy(values_hbm.at[g_v], rows_v, sem).wait()
        dnums = lax.GatherDimensionNumbers(
            offset_dims=(), collapsed_slice_dims=(0,), start_index_map=(0,))

        def bcast(vec16, j):
            return lax.gather(
                vec16, jnp.full((16, 1), j, jnp.int32), dnums,
                slice_sizes=(1,),
                mode=lax.GatherScatterMode.PROMISE_IN_BOUNDS)

        for q in range(qpw):
            half = (q * K // 16) * 16
            wrow = w_v[pl.ds(half, 16)]
            irow = idx_v[pl.ds(half, 16)]
            wvs = [bcast(wrow, (q * K) % 16 + k) for k in range(K)]
            pfs = [(bcast(irow, (q * K) % 16 + k) & 1).astype(jnp.float32)
                   for k in range(K)]
            for c in range(DIM // 16):
                acc = jnp.zeros((16,), jnp.float32)
                for k in range(K):
                    r = q * K + k
                    lo = rows_v[r, pl.ds(c * 16, 16)]
                    hi = rows_v[r, pl.ds(DIM + c * 16, 16)]
                    acc = acc + wvs[k] * (lo + pfs[k] * (hi - lo))
                out_v[q, pl.ds(c * 16, 16)] = acc
        pltpu.sync_copy(out_v, out_hbm.at[pl.ds(wid * qpw, qpw)])

    return gather_kernel(values2, idx_flat, w_flat)


def kernel(query, bucket_embeddings, bucket_values):
    ts, ti, w = _topk_call(query, bucket_embeddings)
    retrieved = _gather_weighted(bucket_values, ti.reshape(-1), w.reshape(-1))
    return retrieved, ts, ti

# --- scband reference (transcript-rebuilt; emitter-appended) ---
"""Pipeline reference for scband-persistent-memory-55886114455592 (READ-ONLY COPY).

The authoritative reference and input builder live on the scoring server;
editing this copy changes nothing except your own understanding.
"""

import jax, jax.numpy as jnp
import numpy as np

TOP_K_BUCKETS = 8
EPS = 1e-8


def setup_inputs(seed: int = 0) -> dict:
    key = jax.random.key(seed)
    k1, k2, k3 = jax.random.split(key, 3)
    query = jax.random.normal(k1, (128, 64), dtype=jnp.float32)
    bucket_embeddings = jax.random.normal(k2, (1000000, 64), dtype=jnp.float32)
    bucket_values = jax.random.normal(k3, (1000000, 64), dtype=jnp.float32)
    return {
        "query": query,
        "bucket_embeddings": bucket_embeddings,
        "bucket_values": bucket_values,
    }


def reference(query, bucket_embeddings, bucket_values):
    # PersistentMemory read path (TopKBucketsRetrieval):
    # 1. cosine similarity between query embedding and all concept-bucket embeddings
    # 2. select top-k most similar buckets
    # 3. gather stored data tensors from the selected buckets
    # 4. similarity-weighted aggregation of retrieved items
    q_norm = query / (jnp.linalg.norm(query, axis=-1, keepdims=True) + EPS)
    b_norm = bucket_embeddings / (
        jnp.linalg.norm(bucket_embeddings, axis=-1, keepdims=True) + EPS
    )
    sims = q_norm @ b_norm.T  # [Q, num_buckets]
    top_sims, top_idx = jax.lax.top_k(sims, TOP_K_BUCKETS)  # [Q, k]
    gathered = jnp.take(bucket_values, top_idx, axis=0)  # [Q, k, value_dim]
    weights = jax.nn.softmax(top_sims, axis=-1)
    retrieved = jnp.sum(weights[..., None] * gathered, axis=1)  # [Q, value_dim]
    return retrieved, top_sims, top_idx


if False:  # reference __main__ guard neutralized (emitter)
    inp = setup_inputs()
    out = reference(**inp)
    print([o.shape for o in out])

if __name__ == "__main__":
    import jax
    _d = setup_inputs()
    print(jax.jit(kernel)(*tuple(_d.values())))

</pallas_src>

<mosaic_0001>
#map = affine_map<(d0, d1) -> (0, 0)>
#map1 = affine_map<(d0, d1) -> (0)>
module attributes {stable_mosaic.version = 14 : i64} {
  func.func @gather_kernel(%arg0: i32, %arg1: i32, %arg2: memref<500000x128xf32, #tpu.memory_space<hbm>>, %arg3: memref<1024xi32, #tpu.memory_space<hbm>>, %arg4: memref<1024xf32, #tpu.memory_space<hbm>>, %arg5: memref<128x64xf32, #tpu.memory_space<hbm>>, %arg6: memref<32xi32, #tpu.memory_space<vmem>>, %arg7: memref<32xi32, #tpu.memory_space<vmem>>, %arg8: memref<32xf32, #tpu.memory_space<vmem>>, %arg9: memref<32x128xf32, #tpu.memory_space<vmem>>, %arg10: memref<4x64xf32, #tpu.memory_space<vmem>>, %arg11: memref<!tpu.dma_semaphore, #tpu.memory_space<semaphore_mem>>) attributes {dimension_semantics = [#tpu.dimension_semantics<core_parallel>, #tpu.dimension_semantics<subcore_parallel>], iteration_bounds = array<i64: 2, 16>, scalar_prefetch = 0 : i64, scratch_operands = 6 : i64, tpu.core_type = #tpu.core_type<sc_vector_subcore>, window_params = [{transform_indices = #map}, {transform_indices = #map1}, {transform_indices = #map1}, {transform_indices = #map}]} {
    %mul3A = arith.constant 2 : i32
    %mul3A_0 = arith.muli %arg1, %mul3A : i32
    %add3A = arith.addi %mul3A_0, %arg0 : i32
    %mul3A_1 = arith.constant 32 : i32
    %mul3A_2 = arith.muli %add3A, %mul3A_1 : i32
    "tpu.region"() ({
      %run_scoped3A = tpu.sem_alloc : memref<!tpu.dma_semaphore, #tpu.memory_space<semaphore_mem>>
      %dma_start3A_2477 = tpu.memref_slice %arg3[%mul3A_2] : memref<1024xi32, #tpu.memory_space<hbm>> -> memref<32xi32, #tpu.memory_space<hbm>>
      %dma_start3A_2478 = tpu.memref_slice %arg3[%mul3A_2] : memref<1024xi32, #tpu.memory_space<hbm>> -> memref<32xi32, #tpu.memory_space<hbm>>
      tpu.enqueue_dma source(%dma_start3A_2478 : memref<32xi32, #tpu.memory_space<hbm>>) target(%arg6 : memref<32xi32, #tpu.memory_space<vmem>>) target_semaphore(%run_scoped3A : memref<!tpu.dma_semaphore, #tpu.memory_space<semaphore_mem>>)
      %dma_wait3A_2479 = tpu.memref_slice %arg3[%mul3A_2] : memref<1024xi32, #tpu.memory_space<hbm>> -> memref<32xi32, #tpu.memory_space<hbm>>
      %dma_wait3A_2480 = tpu.memref_slice %arg3[%mul3A_2] : memref<1024xi32, #tpu.memory_space<hbm>> -> memref<32xi32, #tpu.memory_space<hbm>>
      tpu.wait_dma2 semaphore(%run_scoped3A : memref<!tpu.dma_semaphore, #tpu.memory_space<semaphore_mem>>) src(%dma_wait3A_2480 : memref<32xi32, #tpu.memory_space<hbm>>) dst(%arg6 : memref<32xi32, #tpu.memory_space<vmem>>)
      tpu.yield
    }) : () -> ()
    "tpu.region"() ({
      %run_scoped3A = tpu.sem_alloc : memref<!tpu.dma_semaphore, #tpu.memory_space<semaphore_mem>>
      %dma_start3A_2477 = tpu.memref_slice %arg4[%mul3A_2] : memref<1024xf32, #tpu.memory_space<hbm>> -> memref<32xf32, #tpu.memory_space<hbm>>
      %dma_start3A_2478 = tpu.memref_slice %arg4[%mul3A_2] : memref<1024xf32, #tpu.memory_space<hbm>> -> memref<32xf32, #tpu.memory_space<hbm>>
      tpu.enqueue_dma source(%dma_start3A_2478 : memref<32xf32, #tpu.memory_space<hbm>>) target(%arg8 : memref<32xf32, #tpu.memory_space<vmem>>) target_semaphore(%run_scoped3A : memref<!tpu.dma_semaphore, #tpu.memory_space<semaphore_mem>>)
      %dma_wait3A_2479 = tpu.memref_slice %arg4[%mul3A_2] : memref<1024xf32, #tpu.memory_space<hbm>> -> memref<32xf32, #tpu.memory_space<hbm>>
      %dma_wait3A_2480 = tpu.memref_slice %arg4[%mul3A_2] : memref<1024xf32, #tpu.memory_space<hbm>> -> memref<32xf32, #tpu.memory_space<hbm>>
      tpu.wait_dma2 semaphore(%run_scoped3A : memref<!tpu.dma_semaphore, #tpu.memory_space<semaphore_mem>>) src(%dma_wait3A_2480 : memref<32xf32, #tpu.memory_space<hbm>>) dst(%arg8 : memref<32xf32, #tpu.memory_space<vmem>>)
      tpu.yield
    }) : () -> ()
    %get3A = arith.constant 0 : index
    %get3A_3 = tpu.vector_load %arg6[%get3A] {strides = array<i32>} : memref<32xi32, #tpu.memory_space<vmem>>, vector<16xi32>,
    %get3A_4 = vector.shape_cast %get3A_3 : vector<16xi32> to vector<16xi32>
    %shift_right_logical3A = arith.constant 1 : i32
    %shift_right_logical3A_5 = vector.broadcast %shift_right_logical3A : i32 to vector<16xi32>
    %shift_right_logical3A_6 = arith.shrui %get3A_4, %shift_right_logical3A_5 : vector<16xi32>
    %swap3A = arith.constant 0 : index
    %swap3A_7 = tpu.vector_load %arg7[%swap3A] {strides = array<i32>} : memref<32xi32, #tpu.memory_space<vmem>>, vector<16xi32>,
    %swap3A_8 = vector.shape_cast %swap3A_7 : vector<16xi32> to vector<16xi32>
    %swap3A_9 = vector.shape_cast %shift_right_logical3A_6 : vector<16xi32> to vector<16xi32>
    tpu.vector_store %arg7[%swap3A], %swap3A_9 {strides = array<i32>} : memref<32xi32, #tpu.memory_space<vmem>>, vector<16xi32>,
    %get3A_10 = arith.constant 16 : index
    %get3A_11 = tpu.vector_load %arg6[%get3A_10] {strides = array<i32>} : memref<32xi32, #tpu.memory_space<vmem>>, vector<16xi32>,
    %get3A_12 = vector.shape_cast %get3A_11 : vector<16xi32> to vector<16xi32>
    %shift_right_logical3A_13 = arith.constant 1 : i32
    %shift_right_logical3A_14 = vector.broadcast %shift_right_logical3A_13 : i32 to vector<16xi32>
    %shift_right_logical3A_15 = arith.shrui %get3A_12, %shift_right_logical3A_14 : vector<16xi32>
    %swap3A_16 = arith.constant 16 : index
    %swap3A_17 = tpu.vector_load %arg7[%swap3A_16] {strides = array<i32>} : memref<32xi32, #tpu.memory_space<vmem>>, vector<16xi32>,
    %swap3A_18 = vector.shape_cast %swap3A_17 : vector<16xi32> to vector<16xi32>
    %swap3A_19 = vector.shape_cast %shift_right_logical3A_15 : vector<16xi32> to vector<16xi32>
    tpu.vector_store %arg7[%swap3A_16], %swap3A_19 {strides = array<i32>} : memref<32xi32, #tpu.memory_space<vmem>>, vector<16xi32>,
    %dma_start3A = arith.constant 0 : i32
    %dma_start3A_20 = arith.constant 0 : i32
    %dma_start3A_21 = tpu.memref_slice %arg2[%dma_start3A, %dma_start3A_20] : memref<500000x128xf32, #tpu.memory_space<hbm>> -> memref<500000x128xf32, #tpu.memory_space<hbm>>
    tpu.enqueue_indirect_dma source(%dma_start3A_21 : memref<500000x128xf32, #tpu.memory_space<hbm>>) target(%arg9 : memref<32x128xf32, #tpu.memory_space<vmem>>) offsets(%arg7 : memref<32xi32, #tpu.memory_space<vmem>>) semaphore(%arg11 : memref<!tpu.dma_semaphore, #tpu.memory_space<semaphore_mem>>)
    %dma_wait3A = arith.constant 0 : i32
    %dma_wait3A_22 = arith.constant 0 : i32
    %dma_wait3A_23 = tpu.memref_slice %arg2[%dma_wait3A, %dma_wait3A_22] : memref<500000x128xf32, #tpu.memory_space<hbm>> -> memref<500000x128xf32, #tpu.memory_space<hbm>>
    tpu.wait_indirect_dma semaphore(%arg11 : memref<!tpu.dma_semaphore, #tpu.memory_space<semaphore_mem>>) src(%dma_wait3A_23 : memref<500000x128xf32, #tpu.memory_space<hbm>>) dst(%arg9 : memref<32x128xf32, #tpu.memory_space<vmem>>)
    %get3A_24 = arith.constant 0 : index
    %get3A_25 = tpu.vector_load %arg8[%get3A_24] {strides = array<i32>} : memref<32xf32, #tpu.memory_space<vmem>>, vector<16xf32>,
    %get3A_26 = vector.shape_cast %get3A_25 : vector<16xf32> to vector<16xf32>
    %get3A_27 = arith.constant 0 : index
    %get3A_28 = tpu.vector_load %arg6[%get3A_27] {strides = array<i32>} : memref<32xi32, #tpu.memory_space<vmem>>, vector<16xi32>,
    %get3A_29 = vector.shape_cast %get3A_28 : vector<16xi32> to vector<16xi32>
    %broadcast_in_dim3A = arith.constant 0 : i32
    %broadcast_in_dim3A_30 = vector.broadcast %broadcast_in_dim3A : i32 to vector<16x1xi32>
    %gather3A = vector.shape_cast %broadcast_in_dim3A_30 : vector<16x1xi32> to vector<16xi32>
    %gather3A_31 = tpu.dynamic_gather %get3A_26[%gather3A] in [0] : vector<16xf32>, vector<16xi32> -> vector<16xf32>
    %broadcast_in_dim3A_32 = arith.constant 1 : i32
    %broadcast_in_dim3A_33 = vector.broadcast %broadcast_in_dim3A_32 : i32 to vector<16x1xi32>
    %gather3A_34 = vector.shape_cast %broadcast_in_dim3A_33 : vector<16x1xi32> to vector<16xi32>
    %gather3A_35 = tpu.dynamic_gather %get3A_26[%gather3A_34] in [0] : vector<16xf32>, vector<16xi32> -> vector<16xf32>
    %broadcast_in_dim3A_36 = arith.constant 2 : i32
    %broadcast_in_dim3A_37 = vector.broadcast %broadcast_in_dim3A_36 : i32 to vector<16x1xi32>
    %gather3A_38 = vector.shape_cast %broadcast_in_dim3A_37 : vector<16x1xi32> to vector<16xi32>
    %gather3A_39 = tpu.dynamic_gather %get3A_26[%gather3A_38] in [0] : vector<16xf32>, vector<16xi32> -> vector<16xf32>
    %broadcast_in_dim3A_40 = arith.constant 3 : i32
    %broadcast_in_dim3A_41 = vector.broadcast %broadcast_in_dim3A_40 : i32 to vector<16x1xi32>
    %gather3A_42 = vector.shape_cast %broadcast_in_dim3A_41 : vector<16x1xi32> to vector<16xi32>
    %gather3A_43 = tpu.dynamic_gather %get3A_26[%gather3A_42] in [0] : vector<16xf32>, vector<16xi32> -> vector<16xf32>
    %broadcast_in_dim3A_44 = arith.constant 4 : i32
    %broadcast_in_dim3A_45 = vector.broadcast %broadcast_in_dim3A_44 : i32 to vector<16x1xi32>
    %gather3A_46 = vector.shape_cast %broadcast_in_dim3A_45 : vector<16x1xi32> to vector<16xi32>
    %gather3A_47 = tpu.dynamic_gather %get3A_26[%gather3A_46] in [0] : vector<16xf32>, vector<16xi32> -> vector<16xf32>
    %broadcast_in_dim3A_48 = arith.constant 5 : i32
    %broadcast_in_dim3A_49 = vector.broadcast %broadcast_in_dim3A_48 : i32 to vector<16x1xi32>
    %gather3A_50 = vector.shape_cast %broadcast_in_dim3A_49 : vector<16x1xi32> to vector<16xi32>
    %gather3A_51 = tpu.dynamic_gather %get3A_26[%gather3A_50] in [0] : vector<16xf32>, vector<16xi32> -> vector<16xf32>
    %broadcast_in_dim3A_52 = arith.constant 6 : i32
    %broadcast_in_dim3A_53 = vector.broadcast %broadcast_in_dim3A_52 : i32 to vector<16x1xi32>
    %gather3A_54 = vector.shape_cast %broadcast_in_dim3A_53 : vector<16x1xi32> to vector<16xi32>
    %gather3A_55 = tpu.dynamic_gather %get3A_26[%gather3A_54] in [0] : vector<16xf32>, vector<16xi32> -> vector<16xf32>
    %broadcast_in_dim3A_56 = arith.constant 7 : i32
    %broadcast_in_dim3A_57 = vector.broadcast %broadcast_in_dim3A_56 : i32 to vector<16x1xi32>
    %gather3A_58 = vector.shape_cast %broadcast_in_dim3A_57 : vector<16x1xi32> to vector<16xi32>
    %gather3A_59 = tpu.dynamic_gather %get3A_26[%gather3A_58] in [0] : vector<16xf32>, vector<16xi32> -> vector<16xf32>
    %broadcast_in_dim3A_60 = arith.constant 0 : i32
    %broadcast_in_dim3A_61 = vector.broadcast %broadcast_in_dim3A_60 : i32 to vector<16x1xi32>
    %gather3A_62 = vector.shape_cast %broadcast_in_dim3A_61 : vector<16x1xi32> to vector<16xi32>
    %gather3A_63 = tpu.dynamic_gather %get3A_29[%gather3A_62] in [0] : vector<16xi32>, vector<16xi32> -> vector<16xi32>
    %and3A = arith.constant 1 : i32
    %and3A_64 = vector.broadcast %and3A : i32 to vector<16xi32>
    %and3A_65 = arith.andi %gather3A_63, %and3A_64 : vector<16xi32>
    %convert_element_type3A = arith.sitofp %and3A_65 : vector<16xi32> to vector<16xf32>
    %broadcast_in_dim3A_66 = arith.constant 1 : i32
    %broadcast_in_dim3A_67 = vector.broadcast %broadcast_in_dim3A_66 : i32 to vector<16x1xi32>
    %gather3A_68 = vector.shape_cast %broadcast_in_dim3A_67 : vector<16x1xi32> to vector<16xi32>
    %gather3A_69 = tpu.dynamic_gather %get3A_29[%gather3A_68] in [0] : vector<16xi32>, vector<16xi32> -> vector<16xi32>
    %and3A_70 = arith.constant 1 : i32
    %and3A_71 = vector.broadcast %and3A_70 : i32 to vector<16xi32>
    %and3A_72 = arith.andi %gather3A_69, %and3A_71 : vector<16xi32>
    %convert_element_type3A_73 = arith.sitofp %and3A_72 : vector<16xi32> to vector<16xf32>
    %broadcast_in_dim3A_74 = arith.constant 2 : i32
    %broadcast_in_dim3A_75 = vector.broadcast %broadcast_in_dim3A_74 : i32 to vector<16x1xi32>
    %gather3A_76 = vector.shape_cast %broadcast_in_dim3A_75 : vector<16x1xi32> to vector<16xi32>
    %gather3A_77 = tpu.dynamic_gather %get3A_29[%gather3A_76] in [0] : vector<16xi32>, vector<16xi32> -> vector<16xi32>
    %and3A_78 = arith.constant 1 : i32
    %and3A_79 = vector.broadcast %and3A_78 : i32 to vector<16xi32>
    %and3A_80 = arith.andi %gather3A_77, %and3A_79 : vector<16xi32>
    %convert_element_type3A_81 = arith.sitofp %and3A_80 : vector<16xi32> to vector<16xf32>
    %broadcast_in_dim3A_82 = arith.constant 3 : i32
    %broadcast_in_dim3A_83 = vector.broadcast %broadcast_in_dim3A_82 : i32 to vector<16x1xi32>
    %gather3A_84 = vector.shape_cast %broadcast_in_dim3A_83 : vector<16x1xi32> to vector<16xi32>
    %gather3A_85 = tpu.dynamic_gather %get3A_29[%gather3A_84] in [0] : vector<16xi32>, vector<16xi32> -> vector<16xi32>
    %and3A_86 = arith.constant 1 : i32
    %and3A_87 = vector.broadcast %and3A_86 : i32 to vector<16xi32>
    %and3A_88 = arith.andi %gather3A_85, %and3A_87 : vector<16xi32>
    %convert_element_type3A_89 = arith.sitofp %and3A_88 : vector<16xi32> to vector<16xf32>
    %broadcast_in_dim3A_90 = arith.constant 4 : i32
    %broadcast_in_dim3A_91 = vector.broadcast %broadcast_in_dim3A_90 : i32 to vector<16x1xi32>
    %gather3A_92 = vector.shape_cast %broadcast_in_dim3A_91 : vector<16x1xi32> to vector<16xi32>
    %gather3A_93 = tpu.dynamic_gather %get3A_29[%gather3A_92] in [0] : vector<16xi32>, vector<16xi32> -> vector<16xi32>
    %and3A_94 = arith.constant 1 : i32
    %and3A_95 = vector.broadcast %and3A_94 : i32 to vector<16xi32>
    %and3A_96 = arith.andi %gather3A_93, %and3A_95 : vector<16xi32>
    %convert_element_type3A_97 = arith.sitofp %and3A_96 : vector<16xi32> to vector<16xf32>
    %broadcast_in_dim3A_98 = arith.constant 5 : i32
    %broadcast_in_dim3A_99 = vector.broadcast %broadcast_in_dim3A_98 : i32 to vector<16x1xi32>
    %gather3A_100 = vector.shape_cast %broadcast_in_dim3A_99 : vector<16x1xi32> to vector<16xi32>
    %gather3A_101 = tpu.dynamic_gather %get3A_29[%gather3A_100] in [0] : vector<16xi32>, vector<16xi32> -> vector<16xi32>
    %and3A_102 = arith.constant 1 : i32
    %and3A_103 = vector.broadcast %and3A_102 : i32 to vector<16xi32>
    %and3A_104 = arith.andi %gather3A_101, %and3A_103 : vector<16xi32>
    %convert_element_type3A_105 = arith.sitofp %and3A_104 : vector<16xi32> to vector<16xf32>
    %broadcast_in_dim3A_106 = arith.constant 6 : i32
    %broadcast_in_dim3A_107 = vector.broadcast %broadcast_in_dim3A_106 : i32 to vector<16x1xi32>
    %gather3A_108 = vector.shape_cast %broadcast_in_dim3A_107 : vector<16x1xi32> to vector<16xi32>
    %gather3A_109 = tpu.dynamic_gather %get3A_29[%gather3A_108] in [0] : vector<16xi32>, vector<16xi32> -> vector<16xi32>
    %and3A_110 = arith.constant 1 : i32
    %and3A_111 = vector.broadcast %and3A_110 : i32 to vector<16xi32>
    %and3A_112 = arith.andi %gather3A_109, %and3A_111 : vector<16xi32>
    %convert_element_type3A_113 = arith.sitofp %and3A_112 : vector<16xi32> to vector<16xf32>
    %broadcast_in_dim3A_114 = arith.constant 7 : i32
    %broadcast_in_dim3A_115 = vector.broadcast %broadcast_in_dim3A_114 : i32 to vector<16x1xi32>
    %gather3A_116 = vector.shape_cast %broadcast_in_dim3A_115 : vector<16x1xi32> to vector<16xi32>
    %gather3A_117 = tpu.dynamic_gather %get3A_29[%gather3A_116] in [0] : vector<16xi32>, vector<16xi32> -> vector<16xi32>
    %and3A_118 = arith.constant 1 : i32
    %and3A_119 = vector.broadcast %and3A_118 : i32 to vector<16xi32>
    %and3A_120 = arith.andi %gather3A_117, %and3A_119 : vector<16xi32>
    %convert_element_type3A_121 = arith.sitofp %and3A_120 : vector<16xi32> to vector<16xf32>
    %broadcast_in_dim3A_122 = arith.constant 0.000000e+00 : f32
    %broadcast_in_dim3A_123 = vector.broadcast %broadcast_in_dim3A_122 : f32 to vector<16xf32>
    %get3A_124 = arith.constant 0 : i32
    %get3A_125 = arith.index_cast %get3A_124 : i32 to index
    %get3A_126 = arith.constant 0 : index
    %get3A_127 = tpu.vector_load %arg9[%get3A_125, %get3A_126] {strides = array<i32>} : memref<32x128xf32, #tpu.memory_space<vmem>>, vector<1x16xf32>,
    %get3A_128 = vector.shape_cast %get3A_127 : vector<1x16xf32> to vector<16xf32>
    %get3A_129 = arith.constant 0 : i32
    %get3A_130 = arith.index_cast %get3A_129 : i32 to index
    %get3A_131 = arith.constant 64 : index
    %get3A_132 = tpu.vector_load %arg9[%get3A_130, %get3A_131] {strides = array<i32>} : memref<32x128xf32, #tpu.memory_space<vmem>>, vector<1x16xf32>,
    %get3A_133 = vector.shape_cast %get3A_132 : vector<1x16xf32> to vector<16xf32>
    %sub3A = arith.subf %get3A_133, %get3A_128 : vector<16xf32>
    %mul3A_134 = arith.mulf %convert_element_type3A, %sub3A : vector<16xf32>
    %add3A_135 = arith.addf %get3A_128, %mul3A_134 : vector<16xf32>
    %mul3A_136 = arith.mulf %gather3A_31, %add3A_135 : vector<16xf32>
    %add3A_137 = arith.addf %broadcast_in_dim3A_123, %mul3A_136 : vector<16xf32>
    %get3A_138 = arith.constant 1 : i32
    %get3A_139 = arith.index_cast %get3A_138 : i32 to index
    %get3A_140 = arith.constant 0 : index
    %get3A_141 = tpu.vector_load %arg9[%get3A_139, %get3A_140] {strides = array<i32>} : memref<32x128xf32, #tpu.memory_space<vmem>>, vector<1x16xf32>,
    %get3A_142 = vector.shape_cast %get3A_141 : vector<1x16xf32> to vector<16xf32>
    %get3A_143 = arith.constant 1 : i32
    %get3A_144 = arith.index_cast %get3A_143 : i32 to index
    %get3A_145 = arith.constant 64 : index
    %get3A_146 = tpu.vector_load %arg9[%get3A_144, %get3A_145] {strides = array<i32>} : memref<32x128xf32, #tpu.memory_space<vmem>>, vector<1x16xf32>,
    %get3A_147 = vector.shape_cast %get3A_146 : vector<1x16xf32> to vector<16xf32>
    %sub3A_148 = arith.subf %get3A_147, %get3A_142 : vector<16xf32>
    %mul3A_149 = arith.mulf %convert_element_type3A_73, %sub3A_148 : vector<16xf32>
    %add3A_150 = arith.addf %get3A_142, %mul3A_149 : vector<16xf32>
    %mul3A_151 = arith.mulf %gather3A_35, %add3A_150 : vector<16xf32>
    %add3A_152 = arith.addf %add3A_137, %mul3A_151 : vector<16xf32>
    %get3A_153 = arith.constant 2 : i32
    %get3A_154 = arith.index_cast %get3A_153 : i32 to index
    %get3A_155 = arith.constant 0 : index
    %get3A_156 = tpu.vector_load %arg9[%get3A_154, %get3A_155] {strides = array<i32>} : memref<32x128xf32, #tpu.memory_space<vmem>>, vector<1x16xf32>,
    %get3A_157 = vector.shape_cast %get3A_156 : vector<1x16xf32> to vector<16xf32>
    %get3A_158 = arith.constant 2 : i32
    %get3A_159 = arith.index_cast %get3A_158 : i32 to index
    %get3A_160 = arith.constant 64 : index
    %get3A_161 = tpu.vector_load %arg9[%get3A_159, %get3A_160] {strides = array<i32>} : memref<32x128xf32, #tpu.memory_space<vmem>>, vector<1x16xf32>,
    %get3A_162 = vector.shape_cast %get3A_161 : vector<1x16xf32> to vector<16xf32>
    %sub3A_163 = arith.subf %get3A_162, %get3A_157 : vector<16xf32>
    %mul3A_164 = arith.mulf %convert_element_type3A_81, %sub3A_163 : vector<16xf32>
    %add3A_165 = arith.addf %get3A_157, %mul3A_164 : vector<16xf32>
    %mul3A_166 = arith.mulf %gather3A_39, %add3A_165 : vector<16xf32>
    %add3A_167 = arith.addf %add3A_152, %mul3A_166 : vector<16xf32>
    %get3A_168 = arith.constant 3 : i32
    %get3A_169 = arith.index_cast %get3A_168 : i32 to index
    %get3A_170 = arith.constant 0 : index
    %get3A_171 = tpu.vector_load %arg9[%get3A_169, %get3A_170] {strides = array<i32>} : memref<32x128xf32, #tpu.memory_space<vmem>>, vector<1x16xf32>,
    %get3A_172 = vector.shape_cast %get3A_171 : vector<1x16xf32> to vector<16xf32>
    %get3A_173 = arith.constant 3 : i32
    %get3A_174 = arith.index_cast %get3A_173 : i32 to index
    %get3A_175 = arith.constant 64 : index
    %get3A_176 = tpu.vector_load %arg9[%get3A_174, %get3A_175] {strides = array<i32>} : memref<32x128xf32, #tpu.memory_space<vmem>>, vector<1x16xf32>,
    %get3A_177 = vector.shape_cast %get3A_176 : vector<1x16xf32> to vector<16xf32>
    %sub3A_178 = arith.subf %get3A_177, %get3A_172 : vector<16xf32>
    %mul3A_179 = arith.mulf %convert_element_type3A_89, %sub3A_178 : vector<16xf32>
    %add3A_180 = arith.addf %get3A_172, %mul3A_179 : vector<16xf32>
    %mul3A_181 = arith.mulf %gather3A_43, %add3A_180 : vector<16xf32>
    %add3A_182 = arith.addf %add3A_167, %mul3A_181 : vector<16xf32>
    %get3A_183 = arith.constant 4 : i32
    %get3A_184 = arith.index_cast %get3A_183 : i32 to index
    %get3A_185 = arith.constant 0 : index
    %get3A_186 = tpu.vector_load %arg9[%get3A_184, %get3A_185] {strides = array<i32>} : memref<32x128xf32, #tpu.memory_space<vmem>>, vector<1x16xf32>,
    %get3A_187 = vector.shape_cast %get3A_186 : vector<1x16xf32> to vector<16xf32>
    %get3A_188 = arith.constant 4 : i32
    %get3A_189 = arith.index_cast %get3A_188 : i32 to index
    %get3A_190 = arith.constant 64 : index
    %get3A_191 = tpu.vector_load %arg9[%get3A_189, %get3A_190] {strides = array<i32>} : memref<32x128xf32, #tpu.memory_space<vmem>>, vector<1x16xf32>,
    %get3A_192 = vector.shape_cast %get3A_191 : vector<1x16xf32> to vector<16xf32>
    %sub3A_193 = arith.subf %get3A_192, %get3A_187 : vector<16xf32>
    %mul3A_194 = arith.mulf %convert_element_type3A_97, %sub3A_193 : vector<16xf32>
    %add3A_195 = arith.addf %get3A_187, %mul3A_194 : vector<16xf32>
    %mul3A_196 = arith.mulf %gather3A_47, %add3A_195 : vector<16xf32>
    %add3A_197 = arith.addf %add3A_182, %mul3A_196 : vector<16xf32>
    %get3A_198 = arith.constant 5 : i32
    %get3A_199 = arith.index_cast %get3A_198 : i32 to index
    %get3A_200 = arith.constant 0 : index
    %get3A_201 = tpu.vector_load %arg9[%get3A_199, %get3A_200] {strides = array<i32>} : memref<32x128xf32, #tpu.memory_space<vmem>>, vector<1x16xf32>,
    %get3A_202 = vector.shape_cast %get3A_201 : vector<1x16xf32> to vector<16xf32>
    %get3A_203 = arith.constant 5 : i32
    %get3A_204 = arith.index_cast %get3A_203 : i32 to index
    %get3A_205 = arith.constant 64 : index
    %get3A_206 = tpu.vector_load %arg9[%get3A_204, %get3A_205] {strides = array<i32>} : memref<32x128xf32, #tpu.memory_space<vmem>>, vector<1x16xf32>,
    %get3A_207 = vector.shape_cast %get3A_206 : vector<1x16xf32> to vector<16xf32>
    %sub3A_208 = arith.subf %get3A_207, %get3A_202 : vector<16xf32>
    %mul3A_209 = arith.mulf %convert_element_type3A_105, %sub3A_208 : vector<16xf32>
    %add3A_210 = arith.addf %get3A_202, %mul3A_209 : vector<16xf32>
    %mul3A_211 = arith.mulf %gather3A_51, %add3A_210 : vector<16xf32>
    %add3A_212 = arith.addf %add3A_197, %mul3A_211 : vector<16xf32>
    %get3A_213 = arith.constant 6 : i32
    %get3A_214 = arith.index_cast %get3A_213 : i32 to index
    %get3A_215 = arith.constant 0 : index
    %get3A_216 = tpu.vector_load %arg9[%get3A_214, %get3A_215] {strides = array<i32>} : memref<32x128xf32, #tpu.memory_space<vmem>>, vector<1x16xf32>,
    %get3A_217 = vector.shape_cast %get3A_216 : vector<1x16xf32> to vector<16xf32>
    %get3A_218 = arith.constant 6 : i32
    %get3A_219 = arith.index_cast %get3A_218 : i32 to index
    %get3A_220 = arith.constant 64 : index
    %get3A_221 = tpu.vector_load %arg9[%get3A_219, %get3A_220] {strides = array<i32>} : memref<32x128xf32, #tpu.memory_space<vmem>>, vector<1x16xf32>,
    %get3A_222 = vector.shape_cast %get3A_221 : vector<1x16xf32> to vector<16xf32>
    %sub3A_223 = arith.subf %get3A_222, %get3A_217 : vector<16xf32>
    %mul3A_224 = arith.mulf %convert_element_type3A_113, %sub3A_223 : vector<16xf32>
    %add3A_225 = arith.addf %get3A_217, %mul3A_224 : vector<16xf32>
    %mul3A_226 = arith.mulf %gather3A_55, %add3A_225 : vector<16xf32>
    %add3A_227 = arith.addf %add3A_212, %mul3A_226 : vector<16xf32>
    %get3A_228 = arith.constant 7 : i32
    %get3A_229 = arith.index_cast %get3A_228 : i32 to index
    %get3A_230 = arith.constant 0 : index
    %get3A_231 = tpu.vector_load %arg9[%get3A_229, %get3A_230] {strides = array<i32>} : memref<32x128xf32, #tpu.memory_space<vmem>>, vector<1x16xf32>,
    %get3A_232 = vector.shape_cast %get3A_231 : vector<1x16xf32> to vector<16xf32>
    %get3A_233 = arith.constant 7 : i32
    %get3A_234 = arith.index_cast %get3A_233 : i32 to index
    %get3A_235 = arith.constant 64 : index
    %get3A_236 = tpu.vector_load %arg9[%get3A_234, %get3A_235] {strides = array<i32>} : memref<32x128xf32, #tpu.memory_space<vmem>>, vector<1x16xf32>,
    %get3A_237 = vector.shape_cast %get3A_236 : vector<1x16xf32> to vector<16xf32>
    %sub3A_238 = arith.subf %get3A_237, %get3A_232 : vector<16xf32>
    %mul3A_239 = arith.mulf %convert_element_type3A_121, %sub3A_238 : vector<16xf32>
    %add3A_240 = arith.addf %get3A_232, %mul3A_239 : vector<16xf32>
    %mul3A_241 = arith.mulf %gather3A_59, %add3A_240 : vector<16xf32>
    %add3A_242 = arith.addf %add3A_227, %mul3A_241 : vector<16xf32>
    %swap3A_243 = arith.constant 0 : i32
    %swap3A_244 = arith.index_cast %swap3A_243 : i32 to index
    %swap3A_245 = arith.constant 0 : index
    %swap3A_246 = tpu.vector_load %arg10[%swap3A_244, %swap3A_245] {strides = array<i32>} : memref<4x64xf32, #tpu.memory_space<vmem>>, vector<1x16xf32>,
    %swap3A_247 = vector.shape_cast %swap3A_246 : vector<1x16xf32> to vector<16xf32>
    %swap3A_248 = vector.shape_cast %add3A_242 : vector<16xf32> to vector<1x16xf32>
    tpu.vector_store %arg10[%swap3A_244, %swap3A_245], %swap3A_248 {strides = array<i32>} : memref<4x64xf32, #tpu.memory_space<vmem>>, vector<1x16xf32>,
    %broadcast_in_dim3A_249 = arith.constant 0.000000e+00 : f32
    %broadcast_in_dim3A_250 = vector.broadcast %broadcast_in_dim3A_249 : f32 to vector<16xf32>
    %get3A_251 = arith.constant 0 : i32
    %get3A_252 = arith.index_cast %get3A_251 : i32 to index
    %get3A_253 = arith.constant 16 : index
    %get3A_254 = tpu.vector_load %arg9[%get3A_252, %get3A_253] {strides = array<i32>} : memref<32x128xf32, #tpu.memory_space<vmem>>, vector<1x16xf32>,
    %get3A_255 = vector.shape_cast %get3A_254 : vector<1x16xf32> to vector<16xf32>
    %get3A_256 = arith.constant 0 : i32
    %get3A_257 = arith.index_cast %get3A_256 : i32 to index
    %get3A_258 = arith.constant 80 : index
    %get3A_259 = tpu.vector_load %arg9[%get3A_257, %get3A_258] {strides = array<i32>} : memref<32x128xf32, #tpu.memory_space<vmem>>, vector<1x16xf32>,
    %get3A_260 = vector.shape_cast %get3A_259 : vector<1x16xf32> to vector<16xf32>
    %sub3A_261 = arith.subf %get3A_260, %get3A_255 : vector<16xf32>
    %mul3A_262 = arith.mulf %convert_element_type3A, %sub3A_261 : vector<16xf32>
    %add3A_263 = arith.addf %get3A_255, %mul3A_262 : vector<16xf32>
    %mul3A_264 = arith.mulf %gather3A_31, %add3A_263 : vector<16xf32>
    %add3A_265 = arith.addf %broadcast_in_dim3A_250, %mul3A_264 : vector<16xf32>
    %get3A_266 = arith.constant 1 : i32
    %get3A_267 = arith.index_cast %get3A_266 : i32 to index
    %get3A_268 = arith.constant 16 : index
    %get3A_269 = tpu.vector_load %arg9[%get3A_267, %get3A_268] {strides = array<i32>} : memref<32x128xf32, #tpu.memory_space<vmem>>, vector<1x16xf32>,
    %get3A_270 = vector.shape_cast %get3A_269 : vector<1x16xf32> to vector<16xf32>
    %get3A_271 = arith.constant 1 : i32
    %get3A_272 = arith.index_cast %get3A_271 : i32 to index
    %get3A_273 = arith.constant 80 : index
    %get3A_274 = tpu.vector_load %arg9[%get3A_272, %get3A_273] {strides = array<i32>} : memref<32x128xf32, #tpu.memory_space<vmem>>, vector<1x16xf32>,
    %get3A_275 = vector.shape_cast %get3A_274 : vector<1x16xf32> to vector<16xf32>
    %sub3A_276 = arith.subf %get3A_275, %get3A_270 : vector<16xf32>
    %mul3A_277 = arith.mulf %convert_element_type3A_73, %sub3A_276 : vector<16xf32>
    %add3A_278 = arith.addf %get3A_270, %mul3A_277 : vector<16xf32>
    %mul3A_279 = arith.mulf %gather3A_35, %add3A_278 : vector<16xf32>
    %add3A_280 = arith.addf %add3A_265, %mul3A_279 : vector<16xf32>
    %get3A_281 = arith.constant 2 : i32
    %get3A_282 = arith.index_cast %get3A_281 : i32 to index
    %get3A_283 = arith.constant 16 : index
    %get3A_284 = tpu.vector_load %arg9[%get3A_282, %get3A_283] {strides = array<i32>} : memref<32x128xf32, #tpu.memory_space<vmem>>, vector<1x16xf32>,
    %get3A_285 = vector.shape_cast %get3A_284 : vector<1x16xf32> to vector<16xf32>
    %get3A_286 = arith.constant 2 : i32
    %get3A_287 = arith.index_cast %get3A_286 : i32 to index
    %get3A_288 = arith.constant 80 : index
    %get3A_289 = tpu.vector_load %arg9[%get3A_287, %get3A_288] {strides = array<i32>} : memref<32x128xf32, #tpu.memory_space<vmem>>, vector<1x16xf32>,
    %get3A_290 = vector.shape_cast %get3A_289 : vector<1x16xf32> to vector<16xf32>
    %sub3A_291 = arith.subf %get3A_290, %get3A_285 : vector<16xf32>
    %mul3A_292 = arith.mulf %convert_element_type3A_81, %sub3A_291 : vector<16xf32>
    %add3A_293 = arith.addf %get3A_285, %mul3A_292 : vector<16xf32>
    %mul3A_294 = arith.mulf %gather3A_39, %add3A_293 : vector<16xf32>
    %add3A_295 = arith.addf %add3A_280, %mul3A_294 : vector<16xf32>
    %get3A_296 = arith.constant 3 : i32
    %get3A_297 = arith.index_cast %get3A_296 : i32 to index
    %get3A_298 = arith.constant 16 : index
    %get3A_299 = tpu.vector_load %arg9[%get3A_297, %get3A_298] {strides = array<i32>} : memref<32x128xf32, #tpu.memory_space<vmem>>, vector<1x16xf32>,
    %get3A_300 = vector.shape_cast %get3A_299 : vector<1x16xf32> to vector<16xf32>
    %get3A_301 = arith.constant 3 : i32
    %get3A_302 = arith.index_cast %get3A_301 : i32 to index
    %get3A_303 = arith.constant 80 : index
    %get3A_304 = tpu.vector_load %arg9[%get3A_302, %get3A_303] {strides = array<i32>} : memref<32x128xf32, #tpu.memory_space<vmem>>, vector<1x16xf32>,
    %get3A_305 = vector.shape_cast %get3A_304 : vector<1x16xf32> to vector<16xf32>
    %sub3A_306 = arith.subf %get3A_305, %get3A_300 : vector<16xf32>
    %mul3A_307 = arith.mulf %convert_element_type3A_89, %sub3A_306 : vector<16xf32>
    %add3A_308 = arith.addf %get3A_300, %mul3A_307 : vector<16xf32>
    %mul3A_309 = arith.mulf %gather3A_43, %add3A_308 : vector<16xf32>
    %add3A_310 = arith.addf %add3A_295, %mul3A_309 : vector<16xf32>
    %get3A_311 = arith.constant 4 : i32
    %get3A_312 = arith.index_cast %get3A_311 : i32 to index
    %get3A_313 = arith.constant 16 : index
    %get3A_314 = tpu.vector_load %arg9[%get3A_312, %get3A_313] {strides = array<i32>} : memref<32x128xf32, #tpu.memory_space<vmem>>, vector<1x16xf32>,
    %get3A_315 = vector.shape_cast %get3A_314 : vector<1x16xf32> to vector<16xf32>
    %get3A_316 = arith.constant 4 : i32
    %get3A_317 = arith.index_cast %get3A_316 : i32 to index
    %get3A_318 = arith.constant 80 : index
    %get3A_319 = tpu.vector_load %arg9[%get3A_317, %get3A_318] {strides = array<i32>} : memref<32x128xf32, #tpu.memory_space<vmem>>, vector<1x16xf32>,
    %get3A_320 = vector.shape_cast %get3A_319 : vector<1x16xf32> to vector<16xf32>
    %sub3A_321 = arith.subf %get3A_320, %get3A_315 : vector<16xf32>
    %mul3A_322 = arith.mulf %convert_element_type3A_97, %sub3A_321 : vector<16xf32>
    %add3A_323 = arith.addf %get3A_315, %mul3A_322 : vector<16xf32>
    %mul3A_324 = arith.mulf %gather3A_47, %add3A_323 : vector<16xf32>
    %add3A_325 = arith.addf %add3A_310, %mul3A_324 : vector<16xf32>
    %get3A_326 = arith.constant 5 : i32
    %get3A_327 = arith.index_cast %get3A_326 : i32 to index
    %get3A_328 = arith.constant 16 : index
    %get3A_329 = tpu.vector_load %arg9[%get3A_327, %get3A_328] {strides = array<i32>} : memref<32x128xf32, #tpu.memory_space<vmem>>, vector<1x16xf32>,
    %get3A_330 = vector.shape_cast %get3A_329 : vector<1x16xf32> to vector<16xf32>
    %get3A_331 = arith.constant 5 : i32
    %get3A_332 = arith.index_cast %get3A_331 : i32 to index
    %get3A_333 = arith.constant 80 : index
    %get3A_334 = tpu.vector_load %arg9[%get3A_332, %get3A_333] {strides = array<i32>} : memref<32x128xf32, #tpu.memory_space<vmem>>, vector<1x16xf32>,
    %get3A_335 = vector.shape_cast %get3A_334 : vector<1x16xf32> to vector<16xf32>
    %sub3A_336 = arith.subf %get3A_335, %get3A_330 : vector<16xf32>
    %mul3A_337 = arith.mulf %convert_element_type3A_105, %sub3A_336 : vector<16xf32>
    %add3A_338 = arith.addf %get3A_330, %mul3A_337 : vector<16xf32>
    %mul3A_339 = arith.mulf %gather3A_51, %add3A_338 : vector<16xf32>
    %add3A_340 = arith.addf %add3A_325, %mul3A_339 : vector<16xf32>
    %get3A_341 = arith.constant 6 : i32
    %get3A_342 = arith.index_cast %get3A_341 : i32 to index
    %get3A_343 = arith.constant 16 : index
    %get3A_344 = tpu.vector_load %arg9[%get3A_342, %get3A_343] {strides = array<i32>} : memref<32x128xf32, #tpu.memory_space<vmem>>, vector<1x16xf32>,
    %get3A_345 = vector.shape_cast %get3A_344 : vector<1x16xf32> to vector<16xf32>
    %get3A_346 = arith.constant 6 : i32
    %get3A_347 = arith.index_cast %get3A_346 : i32 to index
    %get3A_348 = arith.constant 80 : index
    %get3A_349 = tpu.vector_load %arg9[%get3A_347, %get3A_348] {strides = array<i32>} : memref<32x128xf32, #tpu.memory_space<vmem>>, vector<1x16xf32>,
    %get3A_350 = vector.shape_cast %get3A_349 : vector<1x16xf32> to vector<16xf32>
    %sub3A_351 = arith.subf %get3A_350, %get3A_345 : vector<16xf32>
    %mul3A_352 = arith.mulf %convert_element_type3A_113, %sub3A_351 : vector<16xf32>
    %add3A_353 = arith.addf %get3A_345, %mul3A_352 : vector<16xf32>
    %mul3A_354 = arith.mulf %gather3A_55, %add3A_353 : vector<16xf32>
    %add3A_355 = arith.addf %add3A_340, %mul3A_354 : vector<16xf32>
    %get3A_356 = arith.constant 7 : i32
    %get3A_357 = arith.index_cast %get3A_356 : i32 to index
    %get3A_358 = arith.constant 16 : index
    %get3A_359 = tpu.vector_load %arg9[%get3A_357, %get3A_358] {strides = array<i32>} : memref<32x128xf32, #tpu.memory_space<vmem>>, vector<1x16xf32>,
    %get3A_360 = vector.shape_cast %get3A_359 : vector<1x16xf32> to vector<16xf32>
    %get3A_361 = arith.constant 7 : i32
    %get3A_362 = arith.index_cast %get3A_361 : i32 to index
    %get3A_363 = arith.constant 80 : index
    %get3A_364 = tpu.vector_load %arg9[%get3A_362, %get3A_363] {strides = array<i32>} : memref<32x128xf32, #tpu.memory_space<vmem>>, vector<1x16xf32>,
    %get3A_365 = vector.shape_cast %get3A_364 : vector<1x16xf32> to vector<16xf32>
    %sub3A_366 = arith.subf %get3A_365, %get3A_360 : vector<16xf32>
    %mul3A_367 = arith.mulf %convert_element_type3A_121, %sub3A_366 : vector<16xf32>
    %add3A_368 = arith.addf %get3A_360, %mul3A_367 : vector<16xf32>
    %mul3A_369 = arith.mulf %gather3A_59, %add3A_368 : vector<16xf32>
    %add3A_370 = arith.addf %add3A_355, %mul3A_369 : vector<16xf32>
    %swap3A_371 = arith.constant 0 : i32
    %swap3A_372 = arith.index_cast %swap3A_371 : i32 to index
    %swap3A_373 = arith.constant 16 : index
    %swap3A_374 = tpu.vector_load %arg10[%swap3A_372, %swap3A_373] {strides = array<i32>} : memref<4x64xf32, #tpu.memory_space<vmem>>, vector<1x16xf32>,
    %swap3A_375 = vector.shape_cast %swap3A_374 : vector<1x16xf32> to vector<16xf32>
    %swap3A_376 = vector.shape_cast %add3A_370 : vector<16xf32> to vector<1x16xf32>
    tpu.vector_store %arg10[%swap3A_372, %swap3A_373], %swap3A_376 {strides = array<i32>} : memref<4x64xf32, #tpu.memory_space<vmem>>, vector<1x16xf32>,
    %broadcast_in_dim3A_377 = arith.constant 0.000000e+00 : f32
    %broadcast_in_dim3A_378 = vector.broadcast %broadcast_in_dim3A_377 : f32 to vector<16xf32>
    %get3A_379 = arith.constant 0 : i32
    %get3A_380 = arith.index_cast %get3A_379 : i32 to index
    %get3A_381 = arith.constant 32 : index
    %get3A_382 = tpu.vector_load %arg9[%get3A_380, %get3A_381] {strides = array<i32>} : memref<32x128xf32, #tpu.memory_space<vmem>>, vector<1x16xf32>,
    %get3A_383 = vector.shape_cast %get3A_382 : vector<1x16xf32> to vector<16xf32>
    %get3A_384 = arith.constant 0 : i32
    %get3A_385 = arith.index_cast %get3A_384 : i32 to index
    %get3A_386 = arith.constant 96 : index
    %get3A_387 = tpu.vector_load %arg9[%get3A_385, %get3A_386] {strides = array<i32>} : memref<32x128xf32, #tpu.memory_space<vmem>>, vector<1x16xf32>,
    %get3A_388 = vector.shape_cast %get3A_387 : vector<1x16xf32> to vector<16xf32>
    %sub3A_389 = arith.subf %get3A_388, %get3A_383 : vector<16xf32>
    %mul3A_390 = arith.mulf %convert_element_type3A, %sub3A_389 : vector<16xf32>
    %add3A_391 = arith.addf %get3A_383, %mul3A_390 : vector<16xf32>
    %mul3A_392 = arith.mulf %gather3A_31, %add3A_391 : vector<16xf32>
    %add3A_393 = arith.addf %broadcast_in_dim3A_378, %mul3A_392 : vector<16xf32>
    %get3A_394 = arith.constant 1 : i32
    %get3A_395 = arith.index_cast %get3A_394 : i32 to index
    %get3A_396 = arith.constant 32 : index
    %get3A_397 = tpu.vector_load %arg9[%get3A_395, %get3A_396] {strides = array<i32>} : memref<32x128xf32, #tpu.memory_space<vmem>>, vector<1x16xf32>,
    %get3A_398 = vector.shape_cast %get3A_397 : vector<1x16xf32> to vector<16xf32>
    %get3A_399 = arith.constant 1 : i32
    %get3A_400 = arith.index_cast %get3A_399 : i32 to index
    %get3A_401 = arith.constant 96 : index
    %get3A_402 = tpu.vector_load %arg9[%get3A_400, %get3A_401] {strides = array<i32>} : memref<32x128xf32, #tpu.memory_space<vmem>>, vector<1x16xf32>,
    %get3A_403 = vector.shape_cast %get3A_402 : vector<1x16xf32> to vector<16xf32>
    %sub3A_404 = arith.subf %get3A_403, %get3A_398 : vector<16xf32>
    %mul3A_405 = arith.mulf %convert_element_type3A_73, %sub3A_404 : vector<16xf32>
    %add3A_406 = arith.addf %get3A_398, %mul3A_405 : vector<16xf32>
    %mul3A_407 = arith.mulf %gather3A_35, %add3A_406 : vector<16xf32>
    %add3A_408 = arith.addf %add3A_393, %mul3A_407 : vector<16xf32>
    %get3A_409 = arith.constant 2 : i32
    %get3A_410 = arith.index_cast %get3A_409 : i32 to index
    %get3A_411 = arith.constant 32 : index
    %get3A_412 = tpu.vector_load %arg9[%get3A_410, %get3A_411] {strides = array<i32>} : memref<32x128xf32, #tpu.memory_space<vmem>>, vector<1x16xf32>,
    %get3A_413 = vector.shape_cast %get3A_412 : vector<1x16xf32> to vector<16xf32>
    %get3A_414 = arith.constant 2 : i32
    %get3A_415 = arith.index_cast %get3A_414 : i32 to index
    %get3A_416 = arith.constant 96 : index
    %get3A_417 = tpu.vector_load %arg9[%get3A_415, %get3A_416] {strides = array<i32>} : memref<32x128xf32, #tpu.memory_space<vmem>>, vector<1x16xf32>,
    %get3A_418 = vector.shape_cast %get3A_417 : vector<1x16xf32> to vector<16xf32>
    %sub3A_419 = arith.subf %get3A_418, %get3A_413 : vector<16xf32>
    %mul3A_420 = arith.mulf %convert_element_type3A_81, %sub3A_419 : vector<16xf32>
    %add3A_421 = arith.addf %get3A_413, %mul3A_420 : vector<16xf32>
    %mul3A_422 = arith.mulf %gather3A_39, %add3A_421 : vector<16xf32>
    %add3A_423 = arith.addf %add3A_408, %mul3A_422 : vector<16xf32>
    %get3A_424 = arith.constant 3 : i32
    %get3A_425 = arith.index_cast %get3A_424 : i32 to index
    %get3A_426 = arith.constant 32 : index
    %get3A_427 = tpu.vector_load %arg9[%get3A_425, %get3A_426] {strides = array<i32>} : memref<32x128xf32, #tpu.memory_space<vmem>>, vector<1x16xf32>,
    %get3A_428 = vector.shape_cast %get3A_427 : vector<1x16xf32> to vector<16xf32>
    %get3A_429 = arith.constant 3 : i32
    %get3A_430 = arith.index_cast %get3A_429 : i32 to index
    %get3A_431 = arith.constant 96 : index
    %get3A_432 = tpu.vector_load %arg9[%get3A_430, %get3A_431] {strides = array<i32>} : memref<32x128xf32, #tpu.memory_space<vmem>>, vector<1x16xf32>,
    %get3A_433 = vector.shape_cast %get3A_432 : vector<1x16xf32> to vector<16xf32>
    %sub3A_434 = arith.subf %get3A_433, %get3A_428 : vector<16xf32>
    %mul3A_435 = arith.mulf %convert_element_type3A_89, %sub3A_434 : vector<16xf32>
    %add3A_436 = arith.addf %get3A_428, %mul3A_435 : vector<16xf32>
    %mul3A_437 = arith.mulf %gather3A_43, %add3A_436 : vector<16xf32>
    %add3A_438 = arith.addf %add3A_423, %mul3A_437 : vector<16xf32>
    %get3A_439 = arith.constant 4 : i32
    %get3A_440 = arith.index_cast %get3A_439 : i32 to index
    %get3A_441 = arith.constant 32 : index
    %get3A_442 = tpu.vector_load %arg9[%get3A_440, %get3A_441] {strides = array<i32>} : memref<32x128xf32, #tpu.memory_space<vmem>>, vector<1x16xf32>,
    %get3A_443 = vector.shape_cast %get3A_442 : vector<1x16xf32> to vector<16xf32>
    %get3A_444 = arith.constant 4 : i32
    %get3A_445 = arith.index_cast %get3A_444 : i32 to index
    %get3A_446 = arith.constant 96 : index
    %get3A_447 = tpu.vector_load %arg9[%get3A_445, %get3A_446] {strides = array<i32>} : memref<32x128xf32, #tpu.memory_space<vmem>>, vector<1x16xf32>,
    %get3A_448 = vector.shape_cast %get3A_447 : vector<1x16xf32> to vector<16xf32>
    %sub3A_449 = arith.subf %get3A_448, %get3A_443 : vector<16xf32>
    %mul3A_450 = arith.mulf %convert_element_type3A_97, %sub3A_449 : vector<16xf32>
    %add3A_451 = arith.addf %get3A_443, %mul3A_450 : vector<16xf32>
    %mul3A_452 = arith.mulf %gather3A_47, %add3A_451 : vector<16xf32>
    %add3A_453 = arith.addf %add3A_438, %mul3A_452 : vector<16xf32>
    %get3A_454 = arith.constant 5 : i32
    %get3A_455 = arith.index_cast %get3A_454 : i32 to index
    %get3A_456 = arith.constant 32 : index
    %get3A_457 = tpu.vector_load %arg9[%get3A_455, %get3A_456] {strides = array<i32>} : memref<32x128xf32, #tpu.memory_space<vmem>>, vector<1x16xf32>,
    %get3A_458 = vector.shape_cast %get3A_457 : vector<1x16xf32> to vector<16xf32>
    %get3A_459 = arith.constant 5 : i32
    %get3A_460 = arith.index_cast %get3A_459 : i32 to index
    %get3A_461 = arith.constant 96 : index
    %get3A_462 = tpu.vector_load %arg9[%get3A_460, %get3A_461] {strides = array<i32>} : memref<32x128xf32, #tpu.memory_space<vmem>>, vector<1x16xf32>,
    %get3A_463 = vector.shape_cast %get3A_462 : vector<1x16xf32> to vector<16xf32>
    %sub3A_464 = arith.subf %get3A_463, %get3A_458 : vector<16xf32>
    %mul3A_465 = arith.mulf %convert_element_type3A_105, %sub3A_464 : vector<16xf32>
    %add3A_466 = arith.addf %get3A_458, %mul3A_465 : vector<16xf32>
    %mul3A_467 = arith.mulf %gather3A_51, %add3A_466 : vector<16xf32>
    %add3A_468 = arith.addf %add3A_453, %mul3A_467 : vector<16xf32>
    %get3A_469 = arith.constant 6 : i32
    %get3A_470 = arith.index_cast %get3A_469 : i32 to index
    %get3A_471 = arith.constant 32 : index
    %get3A_472 = tpu.vector_load %arg9[%get3A_470, %get3A_471] {strides = array<i32>} : memref<32x128xf32, #tpu.memory_space<vmem>>, vector<1x16xf32>,
    %get3A_473 = vector.shape_cast %get3A_472 : vector<1x16xf32> to vector<16xf32>
    %get3A_474 = arith.constant 6 : i32
    %get3A_475 = arith.index_cast %get3A_474 : i32 to index
    %get3A_476 = arith.constant 96 : index
    %get3A_477 = tpu.vector_load %arg9[%get3A_475, %get3A_476] {strides = array<i32>} : memref<32x128xf32, #tpu.memory_space<vmem>>, vector<1x16xf32>,
    %get3A_478 = vector.shape_cast %get3A_477 : vector<1x16xf32> to vector<16xf32>
    %sub3A_479 = arith.subf %get3A_478, %get3A_473 : vector<16xf32>
    %mul3A_480 = arith.mulf %convert_element_type3A_113, %sub3A_479 : vector<16xf32>
    %add3A_481 = arith.addf %get3A_473, %mul3A_480 : vector<16xf32>
    %mul3A_482 = arith.mulf %gather3A_55, %add3A_481 : vector<16xf32>
    %add3A_483 = arith.addf %add3A_468, %mul3A_482 : vector<16xf32>
    %get3A_484 = arith.constant 7 : i32
    %get3A_485 = arith.index_cast %get3A_484 : i32 to index
    %get3A_486 = arith.constant 32 : index
    %get3A_487 = tpu.vector_load %arg9[%get3A_485, %get3A_486] {strides = array<i32>} : memref<32x128xf32, #tpu.memory_space<vmem>>, vector<1x16xf32>,
    %get3A_488 = vector.shape_cast %get3A_487 : vector<1x16xf32> to vector<16xf32>
    %get3A_489 = arith.constant 7 : i32
    %get3A_490 = arith.index_cast %get3A_489 : i32 to index
    %get3A_491 = arith.constant 96 : index
    %get3A_492 = tpu.vector_load %arg9[%get3A_490, %get3A_491] {strides = array<i32>} : memref<32x128xf32, #tpu.memory_space<vmem>>, vector<1x16xf32>,
    %get3A_493 = vector.shape_cast %get3A_492 : vector<1x16xf32> to vector<16xf32>
    %sub3A_494 = arith.subf %get3A_493, %get3A_488 : vector<16xf32>
    %mul3A_495 = arith.mulf %convert_element_type3A_121, %sub3A_494 : vector<16xf32>
    %add3A_496 = arith.addf %get3A_488, %mul3A_495 : vector<16xf32>
    %mul3A_497 = arith.mulf %gather3A_59, %add3A_496 : vector<16xf32>
    %add3A_498 = arith.addf %add3A_483, %mul3A_497 : vector<16xf32>
    %swap3A_499 = arith.constant 0 : i32
    %swap3A_500 = arith.index_cast %swap3A_499 : i32 to index
    %swap3A_501 = arith.constant 32 : index
    %swap3A_502 = tpu.vector_load %arg10[%swap3A_500, %swap3A_501] {strides = array<i32>} : memref<4x64xf32, #tpu.memory_space<vmem>>, vector<1x16xf32>,
    %swap3A_503 = vector.shape_cast %swap3A_502 : vector<1x16xf32> to vector<16xf32>
    %swap3A_504 = vector.shape_cast %add3A_498 : vector<16xf32> to vector<1x16xf32>
    tpu.vector_store %arg10[%swap3A_500, %swap3A_501], %swap3A_504 {strides = array<i32>} : memref<4x64xf32, #tpu.memory_space<vmem>>, vector<1x16xf32>,
    %broadcast_in_dim3A_505 = arith.constant 0.000000e+00 : f32
    %broadcast_in_dim3A_506 = vector.broadcast %broadcast_in_dim3A_505 : f32 to vector<16xf32>
    %get3A_507 = arith.constant 0 : i32
    %get3A_508 = arith.index_cast %get3A_507 : i32 to index
    %get3A_509 = arith.constant 48 : index
    %get3A_510 = tpu.vector_load %arg9[%get3A_508, %get3A_509] {strides = array<i32>} : memref<32x128xf32, #tpu.memory_space<vmem>>, vector<1x16xf32>,
    %get3A_511 = vector.shape_cast %get3A_510 : vector<1x16xf32> to vector<16xf32>
    %get3A_512 = arith.constant 0 : i32
    %get3A_513 = arith.index_cast %get3A_512 : i32 to index
    %get3A_514 = arith.constant 112 : index
    %get3A_515 = tpu.vector_load %arg9[%get3A_513, %get3A_514] {strides = array<i32>} : memref<32x128xf32, #tpu.memory_space<vmem>>, vector<1x16xf32>,
    %get3A_516 = vector.shape_cast %get3A_515 : vector<1x16xf32> to vector<16xf32>
    %sub3A_517 = arith.subf %get3A_516, %get3A_511 : vector<16xf32>
    %mul3A_518 = arith.mulf %convert_element_type3A, %sub3A_517 : vector<16xf32>
    %add3A_519 = arith.addf %get3A_511, %mul3A_518 : vector<16xf32>
    %mul3A_520 = arith.mulf %gather3A_31, %add3A_519 : vector<16xf32>
    %add3A_521 = arith.addf %broadcast_in_dim3A_506, %mul3A_520 : vector<16xf32>
    %get3A_522 = arith.constant 1 : i32
    %get3A_523 = arith.index_cast %get3A_522 : i32 to index
    %get3A_524 = arith.constant 48 : index
    %get3A_525 = tpu.vector_load %arg9[%get3A_523, %get3A_524] {strides = array<i32>} : memref<32x128xf32, #tpu.memory_space<vmem>>, vector<1x16xf32>,
    %get3A_526 = vector.shape_cast %get3A_525 : vector<1x16xf32> to vector<16xf32>
    %get3A_527 = arith.constant 1 : i32
    %get3A_528 = arith.index_cast %get3A_527 : i32 to index
    %get3A_529 = arith.constant 112 : index
    %get3A_530 = tpu.vector_load %arg9[%get3A_528, %get3A_529] {strides = array<i32>} : memref<32x128xf32, #tpu.memory_space<vmem>>, vector<1x16xf32>,
    %get3A_531 = vector.shape_cast %get3A_530 : vector<1x16xf32> to vector<16xf32>
    %sub3A_532 = arith.subf %get3A_531, %get3A_526 : vector<16xf32>
    %mul3A_533 = arith.mulf %convert_element_type3A_73, %sub3A_532 : vector<16xf32>
    %add3A_534 = arith.addf %get3A_526, %mul3A_533 : vector<16xf32>
    %mul3A_535 = arith.mulf %gather3A_35, %add3A_534 : vector<16xf32>
    %add3A_536 = arith.addf %add3A_521, %mul3A_535 : vector<16xf32>
    %get3A_537 = arith.constant 2 : i32
    %get3A_538 = arith.index_cast %get3A_537 : i32 to index
    %get3A_539 = arith.constant 48 : index
    %get3A_540 = tpu.vector_load %arg9[%get3A_538, %get3A_539] {strides = array<i32>} : memref<32x128xf32, #tpu.memory_space<vmem>>, vector<1x16xf32>,
    %get3A_541 = vector.shape_cast %get3A_540 : vector<1x16xf32> to vector<16xf32>
    %get3A_542 = arith.constant 2 : i32
    %get3A_543 = arith.index_cast %get3A_542 : i32 to index
    %get3A_544 = arith.constant 112 : index
    %get3A_545 = tpu.vector_load %arg9[%get3A_543, %get3A_544] {strides = array<i32>} : memref<32x128xf32, #tpu.memory_space<vmem>>, vector<1x16xf32>,
    %get3A_546 = vector.shape_cast %get3A_545 : vector<1x16xf32> to vector<16xf32>
    %sub3A_547 = arith.subf %get3A_546, %get3A_541 : vector<16xf32>
    %mul3A_548 = arith.mulf %convert_element_type3A_81, %sub3A_547 : vector<16xf32>
    %add3A_549 = arith.addf %get3A_541, %mul3A_548 : vector<16xf32>
    %mul3A_550 = arith.mulf %gather3A_39, %add3A_549 : vector<16xf32>
    %add3A_551 = arith.addf %add3A_536, %mul3A_550 : vector<16xf32>
    %get3A_552 = arith.constant 3 : i32
    %get3A_553 = arith.index_cast %get3A_552 : i32 to index
    %get3A_554 = arith.constant 48 : index
    %get3A_555 = tpu.vector_load %arg9[%get3A_553, %get3A_554] {strides = array<i32>} : memref<32x128xf32, #tpu.memory_space<vmem>>, vector<1x16xf32>,
    %get3A_556 = vector.shape_cast %get3A_555 : vector<1x16xf32> to vector<16xf32>
    %get3A_557 = arith.constant 3 : i32
    %get3A_558 = arith.index_cast %get3A_557 : i32 to index
    %get3A_559 = arith.constant 112 : index
    %get3A_560 = tpu.vector_load %arg9[%get3A_558, %get3A_559] {strides = array<i32>} : memref<32x128xf32, #tpu.memory_space<vmem>>, vector<1x16xf32>,
    %get3A_561 = vector.shape_cast %get3A_560 : vector<1x16xf32> to vector<16xf32>
    %sub3A_562 = arith.subf %get3A_561, %get3A_556 : vector<16xf32>
    %mul3A_563 = arith.mulf %convert_element_type3A_89, %sub3A_562 : vector<16xf32>
    %add3A_564 = arith.addf %get3A_556, %mul3A_563 : vector<16xf32>
    %mul3A_565 = arith.mulf %gather3A_43, %add3A_564 : vector<16xf32>
    %add3A_566 = arith.addf %add3A_551, %mul3A_565 : vector<16xf32>
    %get3A_567 = arith.constant 4 : i32
    %get3A_568 = arith.index_cast %get3A_567 : i32 to index
    %get3A_569 = arith.constant 48 : index
    %get3A_570 = tpu.vector_load %arg9[%get3A_568, %get3A_569] {strides = array<i32>} : memref<32x128xf32, #tpu.memory_space<vmem>>, vector<1x16xf32>,
    %get3A_571 = vector.shape_cast %get3A_570 : vector<1x16xf32> to vector<16xf32>
    %get3A_572 = arith.constant 4 : i32
    %get3A_573 = arith.index_cast %get3A_572 : i32 to index
    %get3A_574 = arith.constant 112 : index
    %get3A_575 = tpu.vector_load %arg9[%get3A_573, %get3A_574] {strides = array<i32>} : memref<32x128xf32, #tpu.memory_space<vmem>>, vector<1x16xf32>,
    %get3A_576 = vector.shape_cast %get3A_575 : vector<1x16xf32> to vector<16xf32>
    %sub3A_577 = arith.subf %get3A_576, %get3A_571 : vector<16xf32>
    %mul3A_578 = arith.mulf %convert_element_type3A_97, %sub3A_577 : vector<16xf32>
    %add3A_579 = arith.addf %get3A_571, %mul3A_578 : vector<16xf32>
    %mul3A_580 = arith.mulf %gather3A_47, %add3A_579 : vector<16xf32>
    %add3A_581 = arith.addf %add3A_566, %mul3A_580 : vector<16xf32>
    %get3A_582 = arith.constant 5 : i32
    %get3A_583 = arith.index_cast %get3A_582 : i32 to index
    %get3A_584 = arith.constant 48 : index
    %get3A_585 = tpu.vector_load %arg9[%get3A_583, %get3A_584] {strides = array<i32>} : memref<32x128xf32, #tpu.memory_space<vmem>>, vector<1x16xf32>,
    %get3A_586 = vector.shape_cast %get3A_585 : vector<1x16xf32> to vector<16xf32>
    %get3A_587 = arith.constant 5 : i32
    %get3A_588 = arith.index_cast %get3A_587 : i32 to index
    %get3A_589 = arith.constant 112 : index
    %get3A_590 = tpu.vector_load %arg9[%get3A_588, %get3A_589] {strides = array<i32>} : memref<32x128xf32, #tpu.memory_space<vmem>>, vector<1x16xf32>,
    %get3A_591 = vector.shape_cast %get3A_590 : vector<1x16xf32> to vector<16xf32>
    %sub3A_592 = arith.subf %get3A_591, %get3A_586 : vector<16xf32>
    %mul3A_593 = arith.mulf %convert_element_type3A_105, %sub3A_592 : vector<16xf32>
    %add3A_594 = arith.addf %get3A_586, %mul3A_593 : vector<16xf32>
    %mul3A_595 = arith.mulf %gather3A_51, %add3A_594 : vector<16xf32>
    %add3A_596 = arith.addf %add3A_581, %mul3A_595 : vector<16xf32>
    %get3A_597 = arith.constant 6 : i32
    %get3A_598 = arith.index_cast %get3A_597 : i32 to index
    %get3A_599 = arith.constant 48 : index
    %get3A_600 = tpu.vector_load %arg9[%get3A_598, %get3A_599] {strides = array<i32>} : memref<32x128xf32, #tpu.memory_space<vmem>>, vector<1x16xf32>,
    %get3A_601 = vector.shape_cast %get3A_600 : vector<1x16xf32> to vector<16xf32>
    %get3A_602 = arith.constant 6 : i32
    %get3A_603 = arith.index_cast %get3A_602 : i32 to index
    %get3A_604 = arith.constant 112 : index
    %get3A_605 = tpu.vector_load %arg9[%get3A_603, %get3A_604] {strides = array<i32>} : memref<32x128xf32, #tpu.memory_space<vmem>>, vector<1x16xf32>,
    %get3A_606 = vector.shape_cast %get3A_605 : vector<1x16xf32> to vector<16xf32>
    %sub3A_607 = arith.subf %get3A_606, %get3A_601 : vector<16xf32>
    %mul3A_608 = arith.mulf %convert_element_type3A_113, %sub3A_607 : vector<16xf32>
    %add3A_609 = arith.addf %get3A_601, %mul3A_608 : vector<16xf32>
    %mul3A_610 = arith.mulf %gather3A_55, %add3A_609 : vector<16xf32>
    %add3A_611 = arith.addf %add3A_596, %mul3A_610 : vector<16xf32>
    %get3A_612 = arith.constant 7 : i32
    %get3A_613 = arith.index_cast %get3A_612 : i32 to index
    %get3A_614 = arith.constant 48 : index
    %get3A_615 = tpu.vector_load %arg9[%get3A_613, %get3A_614] {strides = array<i32>} : memref<32x128xf32, #tpu.memory_space<vmem>>, vector<1x16xf32>,
    %get3A_616 = vector.shape_cast %get3A_615 : vector<1x16xf32> to vector<16xf32>
    %get3A_617 = arith.constant 7 : i32
    %get3A_618 = arith.index_cast %get3A_617 : i32 to index
    %get3A_619 = arith.constant 112 : index
    %get3A_620 = tpu.vector_load %arg9[%get3A_618, %get3A_619] {strides = array<i32>} : memref<32x128xf32, #tpu.memory_space<vmem>>, vector<1x16xf32>,
    %get3A_621 = vector.shape_cast %get3A_620 : vector<1x16xf32> to vector<16xf32>
    %sub3A_622 = arith.subf %get3A_621, %get3A_616 : vector<16xf32>
    %mul3A_623 = arith.mulf %convert_element_type3A_121, %sub3A_622 : vector<16xf32>
    %add3A_624 = arith.addf %get3A_616, %mul3A_623 : vector<16xf32>
    %mul3A_625 = arith.mulf %gather3A_59, %add3A_624 : vector<16xf32>
    %add3A_626 = arith.addf %add3A_611, %mul3A_625 : vector<16xf32>
    %swap3A_627 = arith.constant 0 : i32
    %swap3A_628 = arith.index_cast %swap3A_627 : i32 to index
    %swap3A_629 = arith.constant 48 : index
    %swap3A_630 = tpu.vector_load %arg10[%swap3A_628, %swap3A_629] {strides = array<i32>} : memref<4x64xf32, #tpu.memory_space<vmem>>, vector<1x16xf32>,
    %swap3A_631 = vector.shape_cast %swap3A_630 : vector<1x16xf32> to vector<16xf32>
    %swap3A_632 = vector.shape_cast %add3A_626 : vector<16xf32> to vector<1x16xf32>
    tpu.vector_store %arg10[%swap3A_628, %swap3A_629], %swap3A_632 {strides = array<i32>} : memref<4x64xf32, #tpu.memory_space<vmem>>, vector<1x16xf32>,
    %get3A_633 = arith.constant 0 : index
    %get3A_634 = tpu.vector_load %arg8[%get3A_633] {strides = array<i32>} : memref<32xf32, #tpu.memory_space<vmem>>, vector<16xf32>,
    %get3A_635 = vector.shape_cast %get3A_634 : vector<16xf32> to vector<16xf32>
    %get3A_636 = arith.constant 0 : index
    %get3A_637 = tpu.vector_load %arg6[%get3A_636] {strides = array<i32>} : memref<32xi32, #tpu.memory_space<vmem>>, vector<16xi32>,
    %get3A_638 = vector.shape_cast %get3A_637 : vector<16xi32> to vector<16xi32>
    %broadcast_in_dim3A_639 = arith.constant 8 : i32
    %broadcast_in_dim3A_640 = vector.broadcast %broadcast_in_dim3A_639 : i32 to vector<16x1xi32>
    %gather3A_641 = vector.shape_cast %broadcast_in_dim3A_640 : vector<16x1xi32> to vector<16xi32>
    %gather3A_642 = tpu.dynamic_gather %get3A_635[%gather3A_641] in [0] : vector<16xf32>, vector<16xi32> -> vector<16xf32>
    %broadcast_in_dim3A_643 = arith.constant 9 : i32
    %broadcast_in_dim3A_644 = vector.broadcast %broadcast_in_dim3A_643 : i32 to vector<16x1xi32>
    %gather3A_645 = vector.shape_cast %broadcast_in_dim3A_644 : vector<16x1xi32> to vector<16xi32>
    %gather3A_646 = tpu.dynamic_gather %get3A_635[%gather3A_645] in [0] : vector<16xf32>, vector<16xi32> -> vector<16xf32>
    %broadcast_in_dim3A_647 = arith.constant 10 : i32
    %broadcast_in_dim3A_648 = vector.broadcast %broadcast_in_dim3A_647 : i32 to vector<16x1xi32>
    %gather3A_649 = vector.shape_cast %broadcast_in_dim3A_648 : vector<16x1xi32> to vector<16xi32>
    %gather3A_650 = tpu.dynamic_gather %get3A_635[%gather3A_649] in [0] : vector<16xf32>, vector<16xi32> -> vector<16xf32>
    %broadcast_in_dim3A_651 = arith.constant 11 : i32
    %broadcast_in_dim3A_652 = vector.broadcast %broadcast_in_dim3A_651 : i32 to vector<16x1xi32>
    %gather3A_653 = vector.shape_cast %broadcast_in_dim3A_652 : vector<16x1xi32> to vector<16xi32>
    %gather3A_654 = tpu.dynamic_gather %get3A_635[%gather3A_653] in [0] : vector<16xf32>, vector<16xi32> -> vector<16xf32>
    %broadcast_in_dim3A_655 = arith.constant 12 : i32
    %broadcast_in_dim3A_656 = vector.broadcast %broadcast_in_dim3A_655 : i32 to vector<16x1xi32>
    %gather3A_657 = vector.shape_cast %broadcast_in_dim3A_656 : vector<16x1xi32> to vector<16xi32>
    %gather3A_658 = tpu.dynamic_gather %get3A_635[%gather3A_657] in [0] : vector<16xf32>, vector<16xi32> -> vector<16xf32>
    %broadcast_in_dim3A_659 = arith.constant 13 : i32
    %broadcast_in_dim3A_660 = vector.broadcast %broadcast_in_dim3A_659 : i32 to vector<16x1xi32>
    %gather3A_661 = vector.shape_cast %broadcast_in_dim3A_660 : vector<16x1xi32> to vector<16xi32>
    %gather3A_662 = tpu.dynamic_gather %get3A_635[%gather3A_661] in [0] : vector<16xf32>, vector<16xi32> -> vector<16xf32>
    %broadcast_in_dim3A_663 = arith.constant 14 : i32
    %broadcast_in_dim3A_664 = vector.broadcast %broadcast_in_dim3A_663 : i32 to vector<16x1xi32>
    %gather3A_665 = vector.shape_cast %broadcast_in_dim3A_664 : vector<16x1xi32> to vector<16xi32>
    %gather3A_666 = tpu.dynamic_gather %get3A_635[%gather3A_665] in [0] : vector<16xf32>, vector<16xi32> -> vector<16xf32>
    %broadcast_in_dim3A_667 = arith.constant 15 : i32
    %broadcast_in_dim3A_668 = vector.broadcast %broadcast_in_dim3A_667 : i32 to vector<16x1xi32>
    %gather3A_669 = vector.shape_cast %broadcast_in_dim3A_668 : vector<16x1xi32> to vector<16xi32>
    %gather3A_670 = tpu.dynamic_gather %get3A_635[%gather3A_669] in [0] : vector<16xf32>, vector<16xi32> -> vector<16xf32>
    %broadcast_in_dim3A_671 = arith.constant 8 : i32
    %broadcast_in_dim3A_672 = vector.broadcast %broadcast_in_dim3A_671 : i32 to vector<16x1xi32>
    %gather3A_673 = vector.shape_cast %broadcast_in_dim3A_672 : vector<16x1xi32> to vector<16xi32>
    %gather3A_674 = tpu.dynamic_gather %get3A_638[%gather3A_673] in [0] : vector<16xi32>, vector<16xi32> -> vector<16xi32>
    %and3A_675 = arith.constant 1 : i32
    %and3A_676 = vector.broadcast %and3A_675 : i32 to vector<16xi32>
    %and3A_677 = arith.andi %gather3A_674, %and3A_676 : vector<16xi32>
    %convert_element_type3A_678 = arith.sitofp %and3A_677 : vector<16xi32> to vector<16xf32>
    %broadcast_in_dim3A_679 = arith.constant 9 : i32
    %broadcast_in_dim3A_680 = vector.broadcast %broadcast_in_dim3A_679 : i32 to vector<16x1xi32>
    %gather3A_681 = vector.shape_cast %broadcast_in_dim3A_680 : vector<16x1xi32> to vector<16xi32>
    %gather3A_682 = tpu.dynamic_gather %get3A_638[%gather3A_681] in [0] : vector<16xi32>, vector<16xi32> -> vector<16xi32>
    %and3A_683 = arith.constant 1 : i32
    %and3A_684 = vector.broadcast %and3A_683 : i32 to vector<16xi32>
    %and3A_685 = arith.andi %gather3A_682, %and3A_684 : vector<16xi32>
    %convert_element_type3A_686 = arith.sitofp %and3A_685 : vector<16xi32> to vector<16xf32>
    %broadcast_in_dim3A_687 = arith.constant 10 : i32
    %broadcast_in_dim3A_688 = vector.broadcast %broadcast_in_dim3A_687 : i32 to vector<16x1xi32>
    %gather3A_689 = vector.shape_cast %broadcast_in_dim3A_688 : vector<16x1xi32> to vector<16xi32>
    %gather3A_690 = tpu.dynamic_gather %get3A_638[%gather3A_689] in [0] : vector<16xi32>, vector<16xi32> -> vector<16xi32>
    %and3A_691 = arith.constant 1 : i32
    %and3A_692 = vector.broadcast %and3A_691 : i32 to vector<16xi32>
    %and3A_693 = arith.andi %gather3A_690, %and3A_692 : vector<16xi32>
    %convert_element_type3A_694 = arith.sitofp %and3A_693 : vector<16xi32> to vector<16xf32>
    %broadcast_in_dim3A_695 = arith.constant 11 : i32
    %broadcast_in_dim3A_696 = vector.broadcast %broadcast_in_dim3A_695 : i32 to vector<16x1xi32>
    %gather3A_697 = vector.shape_cast %broadcast_in_dim3A_696 : vector<16x1xi32> to vector<16xi32>
    %gather3A_698 = tpu.dynamic_gather %get3A_638[%gather3A_697] in [0] : vector<16xi32>, vector<16xi32> -> vector<16xi32>
    %and3A_699 = arith.constant 1 : i32
    %and3A_700 = vector.broadcast %and3A_699 : i32 to vector<16xi32>
    %and3A_701 = arith.andi %gather3A_698, %and3A_700 : vector<16xi32>
    %convert_element_type3A_702 = arith.sitofp %and3A_701 : vector<16xi32> to vector<16xf32>
    %broadcast_in_dim3A_703 = arith.constant 12 : i32
    %broadcast_in_dim3A_704 = vector.broadcast %broadcast_in_dim3A_703 : i32 to vector<16x1xi32>
    %gather3A_705 = vector.shape_cast %broadcast_in_dim3A_704 : vector<16x1xi32> to vector<16xi32>
    %gather3A_706 = tpu.dynamic_gather %get3A_638[%gather3A_705] in [0] : vector<16xi32>, vector<16xi32> -> vector<16xi32>
    %and3A_707 = arith.constant 1 : i32
    %and3A_708 = vector.broadcast %and3A_707 : i32 to vector<16xi32>
    %and3A_709 = arith.andi %gather3A_706, %and3A_708 : vector<16xi32>
    %convert_element_type3A_710 = arith.sitofp %and3A_709 : vector<16xi32> to vector<16xf32>
    %broadcast_in_dim3A_711 = arith.constant 13 : i32
    %broadcast_in_dim3A_712 = vector.broadcast %broadcast_in_dim3A_711 : i32 to vector<16x1xi32>
    %gather3A_713 = vector.shape_cast %broadcast_in_dim3A_712 : vector<16x1xi32> to vector<16xi32>
    %gather3A_714 = tpu.dynamic_gather %get3A_638[%gather3A_713] in [0] : vector<16xi32>, vector<16xi32> -> vector<16xi32>
    %and3A_715 = arith.constant 1 : i32
    %and3A_716 = vector.broadcast %and3A_715 : i32 to vector<16xi32>
    %and3A_717 = arith.andi %gather3A_714, %and3A_716 : vector<16xi32>
    %convert_element_type3A_718 = arith.sitofp %and3A_717 : vector<16xi32> to vector<16xf32>
    %broadcast_in_dim3A_719 = arith.constant 14 : i32
    %broadcast_in_dim3A_720 = vector.broadcast %broadcast_in_dim3A_719 : i32 to vector<16x1xi32>
    %gather3A_721 = vector.shape_cast %broadcast_in_dim3A_720 : vector<16x1xi32> to vector<16xi32>
    %gather3A_722 = tpu.dynamic_gather %get3A_638[%gather3A_721] in [0] : vector<16xi32>, vector<16xi32> -> vector<16xi32>
    %and3A_723 = arith.constant 1 : i32
    %and3A_724 = vector.broadcast %and3A_723 : i32 to vector<16xi32>
    %and3A_725 = arith.andi %gather3A_722, %and3A_724 : vector<16xi32>
    %convert_element_type3A_726 = arith.sitofp %and3A_725 : vector<16xi32> to vector<16xf32>
    %broadcast_in_dim3A_727 = arith.constant 15 : i32
    %broadcast_in_dim3A_728 = vector.broadcast %broadcast_in_dim3A_727 : i32 to vector<16x1xi32>
    %gather3A_729 = vector.shape_cast %broadcast_in_dim3A_728 : vector<16x1xi32> to vector<16xi32>
    %gather3A_730 = tpu.dynamic_gather %get3A_638[%gather3A_729] in [0] : vector<16xi32>, vector<16xi32> -> vector<16xi32>
    %and3A_731 = arith.constant 1 : i32
    %and3A_732 = vector.broadcast %and3A_731 : i32 to vector<16xi32>
    %and3A_733 = arith.andi %gather3A_730, %and3A_732 : vector<16xi32>
    %convert_element_type3A_734 = arith.sitofp %and3A_733 : vector<16xi32> to vector<16xf32>
    %broadcast_in_dim3A_735 = arith.constant 0.000000e+00 : f32
    %broadcast_in_dim3A_736 = vector.broadcast %broadcast_in_dim3A_735 : f32 to vector<16xf32>
    %get3A_737 = arith.constant 8 : i32
    %get3A_738 = arith.index_cast %get3A_737 : i32 to index
    %get3A_739 = arith.constant 0 : index
    %get3A_740 = tpu.vector_load %arg9[%get3A_738, %get3A_739] {strides = array<i32>} : memref<32x128xf32, #tpu.memory_space<vmem>>, vector<1x16xf32>,
    %get3A_741 = vector.shape_cast %get3A_740 : vector<1x16xf32> to vector<16xf32>
    %get3A_742 = arith.constant 8 : i32
    %get3A_743 = arith.index_cast %get3A_742 : i32 to index
    %get3A_744 = arith.constant 64 : index
    %get3A_745 = tpu.vector_load %arg9[%get3A_743, %get3A_744] {strides = array<i32>} : memref<32x128xf32, #tpu.memory_space<vmem>>, vector<1x16xf32>,
    %get3A_746 = vector.shape_cast %get3A_745 : vector<1x16xf32> to vector<16xf32>
    %sub3A_747 = arith.subf %get3A_746, %get3A_741 : vector<16xf32>
    %mul3A_748 = arith.mulf %convert_element_type3A_678, %sub3A_747 : vector<16xf32>
    %add3A_749 = arith.addf %get3A_741, %mul3A_748 : vector<16xf32>
    %mul3A_750 = arith.mulf %gather3A_642, %add3A_749 : vector<16xf32>
    %add3A_751 = arith.addf %broadcast_in_dim3A_736, %mul3A_750 : vector<16xf32>
    %get3A_752 = arith.constant 9 : i32
    %get3A_753 = arith.index_cast %get3A_752 : i32 to index
    %get3A_754 = arith.constant 0 : index
    %get3A_755 = tpu.vector_load %arg9[%get3A_753, %get3A_754] {strides = array<i32>} : memref<32x128xf32, #tpu.memory_space<vmem>>, vector<1x16xf32>,
    %get3A_756 = vector.shape_cast %get3A_755 : vector<1x16xf32> to vector<16xf32>
    %get3A_757 = arith.constant 9 : i32
    %get3A_758 = arith.index_cast %get3A_757 : i32 to index
    %get3A_759 = arith.constant 64 : index
    %get3A_760 = tpu.vector_load %arg9[%get3A_758, %get3A_759] {strides = array<i32>} : memref<32x128xf32, #tpu.memory_space<vmem>>, vector<1x16xf32>,
    %get3A_761 = vector.shape_cast %get3A_760 : vector<1x16xf32> to vector<16xf32>
    %sub3A_762 = arith.subf %get3A_761, %get3A_756 : vector<16xf32>
    %mul3A_763 = arith.mulf %convert_element_type3A_686, %sub3A_762 : vector<16xf32>
    %add3A_764 = arith.addf %get3A_756, %mul3A_763 : vector<16xf32>
    %mul3A_765 = arith.mulf %gather3A_646, %add3A_764 : vector<16xf32>
    %add3A_766 = arith.addf %add3A_751, %mul3A_765 : vector<16xf32>
    %get3A_767 = arith.constant 10 : i32
    %get3A_768 = arith.index_cast %get3A_767 : i32 to index
    %get3A_769 = arith.constant 0 : index
    %get3A_770 = tpu.vector_load %arg9[%get3A_768, %get3A_769] {strides = array<i32>} : memref<32x128xf32, #tpu.memory_space<vmem>>, vector<1x16xf32>,
    %get3A_771 = vector.shape_cast %get3A_770 : vector<1x16xf32> to vector<16xf32>
    %get3A_772 = arith.constant 10 : i32
    %get3A_773 = arith.index_cast %get3A_772 : i32 to index
    %get3A_774 = arith.constant 64 : index
    %get3A_775 = tpu.vector_load %arg9[%get3A_773, %get3A_774] {strides = array<i32>} : memref<32x128xf32, #tpu.memory_space<vmem>>, vector<1x16xf32>,
    %get3A_776 = vector.shape_cast %get3A_775 : vector<1x16xf32> to vector<16xf32>
    %sub3A_777 = arith.subf %get3A_776, %get3A_771 : vector<16xf32>
    %mul3A_778 = arith.mulf %convert_element_type3A_694, %sub3A_777 : vector<16xf32>
    %add3A_779 = arith.addf %get3A_771, %mul3A_778 : vector<16xf32>
    %mul3A_780 = arith.mulf %gather3A_650, %add3A_779 : vector<16xf32>
    %add3A_781 = arith.addf %add3A_766, %mul3A_780 : vector<16xf32>
    %get3A_782 = arith.constant 11 : i32
    %get3A_783 = arith.index_cast %get3A_782 : i32 to index
    %get3A_784 = arith.constant 0 : index
    %get3A_785 = tpu.vector_load %arg9[%get3A_783, %get3A_784] {strides = array<i32>} : memref<32x128xf32, #tpu.memory_space<vmem>>, vector<1x16xf32>,
    %get3A_786 = vector.shape_cast %get3A_785 : vector<1x16xf32> to vector<16xf32>
    %get3A_787 = arith.constant 11 : i32
    %get3A_788 = arith.index_cast %get3A_787 : i32 to index
    %get3A_789 = arith.constant 64 : index
    %get3A_790 = tpu.vector_load %arg9[%get3A_788, %get3A_789] {strides = array<i32>} : memref<32x128xf32, #tpu.memory_space<vmem>>, vector<1x16xf32>,
    %get3A_791 = vector.shape_cast %get3A_790 : vector<1x16xf32> to vector<16xf32>
    %sub3A_792 = arith.subf %get3A_791, %get3A_786 : vector<16xf32>
    %mul3A_793 = arith.mulf %convert_element_type3A_702, %sub3A_792 : vector<16xf32>
    %add3A_794 = arith.addf %get3A_786, %mul3A_793 : vector<16xf32>
    %mul3A_795 = arith.mulf %gather3A_654, %add3A_794 : vector<16xf32>
    %add3A_796 = arith.addf %add3A_781, %mul3A_795 : vector<16xf32>
    %get3A_797 = arith.constant 12 : i32
    %get3A_798 = arith.index_cast %get3A_797 : i32 to index
    %get3A_799 = arith.constant 0 : index
    %get3A_800 = tpu.vector_load %arg9[%get3A_798, %get3A_799] {strides = array<i32>} : memref<32x128xf32, #tpu.memory_space<vmem>>, vector<1x16xf32>,
    %get3A_801 = vector.shape_cast %get3A_800 : vector<1x16xf32> to vector<16xf32>
    %get3A_802 = arith.constant 12 : i32
    %get3A_803 = arith.index_cast %get3A_802 : i32 to index
    %get3A_804 = arith.constant 64 : index
    %get3A_805 = tpu.vector_load %arg9[%get3A_803, %get3A_804] {strides = array<i32>} : memref<32x128xf32, #tpu.memory_space<vmem>>, vector<1x16xf32>,
    %get3A_806 = vector.shape_cast %get3A_805 : vector<1x16xf32> to vector<16xf32>
    %sub3A_807 = arith.subf %get3A_806, %get3A_801 : vector<16xf32>
    %mul3A_808 = arith.mulf %convert_element_type3A_710, %sub3A_807 : vector<16xf32>
    %add3A_809 = arith.addf %get3A_801, %mul3A_808 : vector<16xf32>
    %mul3A_810 = arith.mulf %gather3A_658, %add3A_809 : vector<16xf32>
    %add3A_811 = arith.addf %add3A_796, %mul3A_810 : vector<16xf32>
    %get3A_812 = arith.constant 13 : i32
    %get3A_813 = arith.index_cast %get3A_812 : i32 to index
    %get3A_814 = arith.constant 0 : index
    %get3A_815 = tpu.vector_load %arg9[%get3A_813, %get3A_814] {strides = array<i32>} : memref<32x128xf32, #tpu.memory_space<vmem>>, vector<1x16xf32>,
    %get3A_816 = vector.shape_cast %get3A_815 : vector<1x16xf32> to vector<16xf32>
    %get3A_817 = arith.constant 13 : i32
    %get3A_818 = arith.index_cast %get3A_817 : i32 to index
    %get3A_819 = arith.constant 64 : index
    %get3A_820 = tpu.vector_load %arg9[%get3A_818, %get3A_819] {strides = array<i32>} : memref<32x128xf32, #tpu.memory_space<vmem>>, vector<1x16xf32>,
    %get3A_821 = vector.shape_cast %get3A_820 : vector<1x16xf32> to vector<16xf32>
    %sub3A_822 = arith.subf %get3A_821, %get3A_816 : vector<16xf32>
    %mul3A_823 = arith.mulf %convert_element_type3A_718, %sub3A_822 : vector<16xf32>
    %add3A_824 = arith.addf %get3A_816, %mul3A_823 : vector<16xf32>
    %mul3A_825 = arith.mulf %gather3A_662, %add3A_824 : vector<16xf32>
    %add3A_826 = arith.addf %add3A_811, %mul3A_825 : vector<16xf32>
    %get3A_827 = arith.constant 14 : i32
    %get3A_828 = arith.index_cast %get3A_827 : i32 to index
    %get3A_829 = arith.constant 0 : index
    %get3A_830 = tpu.vector_load %arg9[%get3A_828, %get3A_829] {strides = array<i32>} : memref<32x128xf32, #tpu.memory_space<vmem>>, vector<1x16xf32>,
    %get3A_831 = vector.shape_cast %get3A_830 : vector<1x16xf32> to vector<16xf32>
    %get3A_832 = arith.constant 14 : i32
    %get3A_833 = arith.index_cast %get3A_832 : i32 to index
    %get3A_834 = arith.constant 64 : index
    %get3A_835 = tpu.vector_load %arg9[%get3A_833, %get3A_834] {strides = array<i32>} : memref<32x128xf32, #tpu.memory_space<vmem>>, vector<1x16xf32>,
    %get3A_836 = vector.shape_cast %get3A_835 : vector<1x16xf32> to vector<16xf32>
    %sub3A_837 = arith.subf %get3A_836, %get3A_831 : vector<16xf32>
    %mul3A_838 = arith.mulf %convert_element_type3A_726, %sub3A_837 : vector<16xf32>
    %add3A_839 = arith.addf %get3A_831, %mul3A_838 : vector<16xf32>
    %mul3A_840 = arith.mulf %gather3A_666, %add3A_839 : vector<16xf32>
    %add3A_841 = arith.addf %add3A_826, %mul3A_840 : vector<16xf32>
    %get3A_842 = arith.constant 15 : i32
    %get3A_843 = arith.index_cast %get3A_842 : i32 to index
    %get3A_844 = arith.constant 0 : index
    %get3A_845 = tpu.vector_load %arg9[%get3A_843, %get3A_844] {strides = array<i32>} : memref<32x128xf32, #tpu.memory_space<vmem>>, vector<1x16xf32>,
    %get3A_846 = vector.shape_cast %get3A_845 : vector<1x16xf32> to vector<16xf32>
    %get3A_847 = arith.constant 15 : i32
    %get3A_848 = arith.index_cast %get3A_847 : i32 to index
    %get3A_849 = arith.constant 64 : index
    %get3A_850 = tpu.vector_load %arg9[%get3A_848, %get3A_849] {strides = array<i32>} : memref<32x128xf32, #tpu.memory_space<vmem>>, vector<1x16xf32>,
    %get3A_851 = vector.shape_cast %get3A_850 : vector<1x16xf32> to vector<16xf32>
    %sub3A_852 = arith.subf %get3A_851, %get3A_846 : vector<16xf32>
    %mul3A_853 = arith.mulf %convert_element_type3A_734, %sub3A_852 : vector<16xf32>
    %add3A_854 = arith.addf %get3A_846, %mul3A_853 : vector<16xf32>
    %mul3A_855 = arith.mulf %gather3A_670, %add3A_854 : vector<16xf32>
    %add3A_856 = arith.addf %add3A_841, %mul3A_855 : vector<16xf32>
    %swap3A_857 = arith.constant 1 : i32
    %swap3A_858 = arith.index_cast %swap3A_857 : i32 to index
    %swap3A_859 = arith.constant 0 : index
    %swap3A_860 = tpu.vector_load %arg10[%swap3A_858, %swap3A_859] {strides = array<i32>} : memref<4x64xf32, #tpu.memory_space<vmem>>, vector<1x16xf32>,
    %swap3A_861 = vector.shape_cast %swap3A_860 : vector<1x16xf32> to vector<16xf32>
    %swap3A_862 = vector.shape_cast %add3A_856 : vector<16xf32> to vector<1x16xf32>
    tpu.vector_store %arg10[%swap3A_858, %swap3A_859], %swap3A_862 {strides = array<i32>} : memref<4x64xf32, #tpu.memory_space<vmem>>, vector<1x16xf32>,
    %broadcast_in_dim3A_863 = arith.constant 0.000000e+00 : f32
    %broadcast_in_dim3A_864 = vector.broadcast %broadcast_in_dim3A_863 : f32 to vector<16xf32>
    %get3A_865 = arith.constant 8 : i32
    %get3A_866 = arith.index_cast %get3A_865 : i32 to index
    %get3A_867 = arith.constant 16 : index
    %get3A_868 = tpu.vector_load %arg9[%get3A_866, %get3A_867] {strides = array<i32>} : memref<32x128xf32, #tpu.memory_space<vmem>>, vector<1x16xf32>,
    %get3A_869 = vector.shape_cast %get3A_868 : vector<1x16xf32> to vector<16xf32>
    %get3A_870 = arith.constant 8 : i32
    %get3A_871 = arith.index_cast %get3A_870 : i32 to index
    %get3A_872 = arith.constant 80 : index
    %get3A_873 = tpu.vector_load %arg9[%get3A_871, %get3A_872] {strides = array<i32>} : memref<32x128xf32, #tpu.memory_space<vmem>>, vector<1x16xf32>,
    %get3A_874 = vector.shape_cast %get3A_873 : vector<1x16xf32> to vector<16xf32>
    %sub3A_875 = arith.subf %get3A_874, %get3A_869 : vector<16xf32>
    %mul3A_876 = arith.mulf %convert_element_type3A_678, %sub3A_875 : vector<16xf32>
    %add3A_877 = arith.addf %get3A_869, %mul3A_876 : vector<16xf32>
    %mul3A_878 = arith.mulf %gather3A_642, %add3A_877 : vector<16xf32>
    %add3A_879 = arith.addf %broadcast_in_dim3A_864, %mul3A_878 : vector<16xf32>
    %get3A_880 = arith.constant 9 : i32
    %get3A_881 = arith.index_cast %get3A_880 : i32 to index
    %get3A_882 = arith.constant 16 : index
    %get3A_883 = tpu.vector_load %arg9[%get3A_881, %get3A_882] {strides = array<i32>} : memref<32x128xf32, #tpu.memory_space<vmem>>, vector<1x16xf32>,
    %get3A_884 = vector.shape_cast %get3A_883 : vector<1x16xf32> to vector<16xf32>
    %get3A_885 = arith.constant 9 : i32
    %get3A_886 = arith.index_cast %get3A_885 : i32 to index
    %get3A_887 = arith.constant 80 : index
    %get3A_888 = tpu.vector_load %arg9[%get3A_886, %get3A_887] {strides = array<i32>} : memref<32x128xf32, #tpu.memory_space<vmem>>, vector<1x16xf32>,
    %get3A_889 = vector.shape_cast %get3A_888 : vector<1x16xf32> to vector<16xf32>
    %sub3A_890 = arith.subf %get3A_889, %get3A_884 : vector<16xf32>
    %mul3A_891 = arith.mulf %convert_element_type3A_686, %sub3A_890 : vector<16xf32>
    %add3A_892 = arith.addf %get3A_884, %mul3A_891 : vector<16xf32>
    %mul3A_893 = arith.mulf %gather3A_646, %add3A_892 : vector<16xf32>
    %add3A_894 = arith.addf %add3A_879, %mul3A_893 : vector<16xf32>
    %get3A_895 = arith.constant 10 : i32
    %get3A_896 = arith.index_cast %get3A_895 : i32 to index
    %get3A_897 = arith.constant 16 : index
    %get3A_898 = tpu.vector_load %arg9[%get3A_896, %get3A_897] {strides = array<i32>} : memref<32x128xf32, #tpu.memory_space<vmem>>, vector<1x16xf32>,
    %get3A_899 = vector.shape_cast %get3A_898 : vector<1x16xf32> to vector<16xf32>
    %get3A_900 = arith.constant 10 : i32
    %get3A_901 = arith.index_cast %get3A_900 : i32 to index
    %get3A_902 = arith.constant 80 : index
    %get3A_903 = tpu.vector_load %arg9[%get3A_901, %get3A_902] {strides = array<i32>} : memref<32x128xf32, #tpu.memory_space<vmem>>, vector<1x16xf32>,
    %get3A_904 = vector.shape_cast %get3A_903 : vector<1x16xf32> to vector<16xf32>
    %sub3A_905 = arith.subf %get3A_904, %get3A_899 : vector<16xf32>
    %mul3A_906 = arith.mulf %convert_element_type3A_694, %sub3A_905 : vector<16xf32>
    %add3A_907 = arith.addf %get3A_899, %mul3A_906 : vector<16xf32>
    %mul3A_908 = arith.mulf %gather3A_650, %add3A_907 : vector<16xf32>
    %add3A_909 = arith.addf %add3A_894, %mul3A_908 : vector<16xf32>
    %get3A_910 = arith.constant 11 : i32
    %get3A_911 = arith.index_cast %get3A_910 : i32 to index
    %get3A_912 = arith.constant 16 : index
    %get3A_913 = tpu.vector_load %arg9[%get3A_911, %get3A_912] {strides = array<i32>} : memref<32x128xf32, #tpu.memory_space<vmem>>, vector<1x16xf32>,
    %get3A_914 = vector.shape_cast %get3A_913 : vector<1x16xf32> to vector<16xf32>
    %get3A_915 = arith.constant 11 : i32
    %get3A_916 = arith.index_cast %get3A_915 : i32 to index
    %get3A_917 = arith.constant 80 : index
    %get3A_918 = tpu.vector_load %arg9[%get3A_916, %get3A_917] {strides = array<i32>} : memref<32x128xf32, #tpu.memory_space<vmem>>, vector<1x16xf32>,
    %get3A_919 = vector.shape_cast %get3A_918 : vector<1x16xf32> to vector<16xf32>
    %sub3A_920 = arith.subf %get3A_919, %get3A_914 : vector<16xf32>
    %mul3A_921 = arith.mulf %convert_element_type3A_702, %sub3A_920 : vector<16xf32>
    %add3A_922 = arith.addf %get3A_914, %mul3A_921 : vector<16xf32>
    %mul3A_923 = arith.mulf %gather3A_654, %add3A_922 : vector<16xf32>
    %add3A_924 = arith.addf %add3A_909, %mul3A_923 : vector<16xf32>
    %get3A_925 = arith.constant 12 : i32
    %get3A_926 = arith.index_cast %get3A_925 : i32 to index
    %get3A_927 = arith.constant 16 : index
    %get3A_928 = tpu.vector_load %arg9[%get3A_926, %get3A_927] {strides = array<i32>} : memref<32x128xf32, #tpu.memory_space<vmem>>, vector<1x16xf32>,
    %get3A_929 = vector.shape_cast %get3A_928 : vector<1x16xf32> to vector<16xf32>
    %get3A_930 = arith.constant 12 : i32
    %get3A_931 = arith.index_cast %get3A_930 : i32 to index
    %get3A_932 = arith.constant 80 : index
    %get3A_933 = tpu.vector_load %arg9[%get3A_931, %get3A_932] {strides = array<i32>} : memref<32x128xf32, #tpu.memory_space<vmem>>, vector<1x16xf32>,
    %get3A_934 = vector.shape_cast %get3A_933 : vector<1x16xf32> to vector<16xf32>
    %sub3A_935 = arith.subf %get3A_934, %get3A_929 : vector<16xf32>
    %mul3A_936 = arith.mulf %convert_element_type3A_710, %sub3A_935 : vector<16xf32>
    %add3A_937 = arith.addf %get3A_929, %mul3A_936 : vector<16xf32>
    %mul3A_938 = arith.mulf %gather3A_658, %add3A_937 : vector<16xf32>
    %add3A_939 = arith.addf %add3A_924, %mul3A_938 : vector<16xf32>
    %get3A_940 = arith.constant 13 : i32
    %get3A_941 = arith.index_cast %get3A_940 : i32 to index
    %get3A_942 = arith.constant 16 : index
    %get3A_943 = tpu.vector_load %arg9[%get3A_941, %get3A_942] {strides = array<i32>} : memref<32x128xf32, #tpu.memory_space<vmem>>, vector<1x16xf32>,
    %get3A_944 = vector.shape_cast %get3A_943 : vector<1x16xf32> to vector<16xf32>
    %get3A_945 = arith.constant 13 : i32
    %get3A_946 = arith.index_cast %get3A_945 : i32 to index
    %get3A_947 = arith.constant 80 : index
    %get3A_948 = tpu.vector_load %arg9[%get3A_946, %get3A_947] {strides = array<i32>} : memref<32x128xf32, #tpu.memory_space<vmem>>, vector<1x16xf32>,
    %get3A_949 = vector.shape_cast %get3A_948 : vector<1x16xf32> to vector<16xf32>
    %sub3A_950 = arith.subf %get3A_949, %get3A_944 : vector<16xf32>
    %mul3A_951 = arith.mulf %convert_element_type3A_718, %sub3A_950 : vector<16xf32>
    %add3A_952 = arith.addf %get3A_944, %mul3A_951 : vector<16xf32>
    %mul3A_953 = arith.mulf %gather3A_662, %add3A_952 : vector<16xf32>
    %add3A_954 = arith.addf %add3A_939, %mul3A_953 : vector<16xf32>
    %get3A_955 = arith.constant 14 : i32
    %get3A_956 = arith.index_cast %get3A_955 : i32 to index
    %get3A_957 = arith.constant 16 : index
    %get3A_958 = tpu.vector_load %arg9[%get3A_956, %get3A_957] {strides = array<i32>} : memref<32x128xf32, #tpu.memory_space<vmem>>, vector<1x16xf32>,
    %get3A_959 = vector.shape_cast %get3A_958 : vector<1x16xf32> to vector<16xf32>
    %get3A_960 = arith.constant 14 : i32
    %get3A_961 = arith.index_cast %get3A_960 : i32 to index
    %get3A_962 = arith.constant 80 : index
    %get3A_963 = tpu.vector_load %arg9[%get3A_961, %get3A_962] {strides = array<i32>} : memref<32x128xf32, #tpu.memory_space<vmem>>, vector<1x16xf32>,
    %get3A_964 = vector.shape_cast %get3A_963 : vector<1x16xf32> to vector<16xf32>
    %sub3A_965 = arith.subf %get3A_964, %get3A_959 : vector<16xf32>
    %mul3A_966 = arith.mulf %convert_element_type3A_726, %sub3A_965 : vector<16xf32>
    %add3A_967 = arith.addf %get3A_959, %mul3A_966 : vector<16xf32>
    %mul3A_968 = arith.mulf %gather3A_666, %add3A_967 : vector<16xf32>
    %add3A_969 = arith.addf %add3A_954, %mul3A_968 : vector<16xf32>
    %get3A_970 = arith.constant 15 : i32
    %get3A_971 = arith.index_cast %get3A_970 : i32 to index
    %get3A_972 = arith.constant 16 : index
    %get3A_973 = tpu.vector_load %arg9[%get3A_971, %get3A_972] {strides = array<i32>} : memref<32x128xf32, #tpu.memory_space<vmem>>, vector<1x16xf32>,
    %get3A_974 = vector.shape_cast %get3A_973 : vector<1x16xf32> to vector<16xf32>
    %get3A_975 = arith.constant 15 : i32
    %get3A_976 = arith.index_cast %get3A_975 : i32 to index
    %get3A_977 = arith.constant 80 : index
    %get3A_978 = tpu.vector_load %arg9[%get3A_976, %get3A_977] {strides = array<i32>} : memref<32x128xf32, #tpu.memory_space<vmem>>, vector<1x16xf32>,
    %get3A_979 = vector.shape_cast %get3A_978 : vector<1x16xf32> to vector<16xf32>
    %sub3A_980 = arith.subf %get3A_979, %get3A_974 : vector<16xf32>
    %mul3A_981 = arith.mulf %convert_element_type3A_734, %sub3A_980 : vector<16xf32>
    %add3A_982 = arith.addf %get3A_974, %mul3A_981 : vector<16xf32>
    %mul3A_983 = arith.mulf %gather3A_670, %add3A_982 : vector<16xf32>
    %add3A_984 = arith.addf %add3A_969, %mul3A_983 : vector<16xf32>
    %swap3A_985 = arith.constant 1 : i32
    %swap3A_986 = arith.index_cast %swap3A_985 : i32 to index
    %swap3A_987 = arith.constant 16 : index
    %swap3A_988 = tpu.vector_load %arg10[%swap3A_986, %swap3A_987] {strides = array<i32>} : memref<4x64xf32, #tpu.memory_space<vmem>>, vector<1x16xf32>,
    %swap3A_989 = vector.shape_cast %swap3A_988 : vector<1x16xf32> to vector<16xf32>
    %swap3A_990 = vector.shape_cast %add3A_984 : vector<16xf32> to vector<1x16xf32>
    tpu.vector_store %arg10[%swap3A_986, %swap3A_987], %swap3A_990 {strides = array<i32>} : memref<4x64xf32, #tpu.memory_space<vmem>>, vector<1x16xf32>,
    %broadcast_in_dim3A_991 = arith.constant 0.000000e+00 : f32
    %broadcast_in_dim3A_992 = vector.broadcast %broadcast_in_dim3A_991 : f32 to vector<16xf32>
    %get3A_993 = arith.constant 8 : i32
    %get3A_994 = arith.index_cast %get3A_993 : i32 to index
    %get3A_995 = arith.constant 32 : index
    %get3A_996 = tpu.vector_load %arg9[%get3A_994, %get3A_995] {strides = array<i32>} : memref<32x128xf32, #tpu.memory_space<vmem>>, vector<1x16xf32>,
    %get3A_997 = vector.shape_cast %get3A_996 : vector<1x16xf32> to vector<16xf32>
    %get3A_998 = arith.constant 8 : i32
    %get3A_999 = arith.index_cast %get3A_998 : i32 to index
    %get3A_1000 = arith.constant 96 : index
    %get3A_1001 = tpu.vector_load %arg9[%get3A_999, %get3A_1000] {strides = array<i32>} : memref<32x128xf32, #tpu.memory_space<vmem>>, vector<1x16xf32>,
    %get3A_1002 = vector.shape_cast %get3A_1001 : vector<1x16xf32> to vector<16xf32>
    %sub3A_1003 = arith.subf %get3A_1002, %get3A_997 : vector<16xf32>
    %mul3A_1004 = arith.mulf %convert_element_type3A_678, %sub3A_1003 : vector<16xf32>
    %add3A_1005 = arith.addf %get3A_997, %mul3A_1004 : vector<16xf32>
    %mul3A_1006 = arith.mulf %gather3A_642, %add3A_1005 : vector<16xf32>
    %add3A_1007 = arith.addf %broadcast_in_dim3A_992, %mul3A_1006 : vector<16xf32>
    %get3A_1008 = arith.constant 9 : i32
    %get3A_1009 = arith.index_cast %get3A_1008 : i32 to index
    %get3A_1010 = arith.constant 32 : index
    %get3A_1011 = tpu.vector_load %arg9[%get3A_1009, %get3A_1010] {strides = array<i32>} : memref<32x128xf32, #tpu.memory_space<vmem>>, vector<1x16xf32>,
    %get3A_1012 = vector.shape_cast %get3A_1011 : vector<1x16xf32> to vector<16xf32>
    %get3A_1013 = arith.constant 9 : i32
    %get3A_1014 = arith.index_cast %get3A_1013 : i32 to index
    %get3A_1015 = arith.constant 96 : index
    %get3A_1016 = tpu.vector_load %arg9[%get3A_1014, %get3A_1015] {strides = array<i32>} : memref<32x128xf32, #tpu.memory_space<vmem>>, vector<1x16xf32>,
    %get3A_1017 = vector.shape_cast %get3A_1016 : vector<1x16xf32> to vector<16xf32>
    %sub3A_1018 = arith.subf %get3A_1017, %get3A_1012 : vector<16xf32>
    %mul3A_1019 = arith.mulf %convert_element_type3A_686, %sub3A_1018 : vector<16xf32>
    %add3A_1020 = arith.addf %get3A_1012, %mul3A_1019 : vector<16xf32>
    %mul3A_1021 = arith.mulf %gather3A_646, %add3A_1020 : vector<16xf32>
    %add3A_1022 = arith.addf %add3A_1007, %mul3A_1021 : vector<16xf32>
    %get3A_1023 = arith.constant 10 : i32
    %get3A_1024 = arith.index_cast %get3A_1023 : i32 to index
    %get3A_1025 = arith.constant 32 : index
    %get3A_1026 = tpu.vector_load %arg9[%get3A_1024, %get3A_1025] {strides = array<i32>} : memref<32x128xf32, #tpu.memory_space<vmem>>, vector<1x16xf32>,
    %get3A_1027 = vector.shape_cast %get3A_1026 : vector<1x16xf32> to vector<16xf32>
    %get3A_1028 = arith.constant 10 : i32
    %get3A_1029 = arith.index_cast %get3A_1028 : i32 to index
    %get3A_1030 = arith.constant 96 : index
    %get3A_1031 = tpu.vector_load %arg9[%get3A_1029, %get3A_1030] {strides = array<i32>} : memref<32x128xf32, #tpu.memory_space<vmem>>, vector<1x16xf32>,
    %get3A_1032 = vector.shape_cast %get3A_1031 : vector<1x16xf32> to vector<16xf32>
    %sub3A_1033 = arith.subf %get3A_1032, %get3A_1027 : vector<16xf32>
    %mul3A_1034 = arith.mulf %convert_element_type3A_694, %sub3A_1033 : vector<16xf32>
    %add3A_1035 = arith.addf %get3A_1027, %mul3A_1034 : vector<16xf32>
    %mul3A_1036 = arith.mulf %gather3A_650, %add3A_1035 : vector<16xf32>
    %add3A_1037 = arith.addf %add3A_1022, %mul3A_1036 : vector<16xf32>
    %get3A_1038 = arith.constant 11 : i32
    %get3A_1039 = arith.index_cast %get3A_1038 : i32 to index
    %get3A_1040 = arith.constant 32 : index
    %get3A_1041 = tpu.vector_load %arg9[%get3A_1039, %get3A_1040] {strides = array<i32>} : memref<32x128xf32, #tpu.memory_space<vmem>>, vector<1x16xf32>,
    %get3A_1042 = vector.shape_cast %get3A_1041 : vector<1x16xf32> to vector<16xf32>
    %get3A_1043 = arith.constant 11 : i32
    %get3A_1044 = arith.index_cast %get3A_1043 : i32 to index
    %get3A_1045 = arith.constant 96 : index
    %get3A_1046 = tpu.vector_load %arg9[%get3A_1044, %get3A_1045] {strides = array<i32>} : memref<32x128xf32, #tpu.memory_space<vmem>>, vector<1x16xf32>,
    %get3A_1047 = vector.shape_cast %get3A_1046 : vector<1x16xf32> to vector<16xf32>
    %sub3A_1048 = arith.subf %get3A_1047, %get3A_1042 : vector<16xf32>
    %mul3A_1049 = arith.mulf %convert_element_type3A_702, %sub3A_1048 : vector<16xf32>
    %add3A_1050 = arith.addf %get3A_1042, %mul3A_1049 : vector<16xf32>
    %mul3A_1051 = arith.mulf %gather3A_654, %add3A_1050 : vector<16xf32>
    %add3A_1052 = arith.addf %add3A_1037, %mul3A_1051 : vector<16xf32>
    %get3A_1053 = arith.constant 12 : i32
    %get3A_1054 = arith.index_cast %get3A_1053 : i32 to index
    %get3A_1055 = arith.constant 32 : index
    %get3A_1056 = tpu.vector_load %arg9[%get3A_1054, %get3A_1055] {strides = array<i32>} : memref<32x128xf32, #tpu.memory_space<vmem>>, vector<1x16xf32>,
    %get3A_1057 = vector.shape_cast %get3A_1056 : vector<1x16xf32> to vector<16xf32>
    %get3A_1058 = arith.constant 12 : i32
    %get3A_1059 = arith.index_cast %get3A_1058 : i32 to index
    %get3A_1060 = arith.constant 96 : index
    %get3A_1061 = tpu.vector_load %arg9[%get3A_1059, %get3A_1060] {strides = array<i32>} : memref<32x128xf32, #tpu.memory_space<vmem>>, vector<1x16xf32>,
    %get3A_1062 = vector.shape_cast %get3A_1061 : vector<1x16xf32> to vector<16xf32>
    %sub3A_1063 = arith.subf %get3A_1062, %get3A_1057 : vector<16xf32>
    %mul3A_1064 = arith.mulf %convert_element_type3A_710, %sub3A_1063 : vector<16xf32>
    %add3A_1065 = arith.addf %get3A_1057, %mul3A_1064 : vector<16xf32>
    %mul3A_1066 = arith.mulf %gather3A_658, %add3A_1065 : vector<16xf32>
    %add3A_1067 = arith.addf %add3A_1052, %mul3A_1066 : vector<16xf32>
    %get3A_1068 = arith.constant 13 : i32
    %get3A_1069 = arith.index_cast %get3A_1068 : i32 to index
    %get3A_1070 = arith.constant 32 : index
    %get3A_1071 = tpu.vector_load %arg9[%get3A_1069, %get3A_1070] {strides = array<i32>} : memref<32x128xf32, #tpu.memory_space<vmem>>, vector<1x16xf32>,
    %get3A_1072 = vector.shape_cast %get3A_1071 : vector<1x16xf32> to vector<16xf32>
    %get3A_1073 = arith.constant 13 : i32
    %get3A_1074 = arith.index_cast %get3A_1073 : i32 to index
    %get3A_1075 = arith.constant 96 : index
    %get3A_1076 = tpu.vector_load %arg9[%get3A_1074, %get3A_1075] {strides = array<i32>} : memref<32x128xf32, #tpu.memory_space<vmem>>, vector<1x16xf32>,
    %get3A_1077 = vector.shape_cast %get3A_1076 : vector<1x16xf32> to vector<16xf32>
    %sub3A_1078 = arith.subf %get3A_1077, %get3A_1072 : vector<16xf32>
    %mul3A_1079 = arith.mulf %convert_element_type3A_718, %sub3A_1078 : vector<16xf32>
    %add3A_1080 = arith.addf %get3A_1072, %mul3A_1079 : vector<16xf32>
    %mul3A_1081 = arith.mulf %gather3A_662, %add3A_1080 : vector<16xf32>
    %add3A_1082 = arith.addf %add3A_1067, %mul3A_1081 : vector<16xf32>
    %get3A_1083 = arith.constant 14 : i32
    %get3A_1084 = arith.index_cast %get3A_1083 : i32 to index
    %get3A_1085 = arith.constant 32 : index
    %get3A_1086 = tpu.vector_load %arg9[%get3A_1084, %get3A_1085] {strides = array<i32>} : memref<32x128xf32, #tpu.memory_space<vmem>>, vector<1x16xf32>,
    %get3A_1087 = vector.shape_cast %get3A_1086 : vector<1x16xf32> to vector<16xf32>
    %get3A_1088 = arith.constant 14 : i32
    %get3A_1089 = arith.index_cast %get3A_1088 : i32 to index
    %get3A_1090 = arith.constant 96 : index
    %get3A_1091 = tpu.vector_load %arg9[%get3A_1089, %get3A_1090] {strides = array<i32>} : memref<32x128xf32, #tpu.memory_space<vmem>>, vector<1x16xf32>,
    %get3A_1092 = vector.shape_cast %get3A_1091 : vector<1x16xf32> to vector<16xf32>
    %sub3A_1093 = arith.subf %get3A_1092, %get3A_1087 : vector<16xf32>
    %mul3A_1094 = arith.mulf %convert_element_type3A_726, %sub3A_1093 : vector<16xf32>
    %add3A_1095 = arith.addf %get3A_1087, %mul3A_1094 : vector<16xf32>
    %mul3A_1096 = arith.mulf %gather3A_666, %add3A_1095 : vector<16xf32>
    %add3A_1097 = arith.addf %add3A_1082, %mul3A_1096 : vector<16xf32>
    %get3A_1098 = arith.constant 15 : i32
    %get3A_1099 = arith.index_cast %get3A_1098 : i32 to index
    %get3A_1100 = arith.constant 32 : index
    %get3A_1101 = tpu.vector_load %arg9[%get3A_1099, %get3A_1100] {strides = array<i32>} : memref<32x128xf32, #tpu.memory_space<vmem>>, vector<1x16xf32>,
    %get3A_1102 = vector.shape_cast %get3A_1101 : vector<1x16xf32> to vector<16xf32>
    %get3A_1103 = arith.constant 15 : i32
    %get3A_1104 = arith.index_cast %get3A_1103 : i32 to index
    %get3A_1105 = arith.constant 96 : index
    %get3A_1106 = tpu.vector_load %arg9[%get3A_1104, %get3A_1105] {strides = array<i32>} : memref<32x128xf32, #tpu.memory_space<vmem>>, vector<1x16xf32>,
    %get3A_1107 = vector.shape_cast %get3A_1106 : vector<1x16xf32> to vector<16xf32>
    %sub3A_1108 = arith.subf %get3A_1107, %get3A_1102 : vector<16xf32>
    %mul3A_1109 = arith.mulf %convert_element_type3A_734, %sub3A_1108 : vector<16xf32>
    %add3A_1110 = arith.addf %get3A_1102, %mul3A_1109 : vector<16xf32>
    %mul3A_1111 = arith.mulf %gather3A_670, %add3A_1110 : vector<16xf32>
    %add3A_1112 = arith.addf %add3A_1097, %mul3A_1111 : vector<16xf32>
    %swap3A_1113 = arith.constant 1 : i32
    %swap3A_1114 = arith.index_cast %swap3A_1113 : i32 to index
    %swap3A_1115 = arith.constant 32 : index
    %swap3A_1116 = tpu.vector_load %arg10[%swap3A_1114, %swap3A_1115] {strides = array<i32>} : memref<4x64xf32, #tpu.memory_space<vmem>>, vector<1x16xf32>,
    %swap3A_1117 = vector.shape_cast %swap3A_1116 : vector<1x16xf32> to vector<16xf32>
    %swap3A_1118 = vector.shape_cast %add3A_1112 : vector<16xf32> to vector<1x16xf32>
    tpu.vector_store %arg10[%swap3A_1114, %swap3A_1115], %swap3A_1118 {strides = array<i32>} : memref<4x64xf32, #tpu.memory_space<vmem>>, vector<1x16xf32>,
    %broadcast_in_dim3A_1119 = arith.constant 0.000000e+00 : f32
    %broadcast_in_dim3A_1120 = vector.broadcast %broadcast_in_dim3A_1119 : f32 to vector<16xf32>
    %get3A_1121 = arith.constant 8 : i32
    %get3A_1122 = arith.index_cast %get3A_1121 : i32 to index
    %get3A_1123 = arith.constant 48 : index
    %get3A_1124 = tpu.vector_load %arg9[%get3A_1122, %get3A_1123] {strides = array<i32>} : memref<32x128xf32, #tpu.memory_space<vmem>>, vector<1x16xf32>,
    %get3A_1125 = vector.shape_cast %get3A_1124 : vector<1x16xf32> to vector<16xf32>
    %get3A_1126 = arith.constant 8 : i32
    %get3A_1127 = arith.index_cast %get3A_1126 : i32 to index
    %get3A_1128 = arith.constant 112 : index
    %get3A_1129 = tpu.vector_load %arg9[%get3A_1127, %get3A_1128] {strides = array<i32>} : memref<32x128xf32, #tpu.memory_space<vmem>>, vector<1x16xf32>,
    %get3A_1130 = vector.shape_cast %get3A_1129 : vector<1x16xf32> to vector<16xf32>
    %sub3A_1131 = arith.subf %get3A_1130, %get3A_1125 : vector<16xf32>
    %mul3A_1132 = arith.mulf %convert_element_type3A_678, %sub3A_1131 : vector<16xf32>
    %add3A_1133 = arith.addf %get3A_1125, %mul3A_1132 : vector<16xf32>
    %mul3A_1134 = arith.mulf %gather3A_642, %add3A_1133 : vector<16xf32>
    %add3A_1135 = arith.addf %broadcast_in_dim3A_1120, %mul3A_1134 : vector<16xf32>
    %get3A_1136 = arith.constant 9 : i32
    %get3A_1137 = arith.index_cast %get3A_1136 : i32 to index
    %get3A_1138 = arith.constant 48 : index
    %get3A_1139 = tpu.vector_load %arg9[%get3A_1137, %get3A_1138] {strides = array<i32>} : memref<32x128xf32, #tpu.memory_space<vmem>>, vector<1x16xf32>,
    %get3A_1140 = vector.shape_cast %get3A_1139 : vector<1x16xf32> to vector<16xf32>
    %get3A_1141 = arith.constant 9 : i32
    %get3A_1142 = arith.index_cast %get3A_1141 : i32 to index
    %get3A_1143 = arith.constant 112 : index
    %get3A_1144 = tpu.vector_load %arg9[%get3A_1142, %get3A_1143] {strides = array<i32>} : memref<32x128xf32, #tpu.memory_space<vmem>>, vector<1x16xf32>,
    %get3A_1145 = vector.shape_cast %get3A_1144 : vector<1x16xf32> to vector<16xf32>
    %sub3A_1146 = arith.subf %get3A_1145, %get3A_1140 : vector<16xf32>
    %mul3A_1147 = arith.mulf %convert_element_type3A_686, %sub3A_1146 : vector<16xf32>
    %add3A_1148 = arith.addf %get3A_1140, %mul3A_1147 : vector<16xf32>
    %mul3A_1149 = arith.mulf %gather3A_646, %add3A_1148 : vector<16xf32>
    %add3A_1150 = arith.addf %add3A_1135, %mul3A_1149 : vector<16xf32>
    %get3A_1151 = arith.constant 10 : i32
    %get3A_1152 = arith.index_cast %get3A_1151 : i32 to index
    %get3A_1153 = arith.constant 48 : index
    %get3A_1154 = tpu.vector_load %arg9[%get3A_1152, %get3A_1153] {strides = array<i32>} : memref<32x128xf32, #tpu.memory_space<vmem>>, vector<1x16xf32>,
    %get3A_1155 = vector.shape_cast %get3A_1154 : vector<1x16xf32> to vector<16xf32>
    %get3A_1156 = arith.constant 10 : i32
    %get3A_1157 = arith.index_cast %get3A_1156 : i32 to index
    %get3A_1158 = arith.constant 112 : index
    %get3A_1159 = tpu.vector_load %arg9[%get3A_1157, %get3A_1158] {strides = array<i32>} : memref<32x128xf32, #tpu.memory_space<vmem>>, vector<1x16xf32>,
    %get3A_1160 = vector.shape_cast %get3A_1159 : vector<1x16xf32> to vector<16xf32>
    %sub3A_1161 = arith.subf %get3A_1160, %get3A_1155 : vector<16xf32>
    %mul3A_1162 = arith.mulf %convert_element_type3A_694, %sub3A_1161 : vector<16xf32>
    %add3A_1163 = arith.addf %get3A_1155, %mul3A_1162 : vector<16xf32>
    %mul3A_1164 = arith.mulf %gather3A_650, %add3A_1163 : vector<16xf32>
    %add3A_1165 = arith.addf %add3A_1150, %mul3A_1164 : vector<16xf32>
    %get3A_1166 = arith.constant 11 : i32
    %get3A_1167 = arith.index_cast %get3A_1166 : i32 to index
    %get3A_1168 = arith.constant 48 : index
    %get3A_1169 = tpu.vector_load %arg9[%get3A_1167, %get3A_1168] {strides = array<i32>} : memref<32x128xf32, #tpu.memory_space<vmem>>, vector<1x16xf32>,
    %get3A_1170 = vector.shape_cast %get3A_1169 : vector<1x16xf32> to vector<16xf32>
    %get3A_1171 = arith.constant 11 : i32
    %get3A_1172 = arith.index_cast %get3A_1171 : i32 to index
    %get3A_1173 = arith.constant 112 : index
    %get3A_1174 = tpu.vector_load %arg9[%get3A_1172, %get3A_1173] {strides = array<i32>} : memref<32x128xf32, #tpu.memory_space<vmem>>, vector<1x16xf32>,
    %get3A_1175 = vector.shape_cast %get3A_1174 : vector<1x16xf32> to vector<16xf32>
    %sub3A_1176 = arith.subf %get3A_1175, %get3A_1170 : vector<16xf32>
    %mul3A_1177 = arith.mulf %convert_element_type3A_702, %sub3A_1176 : vector<16xf32>
    %add3A_1178 = arith.addf %get3A_1170, %mul3A_1177 : vector<16xf32>
    %mul3A_1179 = arith.mulf %gather3A_654, %add3A_1178 : vector<16xf32>
    %add3A_1180 = arith.addf %add3A_1165, %mul3A_1179 : vector<16xf32>
    %get3A_1181 = arith.constant 12 : i32
    %get3A_1182 = arith.index_cast %get3A_1181 : i32 to index
    %get3A_1183 = arith.constant 48 : index
    %get3A_1184 = tpu.vector_load %arg9[%get3A_1182, %get3A_1183] {strides = array<i32>} : memref<32x128xf32, #tpu.memory_space<vmem>>, vector<1x16xf32>,
    %get3A_1185 = vector.shape_cast %get3A_1184 : vector<1x16xf32> to vector<16xf32>
    %get3A_1186 = arith.constant 12 : i32
    %get3A_1187 = arith.index_cast %get3A_1186 : i32 to index
    %get3A_1188 = arith.constant 112 : index
    %get3A_1189 = tpu.vector_load %arg9[%get3A_1187, %get3A_1188] {strides = array<i32>} : memref<32x128xf32, #tpu.memory_space<vmem>>, vector<1x16xf32>,
    %get3A_1190 = vector.shape_cast %get3A_1189 : vector<1x16xf32> to vector<16xf32>
    %sub3A_1191 = arith.subf %get3A_1190, %get3A_1185 : vector<16xf32>
    %mul3A_1192 = arith.mulf %convert_element_type3A_710, %sub3A_1191 : vector<16xf32>
    %add3A_1193 = arith.addf %get3A_1185, %mul3A_1192 : vector<16xf32>
    %mul3A_1194 = arith.mulf %gather3A_658, %add3A_1193 : vector<16xf32>
    %add3A_1195 = arith.addf %add3A_1180, %mul3A_1194 : vector<16xf32>
    %get3A_1196 = arith.constant 13 : i32
    %get3A_1197 = arith.index_cast %get3A_1196 : i32 to index
    %get3A_1198 = arith.constant 48 : index
    %get3A_1199 = tpu.vector_load %arg9[%get3A_1197, %get3A_1198] {strides = array<i32>} : memref<32x128xf32, #tpu.memory_space<vmem>>, vector<1x16xf32>,
    %get3A_1200 = vector.shape_cast %get3A_1199 : vector<1x16xf32> to vector<16xf32>
    %get3A_1201 = arith.constant 13 : i32
    %get3A_1202 = arith.index_cast %get3A_1201 : i32 to index
    %get3A_1203 = arith.constant 112 : index
    %get3A_1204 = tpu.vector_load %arg9[%get3A_1202, %get3A_1203] {strides = array<i32>} : memref<32x128xf32, #tpu.memory_space<vmem>>, vector<1x16xf32>,
    %get3A_1205 = vector.shape_cast %get3A_1204 : vector<1x16xf32> to vector<16xf32>
    %sub3A_1206 = arith.subf %get3A_1205, %get3A_1200 : vector<16xf32>
    %mul3A_1207 = arith.mulf %convert_element_type3A_718, %sub3A_1206 : vector<16xf32>
    %add3A_1208 = arith.addf %get3A_1200, %mul3A_1207 : vector<16xf32>
    %mul3A_1209 = arith.mulf %gather3A_662, %add3A_1208 : vector<16xf32>
    %add3A_1210 = arith.addf %add3A_1195, %mul3A_1209 : vector<16xf32>
    %get3A_1211 = arith.constant 14 : i32
    %get3A_1212 = arith.index_cast %get3A_1211 : i32 to index
    %get3A_1213 = arith.constant 48 : index
    %get3A_1214 = tpu.vector_load %arg9[%get3A_1212, %get3A_1213] {strides = array<i32>} : memref<32x128xf32, #tpu.memory_space<vmem>>, vector<1x16xf32>,
    %get3A_1215 = vector.shape_cast %get3A_1214 : vector<1x16xf32> to vector<16xf32>
    %get3A_1216 = arith.constant 14 : i32
    %get3A_1217 = arith.index_cast %get3A_1216 : i32 to index
    %get3A_1218 = arith.constant 112 : index
    %get3A_1219 = tpu.vector_load %arg9[%get3A_1217, %get3A_1218] {strides = array<i32>} : memref<32x128xf32, #tpu.memory_space<vmem>>, vector<1x16xf32>,
    %get3A_1220 = vector.shape_cast %get3A_1219 : vector<1x16xf32> to vector<16xf32>
    %sub3A_1221 = arith.subf %get3A_1220, %get3A_1215 : vector<16xf32>
    %mul3A_1222 = arith.mulf %convert_element_type3A_726, %sub3A_1221 : vector<16xf32>
    %add3A_1223 = arith.addf %get3A_1215, %mul3A_1222 : vector<16xf32>
    %mul3A_1224 = arith.mulf %gather3A_666, %add3A_1223 : vector<16xf32>
    %add3A_1225 = arith.addf %add3A_1210, %mul3A_1224 : vector<16xf32>
    %get3A_1226 = arith.constant 15 : i32
    %get3A_1227 = arith.index_cast %get3A_1226 : i32 to index
    %get3A_1228 = arith.constant 48 : index
    %get3A_1229 = tpu.vector_load %arg9[%get3A_1227, %get3A_1228] {strides = array<i32>} : memref<32x128xf32, #tpu.memory_space<vmem>>, vector<1x16xf32>,
    %get3A_1230 = vector.shape_cast %get3A_1229 : vector<1x16xf32> to vector<16xf32>
    %get3A_1231 = arith.constant 15 : i32
    %get3A_1232 = arith.index_cast %get3A_1231 : i32 to index
    %get3A_1233 = arith.constant 112 : index
    %get3A_1234 = tpu.vector_load %arg9[%get3A_1232, %get3A_1233] {strides = array<i32>} : memref<32x128xf32, #tpu.memory_space<vmem>>, vector<1x16xf32>,
    %get3A_1235 = vector.shape_cast %get3A_1234 : vector<1x16xf32> to vector<16xf32>
    %sub3A_1236 = arith.subf %get3A_1235, %get3A_1230 : vector<16xf32>
    %mul3A_1237 = arith.mulf %convert_element_type3A_734, %sub3A_1236 : vector<16xf32>
    %add3A_1238 = arith.addf %get3A_1230, %mul3A_1237 : vector<16xf32>
    %mul3A_1239 = arith.mulf %gather3A_670, %add3A_1238 : vector<16xf32>
    %add3A_1240 = arith.addf %add3A_1225, %mul3A_1239 : vector<16xf32>
    %swap3A_1241 = arith.constant 1 : i32
    %swap3A_1242 = arith.index_cast %swap3A_1241 : i32 to index
    %swap3A_1243 = arith.constant 48 : index
    %swap3A_1244 = tpu.vector_load %arg10[%swap3A_1242, %swap3A_1243] {strides = array<i32>} : memref<4x64xf32, #tpu.memory_space<vmem>>, vector<1x16xf32>,
    %swap3A_1245 = vector.shape_cast %swap3A_1244 : vector<1x16xf32> to vector<16xf32>
    %swap3A_1246 = vector.shape_cast %add3A_1240 : vector<16xf32> to vector<1x16xf32>
    tpu.vector_store %arg10[%swap3A_1242, %swap3A_1243], %swap3A_1246 {strides = array<i32>} : memref<4x64xf32, #tpu.memory_space<vmem>>, vector<1x16xf32>,
    %get3A_1247 = arith.constant 16 : index
    %get3A_1248 = tpu.vector_load %arg8[%get3A_1247] {strides = array<i32>} : memref<32xf32, #tpu.memory_space<vmem>>, vector<16xf32>,
    %get3A_1249 = vector.shape_cast %get3A_1248 : vector<16xf32> to vector<16xf32>
    %get3A_1250 = arith.constant 16 : index
    %get3A_1251 = tpu.vector_load %arg6[%get3A_1250] {strides = array<i32>} : memref<32xi32, #tpu.memory_space<vmem>>, vector<16xi32>,
    %get3A_1252 = vector.shape_cast %get3A_1251 : vector<16xi32> to vector<16xi32>
    %broadcast_in_dim3A_1253 = arith.constant 0 : i32
    %broadcast_in_dim3A_1254 = vector.broadcast %broadcast_in_dim3A_1253 : i32 to vector<16x1xi32>
    %gather3A_1255 = vector.shape_cast %broadcast_in_dim3A_1254 : vector<16x1xi32> to vector<16xi32>
    %gather3A_1256 = tpu.dynamic_gather %get3A_1249[%gather3A_1255] in [0] : vector<16xf32>, vector<16xi32> -> vector<16xf32>
    %broadcast_in_dim3A_1257 = arith.constant 1 : i32
    %broadcast_in_dim3A_1258 = vector.broadcast %broadcast_in_dim3A_1257 : i32 to vector<16x1xi32>
    %gather3A_1259 = vector.shape_cast %broadcast_in_dim3A_1258 : vector<16x1xi32> to vector<16xi32>
    %gather3A_1260 = tpu.dynamic_gather %get3A_1249[%gather3A_1259] in [0] : vector<16xf32>, vector<16xi32> -> vector<16xf32>
    %broadcast_in_dim3A_1261 = arith.constant 2 : i32
    %broadcast_in_dim3A_1262 = vector.broadcast %broadcast_in_dim3A_1261 : i32 to vector<16x1xi32>
    %gather3A_1263 = vector.shape_cast %broadcast_in_dim3A_1262 : vector<16x1xi32> to vector<16xi32>
    %gather3A_1264 = tpu.dynamic_gather %get3A_1249[%gather3A_1263] in [0] : vector<16xf32>, vector<16xi32> -> vector<16xf32>
    %broadcast_in_dim3A_1265 = arith.constant 3 : i32
    %broadcast_in_dim3A_1266 = vector.broadcast %broadcast_in_dim3A_1265 : i32 to vector<16x1xi32>
    %gather3A_1267 = vector.shape_cast %broadcast_in_dim3A_1266 : vector<16x1xi32> to vector<16xi32>
    %gather3A_1268 = tpu.dynamic_gather %get3A_1249[%gather3A_1267] in [0] : vector<16xf32>, vector<16xi32> -> vector<16xf32>
    %broadcast_in_dim3A_1269 = arith.constant 4 : i32
    %broadcast_in_dim3A_1270 = vector.broadcast %broadcast_in_dim3A_1269 : i32 to vector<16x1xi32>
    %gather3A_1271 = vector.shape_cast %broadcast_in_dim3A_1270 : vector<16x1xi32> to vector<16xi32>
    %gather3A_1272 = tpu.dynamic_gather %get3A_1249[%gather3A_1271] in [0] : vector<16xf32>, vector<16xi32> -> vector<16xf32>
    %broadcast_in_dim3A_1273 = arith.constant 5 : i32
    %broadcast_in_dim3A_1274 = vector.broadcast %broadcast_in_dim3A_1273 : i32 to vector<16x1xi32>
    %gather3A_1275 = vector.shape_cast %broadcast_in_dim3A_1274 : vector<16x1xi32> to vector<16xi32>
    %gather3A_1276 = tpu.dynamic_gather %get3A_1249[%gather3A_1275] in [0] : vector<16xf32>, vector<16xi32> -> vector<16xf32>
    %broadcast_in_dim3A_1277 = arith.constant 6 : i32
    %broadcast_in_dim3A_1278 = vector.broadcast %broadcast_in_dim3A_1277 : i32 to vector<16x1xi32>
    %gather3A_1279 = vector.shape_cast %broadcast_in_dim3A_1278 : vector<16x1xi32> to vector<16xi32>
    %gather3A_1280 = tpu.dynamic_gather %get3A_1249[%gather3A_1279] in [0] : vector<16xf32>, vector<16xi32> -> vector<16xf32>
    %broadcast_in_dim3A_1281 = arith.constant 7 : i32
    %broadcast_in_dim3A_1282 = vector.broadcast %broadcast_in_dim3A_1281 : i32 to vector<16x1xi32>
    %gather3A_1283 = vector.shape_cast %broadcast_in_dim3A_1282 : vector<16x1xi32> to vector<16xi32>
    %gather3A_1284 = tpu.dynamic_gather %get3A_1249[%gather3A_1283] in [0] : vector<16xf32>, vector<16xi32> -> vector<16xf32>
    %broadcast_in_dim3A_1285 = arith.constant 0 : i32
    %broadcast_in_dim3A_1286 = vector.broadcast %broadcast_in_dim3A_1285 : i32 to vector<16x1xi32>
    %gather3A_1287 = vector.shape_cast %broadcast_in_dim3A_1286 : vector<16x1xi32> to vector<16xi32>
    %gather3A_1288 = tpu.dynamic_gather %get3A_1252[%gather3A_1287] in [0] : vector<16xi32>, vector<16xi32> -> vector<16xi32>
    %and3A_1289 = arith.constant 1 : i32
    %and3A_1290 = vector.broadcast %and3A_1289 : i32 to vector<16xi32>
    %and3A_1291 = arith.andi %gather3A_1288, %and3A_1290 : vector<16xi32>
    %convert_element_type3A_1292 = arith.sitofp %and3A_1291 : vector<16xi32> to vector<16xf32>
    %broadcast_in_dim3A_1293 = arith.constant 1 : i32
    %broadcast_in_dim3A_1294 = vector.broadcast %broadcast_in_dim3A_1293 : i32 to vector<16x1xi32>
    %gather3A_1295 = vector.shape_cast %broadcast_in_dim3A_1294 : vector<16x1xi32> to vector<16xi32>
    %gather3A_1296 = tpu.dynamic_gather %get3A_1252[%gather3A_1295] in [0] : vector<16xi32>, vector<16xi32> -> vector<16xi32>
    %and3A_1297 = arith.constant 1 : i32
    %and3A_1298 = vector.broadcast %and3A_1297 : i32 to vector<16xi32>
    %and3A_1299 = arith.andi %gather3A_1296, %and3A_1298 : vector<16xi32>
    %convert_element_type3A_1300 = arith.sitofp %and3A_1299 : vector<16xi32> to vector<16xf32>
    %broadcast_in_dim3A_1301 = arith.constant 2 : i32
    %broadcast_in_dim3A_1302 = vector.broadcast %broadcast_in_dim3A_1301 : i32 to vector<16x1xi32>
    %gather3A_1303 = vector.shape_cast %broadcast_in_dim3A_1302 : vector<16x1xi32> to vector<16xi32>
    %gather3A_1304 = tpu.dynamic_gather %get3A_1252[%gather3A_1303] in [0] : vector<16xi32>, vector<16xi32> -> vector<16xi32>
    %and3A_1305 = arith.constant 1 : i32
    %and3A_1306 = vector.broadcast %and3A_1305 : i32 to vector<16xi32>
    %and3A_1307 = arith.andi %gather3A_1304, %and3A_1306 : vector<16xi32>
    %convert_element_type3A_1308 = arith.sitofp %and3A_1307 : vector<16xi32> to vector<16xf32>
    %broadcast_in_dim3A_1309 = arith.constant 3 : i32
    %broadcast_in_dim3A_1310 = vector.broadcast %broadcast_in_dim3A_1309 : i32 to vector<16x1xi32>
    %gather3A_1311 = vector.shape_cast %broadcast_in_dim3A_1310 : vector<16x1xi32> to vector<16xi32>
    %gather3A_1312 = tpu.dynamic_gather %get3A_1252[%gather3A_1311] in [0] : vector<16xi32>, vector<16xi32> -> vector<16xi32>
    %and3A_1313 = arith.constant 1 : i32
    %and3A_1314 = vector.broadcast %and3A_1313 : i32 to vector<16xi32>
    %and3A_1315 = arith.andi %gather3A_1312, %and3A_1314 : vector<16xi32>
    %convert_element_type3A_1316 = arith.sitofp %and3A_1315 : vector<16xi32> to vector<16xf32>
    %broadcast_in_dim3A_1317 = arith.constant 4 : i32
    %broadcast_in_dim3A_1318 = vector.broadcast %broadcast_in_dim3A_1317 : i32 to vector<16x1xi32>
    %gather3A_1319 = vector.shape_cast %broadcast_in_dim3A_1318 : vector<16x1xi32> to vector<16xi32>
    %gather3A_1320 = tpu.dynamic_gather %get3A_1252[%gather3A_1319] in [0] : vector<16xi32>, vector<16xi32> -> vector<16xi32>
    %and3A_1321 = arith.constant 1 : i32
    %and3A_1322 = vector.broadcast %and3A_1321 : i32 to vector<16xi32>
    %and3A_1323 = arith.andi %gather3A_1320, %and3A_1322 : vector<16xi32>
    %convert_element_type3A_1324 = arith.sitofp %and3A_1323 : vector<16xi32> to vector<16xf32>
    %broadcast_in_dim3A_1325 = arith.constant 5 : i32
    %broadcast_in_dim3A_1326 = vector.broadcast %broadcast_in_dim3A_1325 : i32 to vector<16x1xi32>
    %gather3A_1327 = vector.shape_cast %broadcast_in_dim3A_1326 : vector<16x1xi32> to vector<16xi32>
    %gather3A_1328 = tpu.dynamic_gather %get3A_1252[%gather3A_1327] in [0] : vector<16xi32>, vector<16xi32> -> vector<16xi32>
    %and3A_1329 = arith.constant 1 : i32
    %and3A_1330 = vector.broadcast %and3A_1329 : i32 to vector<16xi32>
    %and3A_1331 = arith.andi %gather3A_1328, %and3A_1330 : vector<16xi32>
    %convert_element_type3A_1332 = arith.sitofp %and3A_1331 : vector<16xi32> to vector<16xf32>
    %broadcast_in_dim3A_1333 = arith.constant 6 : i32
    %broadcast_in_dim3A_1334 = vector.broadcast %broadcast_in_dim3A_1333 : i32 to vector<16x1xi32>
    %gather3A_1335 = vector.shape_cast %broadcast_in_dim3A_1334 : vector<16x1xi32> to vector<16xi32>
    %gather3A_1336 = tpu.dynamic_gather %get3A_1252[%gather3A_1335] in [0] : vector<16xi32>, vector<16xi32> -> vector<16xi32>
    %and3A_1337 = arith.constant 1 : i32
    %and3A_1338 = vector.broadcast %and3A_1337 : i32 to vector<16xi32>
    %and3A_1339 = arith.andi %gather3A_1336, %and3A_1338 : vector<16xi32>
    %convert_element_type3A_1340 = arith.sitofp %and3A_1339 : vector<16xi32> to vector<16xf32>
    %broadcast_in_dim3A_1341 = arith.constant 7 : i32
    %broadcast_in_dim3A_1342 = vector.broadcast %broadcast_in_dim3A_1341 : i32 to vector<16x1xi32>
    %gather3A_1343 = vector.shape_cast %broadcast_in_dim3A_1342 : vector<16x1xi32> to vector<16xi32>
    %gather3A_1344 = tpu.dynamic_gather %get3A_1252[%gather3A_1343] in [0] : vector<16xi32>, vector<16xi32> -> vector<16xi32>
    %and3A_1345 = arith.constant 1 : i32
    %and3A_1346 = vector.broadcast %and3A_1345 : i32 to vector<16xi32>
    %and3A_1347 = arith.andi %gather3A_1344, %and3A_1346 : vector<16xi32>
    %convert_element_type3A_1348 = arith.sitofp %and3A_1347 : vector<16xi32> to vector<16xf32>
    %broadcast_in_dim3A_1349 = arith.constant 0.000000e+00 : f32
    %broadcast_in_dim3A_1350 = vector.broadcast %broadcast_in_dim3A_1349 : f32 to vector<16xf32>
    %get3A_1351 = arith.constant 16 : i32
    %get3A_1352 = arith.index_cast %get3A_1351 : i32 to index
    %get3A_1353 = arith.constant 0 : index
    %get3A_1354 = tpu.vector_load %arg9[%get3A_1352, %get3A_1353] {strides = array<i32>} : memref<32x128xf32, #tpu.memory_space<vmem>>, vector<1x16xf32>,
    %get3A_1355 = vector.shape_cast %get3A_1354 : vector<1x16xf32> to vector<16xf32>
    %get3A_1356 = arith.constant 16 : i32
    %get3A_1357 = arith.index_cast %get3A_1356 : i32 to index
    %get3A_1358 = arith.constant 64 : index
    %get3A_1359 = tpu.vector_load %arg9[%get3A_1357, %get3A_1358] {strides = array<i32>} : memref<32x128xf32, #tpu.memory_space<vmem>>, vector<1x16xf32>,
    %get3A_1360 = vector.shape_cast %get3A_1359 : vector<1x16xf32> to vector<16xf32>
    %sub3A_1361 = arith.subf %get3A_1360, %get3A_1355 : vector<16xf32>
    %mul3A_1362 = arith.mulf %convert_element_type3A_1292, %sub3A_1361 : vector<16xf32>
    %add3A_1363 = arith.addf %get3A_1355, %mul3A_1362 : vector<16xf32>
    %mul3A_1364 = arith.mulf %gather3A_1256, %add3A_1363 : vector<16xf32>
    %add3A_1365 = arith.addf %broadcast_in_dim3A_1350, %mul3A_1364 : vector<16xf32>
    %get3A_1366 = arith.constant 17 : i32
    %get3A_1367 = arith.index_cast %get3A_1366 : i32 to index
    %get3A_1368 = arith.constant 0 : index
    %get3A_1369 = tpu.vector_load %arg9[%get3A_1367, %get3A_1368] {strides = array<i32>} : memref<32x128xf32, #tpu.memory_space<vmem>>, vector<1x16xf32>,
    %get3A_1370 = vector.shape_cast %get3A_1369 : vector<1x16xf32> to vector<16xf32>
    %get3A_1371 = arith.constant 17 : i32
    %get3A_1372 = arith.index_cast %get3A_1371 : i32 to index
    %get3A_1373 = arith.constant 64 : index
    %get3A_1374 = tpu.vector_load %arg9[%get3A_1372, %get3A_1373] {strides = array<i32>} : memref<32x128xf32, #tpu.memory_space<vmem>>, vector<1x16xf32>,
    %get3A_1375 = vector.shape_cast %get3A_1374 : vector<1x16xf32> to vector<16xf32>
    %sub3A_1376 = arith.subf %get3A_1375, %get3A_1370 : vector<16xf32>
    %mul3A_1377 = arith.mulf %convert_element_type3A_1300, %sub3A_1376 : vector<16xf32>
    %add3A_1378 = arith.addf %get3A_1370, %mul3A_1377 : vector<16xf32>
    %mul3A_1379 = arith.mulf %gather3A_1260, %add3A_1378 : vector<16xf32>
    %add3A_1380 = arith.addf %add3A_1365, %mul3A_1379 : vector<16xf32>
    %get3A_1381 = arith.constant 18 : i32
    %get3A_1382 = arith.index_cast %get3A_1381 : i32 to index
    %get3A_1383 = arith.constant 0 : index
    %get3A_1384 = tpu.vector_load %arg9[%get3A_1382, %get3A_1383] {strides = array<i32>} : memref<32x128xf32, #tpu.memory_space<vmem>>, vector<1x16xf32>,
    %get3A_1385 = vector.shape_cast %get3A_1384 : vector<1x16xf32> to vector<16xf32>
    %get3A_1386 = arith.constant 18 : i32
    %get3A_1387 = arith.index_cast %get3A_1386 : i32 to index
    %get3A_1388 = arith.constant 64 : index
    %get3A_1389 = tpu.vector_load %arg9[%get3A_1387, %get3A_1388] {strides = array<i32>} : memref<32x128xf32, #tpu.memory_space<vmem>>, vector<1x16xf32>,
    %get3A_1390 = vector.shape_cast %get3A_1389 : vector<1x16xf32> to vector<16xf32>
    %sub3A_1391 = arith.subf %get3A_1390, %get3A_1385 : vector<16xf32>
    %mul3A_1392 = arith.mulf %convert_element_type3A_1308, %sub3A_1391 : vector<16xf32>
    %add3A_1393 = arith.addf %get3A_1385, %mul3A_1392 : vector<16xf32>
    %mul3A_1394 = arith.mulf %gather3A_1264, %add3A_1393 : vector<16xf32>
    %add3A_1395 = arith.addf %add3A_1380, %mul3A_1394 : vector<16xf32>
    %get3A_1396 = arith.constant 19 : i32
    %get3A_1397 = arith.index_cast %get3A_1396 : i32 to index
    %get3A_1398 = arith.constant 0 : index
    %get3A_1399 = tpu.vector_load %arg9[%get3A_1397, %get3A_1398] {strides = array<i32>} : memref<32x128xf32, #tpu.memory_space<vmem>>, vector<1x16xf32>,
    %get3A_1400 = vector.shape_cast %get3A_1399 : vector<1x16xf32> to vector<16xf32>
    %get3A_1401 = arith.constant 19 : i32
    %get3A_1402 = arith.index_cast %get3A_1401 : i32 to index
    %get3A_1403 = arith.constant 64 : index
    %get3A_1404 = tpu.vector_load %arg9[%get3A_1402, %get3A_1403] {strides = array<i32>} : memref<32x128xf32, #tpu.memory_space<vmem>>, vector<1x16xf32>,
    %get3A_1405 = vector.shape_cast %get3A_1404 : vector<1x16xf32> to vector<16xf32>
    %sub3A_1406 = arith.subf %get3A_1405, %get3A_1400 : vector<16xf32>
    %mul3A_1407 = arith.mulf %convert_element_type3A_1316, %sub3A_1406 : vector<16xf32>
    %add3A_1408 = arith.addf %get3A_1400, %mul3A_1407 : vector<16xf32>
    %mul3A_1409 = arith.mulf %gather3A_1268, %add3A_1408 : vector<16xf32>
    %add3A_1410 = arith.addf %add3A_1395, %mul3A_1409 : vector<16xf32>
    %get3A_1411 = arith.constant 20 : i32
    %get3A_1412 = arith.index_cast %get3A_1411 : i32 to index
    %get3A_1413 = arith.constant 0 : index
    %get3A_1414 = tpu.vector_load %arg9[%get3A_1412, %get3A_1413] {strides = array<i32>} : memref<32x128xf32, #tpu.memory_space<vmem>>, vector<1x16xf32>,
    %get3A_1415 = vector.shape_cast %get3A_1414 : vector<1x16xf32> to vector<16xf32>
    %get3A_1416 = arith.constant 20 : i32
    %get3A_1417 = arith.index_cast %get3A_1416 : i32 to index
    %get3A_1418 = arith.constant 64 : index
    %get3A_1419 = tpu.vector_load %arg9[%get3A_1417, %get3A_1418] {strides = array<i32>} : memref<32x128xf32, #tpu.memory_space<vmem>>, vector<1x16xf32>,
    %get3A_1420 = vector.shape_cast %get3A_1419 : vector<1x16xf32> to vector<16xf32>
    %sub3A_1421 = arith.subf %get3A_1420, %get3A_1415 : vector<16xf32>
    %mul3A_1422 = arith.mulf %convert_element_type3A_1324, %sub3A_1421 : vector<16xf32>
    %add3A_1423 = arith.addf %get3A_1415, %mul3A_1422 : vector<16xf32>
    %mul3A_1424 = arith.mulf %gather3A_1272, %add3A_1423 : vector<16xf32>
    %add3A_1425 = arith.addf %add3A_1410, %mul3A_1424 : vector<16xf32>
    %get3A_1426 = arith.constant 21 : i32
    %get3A_1427 = arith.index_cast %get3A_1426 : i32 to index
    %get3A_1428 = arith.constant 0 : index
    %get3A_1429 = tpu.vector_load %arg9[%get3A_1427, %get3A_1428] {strides = array<i32>} : memref<32x128xf32, #tpu.memory_space<vmem>>, vector<1x16xf32>,
    %get3A_1430 = vector.shape_cast %get3A_1429 : vector<1x16xf32> to vector<16xf32>
    %get3A_1431 = arith.constant 21 : i32
    %get3A_1432 = arith.index_cast %get3A_1431 : i32 to index
    %get3A_1433 = arith.constant 64 : index
    %get3A_1434 = tpu.vector_load %arg9[%get3A_1432, %get3A_1433] {strides = array<i32>} : memref<32x128xf32, #tpu.memory_space<vmem>>, vector<1x16xf32>,
    %get3A_1435 = vector.shape_cast %get3A_1434 : vector<1x16xf32> to vector<16xf32>
    %sub3A_1436 = arith.subf %get3A_1435, %get3A_1430 : vector<16xf32>
    %mul3A_1437 = arith.mulf %convert_element_type3A_1332, %sub3A_1436 : vector<16xf32>
    %add3A_1438 = arith.addf %get3A_1430, %mul3A_1437 : vector<16xf32>
    %mul3A_1439 = arith.mulf %gather3A_1276, %add3A_1438 : vector<16xf32>
    %add3A_1440 = arith.addf %add3A_1425, %mul3A_1439 : vector<16xf32>
    %get3A_1441 = arith.constant 22 : i32
    %get3A_1442 = arith.index_cast %get3A_1441 : i32 to index
    %get3A_1443 = arith.constant 0 : index
    %get3A_1444 = tpu.vector_load %arg9[%get3A_1442, %get3A_1443] {strides = array<i32>} : memref<32x128xf32, #tpu.memory_space<vmem>>, vector<1x16xf32>,
    %get3A_1445 = vector.shape_cast %get3A_1444 : vector<1x16xf32> to vector<16xf32>
    %get3A_1446 = arith.constant 22 : i32
    %get3A_1447 = arith.index_cast %get3A_1446 : i32 to index
    %get3A_1448 = arith.constant 64 : index
    %get3A_1449 = tpu.vector_load %arg9[%get3A_1447, %get3A_1448] {strides = array<i32>} : memref<32x128xf32, #tpu.memory_space<vmem>>, vector<1x16xf32>,
    %get3A_1450 = vector.shape_cast %get3A_1449 : vector<1x16xf32> to vector<16xf32>
    %sub3A_1451 = arith.subf %get3A_1450, %get3A_1445 : vector<16xf32>
    %mul3A_1452 = arith.mulf %convert_element_type3A_1340, %sub3A_1451 : vector<16xf32>
    %add3A_1453 = arith.addf %get3A_1445, %mul3A_1452 : vector<16xf32>
    %mul3A_1454 = arith.mulf %gather3A_1280, %add3A_1453 : vector<16xf32>
    %add3A_1455 = arith.addf %add3A_1440, %mul3A_1454 : vector<16xf32>
    %get3A_1456 = arith.constant 23 : i32
    %get3A_1457 = arith.index_cast %get3A_1456 : i32 to index
    %get3A_1458 = arith.constant 0 : index
    %get3A_1459 = tpu.vector_load %arg9[%get3A_1457, %get3A_1458] {strides = array<i32>} : memref<32x128xf32, #tpu.memory_space<vmem>>, vector<1x16xf32>,
    %get3A_1460 = vector.shape_cast %get3A_1459 : vector<1x16xf32> to vector<16xf32>
    %get3A_1461 = arith.constant 23 : i32
    %get3A_1462 = arith.index_cast %get3A_1461 : i32 to index
    %get3A_1463 = arith.constant 64 : index
    %get3A_1464 = tpu.vector_load %arg9[%get3A_1462, %get3A_1463] {strides = array<i32>} : memref<32x128xf32, #tpu.memory_space<vmem>>, vector<1x16xf32>,
    %get3A_1465 = vector.shape_cast %get3A_1464 : vector<1x16xf32> to vector<16xf32>
    %sub3A_1466 = arith.subf %get3A_1465, %get3A_1460 : vector<16xf32>
    %mul3A_1467 = arith.mulf %convert_element_type3A_1348, %sub3A_1466 : vector<16xf32>
    %add3A_1468 = arith.addf %get3A_1460, %mul3A_1467 : vector<16xf32>
    %mul3A_1469 = arith.mulf %gather3A_1284, %add3A_1468 : vector<16xf32>
    %add3A_1470 = arith.addf %add3A_1455, %mul3A_1469 : vector<16xf32>
    %swap3A_1471 = arith.constant 2 : i32
    %swap3A_1472 = arith.index_cast %swap3A_1471 : i32 to index
    %swap3A_1473 = arith.constant 0 : index
    %swap3A_1474 = tpu.vector_load %arg10[%swap3A_1472, %swap3A_1473] {strides = array<i32>} : memref<4x64xf32, #tpu.memory_space<vmem>>, vector<1x16xf32>,
    %swap3A_1475 = vector.shape_cast %swap3A_1474 : vector<1x16xf32> to vector<16xf32>
    %swap3A_1476 = vector.shape_cast %add3A_1470 : vector<16xf32> to vector<1x16xf32>
    tpu.vector_store %arg10[%swap3A_1472, %swap3A_1473], %swap3A_1476 {strides = array<i32>} : memref<4x64xf32, #tpu.memory_space<vmem>>, vector<1x16xf32>,
    %broadcast_in_dim3A_1477 = arith.constant 0.000000e+00 : f32
    %broadcast_in_dim3A_1478 = vector.broadcast %broadcast_in_dim3A_1477 : f32 to vector<16xf32>
    %get3A_1479 = arith.constant 16 : i32
    %get3A_1480 = arith.index_cast %get3A_1479 : i32 to index
    %get3A_1481 = arith.constant 16 : index
    %get3A_1482 = tpu.vector_load %arg9[%get3A_1480, %get3A_1481] {strides = array<i32>} : memref<32x128xf32, #tpu.memory_space<vmem>>, vector<1x16xf32>,
    %get3A_1483 = vector.shape_cast %get3A_1482 : vector<1x16xf32> to vector<16xf32>
    %get3A_1484 = arith.constant 16 : i32
    %get3A_1485 = arith.index_cast %get3A_1484 : i32 to index
    %get3A_1486 = arith.constant 80 : index
    %get3A_1487 = tpu.vector_load %arg9[%get3A_1485, %get3A_1486] {strides = array<i32>} : memref<32x128xf32, #tpu.memory_space<vmem>>, vector<1x16xf32>,
    %get3A_1488 = vector.shape_cast %get3A_1487 : vector<1x16xf32> to vector<16xf32>
    %sub3A_1489 = arith.subf %get3A_1488, %get3A_1483 : vector<16xf32>
    %mul3A_1490 = arith.mulf %convert_element_type3A_1292, %sub3A_1489 : vector<16xf32>
    %add3A_1491 = arith.addf %get3A_1483, %mul3A_1490 : vector<16xf32>
    %mul3A_1492 = arith.mulf %gather3A_1256, %add3A_1491 : vector<16xf32>
    %add3A_1493 = arith.addf %broadcast_in_dim3A_1478, %mul3A_1492 : vector<16xf32>
    %get3A_1494 = arith.constant 17 : i32
    %get3A_1495 = arith.index_cast %get3A_1494 : i32 to index
    %get3A_1496 = arith.constant 16 : index
    %get3A_1497 = tpu.vector_load %arg9[%get3A_1495, %get3A_1496] {strides = array<i32>} : memref<32x128xf32, #tpu.memory_space<vmem>>, vector<1x16xf32>,
    %get3A_1498 = vector.shape_cast %get3A_1497 : vector<1x16xf32> to vector<16xf32>
    %get3A_1499 = arith.constant 17 : i32
    %get3A_1500 = arith.index_cast %get3A_1499 : i32 to index
    %get3A_1501 = arith.constant 80 : index
    %get3A_1502 = tpu.vector_load %arg9[%get3A_1500, %get3A_1501] {strides = array<i32>} : memref<32x128xf32, #tpu.memory_space<vmem>>, vector<1x16xf32>,
    %get3A_1503 = vector.shape_cast %get3A_1502 : vector<1x16xf32> to vector<16xf32>
    %sub3A_1504 = arith.subf %get3A_1503, %get3A_1498 : vector<16xf32>
    %mul3A_1505 = arith.mulf %convert_element_type3A_1300, %sub3A_1504 : vector<16xf32>
    %add3A_1506 = arith.addf %get3A_1498, %mul3A_1505 : vector<16xf32>
    %mul3A_1507 = arith.mulf %gather3A_1260, %add3A_1506 : vector<16xf32>
    %add3A_1508 = arith.addf %add3A_1493, %mul3A_1507 : vector<16xf32>
    %get3A_1509 = arith.constant 18 : i32
    %get3A_1510 = arith.index_cast %get3A_1509 : i32 to index
    %get3A_1511 = arith.constant 16 : index
    %get3A_1512 = tpu.vector_load %arg9[%get3A_1510, %get3A_1511] {strides = array<i32>} : memref<32x128xf32, #tpu.memory_space<vmem>>, vector<1x16xf32>,
    %get3A_1513 = vector.shape_cast %get3A_1512 : vector<1x16xf32> to vector<16xf32>
    %get3A_1514 = arith.constant 18 : i32
    %get3A_1515 = arith.index_cast %get3A_1514 : i32 to index
    %get3A_1516 = arith.constant 80 : index
    %get3A_1517 = tpu.vector_load %arg9[%get3A_1515, %get3A_1516] {strides = array<i32>} : memref<32x128xf32, #tpu.memory_space<vmem>>, vector<1x16xf32>,
    %get3A_1518 = vector.shape_cast %get3A_1517 : vector<1x16xf32> to vector<16xf32>
    %sub3A_1519 = arith.subf %get3A_1518, %get3A_1513 : vector<16xf32>
    %mul3A_1520 = arith.mulf %convert_element_type3A_1308, %sub3A_1519 : vector<16xf32>
    %add3A_1521 = arith.addf %get3A_1513, %mul3A_1520 : vector<16xf32>
    %mul3A_1522 = arith.mulf %gather3A_1264, %add3A_1521 : vector<16xf32>
    %add3A_1523 = arith.addf %add3A_1508, %mul3A_1522 : vector<16xf32>
    %get3A_1524 = arith.constant 19 : i32
    %get3A_1525 = arith.index_cast %get3A_1524 : i32 to index
    %get3A_1526 = arith.constant 16 : index
    %get3A_1527 = tpu.vector_load %arg9[%get3A_1525, %get3A_1526] {strides = array<i32>} : memref<32x128xf32, #tpu.memory_space<vmem>>, vector<1x16xf32>,
    %get3A_1528 = vector.shape_cast %get3A_1527 : vector<1x16xf32> to vector<16xf32>
    %get3A_1529 = arith.constant 19 : i32
    %get3A_1530 = arith.index_cast %get3A_1529 : i32 to index
    %get3A_1531 = arith.constant 80 : index
    %get3A_1532 = tpu.vector_load %arg9[%get3A_1530, %get3A_1531] {strides = array<i32>} : memref<32x128xf32, #tpu.memory_space<vmem>>, vector<1x16xf32>,
    %get3A_1533 = vector.shape_cast %get3A_1532 : vector<1x16xf32> to vector<16xf32>
    %sub3A_1534 = arith.subf %get3A_1533, %get3A_1528 : vector<16xf32>
    %mul3A_1535 = arith.mulf %convert_element_type3A_1316, %sub3A_1534 : vector<16xf32>
    %add3A_1536 = arith.addf %get3A_1528, %mul3A_1535 : vector<16xf32>
    %mul3A_1537 = arith.mulf %gather3A_1268, %add3A_1536 : vector<16xf32>
    %add3A_1538 = arith.addf %add3A_1523, %mul3A_1537 : vector<16xf32>
    %get3A_1539 = arith.constant 20 : i32
    %get3A_1540 = arith.index_cast %get3A_1539 : i32 to index
    %get3A_1541 = arith.constant 16 : index
    %get3A_1542 = tpu.vector_load %arg9[%get3A_1540, %get3A_1541] {strides = array<i32>} : memref<32x128xf32, #tpu.memory_space<vmem>>, vector<1x16xf32>,
    %get3A_1543 = vector.shape_cast %get3A_1542 : vector<1x16xf32> to vector<16xf32>
    %get3A_1544 = arith.constant 20 : i32
    %get3A_1545 = arith.index_cast %get3A_1544 : i32 to index
    %get3A_1546 = arith.constant 80 : index
    %get3A_1547 = tpu.vector_load %arg9[%get3A_1545, %get3A_1546] {strides = array<i32>} : memref<32x128xf32, #tpu.memory_space<vmem>>, vector<1x16xf32>,
    %get3A_1548 = vector.shape_cast %get3A_1547 : vector<1x16xf32> to vector<16xf32>
    %sub3A_1549 = arith.subf %get3A_1548, %get3A_1543 : vector<16xf32>
    %mul3A_1550 = arith.mulf %convert_element_type3A_1324, %sub3A_1549 : vector<16xf32>
    %add3A_1551 = arith.addf %get3A_1543, %mul3A_1550 : vector<16xf32>
    %mul3A_1552 = arith.mulf %gather3A_1272, %add3A_1551 : vector<16xf32>
    %add3A_1553 = arith.addf %add3A_1538, %mul3A_1552 : vector<16xf32>
    %get3A_1554 = arith.constant 21 : i32
    %get3A_1555 = arith.index_cast %get3A_1554 : i32 to index
    %get3A_1556 = arith.constant 16 : index
    %get3A_1557 = tpu.vector_load %arg9[%get3A_1555, %get3A_1556] {strides = array<i32>} : memref<32x128xf32, #tpu.memory_space<vmem>>, vector<1x16xf32>,
    %get3A_1558 = vector.shape_cast %get3A_1557 : vector<1x16xf32> to vector<16xf32>
    %get3A_1559 = arith.constant 21 : i32
    %get3A_1560 = arith.index_cast %get3A_1559 : i32 to index
    %get3A_1561 = arith.constant 80 : index
    %get3A_1562 = tpu.vector_load %arg9[%get3A_1560, %get3A_1561] {strides = array<i32>} : memref<32x128xf32, #tpu.memory_space<vmem>>, vector<1x16xf32>,
    %get3A_1563 = vector.shape_cast %get3A_1562 : vector<1x16xf32> to vector<16xf32>
    %sub3A_1564 = arith.subf %get3A_1563, %get3A_1558 : vector<16xf32>
    %mul3A_1565 = arith.mulf %convert_element_type3A_1332, %sub3A_1564 : vector<16xf32>
    %add3A_1566 = arith.addf %get3A_1558, %mul3A_1565 : vector<16xf32>
    %mul3A_1567 = arith.mulf %gather3A_1276, %add3A_1566 : vector<16xf32>
    %add3A_1568 = arith.addf %add3A_1553, %mul3A_1567 : vector<16xf32>
    %get3A_1569 = arith.constant 22 : i32
    %get3A_1570 = arith.index_cast %get3A_1569 : i32 to index
    %get3A_1571 = arith.constant 16 : index
    %get3A_1572 = tpu.vector_load %arg9[%get3A_1570, %get3A_1571] {strides = array<i32>} : memref<32x128xf32, #tpu.memory_space<vmem>>, vector<1x16xf32>,
    %get3A_1573 = vector.shape_cast %get3A_1572 : vector<1x16xf32> to vector<16xf32>
    %get3A_1574 = arith.constant 22 : i32
    %get3A_1575 = arith.index_cast %get3A_1574 : i32 to index
    %get3A_1576 = arith.constant 80 : index
    %get3A_1577 = tpu.vector_load %arg9[%get3A_1575, %get3A_1576] {strides = array<i32>} : memref<32x128xf32, #tpu.memory_space<vmem>>, vector<1x16xf32>,
    %get3A_1578 = vector.shape_cast %get3A_1577 : vector<1x16xf32> to vector<16xf32>
    %sub3A_1579 = arith.subf %get3A_1578, %get3A_1573 : vector<16xf32>
    %mul3A_1580 = arith.mulf %convert_element_type3A_1340, %sub3A_1579 : vector<16xf32>
    %add3A_1581 = arith.addf %get3A_1573, %mul3A_1580 : vector<16xf32>
    %mul3A_1582 = arith.mulf %gather3A_1280, %add3A_1581 : vector<16xf32>
    %add3A_1583 = arith.addf %add3A_1568, %mul3A_1582 : vector<16xf32>
    %get3A_1584 = arith.constant 23 : i32
    %get3A_1585 = arith.index_cast %get3A_1584 : i32 to index
    %get3A_1586 = arith.constant 16 : index
    %get3A_1587 = tpu.vector_load %arg9[%get3A_1585, %get3A_1586] {strides = array<i32>} : memref<32x128xf32, #tpu.memory_space<vmem>>, vector<1x16xf32>,
    %get3A_1588 = vector.shape_cast %get3A_1587 : vector<1x16xf32> to vector<16xf32>
    %get3A_1589 = arith.constant 23 : i32
    %get3A_1590 = arith.index_cast %get3A_1589 : i32 to index
    %get3A_1591 = arith.constant 80 : index
    %get3A_1592 = tpu.vector_load %arg9[%get3A_1590, %get3A_1591] {strides = array<i32>} : memref<32x128xf32, #tpu.memory_space<vmem>>, vector<1x16xf32>,
    %get3A_1593 = vector.shape_cast %get3A_1592 : vector<1x16xf32> to vector<16xf32>
    %sub3A_1594 = arith.subf %get3A_1593, %get3A_1588 : vector<16xf32>
    %mul3A_1595 = arith.mulf %convert_element_type3A_1348, %sub3A_1594 : vector<16xf32>
    %add3A_1596 = arith.addf %get3A_1588, %mul3A_1595 : vector<16xf32>
    %mul3A_1597 = arith.mulf %gather3A_1284, %add3A_1596 : vector<16xf32>
    %add3A_1598 = arith.addf %add3A_1583, %mul3A_1597 : vector<16xf32>
    %swap3A_1599 = arith.constant 2 : i32
    %swap3A_1600 = arith.index_cast %swap3A_1599 : i32 to index
    %swap3A_1601 = arith.constant 16 : index
    %swap3A_1602 = tpu.vector_load %arg10[%swap3A_1600, %swap3A_1601] {strides = array<i32>} : memref<4x64xf32, #tpu.memory_space<vmem>>, vector<1x16xf32>,
    %swap3A_1603 = vector.shape_cast %swap3A_1602 : vector<1x16xf32> to vector<16xf32>
    %swap3A_1604 = vector.shape_cast %add3A_1598 : vector<16xf32> to vector<1x16xf32>
    tpu.vector_store %arg10[%swap3A_1600, %swap3A_1601], %swap3A_1604 {strides = array<i32>} : memref<4x64xf32, #tpu.memory_space<vmem>>, vector<1x16xf32>,
    %broadcast_in_dim3A_1605 = arith.constant 0.000000e+00 : f32
    %broadcast_in_dim3A_1606 = vector.broadcast %broadcast_in_dim3A_1605 : f32 to vector<16xf32>
    %get3A_1607 = arith.constant 16 : i32
    %get3A_1608 = arith.index_cast %get3A_1607 : i32 to index
    %get3A_1609 = arith.constant 32 : index
    %get3A_1610 = tpu.vector_load %arg9[%get3A_1608, %get3A_1609] {strides = array<i32>} : memref<32x128xf32, #tpu.memory_space<vmem>>, vector<1x16xf32>,
    %get3A_1611 = vector.shape_cast %get3A_1610 : vector<1x16xf32> to vector<16xf32>
    %get3A_1612 = arith.constant 16 : i32
    %get3A_1613 = arith.index_cast %get3A_1612 : i32 to index
    %get3A_1614 = arith.constant 96 : index
    %get3A_1615 = tpu.vector_load %arg9[%get3A_1613, %get3A_1614] {strides = array<i32>} : memref<32x128xf32, #tpu.memory_space<vmem>>, vector<1x16xf32>,
    %get3A_1616 = vector.shape_cast %get3A_1615 : vector<1x16xf32> to vector<16xf32>
    %sub3A_1617 = arith.subf %get3A_1616, %get3A_1611 : vector<16xf32>
    %mul3A_1618 = arith.mulf %convert_element_type3A_1292, %sub3A_1617 : vector<16xf32>
    %add3A_1619 = arith.addf %get3A_1611, %mul3A_1618 : vector<16xf32>
    %mul3A_1620 = arith.mulf %gather3A_1256, %add3A_1619 : vector<16xf32>
    %add3A_1621 = arith.addf %broadcast_in_dim3A_1606, %mul3A_1620 : vector<16xf32>
    %get3A_1622 = arith.constant 17 : i32
    %get3A_1623 = arith.index_cast %get3A_1622 : i32 to index
    %get3A_1624 = arith.constant 32 : index
    %get3A_1625 = tpu.vector_load %arg9[%get3A_1623, %get3A_1624] {strides = array<i32>} : memref<32x128xf32, #tpu.memory_space<vmem>>, vector<1x16xf32>,
    %get3A_1626 = vector.shape_cast %get3A_1625 : vector<1x16xf32> to vector<16xf32>
    %get3A_1627 = arith.constant 17 : i32
    %get3A_1628 = arith.index_cast %get3A_1627 : i32 to index
    %get3A_1629 = arith.constant 96 : index
    %get3A_1630 = tpu.vector_load %arg9[%get3A_1628, %get3A_1629] {strides = array<i32>} : memref<32x128xf32, #tpu.memory_space<vmem>>, vector<1x16xf32>,
    %get3A_1631 = vector.shape_cast %get3A_1630 : vector<1x16xf32> to vector<16xf32>
    %sub3A_1632 = arith.subf %get3A_1631, %get3A_1626 : vector<16xf32>
    %mul3A_1633 = arith.mulf %convert_element_type3A_1300, %sub3A_1632 : vector<16xf32>
    %add3A_1634 = arith.addf %get3A_1626, %mul3A_1633 : vector<16xf32>
    %mul3A_1635 = arith.mulf %gather3A_1260, %add3A_1634 : vector<16xf32>
    %add3A_1636 = arith.addf %add3A_1621, %mul3A_1635 : vector<16xf32>
    %get3A_1637 = arith.constant 18 : i32
    %get3A_1638 = arith.index_cast %get3A_1637 : i32 to index
    %get3A_1639 = arith.constant 32 : index
    %get3A_1640 = tpu.vector_load %arg9[%get3A_1638, %get3A_1639] {strides = array<i32>} : memref<32x128xf32, #tpu.memory_space<vmem>>, vector<1x16xf32>,
    %get3A_1641 = vector.shape_cast %get3A_1640 : vector<1x16xf32> to vector<16xf32>
    %get3A_1642 = arith.constant 18 : i32
    %get3A_1643 = arith.index_cast %get3A_1642 : i32 to index
    %get3A_1644 = arith.constant 96 : index
    %get3A_1645 = tpu.vector_load %arg9[%get3A_1643, %get3A_1644] {strides = array<i32>} : memref<32x128xf32, #tpu.memory_space<vmem>>, vector<1x16xf32>,
    %get3A_1646 = vector.shape_cast %get3A_1645 : vector<1x16xf32> to vector<16xf32>
    %sub3A_1647 = arith.subf %get3A_1646, %get3A_1641 : vector<16xf32>
    %mul3A_1648 = arith.mulf %convert_element_type3A_1308, %sub3A_1647 : vector<16xf32>
    %add3A_1649 = arith.addf %get3A_1641, %mul3A_1648 : vector<16xf32>
    %mul3A_1650 = arith.mulf %gather3A_1264, %add3A_1649 : vector<16xf32>
    %add3A_1651 = arith.addf %add3A_1636, %mul3A_1650 : vector<16xf32>
    %get3A_1652 = arith.constant 19 : i32
    %get3A_1653 = arith.index_cast %get3A_1652 : i32 to index
    %get3A_1654 = arith.constant 32 : index
    %get3A_1655 = tpu.vector_load %arg9[%get3A_1653, %get3A_1654] {strides = array<i32>} : memref<32x128xf32, #tpu.memory_space<vmem>>, vector<1x16xf32>,
    %get3A_1656 = vector.shape_cast %get3A_1655 : vector<1x16xf32> to vector<16xf32>
    %get3A_1657 = arith.constant 19 : i32
    %get3A_1658 = arith.index_cast %get3A_1657 : i32 to index
    %get3A_1659 = arith.constant 96 : index
    %get3A_1660 = tpu.vector_load %arg9[%get3A_1658, %get3A_1659] {strides = array<i32>} : memref<32x128xf32, #tpu.memory_space<vmem>>, vector<1x16xf32>,
    %get3A_1661 = vector.shape_cast %get3A_1660 : vector<1x16xf32> to vector<16xf32>
    %sub3A_1662 = arith.subf %get3A_1661, %get3A_1656 : vector<16xf32>
    %mul3A_1663 = arith.mulf %convert_element_type3A_1316, %sub3A_1662 : vector<16xf32>
    %add3A_1664 = arith.addf %get3A_1656, %mul3A_1663 : vector<16xf32>
    %mul3A_1665 = arith.mulf %gather3A_1268, %add3A_1664 : vector<16xf32>
    %add3A_1666 = arith.addf %add3A_1651, %mul3A_1665 : vector<16xf32>
    %get3A_1667 = arith.constant 20 : i32
    %get3A_1668 = arith.index_cast %get3A_1667 : i32 to index
    %get3A_1669 = arith.constant 32 : index
    %get3A_1670 = tpu.vector_load %arg9[%get3A_1668, %get3A_1669] {strides = array<i32>} : memref<32x128xf32, #tpu.memory_space<vmem>>, vector<1x16xf32>,
    %get3A_1671 = vector.shape_cast %get3A_1670 : vector<1x16xf32> to vector<16xf32>
    %get3A_1672 = arith.constant 20 : i32
    %get3A_1673 = arith.index_cast %get3A_1672 : i32 to index
    %get3A_1674 = arith.constant 96 : index
    %get3A_1675 = tpu.vector_load %arg9[%get3A_1673, %get3A_1674] {strides = array<i32>} : memref<32x128xf32, #tpu.memory_space<vmem>>, vector<1x16xf32>,
    %get3A_1676 = vector.shape_cast %get3A_1675 : vector<1x16xf32> to vector<16xf32>
    %sub3A_1677 = arith.subf %get3A_1676, %get3A_1671 : vector<16xf32>
    %mul3A_1678 = arith.mulf %convert_element_type3A_1324, %sub3A_1677 : vector<16xf32>
    %add3A_1679 = arith.addf %get3A_1671, %mul3A_1678 : vector<16xf32>
    %mul3A_1680 = arith.mulf %gather3A_1272, %add3A_1679 : vector<16xf32>
    %add3A_1681 = arith.addf %add3A_1666, %mul3A_1680 : vector<16xf32>
    %get3A_1682 = arith.constant 21 : i32
    %get3A_1683 = arith.index_cast %get3A_1682 : i32 to index
    %get3A_1684 = arith.constant 32 : index
    %get3A_1685 = tpu.vector_load %arg9[%get3A_1683, %get3A_1684] {strides = array<i32>} : memref<32x128xf32, #tpu.memory_space<vmem>>, vector<1x16xf32>,
    %get3A_1686 = vector.shape_cast %get3A_1685 : vector<1x16xf32> to vector<16xf32>
    %get3A_1687 = arith.constant 21 : i32
    %get3A_1688 = arith.index_cast %get3A_1687 : i32 to index
    %get3A_1689 = arith.constant 96 : index
    %get3A_1690 = tpu.vector_load %arg9[%get3A_1688, %get3A_1689] {strides = array<i32>} : memref<32x128xf32, #tpu.memory_space<vmem>>, vector<1x16xf32>,
    %get3A_1691 = vector.shape_cast %get3A_1690 : vector<1x16xf32> to vector<16xf32>
    %sub3A_1692 = arith.subf %get3A_1691, %get3A_1686 : vector<16xf32>
    %mul3A_1693 = arith.mulf %convert_element_type3A_1332, %sub3A_1692 : vector<16xf32>
    %add3A_1694 = arith.addf %get3A_1686, %mul3A_1693 : vector<16xf32>
    %mul3A_1695 = arith.mulf %gather3A_1276, %add3A_1694 : vector<16xf32>
    %add3A_1696 = arith.addf %add3A_1681, %mul3A_1695 : vector<16xf32>
    %get3A_1697 = arith.constant 22 : i32
    %get3A_1698 = arith.index_cast %get3A_1697 : i32 to index
    %get3A_1699 = arith.constant 32 : index
    %get3A_1700 = tpu.vector_load %arg9[%get3A_1698, %get3A_1699] {strides = array<i32>} : memref<32x128xf32, #tpu.memory_space<vmem>>, vector<1x16xf32>,
    %get3A_1701 = vector.shape_cast %get3A_1700 : vector<1x16xf32> to vector<16xf32>
    %get3A_1702 = arith.constant 22 : i32
    %get3A_1703 = arith.index_cast %get3A_1702 : i32 to index
    %get3A_1704 = arith.constant 96 : index
    %get3A_1705 = tpu.vector_load %arg9[%get3A_1703, %get3A_1704] {strides = array<i32>} : memref<32x128xf32, #tpu.memory_space<vmem>>, vector<1x16xf32>,
    %get3A_1706 = vector.shape_cast %get3A_1705 : vector<1x16xf32> to vector<16xf32>
    %sub3A_1707 = arith.subf %get3A_1706, %get3A_1701 : vector<16xf32>
    %mul3A_1708 = arith.mulf %convert_element_type3A_1340, %sub3A_1707 : vector<16xf32>
    %add3A_1709 = arith.addf %get3A_1701, %mul3A_1708 : vector<16xf32>
    %mul3A_1710 = arith.mulf %gather3A_1280, %add3A_1709 : vector<16xf32>
    %add3A_1711 = arith.addf %add3A_1696, %mul3A_1710 : vector<16xf32>
    %get3A_1712 = arith.constant 23 : i32
    %get3A_1713 = arith.index_cast %get3A_1712 : i32 to index
    %get3A_1714 = arith.constant 32 : index
    %get3A_1715 = tpu.vector_load %arg9[%get3A_1713, %get3A_1714] {strides = array<i32>} : memref<32x128xf32, #tpu.memory_space<vmem>>, vector<1x16xf32>,
    %get3A_1716 = vector.shape_cast %get3A_1715 : vector<1x16xf32> to vector<16xf32>
    %get3A_1717 = arith.constant 23 : i32
    %get3A_1718 = arith.index_cast %get3A_1717 : i32 to index
    %get3A_1719 = arith.constant 96 : index
    %get3A_1720 = tpu.vector_load %arg9[%get3A_1718, %get3A_1719] {strides = array<i32>} : memref<32x128xf32, #tpu.memory_space<vmem>>, vector<1x16xf32>,
    %get3A_1721 = vector.shape_cast %get3A_1720 : vector<1x16xf32> to vector<16xf32>
    %sub3A_1722 = arith.subf %get3A_1721, %get3A_1716 : vector<16xf32>
    %mul3A_1723 = arith.mulf %convert_element_type3A_1348, %sub3A_1722 : vector<16xf32>
    %add3A_1724 = arith.addf %get3A_1716, %mul3A_1723 : vector<16xf32>
    %mul3A_1725 = arith.mulf %gather3A_1284, %add3A_1724 : vector<16xf32>
    %add3A_1726 = arith.addf %add3A_1711, %mul3A_1725 : vector<16xf32>
    %swap3A_1727 = arith.constant 2 : i32
    %swap3A_1728 = arith.index_cast %swap3A_1727 : i32 to index
    %swap3A_1729 = arith.constant 32 : index
    %swap3A_1730 = tpu.vector_load %arg10[%swap3A_1728, %swap3A_1729] {strides = array<i32>} : memref<4x64xf32, #tpu.memory_space<vmem>>, vector<1x16xf32>,
    %swap3A_1731 = vector.shape_cast %swap3A_1730 : vector<1x16xf32> to vector<16xf32>
    %swap3A_1732 = vector.shape_cast %add3A_1726 : vector<16xf32> to vector<1x16xf32>
    tpu.vector_store %arg10[%swap3A_1728, %swap3A_1729], %swap3A_1732 {strides = array<i32>} : memref<4x64xf32, #tpu.memory_space<vmem>>, vector<1x16xf32>,
    %broadcast_in_dim3A_1733 = arith.constant 0.000000e+00 : f32
    %broadcast_in_dim3A_1734 = vector.broadcast %broadcast_in_dim3A_1733 : f32 to vector<16xf32>
    %get3A_1735 = arith.constant 16 : i32
    %get3A_1736 = arith.index_cast %get3A_1735 : i32 to index
    %get3A_1737 = arith.constant 48 : index
    %get3A_1738 = tpu.vector_load %arg9[%get3A_1736, %get3A_1737] {strides = array<i32>} : memref<32x128xf32, #tpu.memory_space<vmem>>, vector<1x16xf32>,
    %get3A_1739 = vector.shape_cast %get3A_1738 : vector<1x16xf32> to vector<16xf32>
    %get3A_1740 = arith.constant 16 : i32
    %get3A_1741 = arith.index_cast %get3A_1740 : i32 to index
    %get3A_1742 = arith.constant 112 : index
    %get3A_1743 = tpu.vector_load %arg9[%get3A_1741, %get3A_1742] {strides = array<i32>} : memref<32x128xf32, #tpu.memory_space<vmem>>, vector<1x16xf32>,
    %get3A_1744 = vector.shape_cast %get3A_1743 : vector<1x16xf32> to vector<16xf32>
    %sub3A_1745 = arith.subf %get3A_1744, %get3A_1739 : vector<16xf32>
    %mul3A_1746 = arith.mulf %convert_element_type3A_1292, %sub3A_1745 : vector<16xf32>
    %add3A_1747 = arith.addf %get3A_1739, %mul3A_1746 : vector<16xf32>
    %mul3A_1748 = arith.mulf %gather3A_1256, %add3A_1747 : vector<16xf32>
    %add3A_1749 = arith.addf %broadcast_in_dim3A_1734, %mul3A_1748 : vector<16xf32>
    %get3A_1750 = arith.constant 17 : i32
    %get3A_1751 = arith.index_cast %get3A_1750 : i32 to index
    %get3A_1752 = arith.constant 48 : index
    %get3A_1753 = tpu.vector_load %arg9[%get3A_1751, %get3A_1752] {strides = array<i32>} : memref<32x128xf32, #tpu.memory_space<vmem>>, vector<1x16xf32>,
    %get3A_1754 = vector.shape_cast %get3A_1753 : vector<1x16xf32> to vector<16xf32>
    %get3A_1755 = arith.constant 17 : i32
    %get3A_1756 = arith.index_cast %get3A_1755 : i32 to index
    %get3A_1757 = arith.constant 112 : index
    %get3A_1758 = tpu.vector_load %arg9[%get3A_1756, %get3A_1757] {strides = array<i32>} : memref<32x128xf32, #tpu.memory_space<vmem>>, vector<1x16xf32>,
    %get3A_1759 = vector.shape_cast %get3A_1758 : vector<1x16xf32> to vector<16xf32>
    %sub3A_1760 = arith.subf %get3A_1759, %get3A_1754 : vector<16xf32>
    %mul3A_1761 = arith.mulf %convert_element_type3A_1300, %sub3A_1760 : vector<16xf32>
    %add3A_1762 = arith.addf %get3A_1754, %mul3A_1761 : vector<16xf32>
    %mul3A_1763 = arith.mulf %gather3A_1260, %add3A_1762 : vector<16xf32>
    %add3A_1764 = arith.addf %add3A_1749, %mul3A_1763 : vector<16xf32>
    %get3A_1765 = arith.constant 18 : i32
    %get3A_1766 = arith.index_cast %get3A_1765 : i32 to index
    %get3A_1767 = arith.constant 48 : index
    %get3A_1768 = tpu.vector_load %arg9[%get3A_1766, %get3A_1767] {strides = array<i32>} : memref<32x128xf32, #tpu.memory_space<vmem>>, vector<1x16xf32>,
    %get3A_1769 = vector.shape_cast %get3A_1768 : vector<1x16xf32> to vector<16xf32>
    %get3A_1770 = arith.constant 18 : i32
    %get3A_1771 = arith.index_cast %get3A_1770 : i32 to index
    %get3A_1772 = arith.constant 112 : index
    %get3A_1773 = tpu.vector_load %arg9[%get3A_1771, %get3A_1772] {strides = array<i32>} : memref<32x128xf32, #tpu.memory_space<vmem>>, vector<1x16xf32>,
    %get3A_1774 = vector.shape_cast %get3A_1773 : vector<1x16xf32> to vector<16xf32>
    %sub3A_1775 = arith.subf %get3A_1774, %get3A_1769 : vector<16xf32>
    %mul3A_1776 = arith.mulf %convert_element_type3A_1308, %sub3A_1775 : vector<16xf32>
    %add3A_1777 = arith.addf %get3A_1769, %mul3A_1776 : vector<16xf32>
    %mul3A_1778 = arith.mulf %gather3A_1264, %add3A_1777 : vector<16xf32>
    %add3A_1779 = arith.addf %add3A_1764, %mul3A_1778 : vector<16xf32>
    %get3A_1780 = arith.constant 19 : i32
    %get3A_1781 = arith.index_cast %get3A_1780 : i32 to index
    %get3A_1782 = arith.constant 48 : index
    %get3A_1783 = tpu.vector_load %arg9[%get3A_1781, %get3A_1782] {strides = array<i32>} : memref<32x128xf32, #tpu.memory_space<vmem>>, vector<1x16xf32>,
    %get3A_1784 = vector.shape_cast %get3A_1783 : vector<1x16xf32> to vector<16xf32>
    %get3A_1785 = arith.constant 19 : i32
    %get3A_1786 = arith.index_cast %get3A_1785 : i32 to index
    %get3A_1787 = arith.constant 112 : index
    %get3A_1788 = tpu.vector_load %arg9[%get3A_1786, %get3A_1787] {strides = array<i32>} : memref<32x128xf32, #tpu.memory_space<vmem>>, vector<1x16xf32>,
    %get3A_1789 = vector.shape_cast %get3A_1788 : vector<1x16xf32> to vector<16xf32>
    %sub3A_1790 = arith.subf %get3A_1789, %get3A_1784 : vector<16xf32>
    %mul3A_1791 = arith.mulf %convert_element_type3A_1316, %sub3A_1790 : vector<16xf32>
    %add3A_1792 = arith.addf %get3A_1784, %mul3A_1791 : vector<16xf32>
    %mul3A_1793 = arith.mulf %gather3A_1268, %add3A_1792 : vector<16xf32>
    %add3A_1794 = arith.addf %add3A_1779, %mul3A_1793 : vector<16xf32>
    %get3A_1795 = arith.constant 20 : i32
    %get3A_1796 = arith.index_cast %get3A_1795 : i32 to index
    %get3A_1797 = arith.constant 48 : index
    %get3A_1798 = tpu.vector_load %arg9[%get3A_1796, %get3A_1797] {strides = array<i32>} : memref<32x128xf32, #tpu.memory_space<vmem>>, vector<1x16xf32>,
    %get3A_1799 = vector.shape_cast %get3A_1798 : vector<1x16xf32> to vector<16xf32>
    %get3A_1800 = arith.constant 20 : i32
    %get3A_1801 = arith.index_cast %get3A_1800 : i32 to index
    %get3A_1802 = arith.constant 112 : index
    %get3A_1803 = tpu.vector_load %arg9[%get3A_1801, %get3A_1802] {strides = array<i32>} : memref<32x128xf32, #tpu.memory_space<vmem>>, vector<1x16xf32>,
    %get3A_1804 = vector.shape_cast %get3A_1803 : vector<1x16xf32> to vector<16xf32>
    %sub3A_1805 = arith.subf %get3A_1804, %get3A_1799 : vector<16xf32>
    %mul3A_1806 = arith.mulf %convert_element_type3A_1324, %sub3A_1805 : vector<16xf32>
    %add3A_1807 = arith.addf %get3A_1799, %mul3A_1806 : vector<16xf32>
    %mul3A_1808 = arith.mulf %gather3A_1272, %add3A_1807 : vector<16xf32>
    %add3A_1809 = arith.addf %add3A_1794, %mul3A_1808 : vector<16xf32>
    %get3A_1810 = arith.constant 21 : i32
    %get3A_1811 = arith.index_cast %get3A_1810 : i32 to index
    %get3A_1812 = arith.constant 48 : index
    %get3A_1813 = tpu.vector_load %arg9[%get3A_1811, %get3A_1812] {strides = array<i32>} : memref<32x128xf32, #tpu.memory_space<vmem>>, vector<1x16xf32>,
    %get3A_1814 = vector.shape_cast %get3A_1813 : vector<1x16xf32> to vector<16xf32>
    %get3A_1815 = arith.constant 21 : i32
    %get3A_1816 = arith.index_cast %get3A_1815 : i32 to index
    %get3A_1817 = arith.constant 112 : index
    %get3A_1818 = tpu.vector_load %arg9[%get3A_1816, %get3A_1817] {strides = array<i32>} : memref<32x128xf32, #tpu.memory_space<vmem>>, vector<1x16xf32>,
    %get3A_1819 = vector.shape_cast %get3A_1818 : vector<1x16xf32> to vector<16xf32>
    %sub3A_1820 = arith.subf %get3A_1819, %get3A_1814 : vector<16xf32>
    %mul3A_1821 = arith.mulf %convert_element_type3A_1332, %sub3A_1820 : vector<16xf32>
    %add3A_1822 = arith.addf %get3A_1814, %mul3A_1821 : vector<16xf32>
    %mul3A_1823 = arith.mulf %gather3A_1276, %add3A_1822 : vector<16xf32>
    %add3A_1824 = arith.addf %add3A_1809, %mul3A_1823 : vector<16xf32>
    %get3A_1825 = arith.constant 22 : i32
    %get3A_1826 = arith.index_cast %get3A_1825 : i32 to index
    %get3A_1827 = arith.constant 48 : index
    %get3A_1828 = tpu.vector_load %arg9[%get3A_1826, %get3A_1827] {strides = array<i32>} : memref<32x128xf32, #tpu.memory_space<vmem>>, vector<1x16xf32>,
    %get3A_1829 = vector.shape_cast %get3A_1828 : vector<1x16xf32> to vector<16xf32>
    %get3A_1830 = arith.constant 22 : i32
    %get3A_1831 = arith.index_cast %get3A_1830 : i32 to index
    %get3A_1832 = arith.constant 112 : index
    %get3A_1833 = tpu.vector_load %arg9[%get3A_1831, %get3A_1832] {strides = array<i32>} : memref<32x128xf32, #tpu.memory_space<vmem>>, vector<1x16xf32>,
    %get3A_1834 = vector.shape_cast %get3A_1833 : vector<1x16xf32> to vector<16xf32>
    %sub3A_1835 = arith.subf %get3A_1834, %get3A_1829 : vector<16xf32>
    %mul3A_1836 = arith.mulf %convert_element_type3A_1340, %sub3A_1835 : vector<16xf32>
    %add3A_1837 = arith.addf %get3A_1829, %mul3A_1836 : vector<16xf32>
    %mul3A_1838 = arith.mulf %gather3A_1280, %add3A_1837 : vector<16xf32>
    %add3A_1839 = arith.addf %add3A_1824, %mul3A_1838 : vector<16xf32>
    %get3A_1840 = arith.constant 23 : i32
    %get3A_1841 = arith.index_cast %get3A_1840 : i32 to index
    %get3A_1842 = arith.constant 48 : index
    %get3A_1843 = tpu.vector_load %arg9[%get3A_1841, %get3A_1842] {strides = array<i32>} : memref<32x128xf32, #tpu.memory_space<vmem>>, vector<1x16xf32>,
    %get3A_1844 = vector.shape_cast %get3A_1843 : vector<1x16xf32> to vector<16xf32>
    %get3A_1845 = arith.constant 23 : i32
    %get3A_1846 = arith.index_cast %get3A_1845 : i32 to index
    %get3A_1847 = arith.constant 112 : index
    %get3A_1848 = tpu.vector_load %arg9[%get3A_1846, %get3A_1847] {strides = array<i32>} : memref<32x128xf32, #tpu.memory_space<vmem>>, vector<1x16xf32>,
    %get3A_1849 = vector.shape_cast %get3A_1848 : vector<1x16xf32> to vector<16xf32>
    %sub3A_1850 = arith.subf %get3A_1849, %get3A_1844 : vector<16xf32>
    %mul3A_1851 = arith.mulf %convert_element_type3A_1348, %sub3A_1850 : vector<16xf32>
    %add3A_1852 = arith.addf %get3A_1844, %mul3A_1851 : vector<16xf32>
    %mul3A_1853 = arith.mulf %gather3A_1284, %add3A_1852 : vector<16xf32>
    %add3A_1854 = arith.addf %add3A_1839, %mul3A_1853 : vector<16xf32>
    %swap3A_1855 = arith.constant 2 : i32
    %swap3A_1856 = arith.index_cast %swap3A_1855 : i32 to index
    %swap3A_1857 = arith.constant 48 : index
    %swap3A_1858 = tpu.vector_load %arg10[%swap3A_1856, %swap3A_1857] {strides = array<i32>} : memref<4x64xf32, #tpu.memory_space<vmem>>, vector<1x16xf32>,
    %swap3A_1859 = vector.shape_cast %swap3A_1858 : vector<1x16xf32> to vector<16xf32>
    %swap3A_1860 = vector.shape_cast %add3A_1854 : vector<16xf32> to vector<1x16xf32>
    tpu.vector_store %arg10[%swap3A_1856, %swap3A_1857], %swap3A_1860 {strides = array<i32>} : memref<4x64xf32, #tpu.memory_space<vmem>>, vector<1x16xf32>,
    %get3A_1861 = arith.constant 16 : index
    %get3A_1862 = tpu.vector_load %arg8[%get3A_1861] {strides = array<i32>} : memref<32xf32, #tpu.memory_space<vmem>>, vector<16xf32>,
    %get3A_1863 = vector.shape_cast %get3A_1862 : vector<16xf32> to vector<16xf32>
    %get3A_1864 = arith.constant 16 : index
    %get3A_1865 = tpu.vector_load %arg6[%get3A_1864] {strides = array<i32>} : memref<32xi32, #tpu.memory_space<vmem>>, vector<16xi32>,
    %get3A_1866 = vector.shape_cast %get3A_1865 : vector<16xi32> to vector<16xi32>
    %broadcast_in_dim3A_1867 = arith.constant 8 : i32
    %broadcast_in_dim3A_1868 = vector.broadcast %broadcast_in_dim3A_1867 : i32 to vector<16x1xi32>
    %gather3A_1869 = vector.shape_cast %broadcast_in_dim3A_1868 : vector<16x1xi32> to vector<16xi32>
    %gather3A_1870 = tpu.dynamic_gather %get3A_1863[%gather3A_1869] in [0] : vector<16xf32>, vector<16xi32> -> vector<16xf32>
    %broadcast_in_dim3A_1871 = arith.constant 9 : i32
    %broadcast_in_dim3A_1872 = vector.broadcast %broadcast_in_dim3A_1871 : i32 to vector<16x1xi32>
    %gather3A_1873 = vector.shape_cast %broadcast_in_dim3A_1872 : vector<16x1xi32> to vector<16xi32>
    %gather3A_1874 = tpu.dynamic_gather %get3A_1863[%gather3A_1873] in [0] : vector<16xf32>, vector<16xi32> -> vector<16xf32>
    %broadcast_in_dim3A_1875 = arith.constant 10 : i32
    %broadcast_in_dim3A_1876 = vector.broadcast %broadcast_in_dim3A_1875 : i32 to vector<16x1xi32>
    %gather3A_1877 = vector.shape_cast %broadcast_in_dim3A_1876 : vector<16x1xi32> to vector<16xi32>
    %gather3A_1878 = tpu.dynamic_gather %get3A_1863[%gather3A_1877] in [0] : vector<16xf32>, vector<16xi32> -> vector<16xf32>
    %broadcast_in_dim3A_1879 = arith.constant 11 : i32
    %broadcast_in_dim3A_1880 = vector.broadcast %broadcast_in_dim3A_1879 : i32 to vector<16x1xi32>
    %gather3A_1881 = vector.shape_cast %broadcast_in_dim3A_1880 : vector<16x1xi32> to vector<16xi32>
    %gather3A_1882 = tpu.dynamic_gather %get3A_1863[%gather3A_1881] in [0] : vector<16xf32>, vector<16xi32> -> vector<16xf32>
    %broadcast_in_dim3A_1883 = arith.constant 12 : i32
    %broadcast_in_dim3A_1884 = vector.broadcast %broadcast_in_dim3A_1883 : i32 to vector<16x1xi32>
    %gather3A_1885 = vector.shape_cast %broadcast_in_dim3A_1884 : vector<16x1xi32> to vector<16xi32>
    %gather3A_1886 = tpu.dynamic_gather %get3A_1863[%gather3A_1885] in [0] : vector<16xf32>, vector<16xi32> -> vector<16xf32>
    %broadcast_in_dim3A_1887 = arith.constant 13 : i32
    %broadcast_in_dim3A_1888 = vector.broadcast %broadcast_in_dim3A_1887 : i32 to vector<16x1xi32>
    %gather3A_1889 = vector.shape_cast %broadcast_in_dim3A_1888 : vector<16x1xi32> to vector<16xi32>
    %gather3A_1890 = tpu.dynamic_gather %get3A_1863[%gather3A_1889] in [0] : vector<16xf32>, vector<16xi32> -> vector<16xf32>
    %broadcast_in_dim3A_1891 = arith.constant 14 : i32
    %broadcast_in_dim3A_1892 = vector.broadcast %broadcast_in_dim3A_1891 : i32 to vector<16x1xi32>
    %gather3A_1893 = vector.shape_cast %broadcast_in_dim3A_1892 : vector<16x1xi32> to vector<16xi32>
    %gather3A_1894 = tpu.dynamic_gather %get3A_1863[%gather3A_1893] in [0] : vector<16xf32>, vector<16xi32> -> vector<16xf32>
    %broadcast_in_dim3A_1895 = arith.constant 15 : i32
    %broadcast_in_dim3A_1896 = vector.broadcast %broadcast_in_dim3A_1895 : i32 to vector<16x1xi32>
    %gather3A_1897 = vector.shape_cast %broadcast_in_dim3A_1896 : vector<16x1xi32> to vector<16xi32>
    %gather3A_1898 = tpu.dynamic_gather %get3A_1863[%gather3A_1897] in [0] : vector<16xf32>, vector<16xi32> -> vector<16xf32>
    %broadcast_in_dim3A_1899 = arith.constant 8 : i32
    %broadcast_in_dim3A_1900 = vector.broadcast %broadcast_in_dim3A_1899 : i32 to vector<16x1xi32>
    %gather3A_1901 = vector.shape_cast %broadcast_in_dim3A_1900 : vector<16x1xi32> to vector<16xi32>
    %gather3A_1902 = tpu.dynamic_gather %get3A_1866[%gather3A_1901] in [0] : vector<16xi32>, vector<16xi32> -> vector<16xi32>
    %and3A_1903 = arith.constant 1 : i32
    %and3A_1904 = vector.broadcast %and3A_1903 : i32 to vector<16xi32>
    %and3A_1905 = arith.andi %gather3A_1902, %and3A_1904 : vector<16xi32>
    %convert_element_type3A_1906 = arith.sitofp %and3A_1905 : vector<16xi32> to vector<16xf32>
    %broadcast_in_dim3A_1907 = arith.constant 9 : i32
    %broadcast_in_dim3A_1908 = vector.broadcast %broadcast_in_dim3A_1907 : i32 to vector<16x1xi32>
    %gather3A_1909 = vector.shape_cast %broadcast_in_dim3A_1908 : vector<16x1xi32> to vector<16xi32>
    %gather3A_1910 = tpu.dynamic_gather %get3A_1866[%gather3A_1909] in [0] : vector<16xi32>, vector<16xi32> -> vector<16xi32>
    %and3A_1911 = arith.constant 1 : i32
    %and3A_1912 = vector.broadcast %and3A_1911 : i32 to vector<16xi32>
    %and3A_1913 = arith.andi %gather3A_1910, %and3A_1912 : vector<16xi32>
    %convert_element_type3A_1914 = arith.sitofp %and3A_1913 : vector<16xi32> to vector<16xf32>
    %broadcast_in_dim3A_1915 = arith.constant 10 : i32
    %broadcast_in_dim3A_1916 = vector.broadcast %broadcast_in_dim3A_1915 : i32 to vector<16x1xi32>
    %gather3A_1917 = vector.shape_cast %broadcast_in_dim3A_1916 : vector<16x1xi32> to vector<16xi32>
    %gather3A_1918 = tpu.dynamic_gather %get3A_1866[%gather3A_1917] in [0] : vector<16xi32>, vector<16xi32> -> vector<16xi32>
    %and3A_1919 = arith.constant 1 : i32
    %and3A_1920 = vector.broadcast %and3A_1919 : i32 to vector<16xi32>
    %and3A_1921 = arith.andi %gather3A_1918, %and3A_1920 : vector<16xi32>
    %convert_element_type3A_1922 = arith.sitofp %and3A_1921 : vector<16xi32> to vector<16xf32>
    %broadcast_in_dim3A_1923 = arith.constant 11 : i32
    %broadcast_in_dim3A_1924 = vector.broadcast %broadcast_in_dim3A_1923 : i32 to vector<16x1xi32>
    %gather3A_1925 = vector.shape_cast %broadcast_in_dim3A_1924 : vector<16x1xi32> to vector<16xi32>
    %gather3A_1926 = tpu.dynamic_gather %get3A_1866[%gather3A_1925] in [0] : vector<16xi32>, vector<16xi32> -> vector<16xi32>
    %and3A_1927 = arith.constant 1 : i32
    %and3A_1928 = vector.broadcast %and3A_1927 : i32 to vector<16xi32>
    %and3A_1929 = arith.andi %gather3A_1926, %and3A_1928 : vector<16xi32>
    %convert_element_type3A_1930 = arith.sitofp %and3A_1929 : vector<16xi32> to vector<16xf32>
    %broadcast_in_dim3A_1931 = arith.constant 12 : i32
    %broadcast_in_dim3A_1932 = vector.broadcast %broadcast_in_dim3A_1931 : i32 to vector<16x1xi32>
    %gather3A_1933 = vector.shape_cast %broadcast_in_dim3A_1932 : vector<16x1xi32> to vector<16xi32>
    %gather3A_1934 = tpu.dynamic_gather %get3A_1866[%gather3A_1933] in [0] : vector<16xi32>, vector<16xi32> -> vector<16xi32>
    %and3A_1935 = arith.constant 1 : i32
    %and3A_1936 = vector.broadcast %and3A_1935 : i32 to vector<16xi32>
    %and3A_1937 = arith.andi %gather3A_1934, %and3A_1936 : vector<16xi32>
    %convert_element_type3A_1938 = arith.sitofp %and3A_1937 : vector<16xi32> to vector<16xf32>
    %broadcast_in_dim3A_1939 = arith.constant 13 : i32
    %broadcast_in_dim3A_1940 = vector.broadcast %broadcast_in_dim3A_1939 : i32 to vector<16x1xi32>
    %gather3A_1941 = vector.shape_cast %broadcast_in_dim3A_1940 : vector<16x1xi32> to vector<16xi32>
    %gather3A_1942 = tpu.dynamic_gather %get3A_1866[%gather3A_1941] in [0] : vector<16xi32>, vector<16xi32> -> vector<16xi32>
    %and3A_1943 = arith.constant 1 : i32
    %and3A_1944 = vector.broadcast %and3A_1943 : i32 to vector<16xi32>
    %and3A_1945 = arith.andi %gather3A_1942, %and3A_1944 : vector<16xi32>
    %convert_element_type3A_1946 = arith.sitofp %and3A_1945 : vector<16xi32> to vector<16xf32>
    %broadcast_in_dim3A_1947 = arith.constant 14 : i32
    %broadcast_in_dim3A_1948 = vector.broadcast %broadcast_in_dim3A_1947 : i32 to vector<16x1xi32>
    %gather3A_1949 = vector.shape_cast %broadcast_in_dim3A_1948 : vector<16x1xi32> to vector<16xi32>
    %gather3A_1950 = tpu.dynamic_gather %get3A_1866[%gather3A_1949] in [0] : vector<16xi32>, vector<16xi32> -> vector<16xi32>
    %and3A_1951 = arith.constant 1 : i32
    %and3A_1952 = vector.broadcast %and3A_1951 : i32 to vector<16xi32>
    %and3A_1953 = arith.andi %gather3A_1950, %and3A_1952 : vector<16xi32>
    %convert_element_type3A_1954 = arith.sitofp %and3A_1953 : vector<16xi32> to vector<16xf32>
    %broadcast_in_dim3A_1955 = arith.constant 15 : i32
    %broadcast_in_dim3A_1956 = vector.broadcast %broadcast_in_dim3A_1955 : i32 to vector<16x1xi32>
    %gather3A_1957 = vector.shape_cast %broadcast_in_dim3A_1956 : vector<16x1xi32> to vector<16xi32>
    %gather3A_1958 = tpu.dynamic_gather %get3A_1866[%gather3A_1957] in [0] : vector<16xi32>, vector<16xi32> -> vector<16xi32>
    %and3A_1959 = arith.constant 1 : i32
    %and3A_1960 = vector.broadcast %and3A_1959 : i32 to vector<16xi32>
    %and3A_1961 = arith.andi %gather3A_1958, %and3A_1960 : vector<16xi32>
    %convert_element_type3A_1962 = arith.sitofp %and3A_1961 : vector<16xi32> to vector<16xf32>
    %broadcast_in_dim3A_1963 = arith.constant 0.000000e+00 : f32
    %broadcast_in_dim3A_1964 = vector.broadcast %broadcast_in_dim3A_1963 : f32 to vector<16xf32>
    %get3A_1965 = arith.constant 24 : i32
    %get3A_1966 = arith.index_cast %get3A_1965 : i32 to index
    %get3A_1967 = arith.constant 0 : index
    %get3A_1968 = tpu.vector_load %arg9[%get3A_1966, %get3A_1967] {strides = array<i32>} : memref<32x128xf32, #tpu.memory_space<vmem>>, vector<1x16xf32>,
    %get3A_1969 = vector.shape_cast %get3A_1968 : vector<1x16xf32> to vector<16xf32>
    %get3A_1970 = arith.constant 24 : i32
    %get3A_1971 = arith.index_cast %get3A_1970 : i32 to index
    %get3A_1972 = arith.constant 64 : index
    %get3A_1973 = tpu.vector_load %arg9[%get3A_1971, %get3A_1972] {strides = array<i32>} : memref<32x128xf32, #tpu.memory_space<vmem>>, vector<1x16xf32>,
    %get3A_1974 = vector.shape_cast %get3A_1973 : vector<1x16xf32> to vector<16xf32>
    %sub3A_1975 = arith.subf %get3A_1974, %get3A_1969 : vector<16xf32>
    %mul3A_1976 = arith.mulf %convert_element_type3A_1906, %sub3A_1975 : vector<16xf32>
    %add3A_1977 = arith.addf %get3A_1969, %mul3A_1976 : vector<16xf32>
    %mul3A_1978 = arith.mulf %gather3A_1870, %add3A_1977 : vector<16xf32>
    %add3A_1979 = arith.addf %broadcast_in_dim3A_1964, %mul3A_1978 : vector<16xf32>
    %get3A_1980 = arith.constant 25 : i32
    %get3A_1981 = arith.index_cast %get3A_1980 : i32 to index
    %get3A_1982 = arith.constant 0 : index
    %get3A_1983 = tpu.vector_load %arg9[%get3A_1981, %get3A_1982] {strides = array<i32>} : memref<32x128xf32, #tpu.memory_space<vmem>>, vector<1x16xf32>,
    %get3A_1984 = vector.shape_cast %get3A_1983 : vector<1x16xf32> to vector<16xf32>
    %get3A_1985 = arith.constant 25 : i32
    %get3A_1986 = arith.index_cast %get3A_1985 : i32 to index
    %get3A_1987 = arith.constant 64 : index
    %get3A_1988 = tpu.vector_load %arg9[%get3A_1986, %get3A_1987] {strides = array<i32>} : memref<32x128xf32, #tpu.memory_space<vmem>>, vector<1x16xf32>,
    %get3A_1989 = vector.shape_cast %get3A_1988 : vector<1x16xf32> to vector<16xf32>
    %sub3A_1990 = arith.subf %get3A_1989, %get3A_1984 : vector<16xf32>
    %mul3A_1991 = arith.mulf %convert_element_type3A_1914, %sub3A_1990 : vector<16xf32>
    %add3A_1992 = arith.addf %get3A_1984, %mul3A_1991 : vector<16xf32>
    %mul3A_1993 = arith.mulf %gather3A_1874, %add3A_1992 : vector<16xf32>
    %add3A_1994 = arith.addf %add3A_1979, %mul3A_1993 : vector<16xf32>
    %get3A_1995 = arith.constant 26 : i32
    %get3A_1996 = arith.index_cast %get3A_1995 : i32 to index
    %get3A_1997 = arith.constant 0 : index
    %get3A_1998 = tpu.vector_load %arg9[%get3A_1996, %get3A_1997] {strides = array<i32>} : memref<32x128xf32, #tpu.memory_space<vmem>>, vector<1x16xf32>,
    %get3A_1999 = vector.shape_cast %get3A_1998 : vector<1x16xf32> to vector<16xf32>
    %get3A_2000 = arith.constant 26 : i32
    %get3A_2001 = arith.index_cast %get3A_2000 : i32 to index
    %get3A_2002 = arith.constant 64 : index
    %get3A_2003 = tpu.vector_load %arg9[%get3A_2001, %get3A_2002] {strides = array<i32>} : memref<32x128xf32, #tpu.memory_space<vmem>>, vector<1x16xf32>,
    %get3A_2004 = vector.shape_cast %get3A_2003 : vector<1x16xf32> to vector<16xf32>
    %sub3A_2005 = arith.subf %get3A_2004, %get3A_1999 : vector<16xf32>
    %mul3A_2006 = arith.mulf %convert_element_type3A_1922, %sub3A_2005 : vector<16xf32>
    %add3A_2007 = arith.addf %get3A_1999, %mul3A_2006 : vector<16xf32>
    %mul3A_2008 = arith.mulf %gather3A_1878, %add3A_2007 : vector<16xf32>
    %add3A_2009 = arith.addf %add3A_1994, %mul3A_2008 : vector<16xf32>
    %get3A_2010 = arith.constant 27 : i32
    %get3A_2011 = arith.index_cast %get3A_2010 : i32 to index
    %get3A_2012 = arith.constant 0 : index
    %get3A_2013 = tpu.vector_load %arg9[%get3A_2011, %get3A_2012] {strides = array<i32>} : memref<32x128xf32, #tpu.memory_space<vmem>>, vector<1x16xf32>,
    %get3A_2014 = vector.shape_cast %get3A_2013 : vector<1x16xf32> to vector<16xf32>
    %get3A_2015 = arith.constant 27 : i32
    %get3A_2016 = arith.index_cast %get3A_2015 : i32 to index
    %get3A_2017 = arith.constant 64 : index
    %get3A_2018 = tpu.vector_load %arg9[%get3A_2016, %get3A_2017] {strides = array<i32>} : memref<32x128xf32, #tpu.memory_space<vmem>>, vector<1x16xf32>,
    %get3A_2019 = vector.shape_cast %get3A_2018 : vector<1x16xf32> to vector<16xf32>
    %sub3A_2020 = arith.subf %get3A_2019, %get3A_2014 : vector<16xf32>
    %mul3A_2021 = arith.mulf %convert_element_type3A_1930, %sub3A_2020 : vector<16xf32>
    %add3A_2022 = arith.addf %get3A_2014, %mul3A_2021 : vector<16xf32>
    %mul3A_2023 = arith.mulf %gather3A_1882, %add3A_2022 : vector<16xf32>
    %add3A_2024 = arith.addf %add3A_2009, %mul3A_2023 : vector<16xf32>
    %get3A_2025 = arith.constant 28 : i32
    %get3A_2026 = arith.index_cast %get3A_2025 : i32 to index
    %get3A_2027 = arith.constant 0 : index
    %get3A_2028 = tpu.vector_load %arg9[%get3A_2026, %get3A_2027] {strides = array<i32>} : memref<32x128xf32, #tpu.memory_space<vmem>>, vector<1x16xf32>,
    %get3A_2029 = vector.shape_cast %get3A_2028 : vector<1x16xf32> to vector<16xf32>
    %get3A_2030 = arith.constant 28 : i32
    %get3A_2031 = arith.index_cast %get3A_2030 : i32 to index
    %get3A_2032 = arith.constant 64 : index
    %get3A_2033 = tpu.vector_load %arg9[%get3A_2031, %get3A_2032] {strides = array<i32>} : memref<32x128xf32, #tpu.memory_space<vmem>>, vector<1x16xf32>,
    %get3A_2034 = vector.shape_cast %get3A_2033 : vector<1x16xf32> to vector<16xf32>
    %sub3A_2035 = arith.subf %get3A_2034, %get3A_2029 : vector<16xf32>
    %mul3A_2036 = arith.mulf %convert_element_type3A_1938, %sub3A_2035 : vector<16xf32>
    %add3A_2037 = arith.addf %get3A_2029, %mul3A_2036 : vector<16xf32>
    %mul3A_2038 = arith.mulf %gather3A_1886, %add3A_2037 : vector<16xf32>
    %add3A_2039 = arith.addf %add3A_2024, %mul3A_2038 : vector<16xf32>
    %get3A_2040 = arith.constant 29 : i32
    %get3A_2041 = arith.index_cast %get3A_2040 : i32 to index
    %get3A_2042 = arith.constant 0 : index
    %get3A_2043 = tpu.vector_load %arg9[%get3A_2041, %get3A_2042] {strides = array<i32>} : memref<32x128xf32, #tpu.memory_space<vmem>>, vector<1x16xf32>,
    %get3A_2044 = vector.shape_cast %get3A_2043 : vector<1x16xf32> to vector<16xf32>
    %get3A_2045 = arith.constant 29 : i32
    %get3A_2046 = arith.index_cast %get3A_2045 : i32 to index
    %get3A_2047 = arith.constant 64 : index
    %get3A_2048 = tpu.vector_load %arg9[%get3A_2046, %get3A_2047] {strides = array<i32>} : memref<32x128xf32, #tpu.memory_space<vmem>>, vector<1x16xf32>,
    %get3A_2049 = vector.shape_cast %get3A_2048 : vector<1x16xf32> to vector<16xf32>
    %sub3A_2050 = arith.subf %get3A_2049, %get3A_2044 : vector<16xf32>
    %mul3A_2051 = arith.mulf %convert_element_type3A_1946, %sub3A_2050 : vector<16xf32>
    %add3A_2052 = arith.addf %get3A_2044, %mul3A_2051 : vector<16xf32>
    %mul3A_2053 = arith.mulf %gather3A_1890, %add3A_2052 : vector<16xf32>
    %add3A_2054 = arith.addf %add3A_2039, %mul3A_2053 : vector<16xf32>
    %get3A_2055 = arith.constant 30 : i32
    %get3A_2056 = arith.index_cast %get3A_2055 : i32 to index
    %get3A_2057 = arith.constant 0 : index
    %get3A_2058 = tpu.vector_load %arg9[%get3A_2056, %get3A_2057] {strides = array<i32>} : memref<32x128xf32, #tpu.memory_space<vmem>>, vector<1x16xf32>,
    %get3A_2059 = vector.shape_cast %get3A_2058 : vector<1x16xf32> to vector<16xf32>
    %get3A_2060 = arith.constant 30 : i32
    %get3A_2061 = arith.index_cast %get3A_2060 : i32 to index
    %get3A_2062 = arith.constant 64 : index
    %get3A_2063 = tpu.vector_load %arg9[%get3A_2061, %get3A_2062] {strides = array<i32>} : memref<32x128xf32, #tpu.memory_space<vmem>>, vector<1x16xf32>,
    %get3A_2064 = vector.shape_cast %get3A_2063 : vector<1x16xf32> to vector<16xf32>
    %sub3A_2065 = arith.subf %get3A_2064, %get3A_2059 : vector<16xf32>
    %mul3A_2066 = arith.mulf %convert_element_type3A_1954, %sub3A_2065 : vector<16xf32>
    %add3A_2067 = arith.addf %get3A_2059, %mul3A_2066 : vector<16xf32>
    %mul3A_2068 = arith.mulf %gather3A_1894, %add3A_2067 : vector<16xf32>
    %add3A_2069 = arith.addf %add3A_2054, %mul3A_2068 : vector<16xf32>
    %get3A_2070 = arith.constant 31 : i32
    %get3A_2071 = arith.index_cast %get3A_2070 : i32 to index
    %get3A_2072 = arith.constant 0 : index
    %get3A_2073 = tpu.vector_load %arg9[%get3A_2071, %get3A_2072] {strides = array<i32>} : memref<32x128xf32, #tpu.memory_space<vmem>>, vector<1x16xf32>,
    %get3A_2074 = vector.shape_cast %get3A_2073 : vector<1x16xf32> to vector<16xf32>
    %get3A_2075 = arith.constant 31 : i32
    %get3A_2076 = arith.index_cast %get3A_2075 : i32 to index
    %get3A_2077 = arith.constant 64 : index
    %get3A_2078 = tpu.vector_load %arg9[%get3A_2076, %get3A_2077] {strides = array<i32>} : memref<32x128xf32, #tpu.memory_space<vmem>>, vector<1x16xf32>,
    %get3A_2079 = vector.shape_cast %get3A_2078 : vector<1x16xf32> to vector<16xf32>
    %sub3A_2080 = arith.subf %get3A_2079, %get3A_2074 : vector<16xf32>
    %mul3A_2081 = arith.mulf %convert_element_type3A_1962, %sub3A_2080 : vector<16xf32>
    %add3A_2082 = arith.addf %get3A_2074, %mul3A_2081 : vector<16xf32>
    %mul3A_2083 = arith.mulf %gather3A_1898, %add3A_2082 : vector<16xf32>
    %add3A_2084 = arith.addf %add3A_2069, %mul3A_2083 : vector<16xf32>
    %swap3A_2085 = arith.constant 3 : i32
    %swap3A_2086 = arith.index_cast %swap3A_2085 : i32 to index
    %swap3A_2087 = arith.constant 0 : index
    %swap3A_2088 = tpu.vector_load %arg10[%swap3A_2086, %swap3A_2087] {strides = array<i32>} : memref<4x64xf32, #tpu.memory_space<vmem>>, vector<1x16xf32>,
    %swap3A_2089 = vector.shape_cast %swap3A_2088 : vector<1x16xf32> to vector<16xf32>
    %swap3A_2090 = vector.shape_cast %add3A_2084 : vector<16xf32> to vector<1x16xf32>
    tpu.vector_store %arg10[%swap3A_2086, %swap3A_2087], %swap3A_2090 {strides = array<i32>} : memref<4x64xf32, #tpu.memory_space<vmem>>, vector<1x16xf32>,
    %broadcast_in_dim3A_2091 = arith.constant 0.000000e+00 : f32
    %broadcast_in_dim3A_2092 = vector.broadcast %broadcast_in_dim3A_2091 : f32 to vector<16xf32>
    %get3A_2093 = arith.constant 24 : i32
    %get3A_2094 = arith.index_cast %get3A_2093 : i32 to index
    %get3A_2095 = arith.constant 16 : index
    %get3A_2096 = tpu.vector_load %arg9[%get3A_2094, %get3A_2095] {strides = array<i32>} : memref<32x128xf32, #tpu.memory_space<vmem>>, vector<1x16xf32>,
    %get3A_2097 = vector.shape_cast %get3A_2096 : vector<1x16xf32> to vector<16xf32>
    %get3A_2098 = arith.constant 24 : i32
    %get3A_2099 = arith.index_cast %get3A_2098 : i32 to index
    %get3A_2100 = arith.constant 80 : index
    %get3A_2101 = tpu.vector_load %arg9[%get3A_2099, %get3A_2100] {strides = array<i32>} : memref<32x128xf32, #tpu.memory_space<vmem>>, vector<1x16xf32>,
    %get3A_2102 = vector.shape_cast %get3A_2101 : vector<1x16xf32> to vector<16xf32>
    %sub3A_2103 = arith.subf %get3A_2102, %get3A_2097 : vector<16xf32>
    %mul3A_2104 = arith.mulf %convert_element_type3A_1906, %sub3A_2103 : vector<16xf32>
    %add3A_2105 = arith.addf %get3A_2097, %mul3A_2104 : vector<16xf32>
    %mul3A_2106 = arith.mulf %gather3A_1870, %add3A_2105 : vector<16xf32>
    %add3A_2107 = arith.addf %broadcast_in_dim3A_2092, %mul3A_2106 : vector<16xf32>
    %get3A_2108 = arith.constant 25 : i32
    %get3A_2109 = arith.index_cast %get3A_2108 : i32 to index
    %get3A_2110 = arith.constant 16 : index
    %get3A_2111 = tpu.vector_load %arg9[%get3A_2109, %get3A_2110] {strides = array<i32>} : memref<32x128xf32, #tpu.memory_space<vmem>>, vector<1x16xf32>,
    %get3A_2112 = vector.shape_cast %get3A_2111 : vector<1x16xf32> to vector<16xf32>
    %get3A_2113 = arith.constant 25 : i32
    %get3A_2114 = arith.index_cast %get3A_2113 : i32 to index
    %get3A_2115 = arith.constant 80 : index
    %get3A_2116 = tpu.vector_load %arg9[%get3A_2114, %get3A_2115] {strides = array<i32>} : memref<32x128xf32, #tpu.memory_space<vmem>>, vector<1x16xf32>,
    %get3A_2117 = vector.shape_cast %get3A_2116 : vector<1x16xf32> to vector<16xf32>
    %sub3A_2118 = arith.subf %get3A_2117, %get3A_2112 : vector<16xf32>
    %mul3A_2119 = arith.mulf %convert_element_type3A_1914, %sub3A_2118 : vector<16xf32>
    %add3A_2120 = arith.addf %get3A_2112, %mul3A_2119 : vector<16xf32>
    %mul3A_2121 = arith.mulf %gather3A_1874, %add3A_2120 : vector<16xf32>
    %add3A_2122 = arith.addf %add3A_2107, %mul3A_2121 : vector<16xf32>
    %get3A_2123 = arith.constant 26 : i32
    %get3A_2124 = arith.index_cast %get3A_2123 : i32 to index
    %get3A_2125 = arith.constant 16 : index
    %get3A_2126 = tpu.vector_load %arg9[%get3A_2124, %get3A_2125] {strides = array<i32>} : memref<32x128xf32, #tpu.memory_space<vmem>>, vector<1x16xf32>,
    %get3A_2127 = vector.shape_cast %get3A_2126 : vector<1x16xf32> to vector<16xf32>
    %get3A_2128 = arith.constant 26 : i32
    %get3A_2129 = arith.index_cast %get3A_2128 : i32 to index
    %get3A_2130 = arith.constant 80 : index
    %get3A_2131 = tpu.vector_load %arg9[%get3A_2129, %get3A_2130] {strides = array<i32>} : memref<32x128xf32, #tpu.memory_space<vmem>>, vector<1x16xf32>,
    %get3A_2132 = vector.shape_cast %get3A_2131 : vector<1x16xf32> to vector<16xf32>
    %sub3A_2133 = arith.subf %get3A_2132, %get3A_2127 : vector<16xf32>
    %mul3A_2134 = arith.mulf %convert_element_type3A_1922, %sub3A_2133 : vector<16xf32>
    %add3A_2135 = arith.addf %get3A_2127, %mul3A_2134 : vector<16xf32>
    %mul3A_2136 = arith.mulf %gather3A_1878, %add3A_2135 : vector<16xf32>
    %add3A_2137 = arith.addf %add3A_2122, %mul3A_2136 : vector<16xf32>
    %get3A_2138 = arith.constant 27 : i32
    %get3A_2139 = arith.index_cast %get3A_2138 : i32 to index
    %get3A_2140 = arith.constant 16 : index
    %get3A_2141 = tpu.vector_load %arg9[%get3A_2139, %get3A_2140] {strides = array<i32>} : memref<32x128xf32, #tpu.memory_space<vmem>>, vector<1x16xf32>,
    %get3A_2142 = vector.shape_cast %get3A_2141 : vector<1x16xf32> to vector<16xf32>
    %get3A_2143 = arith.constant 27 : i32
    %get3A_2144 = arith.index_cast %get3A_2143 : i32 to index
    %get3A_2145 = arith.constant 80 : index
    %get3A_2146 = tpu.vector_load %arg9[%get3A_2144, %get3A_2145] {strides = array<i32>} : memref<32x128xf32, #tpu.memory_space<vmem>>, vector<1x16xf32>,
    %get3A_2147 = vector.shape_cast %get3A_2146 : vector<1x16xf32> to vector<16xf32>
    %sub3A_2148 = arith.subf %get3A_2147, %get3A_2142 : vector<16xf32>
    %mul3A_2149 = arith.mulf %convert_element_type3A_1930, %sub3A_2148 : vector<16xf32>
    %add3A_2150 = arith.addf %get3A_2142, %mul3A_2149 : vector<16xf32>
    %mul3A_2151 = arith.mulf %gather3A_1882, %add3A_2150 : vector<16xf32>
    %add3A_2152 = arith.addf %add3A_2137, %mul3A_2151 : vector<16xf32>
    %get3A_2153 = arith.constant 28 : i32
    %get3A_2154 = arith.index_cast %get3A_2153 : i32 to index
    %get3A_2155 = arith.constant 16 : index
    %get3A_2156 = tpu.vector_load %arg9[%get3A_2154, %get3A_2155] {strides = array<i32>} : memref<32x128xf32, #tpu.memory_space<vmem>>, vector<1x16xf32>,
    %get3A_2157 = vector.shape_cast %get3A_2156 : vector<1x16xf32> to vector<16xf32>
    %get3A_2158 = arith.constant 28 : i32
    %get3A_2159 = arith.index_cast %get3A_2158 : i32 to index
    %get3A_2160 = arith.constant 80 : index
    %get3A_2161 = tpu.vector_load %arg9[%get3A_2159, %get3A_2160] {strides = array<i32>} : memref<32x128xf32, #tpu.memory_space<vmem>>, vector<1x16xf32>,
    %get3A_2162 = vector.shape_cast %get3A_2161 : vector<1x16xf32> to vector<16xf32>
    %sub3A_2163 = arith.subf %get3A_2162, %get3A_2157 : vector<16xf32>
    %mul3A_2164 = arith.mulf %convert_element_type3A_1938, %sub3A_2163 : vector<16xf32>
    %add3A_2165 = arith.addf %get3A_2157, %mul3A_2164 : vector<16xf32>
    %mul3A_2166 = arith.mulf %gather3A_1886, %add3A_2165 : vector<16xf32>
    %add3A_2167 = arith.addf %add3A_2152, %mul3A_2166 : vector<16xf32>
    %get3A_2168 = arith.constant 29 : i32
    %get3A_2169 = arith.index_cast %get3A_2168 : i32 to index
    %get3A_2170 = arith.constant 16 : index
    %get3A_2171 = tpu.vector_load %arg9[%get3A_2169, %get3A_2170] {strides = array<i32>} : memref<32x128xf32, #tpu.memory_space<vmem>>, vector<1x16xf32>,
    %get3A_2172 = vector.shape_cast %get3A_2171 : vector<1x16xf32> to vector<16xf32>
    %get3A_2173 = arith.constant 29 : i32
    %get3A_2174 = arith.index_cast %get3A_2173 : i32 to index
    %get3A_2175 = arith.constant 80 : index
    %get3A_2176 = tpu.vector_load %arg9[%get3A_2174, %get3A_2175] {strides = array<i32>} : memref<32x128xf32, #tpu.memory_space<vmem>>, vector<1x16xf32>,
    %get3A_2177 = vector.shape_cast %get3A_2176 : vector<1x16xf32> to vector<16xf32>
    %sub3A_2178 = arith.subf %get3A_2177, %get3A_2172 : vector<16xf32>
    %mul3A_2179 = arith.mulf %convert_element_type3A_1946, %sub3A_2178 : vector<16xf32>
    %add3A_2180 = arith.addf %get3A_2172, %mul3A_2179 : vector<16xf32>
    %mul3A_2181 = arith.mulf %gather3A_1890, %add3A_2180 : vector<16xf32>
    %add3A_2182 = arith.addf %add3A_2167, %mul3A_2181 : vector<16xf32>
    %get3A_2183 = arith.constant 30 : i32
    %get3A_2184 = arith.index_cast %get3A_2183 : i32 to index
    %get3A_2185 = arith.constant 16 : index
    %get3A_2186 = tpu.vector_load %arg9[%get3A_2184, %get3A_2185] {strides = array<i32>} : memref<32x128xf32, #tpu.memory_space<vmem>>, vector<1x16xf32>,
    %get3A_2187 = vector.shape_cast %get3A_2186 : vector<1x16xf32> to vector<16xf32>
    %get3A_2188 = arith.constant 30 : i32
    %get3A_2189 = arith.index_cast %get3A_2188 : i32 to index
    %get3A_2190 = arith.constant 80 : index
    %get3A_2191 = tpu.vector_load %arg9[%get3A_2189, %get3A_2190] {strides = array<i32>} : memref<32x128xf32, #tpu.memory_space<vmem>>, vector<1x16xf32>,
    %get3A_2192 = vector.shape_cast %get3A_2191 : vector<1x16xf32> to vector<16xf32>
    %sub3A_2193 = arith.subf %get3A_2192, %get3A_2187 : vector<16xf32>
    %mul3A_2194 = arith.mulf %convert_element_type3A_1954, %sub3A_2193 : vector<16xf32>
    %add3A_2195 = arith.addf %get3A_2187, %mul3A_2194 : vector<16xf32>
    %mul3A_2196 = arith.mulf %gather3A_1894, %add3A_2195 : vector<16xf32>
    %add3A_2197 = arith.addf %add3A_2182, %mul3A_2196 : vector<16xf32>
    %get3A_2198 = arith.constant 31 : i32
    %get3A_2199 = arith.index_cast %get3A_2198 : i32 to index
    %get3A_2200 = arith.constant 16 : index
    %get3A_2201 = tpu.vector_load %arg9[%get3A_2199, %get3A_2200] {strides = array<i32>} : memref<32x128xf32, #tpu.memory_space<vmem>>, vector<1x16xf32>,
    %get3A_2202 = vector.shape_cast %get3A_2201 : vector<1x16xf32> to vector<16xf32>
    %get3A_2203 = arith.constant 31 : i32
    %get3A_2204 = arith.index_cast %get3A_2203 : i32 to index
    %get3A_2205 = arith.constant 80 : index
    %get3A_2206 = tpu.vector_load %arg9[%get3A_2204, %get3A_2205] {strides = array<i32>} : memref<32x128xf32, #tpu.memory_space<vmem>>, vector<1x16xf32>,
    %get3A_2207 = vector.shape_cast %get3A_2206 : vector<1x16xf32> to vector<16xf32>
    %sub3A_2208 = arith.subf %get3A_2207, %get3A_2202 : vector<16xf32>
    %mul3A_2209 = arith.mulf %convert_element_type3A_1962, %sub3A_2208 : vector<16xf32>
    %add3A_2210 = arith.addf %get3A_2202, %mul3A_2209 : vector<16xf32>
    %mul3A_2211 = arith.mulf %gather3A_1898, %add3A_2210 : vector<16xf32>
    %add3A_2212 = arith.addf %add3A_2197, %mul3A_2211 : vector<16xf32>
    %swap3A_2213 = arith.constant 3 : i32
    %swap3A_2214 = arith.index_cast %swap3A_2213 : i32 to index
    %swap3A_2215 = arith.constant 16 : index
    %swap3A_2216 = tpu.vector_load %arg10[%swap3A_2214, %swap3A_2215] {strides = array<i32>} : memref<4x64xf32, #tpu.memory_space<vmem>>, vector<1x16xf32>,
    %swap3A_2217 = vector.shape_cast %swap3A_2216 : vector<1x16xf32> to vector<16xf32>
    %swap3A_2218 = vector.shape_cast %add3A_2212 : vector<16xf32> to vector<1x16xf32>
    tpu.vector_store %arg10[%swap3A_2214, %swap3A_2215], %swap3A_2218 {strides = array<i32>} : memref<4x64xf32, #tpu.memory_space<vmem>>, vector<1x16xf32>,
    %broadcast_in_dim3A_2219 = arith.constant 0.000000e+00 : f32
    %broadcast_in_dim3A_2220 = vector.broadcast %broadcast_in_dim3A_2219 : f32 to vector<16xf32>
    %get3A_2221 = arith.constant 24 : i32
    %get3A_2222 = arith.index_cast %get3A_2221 : i32 to index
    %get3A_2223 = arith.constant 32 : index
    %get3A_2224 = tpu.vector_load %arg9[%get3A_2222, %get3A_2223] {strides = array<i32>} : memref<32x128xf32, #tpu.memory_space<vmem>>, vector<1x16xf32>,
    %get3A_2225 = vector.shape_cast %get3A_2224 : vector<1x16xf32> to vector<16xf32>
    %get3A_2226 = arith.constant 24 : i32
    %get3A_2227 = arith.index_cast %get3A_2226 : i32 to index
    %get3A_2228 = arith.constant 96 : index
    %get3A_2229 = tpu.vector_load %arg9[%get3A_2227, %get3A_2228] {strides = array<i32>} : memref<32x128xf32, #tpu.memory_space<vmem>>, vector<1x16xf32>,
    %get3A_2230 = vector.shape_cast %get3A_2229 : vector<1x16xf32> to vector<16xf32>
    %sub3A_2231 = arith.subf %get3A_2230, %get3A_2225 : vector<16xf32>
    %mul3A_2232 = arith.mulf %convert_element_type3A_1906, %sub3A_2231 : vector<16xf32>
    %add3A_2233 = arith.addf %get3A_2225, %mul3A_2232 : vector<16xf32>
    %mul3A_2234 = arith.mulf %gather3A_1870, %add3A_2233 : vector<16xf32>
    %add3A_2235 = arith.addf %broadcast_in_dim3A_2220, %mul3A_2234 : vector<16xf32>
    %get3A_2236 = arith.constant 25 : i32
    %get3A_2237 = arith.index_cast %get3A_2236 : i32 to index
    %get3A_2238 = arith.constant 32 : index
    %get3A_2239 = tpu.vector_load %arg9[%get3A_2237, %get3A_2238] {strides = array<i32>} : memref<32x128xf32, #tpu.memory_space<vmem>>, vector<1x16xf32>,
    %get3A_2240 = vector.shape_cast %get3A_2239 : vector<1x16xf32> to vector<16xf32>
    %get3A_2241 = arith.constant 25 : i32
    %get3A_2242 = arith.index_cast %get3A_2241 : i32 to index
    %get3A_2243 = arith.constant 96 : index
    %get3A_2244 = tpu.vector_load %arg9[%get3A_2242, %get3A_2243] {strides = array<i32>} : memref<32x128xf32, #tpu.memory_space<vmem>>, vector<1x16xf32>,
    %get3A_2245 = vector.shape_cast %get3A_2244 : vector<1x16xf32> to vector<16xf32>
    %sub3A_2246 = arith.subf %get3A_2245, %get3A_2240 : vector<16xf32>
    %mul3A_2247 = arith.mulf %convert_element_type3A_1914, %sub3A_2246 : vector<16xf32>
    %add3A_2248 = arith.addf %get3A_2240, %mul3A_2247 : vector<16xf32>
    %mul3A_2249 = arith.mulf %gather3A_1874, %add3A_2248 : vector<16xf32>
    %add3A_2250 = arith.addf %add3A_2235, %mul3A_2249 : vector<16xf32>
    %get3A_2251 = arith.constant 26 : i32
    %get3A_2252 = arith.index_cast %get3A_2251 : i32 to index
    %get3A_2253 = arith.constant 32 : index
    %get3A_2254 = tpu.vector_load %arg9[%get3A_2252, %get3A_2253] {strides = array<i32>} : memref<32x128xf32, #tpu.memory_space<vmem>>, vector<1x16xf32>,
    %get3A_2255 = vector.shape_cast %get3A_2254 : vector<1x16xf32> to vector<16xf32>
    %get3A_2256 = arith.constant 26 : i32
    %get3A_2257 = arith.index_cast %get3A_2256 : i32 to index
    %get3A_2258 = arith.constant 96 : index
    %get3A_2259 = tpu.vector_load %arg9[%get3A_2257, %get3A_2258] {strides = array<i32>} : memref<32x128xf32, #tpu.memory_space<vmem>>, vector<1x16xf32>,
    %get3A_2260 = vector.shape_cast %get3A_2259 : vector<1x16xf32> to vector<16xf32>
    %sub3A_2261 = arith.subf %get3A_2260, %get3A_2255 : vector<16xf32>
    %mul3A_2262 = arith.mulf %convert_element_type3A_1922, %sub3A_2261 : vector<16xf32>
    %add3A_2263 = arith.addf %get3A_2255, %mul3A_2262 : vector<16xf32>
    %mul3A_2264 = arith.mulf %gather3A_1878, %add3A_2263 : vector<16xf32>
    %add3A_2265 = arith.addf %add3A_2250, %mul3A_2264 : vector<16xf32>
    %get3A_2266 = arith.constant 27 : i32
    %get3A_2267 = arith.index_cast %get3A_2266 : i32 to index
    %get3A_2268 = arith.constant 32 : index
    %get3A_2269 = tpu.vector_load %arg9[%get3A_2267, %get3A_2268] {strides = array<i32>} : memref<32x128xf32, #tpu.memory_space<vmem>>, vector<1x16xf32>,
    %get3A_2270 = vector.shape_cast %get3A_2269 : vector<1x16xf32> to vector<16xf32>
    %get3A_2271 = arith.constant 27 : i32
    %get3A_2272 = arith.index_cast %get3A_2271 : i32 to index
    %get3A_2273 = arith.constant 96 : index
    %get3A_2274 = tpu.vector_load %arg9[%get3A_2272, %get3A_2273] {strides = array<i32>} : memref<32x128xf32, #tpu.memory_space<vmem>>, vector<1x16xf32>,
    %get3A_2275 = vector.shape_cast %get3A_2274 : vector<1x16xf32> to vector<16xf32>
    %sub3A_2276 = arith.subf %get3A_2275, %get3A_2270 : vector<16xf32>
    %mul3A_2277 = arith.mulf %convert_element_type3A_1930, %sub3A_2276 : vector<16xf32>
    %add3A_2278 = arith.addf %get3A_2270, %mul3A_2277 : vector<16xf32>
    %mul3A_2279 = arith.mulf %gather3A_1882, %add3A_2278 : vector<16xf32>
    %add3A_2280 = arith.addf %add3A_2265, %mul3A_2279 : vector<16xf32>
    %get3A_2281 = arith.constant 28 : i32
    %get3A_2282 = arith.index_cast %get3A_2281 : i32 to index
    %get3A_2283 = arith.constant 32 : index
    %get3A_2284 = tpu.vector_load %arg9[%get3A_2282, %get3A_2283] {strides = array<i32>} : memref<32x128xf32, #tpu.memory_space<vmem>>, vector<1x16xf32>,
    %get3A_2285 = vector.shape_cast %get3A_2284 : vector<1x16xf32> to vector<16xf32>
    %get3A_2286 = arith.constant 28 : i32
    %get3A_2287 = arith.index_cast %get3A_2286 : i32 to index
    %get3A_2288 = arith.constant 96 : index
    %get3A_2289 = tpu.vector_load %arg9[%get3A_2287, %get3A_2288] {strides = array<i32>} : memref<32x128xf32, #tpu.memory_space<vmem>>, vector<1x16xf32>,
    %get3A_2290 = vector.shape_cast %get3A_2289 : vector<1x16xf32> to vector<16xf32>
    %sub3A_2291 = arith.subf %get3A_2290, %get3A_2285 : vector<16xf32>
    %mul3A_2292 = arith.mulf %convert_element_type3A_1938, %sub3A_2291 : vector<16xf32>
    %add3A_2293 = arith.addf %get3A_2285, %mul3A_2292 : vector<16xf32>
    %mul3A_2294 = arith.mulf %gather3A_1886, %add3A_2293 : vector<16xf32>
    %add3A_2295 = arith.addf %add3A_2280, %mul3A_2294 : vector<16xf32>
    %get3A_2296 = arith.constant 29 : i32
    %get3A_2297 = arith.index_cast %get3A_2296 : i32 to index
    %get3A_2298 = arith.constant 32 : index
    %get3A_2299 = tpu.vector_load %arg9[%get3A_2297, %get3A_2298] {strides = array<i32>} : memref<32x128xf32, #tpu.memory_space<vmem>>, vector<1x16xf32>,
    %get3A_2300 = vector.shape_cast %get3A_2299 : vector<1x16xf32> to vector<16xf32>
    %get3A_2301 = arith.constant 29 : i32
    %get3A_2302 = arith.index_cast %get3A_2301 : i32 to index
    %get3A_2303 = arith.constant 96 : index
    %get3A_2304 = tpu.vector_load %arg9[%get3A_2302, %get3A_2303] {strides = array<i32>} : memref<32x128xf32, #tpu.memory_space<vmem>>, vector<1x16xf32>,
    %get3A_2305 = vector.shape_cast %get3A_2304 : vector<1x16xf32> to vector<16xf32>
    %sub3A_2306 = arith.subf %get3A_2305, %get3A_2300 : vector<16xf32>
    %mul3A_2307 = arith.mulf %convert_element_type3A_1946, %sub3A_2306 : vector<16xf32>
    %add3A_2308 = arith.addf %get3A_2300, %mul3A_2307 : vector<16xf32>
    %mul3A_2309 = arith.mulf %gather3A_1890, %add3A_2308 : vector<16xf32>
    %add3A_2310 = arith.addf %add3A_2295, %mul3A_2309 : vector<16xf32>
    %get3A_2311 = arith.constant 30 : i32
    %get3A_2312 = arith.index_cast %get3A_2311 : i32 to index
    %get3A_2313 = arith.constant 32 : index
    %get3A_2314 = tpu.vector_load %arg9[%get3A_2312, %get3A_2313] {strides = array<i32>} : memref<32x128xf32, #tpu.memory_space<vmem>>, vector<1x16xf32>,
    %get3A_2315 = vector.shape_cast %get3A_2314 : vector<1x16xf32> to vector<16xf32>
    %get3A_2316 = arith.constant 30 : i32
    %get3A_2317 = arith.index_cast %get3A_2316 : i32 to index
    %get3A_2318 = arith.constant 96 : index
    %get3A_2319 = tpu.vector_load %arg9[%get3A_2317, %get3A_2318] {strides = array<i32>} : memref<32x128xf32, #tpu.memory_space<vmem>>, vector<1x16xf32>,
    %get3A_2320 = vector.shape_cast %get3A_2319 : vector<1x16xf32> to vector<16xf32>
    %sub3A_2321 = arith.subf %get3A_2320, %get3A_2315 : vector<16xf32>
    %mul3A_2322 = arith.mulf %convert_element_type3A_1954, %sub3A_2321 : vector<16xf32>
    %add3A_2323 = arith.addf %get3A_2315, %mul3A_2322 : vector<16xf32>
    %mul3A_2324 = arith.mulf %gather3A_1894, %add3A_2323 : vector<16xf32>
    %add3A_2325 = arith.addf %add3A_2310, %mul3A_2324 : vector<16xf32>
    %get3A_2326 = arith.constant 31 : i32
    %get3A_2327 = arith.index_cast %get3A_2326 : i32 to index
    %get3A_2328 = arith.constant 32 : index
    %get3A_2329 = tpu.vector_load %arg9[%get3A_2327, %get3A_2328] {strides = array<i32>} : memref<32x128xf32, #tpu.memory_space<vmem>>, vector<1x16xf32>,
    %get3A_2330 = vector.shape_cast %get3A_2329 : vector<1x16xf32> to vector<16xf32>
    %get3A_2331 = arith.constant 31 : i32
    %get3A_2332 = arith.index_cast %get3A_2331 : i32 to index
    %get3A_2333 = arith.constant 96 : index
    %get3A_2334 = tpu.vector_load %arg9[%get3A_2332, %get3A_2333] {strides = array<i32>} : memref<32x128xf32, #tpu.memory_space<vmem>>, vector<1x16xf32>,
    %get3A_2335 = vector.shape_cast %get3A_2334 : vector<1x16xf32> to vector<16xf32>
    %sub3A_2336 = arith.subf %get3A_2335, %get3A_2330 : vector<16xf32>
    %mul3A_2337 = arith.mulf %convert_element_type3A_1962, %sub3A_2336 : vector<16xf32>
    %add3A_2338 = arith.addf %get3A_2330, %mul3A_2337 : vector<16xf32>
    %mul3A_2339 = arith.mulf %gather3A_1898, %add3A_2338 : vector<16xf32>
    %add3A_2340 = arith.addf %add3A_2325, %mul3A_2339 : vector<16xf32>
    %swap3A_2341 = arith.constant 3 : i32
    %swap3A_2342 = arith.index_cast %swap3A_2341 : i32 to index
    %swap3A_2343 = arith.constant 32 : index
    %swap3A_2344 = tpu.vector_load %arg10[%swap3A_2342, %swap3A_2343] {strides = array<i32>} : memref<4x64xf32, #tpu.memory_space<vmem>>, vector<1x16xf32>,
    %swap3A_2345 = vector.shape_cast %swap3A_2344 : vector<1x16xf32> to vector<16xf32>
    %swap3A_2346 = vector.shape_cast %add3A_2340 : vector<16xf32> to vector<1x16xf32>
    tpu.vector_store %arg10[%swap3A_2342, %swap3A_2343], %swap3A_2346 {strides = array<i32>} : memref<4x64xf32, #tpu.memory_space<vmem>>, vector<1x16xf32>,
    %broadcast_in_dim3A_2347 = arith.constant 0.000000e+00 : f32
    %broadcast_in_dim3A_2348 = vector.broadcast %broadcast_in_dim3A_2347 : f32 to vector<16xf32>
    %get3A_2349 = arith.constant 24 : i32
    %get3A_2350 = arith.index_cast %get3A_2349 : i32 to index
    %get3A_2351 = arith.constant 48 : index
    %get3A_2352 = tpu.vector_load %arg9[%get3A_2350, %get3A_2351] {strides = array<i32>} : memref<32x128xf32, #tpu.memory_space<vmem>>, vector<1x16xf32>,
    %get3A_2353 = vector.shape_cast %get3A_2352 : vector<1x16xf32> to vector<16xf32>
    %get3A_2354 = arith.constant 24 : i32
    %get3A_2355 = arith.index_cast %get3A_2354 : i32 to index
    %get3A_2356 = arith.constant 112 : index
    %get3A_2357 = tpu.vector_load %arg9[%get3A_2355, %get3A_2356] {strides = array<i32>} : memref<32x128xf32, #tpu.memory_space<vmem>>, vector<1x16xf32>,
    %get3A_2358 = vector.shape_cast %get3A_2357 : vector<1x16xf32> to vector<16xf32>
    %sub3A_2359 = arith.subf %get3A_2358, %get3A_2353 : vector<16xf32>
    %mul3A_2360 = arith.mulf %convert_element_type3A_1906, %sub3A_2359 : vector<16xf32>
    %add3A_2361 = arith.addf %get3A_2353, %mul3A_2360 : vector<16xf32>
    %mul3A_2362 = arith.mulf %gather3A_1870, %add3A_2361 : vector<16xf32>
    %add3A_2363 = arith.addf %broadcast_in_dim3A_2348, %mul3A_2362 : vector<16xf32>
    %get3A_2364 = arith.constant 25 : i32
    %get3A_2365 = arith.index_cast %get3A_2364 : i32 to index
    %get3A_2366 = arith.constant 48 : index
    %get3A_2367 = tpu.vector_load %arg9[%get3A_2365, %get3A_2366] {strides = array<i32>} : memref<32x128xf32, #tpu.memory_space<vmem>>, vector<1x16xf32>,
    %get3A_2368 = vector.shape_cast %get3A_2367 : vector<1x16xf32> to vector<16xf32>
    %get3A_2369 = arith.constant 25 : i32
    %get3A_2370 = arith.index_cast %get3A_2369 : i32 to index
    %get3A_2371 = arith.constant 112 : index
    %get3A_2372 = tpu.vector_load %arg9[%get3A_2370, %get3A_2371] {strides = array<i32>} : memref<32x128xf32, #tpu.memory_space<vmem>>, vector<1x16xf32>,
    %get3A_2373 = vector.shape_cast %get3A_2372 : vector<1x16xf32> to vector<16xf32>
    %sub3A_2374 = arith.subf %get3A_2373, %get3A_2368 : vector<16xf32>
    %mul3A_2375 = arith.mulf %convert_element_type3A_1914, %sub3A_2374 : vector<16xf32>
    %add3A_2376 = arith.addf %get3A_2368, %mul3A_2375 : vector<16xf32>
    %mul3A_2377 = arith.mulf %gather3A_1874, %add3A_2376 : vector<16xf32>
    %add3A_2378 = arith.addf %add3A_2363, %mul3A_2377 : vector<16xf32>
    %get3A_2379 = arith.constant 26 : i32
    %get3A_2380 = arith.index_cast %get3A_2379 : i32 to index
    %get3A_2381 = arith.constant 48 : index
    %get3A_2382 = tpu.vector_load %arg9[%get3A_2380, %get3A_2381] {strides = array<i32>} : memref<32x128xf32, #tpu.memory_space<vmem>>, vector<1x16xf32>,
    %get3A_2383 = vector.shape_cast %get3A_2382 : vector<1x16xf32> to vector<16xf32>
    %get3A_2384 = arith.constant 26 : i32
    %get3A_2385 = arith.index_cast %get3A_2384 : i32 to index
    %get3A_2386 = arith.constant 112 : index
    %get3A_2387 = tpu.vector_load %arg9[%get3A_2385, %get3A_2386] {strides = array<i32>} : memref<32x128xf32, #tpu.memory_space<vmem>>, vector<1x16xf32>,
    %get3A_2388 = vector.shape_cast %get3A_2387 : vector<1x16xf32> to vector<16xf32>
    %sub3A_2389 = arith.subf %get3A_2388, %get3A_2383 : vector<16xf32>
    %mul3A_2390 = arith.mulf %convert_element_type3A_1922, %sub3A_2389 : vector<16xf32>
    %add3A_2391 = arith.addf %get3A_2383, %mul3A_2390 : vector<16xf32>
    %mul3A_2392 = arith.mulf %gather3A_1878, %add3A_2391 : vector<16xf32>
    %add3A_2393 = arith.addf %add3A_2378, %mul3A_2392 : vector<16xf32>
    %get3A_2394 = arith.constant 27 : i32
    %get3A_2395 = arith.index_cast %get3A_2394 : i32 to index
    %get3A_2396 = arith.constant 48 : index
    %get3A_2397 = tpu.vector_load %arg9[%get3A_2395, %get3A_2396] {strides = array<i32>} : memref<32x128xf32, #tpu.memory_space<vmem>>, vector<1x16xf32>,
    %get3A_2398 = vector.shape_cast %get3A_2397 : vector<1x16xf32> to vector<16xf32>
    %get3A_2399 = arith.constant 27 : i32
    %get3A_2400 = arith.index_cast %get3A_2399 : i32 to index
    %get3A_2401 = arith.constant 112 : index
    %get3A_2402 = tpu.vector_load %arg9[%get3A_2400, %get3A_2401] {strides = array<i32>} : memref<32x128xf32, #tpu.memory_space<vmem>>, vector<1x16xf32>,
    %get3A_2403 = vector.shape_cast %get3A_2402 : vector<1x16xf32> to vector<16xf32>
    %sub3A_2404 = arith.subf %get3A_2403, %get3A_2398 : vector<16xf32>
    %mul3A_2405 = arith.mulf %convert_element_type3A_1930, %sub3A_2404 : vector<16xf32>
    %add3A_2406 = arith.addf %get3A_2398, %mul3A_2405 : vector<16xf32>
    %mul3A_2407 = arith.mulf %gather3A_1882, %add3A_2406 : vector<16xf32>
    %add3A_2408 = arith.addf %add3A_2393, %mul3A_2407 : vector<16xf32>
    %get3A_2409 = arith.constant 28 : i32
    %get3A_2410 = arith.index_cast %get3A_2409 : i32 to index
    %get3A_2411 = arith.constant 48 : index
    %get3A_2412 = tpu.vector_load %arg9[%get3A_2410, %get3A_2411] {strides = array<i32>} : memref<32x128xf32, #tpu.memory_space<vmem>>, vector<1x16xf32>,
    %get3A_2413 = vector.shape_cast %get3A_2412 : vector<1x16xf32> to vector<16xf32>
    %get3A_2414 = arith.constant 28 : i32
    %get3A_2415 = arith.index_cast %get3A_2414 : i32 to index
    %get3A_2416 = arith.constant 112 : index
    %get3A_2417 = tpu.vector_load %arg9[%get3A_2415, %get3A_2416] {strides = array<i32>} : memref<32x128xf32, #tpu.memory_space<vmem>>, vector<1x16xf32>,
    %get3A_2418 = vector.shape_cast %get3A_2417 : vector<1x16xf32> to vector<16xf32>
    %sub3A_2419 = arith.subf %get3A_2418, %get3A_2413 : vector<16xf32>
    %mul3A_2420 = arith.mulf %convert_element_type3A_1938, %sub3A_2419 : vector<16xf32>
    %add3A_2421 = arith.addf %get3A_2413, %mul3A_2420 : vector<16xf32>
    %mul3A_2422 = arith.mulf %gather3A_1886, %add3A_2421 : vector<16xf32>
    %add3A_2423 = arith.addf %add3A_2408, %mul3A_2422 : vector<16xf32>
    %get3A_2424 = arith.constant 29 : i32
    %get3A_2425 = arith.index_cast %get3A_2424 : i32 to index
    %get3A_2426 = arith.constant 48 : index
    %get3A_2427 = tpu.vector_load %arg9[%get3A_2425, %get3A_2426] {strides = array<i32>} : memref<32x128xf32, #tpu.memory_space<vmem>>, vector<1x16xf32>,
    %get3A_2428 = vector.shape_cast %get3A_2427 : vector<1x16xf32> to vector<16xf32>
    %get3A_2429 = arith.constant 29 : i32
    %get3A_2430 = arith.index_cast %get3A_2429 : i32 to index
    %get3A_2431 = arith.constant 112 : index
    %get3A_2432 = tpu.vector_load %arg9[%get3A_2430, %get3A_2431] {strides = array<i32>} : memref<32x128xf32, #tpu.memory_space<vmem>>, vector<1x16xf32>,
    %get3A_2433 = vector.shape_cast %get3A_2432 : vector<1x16xf32> to vector<16xf32>
    %sub3A_2434 = arith.subf %get3A_2433, %get3A_2428 : vector<16xf32>
    %mul3A_2435 = arith.mulf %convert_element_type3A_1946, %sub3A_2434 : vector<16xf32>
    %add3A_2436 = arith.addf %get3A_2428, %mul3A_2435 : vector<16xf32>
    %mul3A_2437 = arith.mulf %gather3A_1890, %add3A_2436 : vector<16xf32>
    %add3A_2438 = arith.addf %add3A_2423, %mul3A_2437 : vector<16xf32>
    %get3A_2439 = arith.constant 30 : i32
    %get3A_2440 = arith.index_cast %get3A_2439 : i32 to index
    %get3A_2441 = arith.constant 48 : index
    %get3A_2442 = tpu.vector_load %arg9[%get3A_2440, %get3A_2441] {strides = array<i32>} : memref<32x128xf32, #tpu.memory_space<vmem>>, vector<1x16xf32>,
    %get3A_2443 = vector.shape_cast %get3A_2442 : vector<1x16xf32> to vector<16xf32>
    %get3A_2444 = arith.constant 30 : i32
    %get3A_2445 = arith.index_cast %get3A_2444 : i32 to index
    %get3A_2446 = arith.constant 112 : index
    %get3A_2447 = tpu.vector_load %arg9[%get3A_2445, %get3A_2446] {strides = array<i32>} : memref<32x128xf32, #tpu.memory_space<vmem>>, vector<1x16xf32>,
    %get3A_2448 = vector.shape_cast %get3A_2447 : vector<1x16xf32> to vector<16xf32>
    %sub3A_2449 = arith.subf %get3A_2448, %get3A_2443 : vector<16xf32>
    %mul3A_2450 = arith.mulf %convert_element_type3A_1954, %sub3A_2449 : vector<16xf32>
    %add3A_2451 = arith.addf %get3A_2443, %mul3A_2450 : vector<16xf32>
    %mul3A_2452 = arith.mulf %gather3A_1894, %add3A_2451 : vector<16xf32>
    %add3A_2453 = arith.addf %add3A_2438, %mul3A_2452 : vector<16xf32>
    %get3A_2454 = arith.constant 31 : i32
    %get3A_2455 = arith.index_cast %get3A_2454 : i32 to index
    %get3A_2456 = arith.constant 48 : index
    %get3A_2457 = tpu.vector_load %arg9[%get3A_2455, %get3A_2456] {strides = array<i32>} : memref<32x128xf32, #tpu.memory_space<vmem>>, vector<1x16xf32>,
    %get3A_2458 = vector.shape_cast %get3A_2457 : vector<1x16xf32> to vector<16xf32>
    %get3A_2459 = arith.constant 31 : i32
    %get3A_2460 = arith.index_cast %get3A_2459 : i32 to index
    %get3A_2461 = arith.constant 112 : index
    %get3A_2462 = tpu.vector_load %arg9[%get3A_2460, %get3A_2461] {strides = array<i32>} : memref<32x128xf32, #tpu.memory_space<vmem>>, vector<1x16xf32>,
    %get3A_2463 = vector.shape_cast %get3A_2462 : vector<1x16xf32> to vector<16xf32>
    %sub3A_2464 = arith.subf %get3A_2463, %get3A_2458 : vector<16xf32>
    %mul3A_2465 = arith.mulf %convert_element_type3A_1962, %sub3A_2464 : vector<16xf32>
    %add3A_2466 = arith.addf %get3A_2458, %mul3A_2465 : vector<16xf32>
    %mul3A_2467 = arith.mulf %gather3A_1898, %add3A_2466 : vector<16xf32>
    %add3A_2468 = arith.addf %add3A_2453, %mul3A_2467 : vector<16xf32>
    %swap3A_2469 = arith.constant 3 : i32
    %swap3A_2470 = arith.index_cast %swap3A_2469 : i32 to index
    %swap3A_2471 = arith.constant 48 : index
    %swap3A_2472 = tpu.vector_load %arg10[%swap3A_2470, %swap3A_2471] {strides = array<i32>} : memref<4x64xf32, #tpu.memory_space<vmem>>, vector<1x16xf32>,
    %swap3A_2473 = vector.shape_cast %swap3A_2472 : vector<1x16xf32> to vector<16xf32>
    %swap3A_2474 = vector.shape_cast %add3A_2468 : vector<16xf32> to vector<1x16xf32>
    tpu.vector_store %arg10[%swap3A_2470, %swap3A_2471], %swap3A_2474 {strides = array<i32>} : memref<4x64xf32, #tpu.memory_space<vmem>>, vector<1x16xf32>,
    %mul3A_2475 = arith.constant 4 : i32
    %mul3A_2476 = arith.muli %add3A, %mul3A_2475 : i32
    "tpu.region"() ({
      %run_scoped3A = tpu.sem_alloc : memref<!tpu.dma_semaphore, #tpu.memory_space<semaphore_mem>>
      %dma_start3A_2477 = arith.constant 0 : i32
      %dma_start3A_2478 = tpu.memref_slice %arg5[%mul3A_2476, %dma_start3A_2477] : memref<128x64xf32, #tpu.memory_space<hbm>> -> memref<4x64xf32, #tpu.memory_space<hbm>>
      %dma_start3A_2479 = arith.constant 0 : i32
      %dma_start3A_2480 = tpu.memref_slice %arg5[%mul3A_2476, %dma_start3A_2479] : memref<128x64xf32, #tpu.memory_space<hbm>> -> memref<4x64xf32, #tpu.memory_space<hbm>>
      tpu.enqueue_dma source(%arg10 : memref<4x64xf32, #tpu.memory_space<vmem>>) target(%dma_start3A_2480 : memref<4x64xf32, #tpu.memory_space<hbm>>) target_semaphore(%run_scoped3A : memref<!tpu.dma_semaphore, #tpu.memory_space<semaphore_mem>>)
      %dma_wait3A_2481 = arith.constant 0 : i32
      %dma_wait3A_2482 = tpu.memref_slice %arg5[%mul3A_2476, %dma_wait3A_2481] : memref<128x64xf32, #tpu.memory_space<hbm>> -> memref<4x64xf32, #tpu.memory_space<hbm>>
      %dma_wait3A_2483 = arith.constant 0 : i32
      %dma_wait3A_2484 = tpu.memref_slice %arg5[%mul3A_2476, %dma_wait3A_2483] : memref<128x64xf32, #tpu.memory_space<hbm>> -> memref<4x64xf32, #tpu.memory_space<hbm>>
      tpu.wait_dma2 semaphore(%run_scoped3A : memref<!tpu.dma_semaphore, #tpu.memory_space<semaphore_mem>>) src(%arg10 : memref<4x64xf32, #tpu.memory_space<vmem>>) dst(%dma_wait3A_2484 : memref<4x64xf32, #tpu.memory_space<hbm>>)
      tpu.yield
    }) : () -> ()
    return
  }
}

module attributes {stable_mosaic.version = 14 : i64} {
  func.func @_topk_body(%arg0: i32, %arg1: memref<128x64xf32, #tpu.memory_space<vmem>>, %arg2: memref<8192x64xf32, #tpu.memory_space<vmem>>, %arg3: memref<128x8xf32, #tpu.memory_space<vmem>>, %arg4: memref<128x8xi32, #tpu.memory_space<vmem>>, %arg5: memref<128x8xf32, #tpu.memory_space<vmem>>, %arg6: memref<128x8192xf32, #tpu.memory_space<vmem>>, %arg7: memref<128x8xf32, #tpu.memory_space<vmem>>, %arg8: memref<128x8xi32, #tpu.memory_space<vmem>>) attributes {dimension_semantics = [#tpu.dimension_semantics<arbitrary>], iteration_bounds = array<i64: 123>, scalar_prefetch = 0 : i64, scratch_operands = 3 : i64, tpu.core_type = #tpu.core_type<tc>, window_params = [{pipeline_mode = #tpu.pipeline_mode<synchronous>, transform_indices = @transform_0, window_bounds = array<i64: 128, 64>}, {transform_indices = @transform_1, window_bounds = array<i64: 8192, 64>}, {pipeline_mode = #tpu.pipeline_mode<synchronous>, transform_indices = @transform_2, window_bounds = array<i64: 128, 8>}, {pipeline_mode = #tpu.pipeline_mode<synchronous>, transform_indices = @transform_3, window_bounds = array<i64: 128, 8>}, {pipeline_mode = #tpu.pipeline_mode<synchronous>, transform_indices = @transform_4, window_bounds = array<i64: 128, 8>}]} {
    %eq3A = arith.constant 0 : i32
    %eq3A_0 = arith.cmpi eq, %arg0, %eq3A : i32
    %convert_element_type3A = arith.extui %eq3A_0 : i1 to i32
    %cond3A = arith.constant 0 : i32
    %cond3A_1 = arith.cmpi ne, %convert_element_type3A, %cond3A : i32
    scf.if %cond3A_1 {
      %broadcast_in_dim3A_103 = arith.constant 0xFF800000 : f32
      %broadcast_in_dim3A_104 = vector.broadcast %broadcast_in_dim3A_103 : f32 to vector<128x8xf32>
      %swap3A_105 = arith.constant 0 : index
      %swap3A_106 = arith.constant 0 : index
      %swap3A_107 = vector.load %arg7[%swap3A_105, %swap3A_106] : memref<128x8xf32, #tpu.memory_space<vmem>>, vector<128x8xf32>
      tpu.vector_store %arg7[%swap3A_105, %swap3A_106], %broadcast_in_dim3A_104 {strides = array<i32>} : memref<128x8xf32, #tpu.memory_space<vmem>>, vector<128x8xf32>,
      %broadcast_in_dim3A_108 = arith.constant 0 : i32
      %broadcast_in_dim3A_109 = vector.broadcast %broadcast_in_dim3A_108 : i32 to vector<128x8xi32>
      %swap3A_110 = arith.constant 0 : index
      %swap3A_111 = arith.constant 0 : index
      %swap3A_112 = vector.load %arg8[%swap3A_110, %swap3A_111] : memref<128x8xi32, #tpu.memory_space<vmem>>, vector<128x8xi32>
      tpu.vector_store %arg8[%swap3A_110, %swap3A_111], %broadcast_in_dim3A_109 {strides = array<i32>} : memref<128x8xi32, #tpu.memory_space<vmem>>, vector<128x8xi32>,
    } else {
    }
    %get3A = arith.constant 0 : index
    %get3A_2 = arith.constant 0 : index
    %get3A_3 = vector.load %arg1[%get3A, %get3A_2] : memref<128x64xf32, #tpu.memory_space<vmem>>, vector<128x64xf32>
    %mul3A = arith.mulf %get3A_3, %get3A_3 : vector<128x64xf32>
    %reduce_sum3A = arith.constant dense<0.000000e+00> : vector<128xf32>
    %reduce_sum3A_4 = vector.multi_reduction <add>, %mul3A, %reduce_sum3A [1] : vector<128x64xf32> to vector<128xf32>
    %broadcast_in_dim3A = vector.shape_cast %reduce_sum3A_4 : vector<128xf32> to vector<128x1xf32>
    %sqrt3A = math.sqrt %broadcast_in_dim3A : vector<128x1xf32>
    %add3A = arith.constant 9.99999993E-9 : f32
    %add3A_5 = vector.broadcast %add3A : f32 to vector<128x1xf32>
    %add3A_6 = arith.addf %sqrt3A, %add3A_5 : vector<128x1xf32>
    %div3A = vector.broadcast %add3A_6 : vector<128x1xf32> to vector<128x64xf32>
    %div3A_7 = arith.divf %get3A_3, %div3A : vector<128x64xf32>
    %get3A_8 = arith.constant 0 : index
    %get3A_9 = arith.constant 0 : index
    %get3A_10 = vector.load %arg2[%get3A_8, %get3A_9] : memref<8192x64xf32, #tpu.memory_space<vmem>>, vector<8192x64xf32>
    %mul3A_11 = arith.mulf %get3A_10, %get3A_10 : vector<8192x64xf32>
    %reduce_sum3A_12 = arith.constant dense<0.000000e+00> : vector<8192xf32>
    %reduce_sum3A_13 = vector.multi_reduction <add>, %mul3A_11, %reduce_sum3A_12 [1] : vector<8192x64xf32> to vector<8192xf32>
    %broadcast_in_dim3A_14 = vector.shape_cast %reduce_sum3A_13 : vector<8192xf32> to vector<8192x1xf32>
    %sqrt3A_15 = math.sqrt %broadcast_in_dim3A_14 : vector<8192x1xf32>
    %add3A_16 = arith.constant 9.99999993E-9 : f32
    %add3A_17 = vector.broadcast %add3A_16 : f32 to vector<8192x1xf32>
    %add3A_18 = arith.addf %sqrt3A_15, %add3A_17 : vector<8192x1xf32>
    %div3A_19 = vector.broadcast %add3A_18 : vector<8192x1xf32> to vector<8192x64xf32>
    %div3A_20 = arith.divf %get3A_10, %div3A_19 : vector<8192x64xf32>
    %dot_general3A = arith.constant dense<0.000000e+00> : vector<128x8192xf32>
    %dot_general3A_21 = tpu.matmul %div3A_7, %div3A_20, %dot_general3A {dimension_numbers = #tpu.dot_dimension_numbers<[1], [1], [0], [0], [0, 0, 1, 0], [], []>, transpose_lhs_hint = false} : vector<128x64xf32>, vector<8192x64xf32>, vector<128x8192xf32> -> vector<128x8192xf32>
    %iota3A = tpu.iota {dimensions = array<i32: 1>} : vector<128x8192xi32>
    %mul3A_22 = arith.constant 8192 : i32
    %mul3A_23 = arith.muli %arg0, %mul3A_22 : i32
    %add3A_24 = vector.broadcast %mul3A_23 : i32 to vector<128x8192xi32>
    %add3A_25 = arith.addi %iota3A, %add3A_24 : vector<128x8192xi32>
    %lt3A = arith.constant 1000000 : i32
    %lt3A_26 = vector.broadcast %lt3A : i32 to vector<128x8192xi32>
    %lt3A_27 = arith.cmpi slt, %add3A_25, %lt3A_26 : vector<128x8192xi32>
    %jit3A = arith.constant 0xFF800000 : f32
    %broadcast_in_dim3A_28 = vector.broadcast %jit3A : f32 to vector<128x8192xf32>
    %select_n3A = arith.select %lt3A_27, %dot_general3A_21, %broadcast_in_dim3A_28 : vector<128x8192xi1>, vector<128x8192xf32>
    %swap3A = arith.constant 0 : index
    %swap3A_29 = arith.constant 0 : index
    %swap3A_30 = vector.load %arg6[%swap3A, %swap3A_29] : memref<128x8192xf32, #tpu.memory_space<vmem>>, vector<128x8192xf32>
    tpu.vector_store %arg6[%swap3A, %swap3A_29], %select_n3A {strides = array<i32>} : memref<128x8192xf32, #tpu.memory_space<vmem>>, vector<128x8192xf32>,
    %get3A_31 = arith.constant 0 : index
    %get3A_32 = arith.constant 0 : index
    %get3A_33 = vector.load %arg7[%get3A_31, %get3A_32] : memref<128x8xf32, #tpu.memory_space<vmem>>, vector<128x8xf32>
    %reduce_min3A = arith.constant dense<0x7F800000> : vector<128xf32>
    %reduce_min3A_34 = vector.multi_reduction <minimumf>, %get3A_33, %reduce_min3A [1] : vector<128x8xf32> to vector<128xf32>
    %broadcast_in_dim3A_35 = vector.shape_cast %reduce_min3A_34 : vector<128xf32> to vector<128x1xf32>
    %gt3A = vector.broadcast %broadcast_in_dim3A_35 : vector<128x1xf32> to vector<128x8192xf32>
    %gt3A_36 = arith.cmpf ogt, %select_n3A, %gt3A : vector<128x8192xf32>
    %jit3A_37 = arith.constant 1 : i32
    %jit3A_38 = arith.constant 0 : i32
    %broadcast_in_dim3A_39 = vector.broadcast %jit3A_37 : i32 to vector<128x8192xi32>
    %broadcast_in_dim3A_40 = vector.broadcast %jit3A_38 : i32 to vector<128x8192xi32>
    %select_n3A_41 = arith.select %gt3A_36, %broadcast_in_dim3A_39, %broadcast_in_dim3A_40 : vector<128x8192xi1>, vector<128x8192xi32>
    %reduce_sum3A_42 = arith.constant dense<0> : vector<128xi32>
    %reduce_sum3A_43 = vector.multi_reduction <add>, %select_n3A_41, %reduce_sum3A_42 [1] : vector<128x8192xi32> to vector<128xi32>
    %reduce_max3A = vector.shape_cast %reduce_sum3A_43 : vector<128xi32> to vector<1x128xi32>
    %reduce_max3A_44 = arith.constant dense<-2147483648> : vector<1xi32>
    %reduce_max3A_45 = vector.multi_reduction <maxsi>, %reduce_max3A, %reduce_max3A_44 [1] : vector<1x128xi32> to vector<1xi32>
    %reduce_max3A_46 = vector.shape_cast %reduce_max3A_45 : vector<1xi32> to vector<1x1xi32>
    %reduce_max3A_47 = vector.extract %reduce_max3A_46[0, 0] : i32 from vector<1x1xi32>
    %min3A = arith.constant 8 : i32
    %min3A_48 = arith.minsi %reduce_max3A_47, %min3A : i32
    %iota3A_49 = tpu.iota {dimensions = array<i32: 1>} : vector<128x8xi32>
    %gt3A_50 = arith.constant 0 : i32
    %gt3A_51 = arith.cmpi sgt, %min3A_48, %gt3A_50 : i32
    %convert_element_type3A_52 = arith.extui %gt3A_51 : i1 to i32
    %cond3A_53 = arith.constant 2147483647 : i32
    %cond3A_54 = arith.constant 0 : i32
    %cond3A_55 = arith.cmpi ne, %convert_element_type3A_52, %cond3A_54 : i32
    scf.if %cond3A_55 {
      %get3A_103 = arith.constant 0 : index
      %get3A_104 = arith.constant 0 : index
      %get3A_105 = vector.load %arg6[%get3A_103, %get3A_104] : memref<128x8192xf32, #tpu.memory_space<vmem>>, vector<128x8192xf32>
      %reduce_max3A_106 = arith.constant dense<0xFF800000> : vector<128xf32>
      %reduce_max3A_107 = vector.multi_reduction <maximumf>, %get3A_105, %reduce_max3A_106 [1] : vector<128x8192xf32> to vector<128xf32>
      %broadcast_in_dim3A_108 = vector.shape_cast %reduce_max3A_107 : vector<128xf32> to vector<128x1xf32>
      %eq3A_109 = vector.broadcast %broadcast_in_dim3A_108 : vector<128x1xf32> to vector<128x8192xf32>
      %eq3A_110 = arith.cmpf oeq, %get3A_105, %eq3A_109 : vector<128x8192xf32>
      %broadcast_in_dim3A_111 = vector.broadcast %cond3A_53 : i32 to vector<128x8192xi32>
      %select_n3A_112 = arith.select %eq3A_110, %add3A_25, %broadcast_in_dim3A_111 : vector<128x8192xi1>, vector<128x8192xi32>
      %reduce_min3A_113 = arith.constant dense<2147483647> : vector<128xi32>
      %reduce_min3A_114 = vector.multi_reduction <minsi>, %select_n3A_112, %reduce_min3A_113 [1] : vector<128x8192xi32> to vector<128xi32>
      %jit3A_115 = arith.constant 0xFF800000 : f32
      %broadcast_in_dim3A_116 = vector.broadcast %jit3A_115 : f32 to vector<128x8192xf32>
      %select_n3A_117 = arith.select %eq3A_110, %broadcast_in_dim3A_116, %get3A_105 : vector<128x8192xi1>, vector<128x8192xf32>
      %swap3A_118 = arith.constant 0 : index
      %swap3A_119 = arith.constant 0 : index
      %swap3A_120 = vector.load %arg6[%swap3A_118, %swap3A_119] : memref<128x8192xf32, #tpu.memory_space<vmem>>, vector<128x8192xf32>
      tpu.vector_store %arg6[%swap3A_118, %swap3A_119], %select_n3A_117 {strides = array<i32>} : memref<128x8192xf32, #tpu.memory_space<vmem>>, vector<128x8192xf32>,
      %get3A_121 = arith.constant 0 : index
      %get3A_122 = arith.constant 0 : index
      %get3A_123 = vector.load %arg7[%get3A_121, %get3A_122] : memref<128x8xf32, #tpu.memory_space<vmem>>, vector<128x8xf32>
      %get3A_124 = arith.constant 0 : index
      %get3A_125 = arith.constant 0 : index
      %get3A_126 = vector.load %arg8[%get3A_124, %get3A_125] : memref<128x8xi32, #tpu.memory_space<vmem>>, vector<128x8xi32>
      %reduce_min3A_127 = arith.constant dense<0x7F800000> : vector<128xf32>
      %reduce_min3A_128 = vector.multi_reduction <minimumf>, %get3A_123, %reduce_min3A_127 [1] : vector<128x8xf32> to vector<128xf32>
      %broadcast_in_dim3A_129 = vector.shape_cast %reduce_min3A_128 : vector<128xf32> to vector<128x1xf32>
      %eq3A_130 = vector.broadcast %broadcast_in_dim3A_129 : vector<128x1xf32> to vector<128x8xf32>
      %eq3A_131 = arith.cmpf oeq, %get3A_123, %eq3A_130 : vector<128x8xf32>
      %jit3A_132 = arith.constant 8 : i32
      %broadcast_in_dim3A_133 = vector.broadcast %jit3A_132 : i32 to vector<128x8xi32>
      %select_n3A_134 = arith.select %eq3A_131, %iota3A_49, %broadcast_in_dim3A_133 : vector<128x8xi1>, vector<128x8xi32>
      %reduce_min3A_135 = arith.constant dense<2147483647> : vector<128xi32>
      %reduce_min3A_136 = vector.multi_reduction <minsi>, %select_n3A_134, %reduce_min3A_135 [1] : vector<128x8xi32> to vector<128xi32>
      %gt3A_137 = arith.cmpf ogt, %reduce_max3A_107, %reduce_min3A_128 : vector<128xf32>
      %broadcast_in_dim3A_138 = vector.shape_cast %reduce_min3A_136 : vector<128xi32> to vector<128x1xi32>
      %eq3A_139 = vector.broadcast %broadcast_in_dim3A_138 : vector<128x1xi32> to vector<128x8xi32>
      %eq3A_140 = arith.cmpi eq, %iota3A_49, %eq3A_139 : vector<128x8xi32>
      %broadcast_in_dim3A_141 = vector.shape_cast %gt3A_137 : vector<128xi1> to vector<128x1xi1>
      %and3A = vector.broadcast %broadcast_in_dim3A_141 : vector<128x1xi1> to vector<128x8xi1>
      %and3A_142 = arith.andi %eq3A_140, %and3A : vector<128x8xi1>
      %broadcast_in_dim3A_143 = vector.shape_cast %reduce_max3A_107 : vector<128xf32> to vector<128x1xf32>
      %broadcast_in_dim3A_144 = vector.shape_cast %broadcast_in_dim3A_143 : vector<128x1xf32> to vector<128x1xf32>
      %broadcast_in_dim3A_145 = vector.broadcast %broadcast_in_dim3A_144 : vector<128x1xf32> to vector<128x8xf32>
      %select_n3A_146 = arith.select %and3A_142, %broadcast_in_dim3A_145, %get3A_123 : vector<128x8xi1>, vector<128x8xf32>
      %swap3A_147 = arith.constant 0 : index
      %swap3A_148 = arith.constant 0 : index
      %swap3A_149 = vector.load %arg7[%swap3A_147, %swap3A_148] : memref<128x8xf32, #tpu.memory_space<vmem>>, vector<128x8xf32>
      tpu.vector_store %arg7[%swap3A_147, %swap3A_148], %select_n3A_146 {strides = array<i32>} : memref<128x8xf32, #tpu.memory_space<vmem>>, vector<128x8xf32>,
      %broadcast_in_dim3A_150 = vector.shape_cast %reduce_min3A_114 : vector<128xi32> to vector<128x1xi32>
      %broadcast_in_dim3A_151 = vector.shape_cast %broadcast_in_dim3A_150 : vector<128x1xi32> to vector<128x1xi32>
      %broadcast_in_dim3A_152 = vector.broadcast %broadcast_in_dim3A_151 : vector<128x1xi32> to vector<128x8xi32>
      %select_n3A_153 = arith.select %and3A_142, %broadcast_in_dim3A_152, %get3A_126 : vector<128x8xi1>, vector<128x8xi32>
      %swap3A_154 = arith.constant 0 : index
      %swap3A_155 = arith.constant 0 : index
      %swap3A_156 = vector.load %arg8[%swap3A_154, %swap3A_155] : memref<128x8xi32, #tpu.memory_space<vmem>>, vector<128x8xi32>
      tpu.vector_store %arg8[%swap3A_154, %swap3A_155], %select_n3A_153 {strides = array<i32>} : memref<128x8xi32, #tpu.memory_space<vmem>>, vector<128x8xi32>,
    } else {
    }
    %gt3A_56 = arith.constant 1 : i32
    %gt3A_57 = arith.cmpi sgt, %min3A_48, %gt3A_56 : i32
    %convert_element_type3A_58 = arith.extui %gt3A_57 : i1 to i32
    %cond3A_59 = arith.constant 2147483647 : i32
    %cond3A_60 = arith.constant 0 : i32
    %cond3A_61 = arith.cmpi ne, %convert_element_type3A_58, %cond3A_60 : i32
    scf.if %cond3A_61 {
      %get3A_103 = arith.constant 0 : index
      %get3A_104 = arith.constant 0 : index
      %get3A_105 = vector.load %arg6[%get3A_103, %get3A_104] : memref<128x8192xf32, #tpu.memory_space<vmem>>, vector<128x8192xf32>
      %reduce_max3A_106 = arith.constant dense<0xFF800000> : vector<128xf32>
      %reduce_max3A_107 = vector.multi_reduction <maximumf>, %get3A_105, %reduce_max3A_106 [1] : vector<128x8192xf32> to vector<128xf32>
      %broadcast_in_dim3A_108 = vector.shape_cast %reduce_max3A_107 : vector<128xf32> to vector<128x1xf32>
      %eq3A_109 = vector.broadcast %broadcast_in_dim3A_108 : vector<128x1xf32> to vector<128x8192xf32>
      %eq3A_110 = arith.cmpf oeq, %get3A_105, %eq3A_109 : vector<128x8192xf32>
      %broadcast_in_dim3A_111 = vector.broadcast %cond3A_59 : i32 to vector<128x8192xi32>
      %select_n3A_112 = arith.select %eq3A_110, %add3A_25, %broadcast_in_dim3A_111 : vector<128x8192xi1>, vector<128x8192xi32>
      %reduce_min3A_113 = arith.constant dense<2147483647> : vector<128xi32>
      %reduce_min3A_114 = vector.multi_reduction <minsi>, %select_n3A_112, %reduce_min3A_113 [1] : vector<128x8192xi32> to vector<128xi32>
      %jit3A_115 = arith.constant 0xFF800000 : f32
      %broadcast_in_dim3A_116 = vector.broadcast %jit3A_115 : f32 to vector<128x8192xf32>
      %select_n3A_117 = arith.select %eq3A_110, %broadcast_in_dim3A_116, %get3A_105 : vector<128x8192xi1>, vector<128x8192xf32>
      %swap3A_118 = arith.constant 0 : index
      %swap3A_119 = arith.constant 0 : index
      %swap3A_120 = vector.load %arg6[%swap3A_118, %swap3A_119] : memref<128x8192xf32, #tpu.memory_space<vmem>>, vector<128x8192xf32>
      tpu.vector_store %arg6[%swap3A_118, %swap3A_119], %select_n3A_117 {strides = array<i32>} : memref<128x8192xf32, #tpu.memory_space<vmem>>, vector<128x8192xf32>,
      %get3A_121 = arith.constant 0 : index
      %get3A_122 = arith.constant 0 : index
      %get3A_123 = vector.load %arg7[%get3A_121, %get3A_122] : memref<128x8xf32, #tpu.memory_space<vmem>>, vector<128x8xf32>
      %get3A_124 = arith.constant 0 : index
      %get3A_125 = arith.constant 0 : index
      %get3A_126 = vector.load %arg8[%get3A_124, %get3A_125] : memref<128x8xi32, #tpu.memory_space<vmem>>, vector<128x8xi32>
      %reduce_min3A_127 = arith.constant dense<0x7F800000> : vector<128xf32>
      %reduce_min3A_128 = vector.multi_reduction <minimumf>, %get3A_123, %reduce_min3A_127 [1] : vector<128x8xf32> to vector<128xf32>
      %broadcast_in_dim3A_129 = vector.shape_cast %reduce_min3A_128 : vector<128xf32> to vector<128x1xf32>
      %eq3A_130 = vector.broadcast %broadcast_in_dim3A_129 : vector<128x1xf32> to vector<128x8xf32>
      %eq3A_131 = arith.cmpf oeq, %get3A_123, %eq3A_130 : vector<128x8xf32>
      %jit3A_132 = arith.constant 8 : i32
      %broadcast_in_dim3A_133 = vector.broadcast %jit3A_132 : i32 to vector<128x8xi32>
      %select_n3A_134 = arith.select %eq3A_131, %iota3A_49, %broadcast_in_dim3A_133 : vector<128x8xi1>, vector<128x8xi32>
      %reduce_min3A_135 = arith.constant dense<2147483647> : vector<128xi32>
      %reduce_min3A_136 = vector.multi_reduction <minsi>, %select_n3A_134, %reduce_min3A_135 [1] : vector<128x8xi32> to vector<128xi32>
      %gt3A_137 = arith.cmpf ogt, %reduce_max3A_107, %reduce_min3A_128 : vector<128xf32>
      %broadcast_in_dim3A_138 = vector.shape_cast %reduce_min3A_136 : vector<128xi32> to vector<128x1xi32>
      %eq3A_139 = vector.broadcast %broadcast_in_dim3A_138 : vector<128x1xi32> to vector<128x8xi32>
      %eq3A_140 = arith.cmpi eq, %iota3A_49, %eq3A_139 : vector<128x8xi32>
      %broadcast_in_dim3A_141 = vector.shape_cast %gt3A_137 : vector<128xi1> to vector<128x1xi1>
      %and3A = vector.broadcast %broadcast_in_dim3A_141 : vector<128x1xi1> to vector<128x8xi1>
      %and3A_142 = arith.andi %eq3A_140, %and3A : vector<128x8xi1>
      %broadcast_in_dim3A_143 = vector.shape_cast %reduce_max3A_107 : vector<128xf32> to vector<128x1xf32>
      %broadcast_in_dim3A_144 = vector.shape_cast %broadcast_in_dim3A_143 : vector<128x1xf32> to vector<128x1xf32>
      %broadcast_in_dim3A_145 = vector.broadcast %broadcast_in_dim3A_144 : vector<128x1xf32> to vector<128x8xf32>
      %select_n3A_146 = arith.select %and3A_142, %broadcast_in_dim3A_145, %get3A_123 : vector<128x8xi1>, vector<128x8xf32>
      %swap3A_147 = arith.constant 0 : index
      %swap3A_148 = arith.constant 0 : index
      %swap3A_149 = vector.load %arg7[%swap3A_147, %swap3A_148] : memref<128x8xf32, #tpu.memory_space<vmem>>, vector<128x8xf32>
      tpu.vector_store %arg7[%swap3A_147, %swap3A_148], %select_n3A_146 {strides = array<i32>} : memref<128x8xf32, #tpu.memory_space<vmem>>, vector<128x8xf32>,
      %broadcast_in_dim3A_150 = vector.shape_cast %reduce_min3A_114 : vector<128xi32> to vector<128x1xi32>
      %broadcast_in_dim3A_151 = vector.shape_cast %broadcast_in_dim3A_150 : vector<128x1xi32> to vector<128x1xi32>
      %broadcast_in_dim3A_152 = vector.broadcast %broadcast_in_dim3A_151 : vector<128x1xi32> to vector<128x8xi32>
      %select_n3A_153 = arith.select %and3A_142, %broadcast_in_dim3A_152, %get3A_126 : vector<128x8xi1>, vector<128x8xi32>
      %swap3A_154 = arith.constant 0 : index
      %swap3A_155 = arith.constant 0 : index
      %swap3A_156 = vector.load %arg8[%swap3A_154, %swap3A_155] : memref<128x8xi32, #tpu.memory_space<vmem>>, vector<128x8xi32>
      tpu.vector_store %arg8[%swap3A_154, %swap3A_155], %select_n3A_153 {strides = array<i32>} : memref<128x8xi32, #tpu.memory_space<vmem>>, vector<128x8xi32>,
    } else {
    }
    %gt3A_62 = arith.constant 2 : i32
    %gt3A_63 = arith.cmpi sgt, %min3A_48, %gt3A_62 : i32
    %convert_element_type3A_64 = arith.extui %gt3A_63 : i1 to i32
    %cond3A_65 = arith.constant 2147483647 : i32
    %cond3A_66 = arith.constant 0 : i32
    %cond3A_67 = arith.cmpi ne, %convert_element_type3A_64, %cond3A_66 : i32
    scf.if %cond3A_67 {
      %get3A_103 = arith.constant 0 : index
      %get3A_104 = arith.constant 0 : index
      %get3A_105 = vector.load %arg6[%get3A_103, %get3A_104] : memref<128x8192xf32, #tpu.memory_space<vmem>>, vector<128x8192xf32>
      %reduce_max3A_106 = arith.constant dense<0xFF800000> : vector<128xf32>
      %reduce_max3A_107 = vector.multi_reduction <maximumf>, %get3A_105, %reduce_max3A_106 [1] : vector<128x8192xf32> to vector<128xf32>
      %broadcast_in_dim3A_108 = vector.shape_cast %reduce_max3A_107 : vector<128xf32> to vector<128x1xf32>
      %eq3A_109 = vector.broadcast %broadcast_in_dim3A_108 : vector<128x1xf32> to vector<128x8192xf32>
      %eq3A_110 = arith.cmpf oeq, %get3A_105, %eq3A_109 : vector<128x8192xf32>
      %broadcast_in_dim3A_111 = vector.broadcast %cond3A_65 : i32 to vector<128x8192xi32>
      %select_n3A_112 = arith.select %eq3A_110, %add3A_25, %broadcast_in_dim3A_111 : vector<128x8192xi1>, vector<128x8192xi32>
      %reduce_min3A_113 = arith.constant dense<2147483647> : vector<128xi32>
      %reduce_min3A_114 = vector.multi_reduction <minsi>, %select_n3A_112, %reduce_min3A_113 [1] : vector<128x8192xi32> to vector<128xi32>
      %jit3A_115 = arith.constant 0xFF800000 : f32
      %broadcast_in_dim3A_116 = vector.broadcast %jit3A_115 : f32 to vector<128x8192xf32>
      %select_n3A_117 = arith.select %eq3A_110, %broadcast_in_dim3A_116, %get3A_105 : vector<128x8192xi1>, vector<128x8192xf32>
      %swap3A_118 = arith.constant 0 : index
      %swap3A_119 = arith.constant 0 : index
      %swap3A_120 = vector.load %arg6[%swap3A_118, %swap3A_119] : memref<128x8192xf32, #tpu.memory_space<vmem>>, vector<128x8192xf32>
      tpu.vector_store %arg6[%swap3A_118, %swap3A_119], %select_n3A_117 {strides = array<i32>} : memref<128x8192xf32, #tpu.memory_space<vmem>>, vector<128x8192xf32>,
      %get3A_121 = arith.constant 0 : index
      %get3A_122 = arith.constant 0 : index
      %get3A_123 = vector.load %arg7[%get3A_121, %get3A_122] : memref<128x8xf32, #tpu.memory_space<vmem>>, vector<128x8xf32>
      %get3A_124 = arith.constant 0 : index
      %get3A_125 = arith.constant 0 : index
      %get3A_126 = vector.load %arg8[%get3A_124, %get3A_125] : memref<128x8xi32, #tpu.memory_space<vmem>>, vector<128x8xi32>
      %reduce_min3A_127 = arith.constant dense<0x7F800000> : vector<128xf32>
      %reduce_min3A_128 = vector.multi_reduction <minimumf>, %get3A_123, %reduce_min3A_127 [1] : vector<128x8xf32> to vector<128xf32>
      %broadcast_in_dim3A_129 = vector.shape_cast %reduce_min3A_128 : vector<128xf32> to vector<128x1xf32>
      %eq3A_130 = vector.broadcast %broadcast_in_dim3A_129 : vector<128x1xf32> to vector<128x8xf32>
      %eq3A_131 = arith.cmpf oeq, %get3A_123, %eq3A_130 : vector<128x8xf32>
      %jit3A_132 = arith.constant 8 : i32
      %broadcast_in_dim3A_133 = vector.broadcast %jit3A_132 : i32 to vector<128x8xi32>
      %select_n3A_134 = arith.select %eq3A_131, %iota3A_49, %broadcast_in_dim3A_133 : vector<128x8xi1>, vector<128x8xi32>
      %reduce_min3A_135 = arith.constant dense<2147483647> : vector<128xi32>
      %reduce_min3A_136 = vector.multi_reduction <minsi>, %select_n3A_134, %reduce_min3A_135 [1] : vector<128x8xi32> to vector<128xi32>
      %gt3A_137 = arith.cmpf ogt, %reduce_max3A_107, %reduce_min3A_128 : vector<128xf32>
      %broadcast_in_dim3A_138 = vector.shape_cast %reduce_min3A_136 : vector<128xi32> to vector<128x1xi32>
      %eq3A_139 = vector.broadcast %broadcast_in_dim3A_138 : vector<128x1xi32> to vector<128x8xi32>
      %eq3A_140 = arith.cmpi eq, %iota3A_49, %eq3A_139 : vector<128x8xi32>
      %broadcast_in_dim3A_141 = vector.shape_cast %gt3A_137 : vector<128xi1> to vector<128x1xi1>
      %and3A = vector.broadcast %broadcast_in_dim3A_141 : vector<128x1xi1> to vector<128x8xi1>
      %and3A_142 = arith.andi %eq3A_140, %and3A : vector<128x8xi1>
      %broadcast_in_dim3A_143 = vector.shape_cast %reduce_max3A_107 : vector<128xf32> to vector<128x1xf32>
      %broadcast_in_dim3A_144 = vector.shape_cast %broadcast_in_dim3A_143 : vector<128x1xf32> to vector<128x1xf32>
      %broadcast_in_dim3A_145 = vector.broadcast %broadcast_in_dim3A_144 : vector<128x1xf32> to vector<128x8xf32>
      %select_n3A_146 = arith.select %and3A_142, %broadcast_in_dim3A_145, %get3A_123 : vector<128x8xi1>, vector<128x8xf32>
      %swap3A_147 = arith.constant 0 : index
      %swap3A_148 = arith.constant 0 : index
      %swap3A_149 = vector.load %arg7[%swap3A_147, %swap3A_148] : memref<128x8xf32, #tpu.memory_space<vmem>>, vector<128x8xf32>
      tpu.vector_store %arg7[%swap3A_147, %swap3A_148], %select_n3A_146 {strides = array<i32>} : memref<128x8xf32, #tpu.memory_space<vmem>>, vector<128x8xf32>,
      %broadcast_in_dim3A_150 = vector.shape_cast %reduce_min3A_114 : vector<128xi32> to vector<128x1xi32>
      %broadcast_in_dim3A_151 = vector.shape_cast %broadcast_in_dim3A_150 : vector<128x1xi32> to vector<128x1xi32>
      %broadcast_in_dim3A_152 = vector.broadcast %broadcast_in_dim3A_151 : vector<128x1xi32> to vector<128x8xi32>
      %select_n3A_153 = arith.select %and3A_142, %broadcast_in_dim3A_152, %get3A_126 : vector<128x8xi1>, vector<128x8xi32>
      %swap3A_154 = arith.constant 0 : index
      %swap3A_155 = arith.constant 0 : index
      %swap3A_156 = vector.load %arg8[%swap3A_154, %swap3A_155] : memref<128x8xi32, #tpu.memory_space<vmem>>, vector<128x8xi32>
      tpu.vector_store %arg8[%swap3A_154, %swap3A_155], %select_n3A_153 {strides = array<i32>} : memref<128x8xi32, #tpu.memory_space<vmem>>, vector<128x8xi32>,
    } else {
    }
    %gt3A_68 = arith.constant 3 : i32
    %gt3A_69 = arith.cmpi sgt, %min3A_48, %gt3A_68 : i32
    %convert_element_type3A_70 = arith.extui %gt3A_69 : i1 to i32
    %cond3A_71 = arith.constant 2147483647 : i32
    %cond3A_72 = arith.constant 0 : i32
    %cond3A_73 = arith.cmpi ne, %convert_element_type3A_70, %cond3A_72 : i32
    scf.if %cond3A_73 {
      %get3A_103 = arith.constant 0 : index
      %get3A_104 = arith.constant 0 : index
      %get3A_105 = vector.load %arg6[%get3A_103, %get3A_104] : memref<128x8192xf32, #tpu.memory_space<vmem>>, vector<128x8192xf32>
      %reduce_max3A_106 = arith.constant dense<0xFF800000> : vector<128xf32>
      %reduce_max3A_107 = vector.multi_reduction <maximumf>, %get3A_105, %reduce_max3A_106 [1] : vector<128x8192xf32> to vector<128xf32>
      %broadcast_in_dim3A_108 = vector.shape_cast %reduce_max3A_107 : vector<128xf32> to vector<128x1xf32>
      %eq3A_109 = vector.broadcast %broadcast_in_dim3A_108 : vector<128x1xf32> to vector<128x8192xf32>
      %eq3A_110 = arith.cmpf oeq, %get3A_105, %eq3A_109 : vector<128x8192xf32>
      %broadcast_in_dim3A_111 = vector.broadcast %cond3A_71 : i32 to vector<128x8192xi32>
      %select_n3A_112 = arith.select %eq3A_110, %add3A_25, %broadcast_in_dim3A_111 : vector<128x8192xi1>, vector<128x8192xi32>
      %reduce_min3A_113 = arith.constant dense<2147483647> : vector<128xi32>
      %reduce_min3A_114 = vector.multi_reduction <minsi>, %select_n3A_112, %reduce_min3A_113 [1] : vector<128x8192xi32> to vector<128xi32>
      %jit3A_115 = arith.constant 0xFF800000 : f32
      %broadcast_in_dim3A_116 = vector.broadcast %jit3A_115 : f32 to vector<128x8192xf32>
      %select_n3A_117 = arith.select %eq3A_110, %broadcast_in_dim3A_116, %get3A_105 : vector<128x8192xi1>, vector<128x8192xf32>
      %swap3A_118 = arith.constant 0 : index
      %swap3A_119 = arith.constant 0 : index
      %swap3A_120 = vector.load %arg6[%swap3A_118, %swap3A_119] : memref<128x8192xf32, #tpu.memory_space<vmem>>, vector<128x8192xf32>
      tpu.vector_store %arg6[%swap3A_118, %swap3A_119], %select_n3A_117 {strides = array<i32>} : memref<128x8192xf32, #tpu.memory_space<vmem>>, vector<128x8192xf32>,
      %get3A_121 = arith.constant 0 : index
      %get3A_122 = arith.constant 0 : index
      %get3A_123 = vector.load %arg7[%get3A_121, %get3A_122] : memref<128x8xf32, #tpu.memory_space<vmem>>, vector<128x8xf32>
      %get3A_124 = arith.constant 0 : index
      %get3A_125 = arith.constant 0 : index
      %get3A_126 = vector.load %arg8[%get3A_124, %get3A_125] : memref<128x8xi32, #tpu.memory_space<vmem>>, vector<128x8xi32>
      %reduce_min3A_127 = arith.constant dense<0x7F800000> : vector<128xf32>
      %reduce_min3A_128 = vector.multi_reduction <minimumf>, %get3A_123, %reduce_min3A_127 [1] : vector<128x8xf32> to vector<128xf32>
      %broadcast_in_dim3A_129 = vector.shape_cast %reduce_min3A_128 : vector<128xf32> to vector<128x1xf32>
      %eq3A_130 = vector.broadcast %broadcast_in_dim3A_129 : vector<128x1xf32> to vector<128x8xf32>
      %eq3A_131 = arith.cmpf oeq, %get3A_123, %eq3A_130 : vector<128x8xf32>
      %jit3A_132 = arith.constant 8 : i32
      %broadcast_in_dim3A_133 = vector.broadcast %jit3A_132 : i32 to vector<128x8xi32>
      %select_n3A_134 = arith.select %eq3A_131, %iota3A_49, %broadcast_in_dim3A_133 : vector<128x8xi1>, vector<128x8xi32>
      %reduce_min3A_135 = arith.constant dense<2147483647> : vector<128xi32>
      %reduce_min3A_136 = vector.multi_reduction <minsi>, %select_n3A_134, %reduce_min3A_135 [1] : vector<128x8xi32> to vector<128xi32>
      %gt3A_137 = arith.cmpf ogt, %reduce_max3A_107, %reduce_min3A_128 : vector<128xf32>
      %broadcast_in_dim3A_138 = vector.shape_cast %reduce_min3A_136 : vector<128xi32> to vector<128x1xi32>
      %eq3A_139 = vector.broadcast %broadcast_in_dim3A_138 : vector<128x1xi32> to vector<128x8xi32>
      %eq3A_140 = arith.cmpi eq, %iota3A_49, %eq3A_139 : vector<128x8xi32>
      %broadcast_in_dim3A_141 = vector.shape_cast %gt3A_137 : vector<128xi1> to vector<128x1xi1>
      %and3A = vector.broadcast %broadcast_in_dim3A_141 : vector<128x1xi1> to vector<128x8xi1>
      %and3A_142 = arith.andi %eq3A_140, %and3A : vector<128x8xi1>
      %broadcast_in_dim3A_143 = vector.shape_cast %reduce_max3A_107 : vector<128xf32> to vector<128x1xf32>
      %broadcast_in_dim3A_144 = vector.shape_cast %broadcast_in_dim3A_143 : vector<128x1xf32> to vector<128x1xf32>
      %broadcast_in_dim3A_145 = vector.broadcast %broadcast_in_dim3A_144 : vector<128x1xf32> to vector<128x8xf32>
      %select_n3A_146 = arith.select %and3A_142, %broadcast_in_dim3A_145, %get3A_123 : vector<128x8xi1>, vector<128x8xf32>
      %swap3A_147 = arith.constant 0 : index
      %swap3A_148 = arith.constant 0 : index
      %swap3A_149 = vector.load %arg7[%swap3A_147, %swap3A_148] : memref<128x8xf32, #tpu.memory_space<vmem>>, vector<128x8xf32>
      tpu.vector_store %arg7[%swap3A_147, %swap3A_148], %select_n3A_146 {strides = array<i32>} : memref<128x8xf32, #tpu.memory_space<vmem>>, vector<128x8xf32>,
      %broadcast_in_dim3A_150 = vector.shape_cast %reduce_min3A_114 : vector<128xi32> to vector<128x1xi32>
      %broadcast_in_dim3A_151 = vector.shape_cast %broadcast_in_dim3A_150 : vector<128x1xi32> to vector<128x1xi32>
      %broadcast_in_dim3A_152 = vector.broadcast %broadcast_in_dim3A_151 : vector<128x1xi32> to vector<128x8xi32>
      %select_n3A_153 = arith.select %and3A_142, %broadcast_in_dim3A_152, %get3A_126 : vector<128x8xi1>, vector<128x8xi32>
      %swap3A_154 = arith.constant 0 : index
      %swap3A_155 = arith.constant 0 : index
      %swap3A_156 = vector.load %arg8[%swap3A_154, %swap3A_155] : memref<128x8xi32, #tpu.memory_space<vmem>>, vector<128x8xi32>
      tpu.vector_store %arg8[%swap3A_154, %swap3A_155], %select_n3A_153 {strides = array<i32>} : memref<128x8xi32, #tpu.memory_space<vmem>>, vector<128x8xi32>,
    } else {
    }
    %gt3A_74 = arith.constant 4 : i32
    %gt3A_75 = arith.cmpi sgt, %min3A_48, %gt3A_74 : i32
    %convert_element_type3A_76 = arith.extui %gt3A_75 : i1 to i32
    %cond3A_77 = arith.constant 2147483647 : i32
    %cond3A_78 = arith.constant 0 : i32
    %cond3A_79 = arith.cmpi ne, %convert_element_type3A_76, %cond3A_78 : i32
    scf.if %cond3A_79 {
      %get3A_103 = arith.constant 0 : index
      %get3A_104 = arith.constant 0 : index
      %get3A_105 = vector.load %arg6[%get3A_103, %get3A_104] : memref<128x8192xf32, #tpu.memory_space<vmem>>, vector<128x8192xf32>
      %reduce_max3A_106 = arith.constant dense<0xFF800000> : vector<128xf32>
      %reduce_max3A_107 = vector.multi_reduction <maximumf>, %get3A_105, %reduce_max3A_106 [1] : vector<128x8192xf32> to vector<128xf32>
      %broadcast_in_dim3A_108 = vector.shape_cast %reduce_max3A_107 : vector<128xf32> to vector<128x1xf32>
      %eq3A_109 = vector.broadcast %broadcast_in_dim3A_108 : vector<128x1xf32> to vector<128x8192xf32>
      %eq3A_110 = arith.cmpf oeq, %get3A_105, %eq3A_109 : vector<128x8192xf32>
      %broadcast_in_dim3A_111 = vector.broadcast %cond3A_77 : i32 to vector<128x8192xi32>
      %select_n3A_112 = arith.select %eq3A_110, %add3A_25, %broadcast_in_dim3A_111 : vector<128x8192xi1>, vector<128x8192xi32>
      %reduce_min3A_113 = arith.constant dense<2147483647> : vector<128xi32>
      %reduce_min3A_114 = vector.multi_reduction <minsi>, %select_n3A_112, %reduce_min3A_113 [1] : vector<128x8192xi32> to vector<128xi32>
      %jit3A_115 = arith.constant 0xFF800000 : f32
      %broadcast_in_dim3A_116 = vector.broadcast %jit3A_115 : f32 to vector<128x8192xf32>
      %select_n3A_117 = arith.select %eq3A_110, %broadcast_in_dim3A_116, %get3A_105 : vector<128x8192xi1>, vector<128x8192xf32>
      %swap3A_118 = arith.constant 0 : index
      %swap3A_119 = arith.constant 0 : index
      %swap3A_120 = vector.load %arg6[%swap3A_118, %swap3A_119] : memref<128x8192xf32, #tpu.memory_space<vmem>>, vector<128x8192xf32>
      tpu.vector_store %arg6[%swap3A_118, %swap3A_119], %select_n3A_117 {strides = array<i32>} : memref<128x8192xf32, #tpu.memory_space<vmem>>, vector<128x8192xf32>,
      %get3A_121 = arith.constant 0 : index
      %get3A_122 = arith.constant 0 : index
      %get3A_123 = vector.load %arg7[%get3A_121, %get3A_122] : memref<128x8xf32, #tpu.memory_space<vmem>>, vector<128x8xf32>
      %get3A_124 = arith.constant 0 : index
      %get3A_125 = arith.constant 0 : index
      %get3A_126 = vector.load %arg8[%get3A_124, %get3A_125] : memref<128x8xi32, #tpu.memory_space<vmem>>, vector<128x8xi32>
      %reduce_min3A_127 = arith.constant dense<0x7F800000> : vector<128xf32>
      %reduce_min3A_128 = vector.multi_reduction <minimumf>, %get3A_123, %reduce_min3A_127 [1] : vector<128x8xf32> to vector<128xf32>
      %broadcast_in_dim3A_129 = vector.shape_cast %reduce_min3A_128 : vector<128xf32> to vector<128x1xf32>
      %eq3A_130 = vector.broadcast %broadcast_in_dim3A_129 : vector<128x1xf32> to vector<128x8xf32>
      %eq3A_131 = arith.cmpf oeq, %get3A_123, %eq3A_130 : vector<128x8xf32>
      %jit3A_132 = arith.constant 8 : i32
      %broadcast_in_dim3A_133 = vector.broadcast %jit3A_132 : i32 to vector<128x8xi32>
      %select_n3A_134 = arith.select %eq3A_131, %iota3A_49, %broadcast_in_dim3A_133 : vector<128x8xi1>, vector<128x8xi32>
      %reduce_min3A_135 = arith.constant dense<2147483647> : vector<128xi32>
      %reduce_min3A_136 = vector.multi_reduction <minsi>, %select_n3A_134, %reduce_min3A_135 [1] : vector<128x8xi32> to vector<128xi32>
      %gt3A_137 = arith.cmpf ogt, %reduce_max3A_107, %reduce_min3A_128 : vector<128xf32>
      %broadcast_in_dim3A_138 = vector.shape_cast %reduce_min3A_136 : vector<128xi32> to vector<128x1xi32>
      %eq3A_139 = vector.broadcast %broadcast_in_dim3A_138 : vector<128x1xi32> to vector<128x8xi32>
      %eq3A_140 = arith.cmpi eq, %iota3A_49, %eq3A_139 : vector<128x8xi32>
      %broadcast_in_dim3A_141 = vector.shape_cast %gt3A_137 : vector<128xi1> to vector<128x1xi1>
      %and3A = vector.broadcast %broadcast_in_dim3A_141 : vector<128x1xi1> to vector<128x8xi1>
      %and3A_142 = arith.andi %eq3A_140, %and3A : vector<128x8xi1>
      %broadcast_in_dim3A_143 = vector.shape_cast %reduce_max3A_107 : vector<128xf32> to vector<128x1xf32>
      %broadcast_in_dim3A_144 = vector.shape_cast %broadcast_in_dim3A_143 : vector<128x1xf32> to vector<128x1xf32>
      %broadcast_in_dim3A_145 = vector.broadcast %broadcast_in_dim3A_144 : vector<128x1xf32> to vector<128x8xf32>
      %select_n3A_146 = arith.select %and3A_142, %broadcast_in_dim3A_145, %get3A_123 : vector<128x8xi1>, vector<128x8xf32>
      %swap3A_147 = arith.constant 0 : index
      %swap3A_148 = arith.constant 0 : index
      %swap3A_149 = vector.load %arg7[%swap3A_147, %swap3A_148] : memref<128x8xf32, #tpu.memory_space<vmem>>, vector<128x8xf32>
      tpu.vector_store %arg7[%swap3A_147, %swap3A_148], %select_n3A_146 {strides = array<i32>} : memref<128x8xf32, #tpu.memory_space<vmem>>, vector<128x8xf32>,
      %broadcast_in_dim3A_150 = vector.shape_cast %reduce_min3A_114 : vector<128xi32> to vector<128x1xi32>
      %broadcast_in_dim3A_151 = vector.shape_cast %broadcast_in_dim3A_150 : vector<128x1xi32> to vector<128x1xi32>
      %broadcast_in_dim3A_152 = vector.broadcast %broadcast_in_dim3A_151 : vector<128x1xi32> to vector<128x8xi32>
      %select_n3A_153 = arith.select %and3A_142, %broadcast_in_dim3A_152, %get3A_126 : vector<128x8xi1>, vector<128x8xi32>
      %swap3A_154 = arith.constant 0 : index
      %swap3A_155 = arith.constant 0 : index
      %swap3A_156 = vector.load %arg8[%swap3A_154, %swap3A_155] : memref<128x8xi32, #tpu.memory_space<vmem>>, vector<128x8xi32>
      tpu.vector_store %arg8[%swap3A_154, %swap3A_155], %select_n3A_153 {strides = array<i32>} : memref<128x8xi32, #tpu.memory_space<vmem>>, vector<128x8xi32>,
    } else {
    }
    %gt3A_80 = arith.constant 5 : i32
    %gt3A_81 = arith.cmpi sgt, %min3A_48, %gt3A_80 : i32
    %convert_element_type3A_82 = arith.extui %gt3A_81 : i1 to i32
    %cond3A_83 = arith.constant 2147483647 : i32
    %cond3A_84 = arith.constant 0 : i32
    %cond3A_85 = arith.cmpi ne, %convert_element_type3A_82, %cond3A_84 : i32
    scf.if %cond3A_85 {
      %get3A_103 = arith.constant 0 : index
      %get3A_104 = arith.constant 0 : index
      %get3A_105 = vector.load %arg6[%get3A_103, %get3A_104] : memref<128x8192xf32, #tpu.memory_space<vmem>>, vector<128x8192xf32>
      %reduce_max3A_106 = arith.constant dense<0xFF800000> : vector<128xf32>
      %reduce_max3A_107 = vector.multi_reduction <maximumf>, %get3A_105, %reduce_max3A_106 [1] : vector<128x8192xf32> to vector<128xf32>
      %broadcast_in_dim3A_108 = vector.shape_cast %reduce_max3A_107 : vector<128xf32> to vector<128x1xf32>
      %eq3A_109 = vector.broadcast %broadcast_in_dim3A_108 : vector<128x1xf32> to vector<128x8192xf32>
      %eq3A_110 = arith.cmpf oeq, %get3A_105, %eq3A_109 : vector<128x8192xf32>
      %broadcast_in_dim3A_111 = vector.broadcast %cond3A_83 : i32 to vector<128x8192xi32>
      %select_n3A_112 = arith.select %eq3A_110, %add3A_25, %broadcast_in_dim3A_111 : vector<128x8192xi1>, vector<128x8192xi32>
      %reduce_min3A_113 = arith.constant dense<2147483647> : vector<128xi32>
      %reduce_min3A_114 = vector.multi_reduction <minsi>, %select_n3A_112, %reduce_min3A_113 [1] : vector<128x8192xi32> to vector<128xi32>
      %jit3A_115 = arith.constant 0xFF800000 : f32
      %broadcast_in_dim3A_116 = vector.broadcast %jit3A_115 : f32 to vector<128x8192xf32>
      %select_n3A_117 = arith.select %eq3A_110, %broadcast_in_dim3A_116, %get3A_105 : vector<128x8192xi1>, vector<128x8192xf32>
      %swap3A_118 = arith.constant 0 : index
      %swap3A_119 = arith.constant 0 : index
      %swap3A_120 = vector.load %arg6[%swap3A_118, %swap3A_119] : memref<128x8192xf32, #tpu.memory_space<vmem>>, vector<128x8192xf32>
      tpu.vector_store %arg6[%swap3A_118, %swap3A_119], %select_n3A_117 {strides = array<i32>} : memref<128x8192xf32, #tpu.memory_space<vmem>>, vector<128x8192xf32>,
      %get3A_121 = arith.constant 0 : index
      %get3A_122 = arith.constant 0 : index
      %get3A_123 = vector.load %arg7[%get3A_121, %get3A_122] : memref<128x8xf32, #tpu.memory_space<vmem>>, vector<128x8xf32>
      %get3A_124 = arith.constant 0 : index
      %get3A_125 = arith.constant 0 : index
      %get3A_126 = vector.load %arg8[%get3A_124, %get3A_125] : memref<128x8xi32, #tpu.memory_space<vmem>>, vector<128x8xi32>
      %reduce_min3A_127 = arith.constant dense<0x7F800000> : vector<128xf32>
      %reduce_min3A_128 = vector.multi_reduction <minimumf>, %get3A_123, %reduce_min3A_127 [1] : vector<128x8xf32> to vector<128xf32>
      %broadcast_in_dim3A_129 = vector.shape_cast %reduce_min3A_128 : vector<128xf32> to vector<128x1xf32>
      %eq3A_130 = vector.broadcast %broadcast_in_dim3A_129 : vector<128x1xf32> to vector<128x8xf32>
      %eq3A_131 = arith.cmpf oeq, %get3A_123, %eq3A_130 : vector<128x8xf32>
      %jit3A_132 = arith.constant 8 : i32
      %broadcast_in_dim3A_133 = vector.broadcast %jit3A_132 : i32 to vector<128x8xi32>
      %select_n3A_134 = arith.select %eq3A_131, %iota3A_49, %broadcast_in_dim3A_133 : vector<128x8xi1>, vector<128x8xi32>
      %reduce_min3A_135 = arith.constant dense<2147483647> : vector<128xi32>
      %reduce_min3A_136 = vector.multi_reduction <minsi>, %select_n3A_134, %reduce_min3A_135 [1] : vector<128x8xi32> to vector<128xi32>
      %gt3A_137 = arith.cmpf ogt, %reduce_max3A_107, %reduce_min3A_128 : vector<128xf32>
      %broadcast_in_dim3A_138 = vector.shape_cast %reduce_min3A_136 : vector<128xi32> to vector<128x1xi32>
      %eq3A_139 = vector.broadcast %broadcast_in_dim3A_138 : vector<128x1xi32> to vector<128x8xi32>
      %eq3A_140 = arith.cmpi eq, %iota3A_49, %eq3A_139 : vector<128x8xi32>
      %broadcast_in_dim3A_141 = vector.shape_cast %gt3A_137 : vector<128xi1> to vector<128x1xi1>
      %and3A = vector.broadcast %broadcast_in_dim3A_141 : vector<128x1xi1> to vector<128x8xi1>
      %and3A_142 = arith.andi %eq3A_140, %and3A : vector<128x8xi1>
      %broadcast_in_dim3A_143 = vector.shape_cast %reduce_max3A_107 : vector<128xf32> to vector<128x1xf32>
      %broadcast_in_dim3A_144 = vector.shape_cast %broadcast_in_dim3A_143 : vector<128x1xf32> to vector<128x1xf32>
      %broadcast_in_dim3A_145 = vector.broadcast %broadcast_in_dim3A_144 : vector<128x1xf32> to vector<128x8xf32>
      %select_n3A_146 = arith.select %and3A_142, %broadcast_in_dim3A_145, %get3A_123 : vector<128x8xi1>, vector<128x8xf32>
      %swap3A_147 = arith.constant 0 : index
      %swap3A_148 = arith.constant 0 : index
      %swap3A_149 = vector.load %arg7[%swap3A_147, %swap3A_148] : memref<128x8xf32, #tpu.memory_space<vmem>>, vector<128x8xf32>
      tpu.vector_store %arg7[%swap3A_147, %swap3A_148], %select_n3A_146 {strides = array<i32>} : memref<128x8xf32, #tpu.memory_space<vmem>>, vector<128x8xf32>,
      %broadcast_in_dim3A_150 = vector.shape_cast %reduce_min3A_114 : vector<128xi32> to vector<128x1xi32>
      %broadcast_in_dim3A_151 = vector.shape_cast %broadcast_in_dim3A_150 : vector<128x1xi32> to vector<128x1xi32>
      %broadcast_in_dim3A_152 = vector.broadcast %broadcast_in_dim3A_151 : vector<128x1xi32> to vector<128x8xi32>
      %select_n3A_153 = arith.select %and3A_142, %broadcast_in_dim3A_152, %get3A_126 : vector<128x8xi1>, vector<128x8xi32>
      %swap3A_154 = arith.constant 0 : index
      %swap3A_155 = arith.constant 0 : index
      %swap3A_156 = vector.load %arg8[%swap3A_154, %swap3A_155] : memref<128x8xi32, #tpu.memory_space<vmem>>, vector<128x8xi32>
      tpu.vector_store %arg8[%swap3A_154, %swap3A_155], %select_n3A_153 {strides = array<i32>} : memref<128x8xi32, #tpu.memory_space<vmem>>, vector<128x8xi32>,
    } else {
    }
    %gt3A_86 = arith.constant 6 : i32
    %gt3A_87 = arith.cmpi sgt, %min3A_48, %gt3A_86 : i32
    %convert_element_type3A_88 = arith.extui %gt3A_87 : i1 to i32
    %cond3A_89 = arith.constant 2147483647 : i32
    %cond3A_90 = arith.constant 0 : i32
    %cond3A_91 = arith.cmpi ne, %convert_element_type3A_88, %cond3A_90 : i32
    scf.if %cond3A_91 {
      %get3A_103 = arith.constant 0 : index
      %get3A_104 = arith.constant 0 : index
      %get3A_105 = vector.load %arg6[%get3A_103, %get3A_104] : memref<128x8192xf32, #tpu.memory_space<vmem>>, vector<128x8192xf32>
      %reduce_max3A_106 = arith.constant dense<0xFF800000> : vector<128xf32>
      %reduce_max3A_107 = vector.multi_reduction <maximumf>, %get3A_105, %reduce_max3A_106 [1] : vector<128x8192xf32> to vector<128xf32>
      %broadcast_in_dim3A_108 = vector.shape_cast %reduce_max3A_107 : vector<128xf32> to vector<128x1xf32>
      %eq3A_109 = vector.broadcast %broadcast_in_dim3A_108 : vector<128x1xf32> to vector<128x8192xf32>
      %eq3A_110 = arith.cmpf oeq, %get3A_105, %eq3A_109 : vector<128x8192xf32>
      %broadcast_in_dim3A_111 = vector.broadcast %cond3A_89 : i32 to vector<128x8192xi32>
      %select_n3A_112 = arith.select %eq3A_110, %add3A_25, %broadcast_in_dim3A_111 : vector<128x8192xi1>, vector<128x8192xi32>
      %reduce_min3A_113 = arith.constant dense<2147483647> : vector<128xi32>
      %reduce_min3A_114 = vector.multi_reduction <minsi>, %select_n3A_112, %reduce_min3A_113 [1] : vector<128x8192xi32> to vector<128xi32>
      %jit3A_115 = arith.constant 0xFF800000 : f32
      %broadcast_in_dim3A_116 = vector.broadcast %jit3A_115 : f32 to vector<128x8192xf32>
      %select_n3A_117 = arith.select %eq3A_110, %broadcast_in_dim3A_116, %get3A_105 : vector<128x8192xi1>, vector<128x8192xf32>
      %swap3A_118 = arith.constant 0 : index
      %swap3A_119 = arith.constant 0 : index
      %swap3A_120 = vector.load %arg6[%swap3A_118, %swap3A_119] : memref<128x8192xf32, #tpu.memory_space<vmem>>, vector<128x8192xf32>
      tpu.vector_store %arg6[%swap3A_118, %swap3A_119], %select_n3A_117 {strides = array<i32>} : memref<128x8192xf32, #tpu.memory_space<vmem>>, vector<128x8192xf32>,
      %get3A_121 = arith.constant 0 : index
      %get3A_122 = arith.constant 0 : index
      %get3A_123 = vector.load %arg7[%get3A_121, %get3A_122] : memref<128x8xf32, #tpu.memory_space<vmem>>, vector<128x8xf32>
      %get3A_124 = arith.constant 0 : index
      %get3A_125 = arith.constant 0 : index
      %get3A_126 = vector.load %arg8[%get3A_124, %get3A_125] : memref<128x8xi32, #tpu.memory_space<vmem>>, vector<128x8xi32>
      %reduce_min3A_127 = arith.constant dense<0x7F800000> : vector<128xf32>
      %reduce_min3A_128 = vector.multi_reduction <minimumf>, %get3A_123, %reduce_min3A_127 [1] : vector<128x8xf32> to vector<128xf32>
      %broadcast_in_dim3A_129 = vector.shape_cast %reduce_min3A_128 : vector<128xf32> to vector<128x1xf32>
      %eq3A_130 = vector.broadcast %broadcast_in_dim3A_129 : vector<128x1xf32> to vector<128x8xf32>
      %eq3A_131 = arith.cmpf oeq, %get3A_123, %eq3A_130 : vector<128x8xf32>
      %jit3A_132 = arith.constant 8 : i32
      %broadcast_in_dim3A_133 = vector.broadcast %jit3A_132 : i32 to vector<128x8xi32>
      %select_n3A_134 = arith.select %eq3A_131, %iota3A_49, %broadcast_in_dim3A_133 : vector<128x8xi1>, vector<128x8xi32>
      %reduce_min3A_135 = arith.constant dense<2147483647> : vector<128xi32>
      %reduce_min3A_136 = vector.multi_reduction <minsi>, %select_n3A_134, %reduce_min3A_135 [1] : vector<128x8xi32> to vector<128xi32>
      %gt3A_137 = arith.cmpf ogt, %reduce_max3A_107, %reduce_min3A_128 : vector<128xf32>
      %broadcast_in_dim3A_138 = vector.shape_cast %reduce_min3A_136 : vector<128xi32> to vector<128x1xi32>
      %eq3A_139 = vector.broadcast %broadcast_in_dim3A_138 : vector<128x1xi32> to vector<128x8xi32>
      %eq3A_140 = arith.cmpi eq, %iota3A_49, %eq3A_139 : vector<128x8xi32>
      %broadcast_in_dim3A_141 = vector.shape_cast %gt3A_137 : vector<128xi1> to vector<128x1xi1>
      %and3A = vector.broadcast %broadcast_in_dim3A_141 : vector<128x1xi1> to vector<128x8xi1>
      %and3A_142 = arith.andi %eq3A_140, %and3A : vector<128x8xi1>
      %broadcast_in_dim3A_143 = vector.shape_cast %reduce_max3A_107 : vector<128xf32> to vector<128x1xf32>
      %broadcast_in_dim3A_144 = vector.shape_cast %broadcast_in_dim3A_143 : vector<128x1xf32> to vector<128x1xf32>
      %broadcast_in_dim3A_145 = vector.broadcast %broadcast_in_dim3A_144 : vector<128x1xf32> to vector<128x8xf32>
      %select_n3A_146 = arith.select %and3A_142, %broadcast_in_dim3A_145, %get3A_123 : vector<128x8xi1>, vector<128x8xf32>
      %swap3A_147 = arith.constant 0 : index
      %swap3A_148 = arith.constant 0 : index
      %swap3A_149 = vector.load %arg7[%swap3A_147, %swap3A_148] : memref<128x8xf32, #tpu.memory_space<vmem>>, vector<128x8xf32>
      tpu.vector_store %arg7[%swap3A_147, %swap3A_148], %select_n3A_146 {strides = array<i32>} : memref<128x8xf32, #tpu.memory_space<vmem>>, vector<128x8xf32>,
      %broadcast_in_dim3A_150 = vector.shape_cast %reduce_min3A_114 : vector<128xi32> to vector<128x1xi32>
      %broadcast_in_dim3A_151 = vector.shape_cast %broadcast_in_dim3A_150 : vector<128x1xi32> to vector<128x1xi32>
      %broadcast_in_dim3A_152 = vector.broadcast %broadcast_in_dim3A_151 : vector<128x1xi32> to vector<128x8xi32>
      %select_n3A_153 = arith.select %and3A_142, %broadcast_in_dim3A_152, %get3A_126 : vector<128x8xi1>, vector<128x8xi32>
      %swap3A_154 = arith.constant 0 : index
      %swap3A_155 = arith.constant 0 : index
      %swap3A_156 = vector.load %arg8[%swap3A_154, %swap3A_155] : memref<128x8xi32, #tpu.memory_space<vmem>>, vector<128x8xi32>
      tpu.vector_store %arg8[%swap3A_154, %swap3A_155], %select_n3A_153 {strides = array<i32>} : memref<128x8xi32, #tpu.memory_space<vmem>>, vector<128x8xi32>,
    } else {
    }
    %gt3A_92 = arith.constant 7 : i32
    %gt3A_93 = arith.cmpi sgt, %min3A_48, %gt3A_92 : i32
    %convert_element_type3A_94 = arith.extui %gt3A_93 : i1 to i32
    %cond3A_95 = arith.constant 2147483647 : i32
    %cond3A_96 = arith.constant 0 : i32
    %cond3A_97 = arith.cmpi ne, %convert_element_type3A_94, %cond3A_96 : i32
    scf.if %cond3A_97 {
      %get3A_103 = arith.constant 0 : index
      %get3A_104 = arith.constant 0 : index
      %get3A_105 = vector.load %arg6[%get3A_103, %get3A_104] : memref<128x8192xf32, #tpu.memory_space<vmem>>, vector<128x8192xf32>
      %reduce_max3A_106 = arith.constant dense<0xFF800000> : vector<128xf32>
      %reduce_max3A_107 = vector.multi_reduction <maximumf>, %get3A_105, %reduce_max3A_106 [1] : vector<128x8192xf32> to vector<128xf32>
      %broadcast_in_dim3A_108 = vector.shape_cast %reduce_max3A_107 : vector<128xf32> to vector<128x1xf32>
      %eq3A_109 = vector.broadcast %broadcast_in_dim3A_108 : vector<128x1xf32> to vector<128x8192xf32>
      %eq3A_110 = arith.cmpf oeq, %get3A_105, %eq3A_109 : vector<128x8192xf32>
      %broadcast_in_dim3A_111 = vector.broadcast %cond3A_95 : i32 to vector<128x8192xi32>
      %select_n3A_112 = arith.select %eq3A_110, %add3A_25, %broadcast_in_dim3A_111 : vector<128x8192xi1>, vector<128x8192xi32>
      %reduce_min3A_113 = arith.constant dense<2147483647> : vector<128xi32>
      %reduce_min3A_114 = vector.multi_reduction <minsi>, %select_n3A_112, %reduce_min3A_113 [1] : vector<128x8192xi32> to vector<128xi32>
      %jit3A_115 = arith.constant 0xFF800000 : f32
      %broadcast_in_dim3A_116 = vector.broadcast %jit3A_115 : f32 to vector<128x8192xf32>
      %select_n3A_117 = arith.select %eq3A_110, %broadcast_in_dim3A_116, %get3A_105 : vector<128x8192xi1>, vector<128x8192xf32>
      %swap3A_118 = arith.constant 0 : index
      %swap3A_119 = arith.constant 0 : index
      %swap3A_120 = vector.load %arg6[%swap3A_118, %swap3A_119] : memref<128x8192xf32, #tpu.memory_space<vmem>>, vector<128x8192xf32>
      tpu.vector_store %arg6[%swap3A_118, %swap3A_119], %select_n3A_117 {strides = array<i32>} : memref<128x8192xf32, #tpu.memory_space<vmem>>, vector<128x8192xf32>,
      %get3A_121 = arith.constant 0 : index
      %get3A_122 = arith.constant 0 : index
      %get3A_123 = vector.load %arg7[%get3A_121, %get3A_122] : memref<128x8xf32, #tpu.memory_space<vmem>>, vector<128x8xf32>
      %get3A_124 = arith.constant 0 : index
      %get3A_125 = arith.constant 0 : index
      %get3A_126 = vector.load %arg8[%get3A_124, %get3A_125] : memref<128x8xi32, #tpu.memory_space<vmem>>, vector<128x8xi32>
      %reduce_min3A_127 = arith.constant dense<0x7F800000> : vector<128xf32>
      %reduce_min3A_128 = vector.multi_reduction <minimumf>, %get3A_123, %reduce_min3A_127 [1] : vector<128x8xf32> to vector<128xf32>
      %broadcast_in_dim3A_129 = vector.shape_cast %reduce_min3A_128 : vector<128xf32> to vector<128x1xf32>
      %eq3A_130 = vector.broadcast %broadcast_in_dim3A_129 : vector<128x1xf32> to vector<128x8xf32>
      %eq3A_131 = arith.cmpf oeq, %get3A_123, %eq3A_130 : vector<128x8xf32>
      %jit3A_132 = arith.constant 8 : i32
      %broadcast_in_dim3A_133 = vector.broadcast %jit3A_132 : i32 to vector<128x8xi32>
      %select_n3A_134 = arith.select %eq3A_131, %iota3A_49, %broadcast_in_dim3A_133 : vector<128x8xi1>, vector<128x8xi32>
      %reduce_min3A_135 = arith.constant dense<2147483647> : vector<128xi32>
      %reduce_min3A_136 = vector.multi_reduction <minsi>, %select_n3A_134, %reduce_min3A_135 [1] : vector<128x8xi32> to vector<128xi32>
      %gt3A_137 = arith.cmpf ogt, %reduce_max3A_107, %reduce_min3A_128 : vector<128xf32>
      %broadcast_in_dim3A_138 = vector.shape_cast %reduce_min3A_136 : vector<128xi32> to vector<128x1xi32>
      %eq3A_139 = vector.broadcast %broadcast_in_dim3A_138 : vector<128x1xi32> to vector<128x8xi32>
      %eq3A_140 = arith.cmpi eq, %iota3A_49, %eq3A_139 : vector<128x8xi32>
      %broadcast_in_dim3A_141 = vector.shape_cast %gt3A_137 : vector<128xi1> to vector<128x1xi1>
      %and3A = vector.broadcast %broadcast_in_dim3A_141 : vector<128x1xi1> to vector<128x8xi1>
      %and3A_142 = arith.andi %eq3A_140, %and3A : vector<128x8xi1>
      %broadcast_in_dim3A_143 = vector.shape_cast %reduce_max3A_107 : vector<128xf32> to vector<128x1xf32>
      %broadcast_in_dim3A_144 = vector.shape_cast %broadcast_in_dim3A_143 : vector<128x1xf32> to vector<128x1xf32>
      %broadcast_in_dim3A_145 = vector.broadcast %broadcast_in_dim3A_144 : vector<128x1xf32> to vector<128x8xf32>
      %select_n3A_146 = arith.select %and3A_142, %broadcast_in_dim3A_145, %get3A_123 : vector<128x8xi1>, vector<128x8xf32>
      %swap3A_147 = arith.constant 0 : index
      %swap3A_148 = arith.constant 0 : index
      %swap3A_149 = vector.load %arg7[%swap3A_147, %swap3A_148] : memref<128x8xf32, #tpu.memory_space<vmem>>, vector<128x8xf32>
      tpu.vector_store %arg7[%swap3A_147, %swap3A_148], %select_n3A_146 {strides = array<i32>} : memref<128x8xf32, #tpu.memory_space<vmem>>, vector<128x8xf32>,
      %broadcast_in_dim3A_150 = vector.shape_cast %reduce_min3A_114 : vector<128xi32> to vector<128x1xi32>
      %broadcast_in_dim3A_151 = vector.shape_cast %broadcast_in_dim3A_150 : vector<128x1xi32> to vector<128x1xi32>
      %broadcast_in_dim3A_152 = vector.broadcast %broadcast_in_dim3A_151 : vector<128x1xi32> to vector<128x8xi32>
      %select_n3A_153 = arith.select %and3A_142, %broadcast_in_dim3A_152, %get3A_126 : vector<128x8xi1>, vector<128x8xi32>
      %swap3A_154 = arith.constant 0 : index
      %swap3A_155 = arith.constant 0 : index
      %swap3A_156 = vector.load %arg8[%swap3A_154, %swap3A_155] : memref<128x8xi32, #tpu.memory_space<vmem>>, vector<128x8xi32>
      tpu.vector_store %arg8[%swap3A_154, %swap3A_155], %select_n3A_153 {strides = array<i32>} : memref<128x8xi32, #tpu.memory_space<vmem>>, vector<128x8xi32>,
    } else {
    }
    %eq3A_98 = arith.constant 122 : i32
    %eq3A_99 = arith.cmpi eq, %arg0, %eq3A_98 : i32
    %convert_element_type3A_100 = arith.extui %eq3A_99 : i1 to i32
    %cond3A_101 = arith.constant 0 : i32
    %cond3A_102 = arith.cmpi ne, %convert_element_type3A_100, %cond3A_101 : i32
    scf.if %cond3A_102 {
      %get3A_103 = arith.constant 0 : index
      %get3A_104 = arith.constant 0 : index
      %get3A_105 = vector.load %arg7[%get3A_103, %get3A_104] : memref<128x8xf32, #tpu.memory_space<vmem>>, vector<128x8xf32>
      %get3A_106 = arith.constant 0 : index
      %get3A_107 = arith.constant 0 : index
      %get3A_108 = vector.load %arg8[%get3A_106, %get3A_107] : memref<128x8xi32, #tpu.memory_space<vmem>>, vector<128x8xi32>
      %broadcast_in_dim3A_109 = arith.constant 0.000000e+00 : f32
      %broadcast_in_dim3A_110 = vector.broadcast %broadcast_in_dim3A_109 : f32 to vector<128x8xf32>
      %broadcast_in_dim3A_111 = arith.constant 0 : i32
      %broadcast_in_dim3A_112 = vector.broadcast %broadcast_in_dim3A_111 : i32 to vector<128x8xi32>
      %reduce_max3A_113 = arith.constant dense<0xFF800000> : vector<128xf32>
      %reduce_max3A_114 = vector.multi_reduction <maximumf>, %get3A_105, %reduce_max3A_113 [1] : vector<128x8xf32> to vector<128xf32>
      %broadcast_in_dim3A_115 = vector.shape_cast %reduce_max3A_114 : vector<128xf32> to vector<128x1xf32>
      %eq3A_116 = vector.broadcast %broadcast_in_dim3A_115 : vector<128x1xf32> to vector<128x8xf32>
      %eq3A_117 = arith.cmpf oeq, %get3A_105, %eq3A_116 : vector<128x8xf32>
      %jit3A_118 = arith.constant 8 : i32
      %broadcast_in_dim3A_119 = vector.broadcast %jit3A_118 : i32 to vector<128x8xi32>
      %select_n3A_120 = arith.select %eq3A_117, %iota3A_49, %broadcast_in_dim3A_119 : vector<128x8xi1>, vector<128x8xi32>
      %reduce_min3A_121 = arith.constant dense<2147483647> : vector<128xi32>
      %reduce_min3A_122 = vector.multi_reduction <minsi>, %select_n3A_120, %reduce_min3A_121 [1] : vector<128x8xi32> to vector<128xi32>
      %broadcast_in_dim3A_123 = vector.shape_cast %reduce_min3A_122 : vector<128xi32> to vector<128x1xi32>
      %eq3A_124 = vector.broadcast %broadcast_in_dim3A_123 : vector<128x1xi32> to vector<128x8xi32>
      %eq3A_125 = arith.cmpi eq, %iota3A_49, %eq3A_124 : vector<128x8xi32>
      %eq3A_126 = arith.constant 0 : i32
      %eq3A_127 = vector.broadcast %eq3A_126 : i32 to vector<128x8xi32>
      %eq3A_128 = arith.cmpi eq, %iota3A_49, %eq3A_127 : vector<128x8xi32>
      %broadcast_in_dim3A_129 = vector.shape_cast %reduce_max3A_114 : vector<128xf32> to vector<128x1xf32>
      %broadcast_in_dim3A_130 = vector.shape_cast %broadcast_in_dim3A_129 : vector<128x1xf32> to vector<128x1xf32>
      %broadcast_in_dim3A_131 = vector.broadcast %broadcast_in_dim3A_130 : vector<128x1xf32> to vector<128x8xf32>
      %select_n3A_132 = arith.select %eq3A_128, %broadcast_in_dim3A_131, %broadcast_in_dim3A_110 : vector<128x8xi1>, vector<128x8xf32>
      %eq3A_133 = arith.constant 0 : i32
      %eq3A_134 = vector.broadcast %eq3A_133 : i32 to vector<128x8xi32>
      %eq3A_135 = arith.cmpi eq, %iota3A_49, %eq3A_134 : vector<128x8xi32>
      %jit3A_136 = arith.constant 0 : i32
      %broadcast_in_dim3A_137 = vector.broadcast %jit3A_136 : i32 to vector<128x8xi32>
      %select_n3A_138 = arith.select %eq3A_125, %get3A_108, %broadcast_in_dim3A_137 : vector<128x8xi1>, vector<128x8xi32>
      %reduce_sum3A_139 = arith.constant dense<0> : vector<128xi32>
      %reduce_sum3A_140 = vector.multi_reduction <add>, %select_n3A_138, %reduce_sum3A_139 [1] : vector<128x8xi32> to vector<128xi32>
      %broadcast_in_dim3A_141 = vector.shape_cast %reduce_sum3A_140 : vector<128xi32> to vector<128x1xi32>
      %broadcast_in_dim3A_142 = vector.shape_cast %broadcast_in_dim3A_141 : vector<128x1xi32> to vector<128x1xi32>
      %broadcast_in_dim3A_143 = vector.broadcast %broadcast_in_dim3A_142 : vector<128x1xi32> to vector<128x8xi32>
      %select_n3A_144 = arith.select %eq3A_135, %broadcast_in_dim3A_143, %broadcast_in_dim3A_112 : vector<128x8xi1>, vector<128x8xi32>
      %jit3A_145 = arith.constant 0xFF800000 : f32
      %broadcast_in_dim3A_146 = vector.broadcast %jit3A_145 : f32 to vector<128x8xf32>
      %select_n3A_147 = arith.select %eq3A_125, %broadcast_in_dim3A_146, %get3A_105 : vector<128x8xi1>, vector<128x8xf32>
      %reduce_max3A_148 = arith.constant dense<0xFF800000> : vector<128xf32>
      %reduce_max3A_149 = vector.multi_reduction <maximumf>, %select_n3A_147, %reduce_max3A_148 [1] : vector<128x8xf32> to vector<128xf32>
      %broadcast_in_dim3A_150 = vector.shape_cast %reduce_max3A_149 : vector<128xf32> to vector<128x1xf32>
      %eq3A_151 = vector.broadcast %broadcast_in_dim3A_150 : vector<128x1xf32> to vector<128x8xf32>
      %eq3A_152 = arith.cmpf oeq, %select_n3A_147, %eq3A_151 : vector<128x8xf32>
      %jit3A_153 = arith.constant 8 : i32
      %broadcast_in_dim3A_154 = vector.broadcast %jit3A_153 : i32 to vector<128x8xi32>
      %select_n3A_155 = arith.select %eq3A_152, %iota3A_49, %broadcast_in_dim3A_154 : vector<128x8xi1>, vector<128x8xi32>
      %reduce_min3A_156 = arith.constant dense<2147483647> : vector<128xi32>
      %reduce_min3A_157 = vector.multi_reduction <minsi>, %select_n3A_155, %reduce_min3A_156 [1] : vector<128x8xi32> to vector<128xi32>
      %broadcast_in_dim3A_158 = vector.shape_cast %reduce_min3A_157 : vector<128xi32> to vector<128x1xi32>
      %eq3A_159 = vector.broadcast %broadcast_in_dim3A_158 : vector<128x1xi32> to vector<128x8xi32>
      %eq3A_160 = arith.cmpi eq, %iota3A_49, %eq3A_159 : vector<128x8xi32>
      %eq3A_161 = arith.constant 1 : i32
      %eq3A_162 = vector.broadcast %eq3A_161 : i32 to vector<128x8xi32>
      %eq3A_163 = arith.cmpi eq, %iota3A_49, %eq3A_162 : vector<128x8xi32>
      %broadcast_in_dim3A_164 = vector.shape_cast %reduce_max3A_149 : vector<128xf32> to vector<128x1xf32>
      %broadcast_in_dim3A_165 = vector.shape_cast %broadcast_in_dim3A_164 : vector<128x1xf32> to vector<128x1xf32>
      %broadcast_in_dim3A_166 = vector.broadcast %broadcast_in_dim3A_165 : vector<128x1xf32> to vector<128x8xf32>
      %select_n3A_167 = arith.select %eq3A_163, %broadcast_in_dim3A_166, %select_n3A_132 : vector<128x8xi1>, vector<128x8xf32>
      %eq3A_168 = arith.constant 1 : i32
      %eq3A_169 = vector.broadcast %eq3A_168 : i32 to vector<128x8xi32>
      %eq3A_170 = arith.cmpi eq, %iota3A_49, %eq3A_169 : vector<128x8xi32>
      %jit3A_171 = arith.constant 0 : i32
      %broadcast_in_dim3A_172 = vector.broadcast %jit3A_171 : i32 to vector<128x8xi32>
      %select_n3A_173 = arith.select %eq3A_160, %get3A_108, %broadcast_in_dim3A_172 : vector<128x8xi1>, vector<128x8xi32>
      %reduce_sum3A_174 = arith.constant dense<0> : vector<128xi32>
      %reduce_sum3A_175 = vector.multi_reduction <add>, %select_n3A_173, %reduce_sum3A_174 [1] : vector<128x8xi32> to vector<128xi32>
      %broadcast_in_dim3A_176 = vector.shape_cast %reduce_sum3A_175 : vector<128xi32> to vector<128x1xi32>
      %broadcast_in_dim3A_177 = vector.shape_cast %broadcast_in_dim3A_176 : vector<128x1xi32> to vector<128x1xi32>
      %broadcast_in_dim3A_178 = vector.broadcast %broadcast_in_dim3A_177 : vector<128x1xi32> to vector<128x8xi32>
      %select_n3A_179 = arith.select %eq3A_170, %broadcast_in_dim3A_178, %select_n3A_144 : vector<128x8xi1>, vector<128x8xi32>
      %jit3A_180 = arith.constant 0xFF800000 : f32
      %broadcast_in_dim3A_181 = vector.broadcast %jit3A_180 : f32 to vector<128x8xf32>
      %select_n3A_182 = arith.select %eq3A_160, %broadcast_in_dim3A_181, %select_n3A_147 : vector<128x8xi1>, vector<128x8xf32>
      %reduce_max3A_183 = arith.constant dense<0xFF800000> : vector<128xf32>
      %reduce_max3A_184 = vector.multi_reduction <maximumf>, %select_n3A_182, %reduce_max3A_183 [1] : vector<128x8xf32> to vector<128xf32>
      %broadcast_in_dim3A_185 = vector.shape_cast %reduce_max3A_184 : vector<128xf32> to vector<128x1xf32>
      %eq3A_186 = vector.broadcast %broadcast_in_dim3A_185 : vector<128x1xf32> to vector<128x8xf32>
      %eq3A_187 = arith.cmpf oeq, %select_n3A_182, %eq3A_186 : vector<128x8xf32>
      %jit3A_188 = arith.constant 8 : i32
      %broadcast_in_dim3A_189 = vector.broadcast %jit3A_188 : i32 to vector<128x8xi32>
      %select_n3A_190 = arith.select %eq3A_187, %iota3A_49, %broadcast_in_dim3A_189 : vector<128x8xi1>, vector<128x8xi32>
      %reduce_min3A_191 = arith.constant dense<2147483647> : vector<128xi32>
      %reduce_min3A_192 = vector.multi_reduction <minsi>, %select_n3A_190, %reduce_min3A_191 [1] : vector<128x8xi32> to vector<128xi32>
      %broadcast_in_dim3A_193 = vector.shape_cast %reduce_min3A_192 : vector<128xi32> to vector<128x1xi32>
      %eq3A_194 = vector.broadcast %broadcast_in_dim3A_193 : vector<128x1xi32> to vector<128x8xi32>
      %eq3A_195 = arith.cmpi eq, %iota3A_49, %eq3A_194 : vector<128x8xi32>
      %eq3A_196 = arith.constant 2 : i32
      %eq3A_197 = vector.broadcast %eq3A_196 : i32 to vector<128x8xi32>
      %eq3A_198 = arith.cmpi eq, %iota3A_49, %eq3A_197 : vector<128x8xi32>
      %broadcast_in_dim3A_199 = vector.shape_cast %reduce_max3A_184 : vector<128xf32> to vector<128x1xf32>
      %broadcast_in_dim3A_200 = vector.shape_cast %broadcast_in_dim3A_199 : vector<128x1xf32> to vector<128x1xf32>
      %broadcast_in_dim3A_201 = vector.broadcast %broadcast_in_dim3A_200 : vector<128x1xf32> to vector<128x8xf32>
      %select_n3A_202 = arith.select %eq3A_198, %broadcast_in_dim3A_201, %select_n3A_167 : vector<128x8xi1>, vector<128x8xf32>
      %eq3A_203 = arith.constant 2 : i32
      %eq3A_204 = vector.broadcast %eq3A_203 : i32 to vector<128x8xi32>
      %eq3A_205 = arith.cmpi eq, %iota3A_49, %eq3A_204 : vector<128x8xi32>
      %jit3A_206 = arith.constant 0 : i32
      %broadcast_in_dim3A_207 = vector.broadcast %jit3A_206 : i32 to vector<128x8xi32>
      %select_n3A_208 = arith.select %eq3A_195, %get3A_108, %broadcast_in_dim3A_207 : vector<128x8xi1>, vector<128x8xi32>
      %reduce_sum3A_209 = arith.constant dense<0> : vector<128xi32>
      %reduce_sum3A_210 = vector.multi_reduction <add>, %select_n3A_208, %reduce_sum3A_209 [1] : vector<128x8xi32> to vector<128xi32>
      %broadcast_in_dim3A_211 = vector.shape_cast %reduce_sum3A_210 : vector<128xi32> to vector<128x1xi32>
      %broadcast_in_dim3A_212 = vector.shape_cast %broadcast_in_dim3A_211 : vector<128x1xi32> to vector<128x1xi32>
      %broadcast_in_dim3A_213 = vector.broadcast %broadcast_in_dim3A_212 : vector<128x1xi32> to vector<128x8xi32>
      %select_n3A_214 = arith.select %eq3A_205, %broadcast_in_dim3A_213, %select_n3A_179 : vector<128x8xi1>, vector<128x8xi32>
      %jit3A_215 = arith.constant 0xFF800000 : f32
      %broadcast_in_dim3A_216 = vector.broadcast %jit3A_215 : f32 to vector<128x8xf32>
      %select_n3A_217 = arith.select %eq3A_195, %broadcast_in_dim3A_216, %select_n3A_182 : vector<128x8xi1>, vector<128x8xf32>
      %reduce_max3A_218 = arith.constant dense<0xFF800000> : vector<128xf32>
      %reduce_max3A_219 = vector.multi_reduction <maximumf>, %select_n3A_217, %reduce_max3A_218 [1] : vector<128x8xf32> to vector<128xf32>
      %broadcast_in_dim3A_220 = vector.shape_cast %reduce_max3A_219 : vector<128xf32> to vector<128x1xf32>
      %eq3A_221 = vector.broadcast %broadcast_in_dim3A_220 : vector<128x1xf32> to vector<128x8xf32>
      %eq3A_222 = arith.cmpf oeq, %select_n3A_217, %eq3A_221 : vector<128x8xf32>
      %jit3A_223 = arith.constant 8 : i32
      %broadcast_in_dim3A_224 = vector.broadcast %jit3A_223 : i32 to vector<128x8xi32>
      %select_n3A_225 = arith.select %eq3A_222, %iota3A_49, %broadcast_in_dim3A_224 : vector<128x8xi1>, vector<128x8xi32>
      %reduce_min3A_226 = arith.constant dense<2147483647> : vector<128xi32>
      %reduce_min3A_227 = vector.multi_reduction <minsi>, %select_n3A_225, %reduce_min3A_226 [1] : vector<128x8xi32> to vector<128xi32>
      %broadcast_in_dim3A_228 = vector.shape_cast %reduce_min3A_227 : vector<128xi32> to vector<128x1xi32>
      %eq3A_229 = vector.broadcast %broadcast_in_dim3A_228 : vector<128x1xi32> to vector<128x8xi32>
      %eq3A_230 = arith.cmpi eq, %iota3A_49, %eq3A_229 : vector<128x8xi32>
      %eq3A_231 = arith.constant 3 : i32
      %eq3A_232 = vector.broadcast %eq3A_231 : i32 to vector<128x8xi32>
      %eq3A_233 = arith.cmpi eq, %iota3A_49, %eq3A_232 : vector<128x8xi32>
      %broadcast_in_dim3A_234 = vector.shape_cast %reduce_max3A_219 : vector<128xf32> to vector<128x1xf32>
      %broadcast_in_dim3A_235 = vector.shape_cast %broadcast_in_dim3A_234 : vector<128x1xf32> to vector<128x1xf32>
      %broadcast_in_dim3A_236 = vector.broadcast %broadcast_in_dim3A_235 : vector<128x1xf32> to vector<128x8xf32>
      %select_n3A_237 = arith.select %eq3A_233, %broadcast_in_dim3A_236, %select_n3A_202 : vector<128x8xi1>, vector<128x8xf32>
      %eq3A_238 = arith.constant 3 : i32
      %eq3A_239 = vector.broadcast %eq3A_238 : i32 to vector<128x8xi32>
      %eq3A_240 = arith.cmpi eq, %iota3A_49, %eq3A_239 : vector<128x8xi32>
      %jit3A_241 = arith.constant 0 : i32
      %broadcast_in_dim3A_242 = vector.broadcast %jit3A_241 : i32 to vector<128x8xi32>
      %select_n3A_243 = arith.select %eq3A_230, %get3A_108, %broadcast_in_dim3A_242 : vector<128x8xi1>, vector<128x8xi32>
      %reduce_sum3A_244 = arith.constant dense<0> : vector<128xi32>
      %reduce_sum3A_245 = vector.multi_reduction <add>, %select_n3A_243, %reduce_sum3A_244 [1] : vector<128x8xi32> to vector<128xi32>
      %broadcast_in_dim3A_246 = vector.shape_cast %reduce_sum3A_245 : vector<128xi32> to vector<128x1xi32>
      %broadcast_in_dim3A_247 = vector.shape_cast %broadcast_in_dim3A_246 : vector<128x1xi32> to vector<128x1xi32>
      %broadcast_in_dim3A_248 = vector.broadcast %broadcast_in_dim3A_247 : vector<128x1xi32> to vector<128x8xi32>
      %select_n3A_249 = arith.select %eq3A_240, %broadcast_in_dim3A_248, %select_n3A_214 : vector<128x8xi1>, vector<128x8xi32>
      %jit3A_250 = arith.constant 0xFF800000 : f32
      %broadcast_in_dim3A_251 = vector.broadcast %jit3A_250 : f32 to vector<128x8xf32>
      %select_n3A_252 = arith.select %eq3A_230, %broadcast_in_dim3A_251, %select_n3A_217 : vector<128x8xi1>, vector<128x8xf32>
      %reduce_max3A_253 = arith.constant dense<0xFF800000> : vector<128xf32>
      %reduce_max3A_254 = vector.multi_reduction <maximumf>, %select_n3A_252, %reduce_max3A_253 [1] : vector<128x8xf32> to vector<128xf32>
      %broadcast_in_dim3A_255 = vector.shape_cast %reduce_max3A_254 : vector<128xf32> to vector<128x1xf32>
      %eq3A_256 = vector.broadcast %broadcast_in_dim3A_255 : vector<128x1xf32> to vector<128x8xf32>
      %eq3A_257 = arith.cmpf oeq, %select_n3A_252, %eq3A_256 : vector<128x8xf32>
      %jit3A_258 = arith.constant 8 : i32
      %broadcast_in_dim3A_259 = vector.broadcast %jit3A_258 : i32 to vector<128x8xi32>
      %select_n3A_260 = arith.select %eq3A_257, %iota3A_49, %broadcast_in_dim3A_259 : vector<128x8xi1>, vector<128x8xi32>
      %reduce_min3A_261 = arith.constant dense<2147483647> : vector<128xi32>
      %reduce_min3A_262 = vector.multi_reduction <minsi>, %select_n3A_260, %reduce_min3A_261 [1] : vector<128x8xi32> to vector<128xi32>
      %broadcast_in_dim3A_263 = vector.shape_cast %reduce_min3A_262 : vector<128xi32> to vector<128x1xi32>
      %eq3A_264 = vector.broadcast %broadcast_in_dim3A_263 : vector<128x1xi32> to vector<128x8xi32>
      %eq3A_265 = arith.cmpi eq, %iota3A_49, %eq3A_264 : vector<128x8xi32>
      %eq3A_266 = arith.constant 4 : i32
      %eq3A_267 = vector.broadcast %eq3A_266 : i32 to vector<128x8xi32>
      %eq3A_268 = arith.cmpi eq, %iota3A_49, %eq3A_267 : vector<128x8xi32>
      %broadcast_in_dim3A_269 = vector.shape_cast %reduce_max3A_254 : vector<128xf32> to vector<128x1xf32>
      %broadcast_in_dim3A_270 = vector.shape_cast %broadcast_in_dim3A_269 : vector<128x1xf32> to vector<128x1xf32>
      %broadcast_in_dim3A_271 = vector.broadcast %broadcast_in_dim3A_270 : vector<128x1xf32> to vector<128x8xf32>
      %select_n3A_272 = arith.select %eq3A_268, %broadcast_in_dim3A_271, %select_n3A_237 : vector<128x8xi1>, vector<128x8xf32>
      %eq3A_273 = arith.constant 4 : i32
      %eq3A_274 = vector.broadcast %eq3A_273 : i32 to vector<128x8xi32>
      %eq3A_275 = arith.cmpi eq, %iota3A_49, %eq3A_274 : vector<128x8xi32>
      %jit3A_276 = arith.constant 0 : i32
      %broadcast_in_dim3A_277 = vector.broadcast %jit3A_276 : i32 to vector<128x8xi32>
      %select_n3A_278 = arith.select %eq3A_265, %get3A_108, %broadcast_in_dim3A_277 : vector<128x8xi1>, vector<128x8xi32>
      %reduce_sum3A_279 = arith.constant dense<0> : vector<128xi32>
      %reduce_sum3A_280 = vector.multi_reduction <add>, %select_n3A_278, %reduce_sum3A_279 [1] : vector<128x8xi32> to vector<128xi32>
      %broadcast_in_dim3A_281 = vector.shape_cast %reduce_sum3A_280 : vector<128xi32> to vector<128x1xi32>
      %broadcast_in_dim3A_282 = vector.shape_cast %broadcast_in_dim3A_281 : vector<128x1xi32> to vector<128x1xi32>
      %broadcast_in_dim3A_283 = vector.broadcast %broadcast_in_dim3A_282 : vector<128x1xi32> to vector<128x8xi32>
      %select_n3A_284 = arith.select %eq3A_275, %broadcast_in_dim3A_283, %select_n3A_249 : vector<128x8xi1>, vector<128x8xi32>
      %jit3A_285 = arith.constant 0xFF800000 : f32
      %broadcast_in_dim3A_286 = vector.broadcast %jit3A_285 : f32 to vector<128x8xf32>
      %select_n3A_287 = arith.select %eq3A_265, %broadcast_in_dim3A_286, %select_n3A_252 : vector<128x8xi1>, vector<128x8xf32>
      %reduce_max3A_288 = arith.constant dense<0xFF800000> : vector<128xf32>
      %reduce_max3A_289 = vector.multi_reduction <maximumf>, %select_n3A_287, %reduce_max3A_288 [1] : vector<128x8xf32> to vector<128xf32>
      %broadcast_in_dim3A_290 = vector.shape_cast %reduce_max3A_289 : vector<128xf32> to vector<128x1xf32>
      %eq3A_291 = vector.broadcast %broadcast_in_dim3A_290 : vector<128x1xf32> to vector<128x8xf32>
      %eq3A_292 = arith.cmpf oeq, %select_n3A_287, %eq3A_291 : vector<128x8xf32>
      %jit3A_293 = arith.constant 8 : i32
      %broadcast_in_dim3A_294 = vector.broadcast %jit3A_293 : i32 to vector<128x8xi32>
      %select_n3A_295 = arith.select %eq3A_292, %iota3A_49, %broadcast_in_dim3A_294 : vector<128x8xi1>, vector<128x8xi32>
      %reduce_min3A_296 = arith.constant dense<2147483647> : vector<128xi32>
      %reduce_min3A_297 = vector.multi_reduction <minsi>, %select_n3A_295, %reduce_min3A_296 [1] : vector<128x8xi32> to vector<128xi32>
      %broadcast_in_dim3A_298 = vector.shape_cast %reduce_min3A_297 : vector<128xi32> to vector<128x1xi32>
      %eq3A_299 = vector.broadcast %broadcast_in_dim3A_298 : vector<128x1xi32> to vector<128x8xi32>
      %eq3A_300 = arith.cmpi eq, %iota3A_49, %eq3A_299 : vector<128x8xi32>
      %eq3A_301 = arith.constant 5 : i32
      %eq3A_302 = vector.broadcast %eq3A_301 : i32 to vector<128x8xi32>
      %eq3A_303 = arith.cmpi eq, %iota3A_49, %eq3A_302 : vector<128x8xi32>
      %broadcast_in_dim3A_304 = vector.shape_cast %reduce_max3A_289 : vector<128xf32> to vector<128x1xf32>
      %broadcast_in_dim3A_305 = vector.shape_cast %broadcast_in_dim3A_304 : vector<128x1xf32> to vector<128x1xf32>
      %broadcast_in_dim3A_306 = vector.broadcast %broadcast_in_dim3A_305 : vector<128x1xf32> to vector<128x8xf32>
      %select_n3A_307 = arith.select %eq3A_303, %broadcast_in_dim3A_306, %select_n3A_272 : vector<128x8xi1>, vector<128x8xf32>
      %eq3A_308 = arith.constant 5 : i32
      %eq3A_309 = vector.broadcast %eq3A_308 : i32 to vector<128x8xi32>
      %eq3A_310 = arith.cmpi eq, %iota3A_49, %eq3A_309 : vector<128x8xi32>
      %jit3A_311 = arith.constant 0 : i32
      %broadcast_in_dim3A_312 = vector.broadcast %jit3A_311 : i32 to vector<128x8xi32>
      %select_n3A_313 = arith.select %eq3A_300, %get3A_108, %broadcast_in_dim3A_312 : vector<128x8xi1>, vector<128x8xi32>
      %reduce_sum3A_314 = arith.constant dense<0> : vector<128xi32>
      %reduce_sum3A_315 = vector.multi_reduction <add>, %select_n3A_313, %reduce_sum3A_314 [1] : vector<128x8xi32> to vector<128xi32>
      %broadcast_in_dim3A_316 = vector.shape_cast %reduce_sum3A_315 : vector<128xi32> to vector<128x1xi32>
      %broadcast_in_dim3A_317 = vector.shape_cast %broadcast_in_dim3A_316 : vector<128x1xi32> to vector<128x1xi32>
      %broadcast_in_dim3A_318 = vector.broadcast %broadcast_in_dim3A_317 : vector<128x1xi32> to vector<128x8xi32>
      %select_n3A_319 = arith.select %eq3A_310, %broadcast_in_dim3A_318, %select_n3A_284 : vector<128x8xi1>, vector<128x8xi32>
      %jit3A_320 = arith.constant 0xFF800000 : f32
      %broadcast_in_dim3A_321 = vector.broadcast %jit3A_320 : f32 to vector<128x8xf32>
      %select_n3A_322 = arith.select %eq3A_300, %broadcast_in_dim3A_321, %select_n3A_287 : vector<128x8xi1>, vector<128x8xf32>
      %reduce_max3A_323 = arith.constant dense<0xFF800000> : vector<128xf32>
      %reduce_max3A_324 = vector.multi_reduction <maximumf>, %select_n3A_322, %reduce_max3A_323 [1] : vector<128x8xf32> to vector<128xf32>
      %broadcast_in_dim3A_325 = vector.shape_cast %reduce_max3A_324 : vector<128xf32> to vector<128x1xf32>
      %eq3A_326 = vector.broadcast %broadcast_in_dim3A_325 : vector<128x1xf32> to vector<128x8xf32>
      %eq3A_327 = arith.cmpf oeq, %select_n3A_322, %eq3A_326 : vector<128x8xf32>
      %jit3A_328 = arith.constant 8 : i32
      %broadcast_in_dim3A_329 = vector.broadcast %jit3A_328 : i32 to vector<128x8xi32>
      %select_n3A_330 = arith.select %eq3A_327, %iota3A_49, %broadcast_in_dim3A_329 : vector<128x8xi1>, vector<128x8xi32>
      %reduce_min3A_331 = arith.constant dense<2147483647> : vector<128xi32>
      %reduce_min3A_332 = vector.multi_reduction <minsi>, %select_n3A_330, %reduce_min3A_331 [1] : vector<128x8xi32> to vector<128xi32>
      %broadcast_in_dim3A_333 = vector.shape_cast %reduce_min3A_332 : vector<128xi32> to vector<128x1xi32>
      %eq3A_334 = vector.broadcast %broadcast_in_dim3A_333 : vector<128x1xi32> to vector<128x8xi32>
      %eq3A_335 = arith.cmpi eq, %iota3A_49, %eq3A_334 : vector<128x8xi32>
      %eq3A_336 = arith.constant 6 : i32
      %eq3A_337 = vector.broadcast %eq3A_336 : i32 to vector<128x8xi32>
      %eq3A_338 = arith.cmpi eq, %iota3A_49, %eq3A_337 : vector<128x8xi32>
      %broadcast_in_dim3A_339 = vector.shape_cast %reduce_max3A_324 : vector<128xf32> to vector<128x1xf32>
      %broadcast_in_dim3A_340 = vector.shape_cast %broadcast_in_dim3A_339 : vector<128x1xf32> to vector<128x1xf32>
      %broadcast_in_dim3A_341 = vector.broadcast %broadcast_in_dim3A_340 : vector<128x1xf32> to vector<128x8xf32>
      %select_n3A_342 = arith.select %eq3A_338, %broadcast_in_dim3A_341, %select_n3A_307 : vector<128x8xi1>, vector<128x8xf32>
      %eq3A_343 = arith.constant 6 : i32
      %eq3A_344 = vector.broadcast %eq3A_343 : i32 to vector<128x8xi32>
      %eq3A_345 = arith.cmpi eq, %iota3A_49, %eq3A_344 : vector<128x8xi32>
      %jit3A_346 = arith.constant 0 : i32
      %broadcast_in_dim3A_347 = vector.broadcast %jit3A_346 : i32 to vector<128x8xi32>
      %select_n3A_348 = arith.select %eq3A_335, %get3A_108, %broadcast_in_dim3A_347 : vector<128x8xi1>, vector<128x8xi32>
      %reduce_sum3A_349 = arith.constant dense<0> : vector<128xi32>
      %reduce_sum3A_350 = vector.multi_reduction <add>, %select_n3A_348, %reduce_sum3A_349 [1] : vector<128x8xi32> to vector<128xi32>
      %broadcast_in_dim3A_351 = vector.shape_cast %reduce_sum3A_350 : vector<128xi32> to vector<128x1xi32>
      %broadcast_in_dim3A_352 = vector.shape_cast %broadcast_in_dim3A_351 : vector<128x1xi32> to vector<128x1xi32>
      %broadcast_in_dim3A_353 = vector.broadcast %broadcast_in_dim3A_352 : vector<128x1xi32> to vector<128x8xi32>
      %select_n3A_354 = arith.select %eq3A_345, %broadcast_in_dim3A_353, %select_n3A_319 : vector<128x8xi1>, vector<128x8xi32>
      %jit3A_355 = arith.constant 0xFF800000 : f32
      %broadcast_in_dim3A_356 = vector.broadcast %jit3A_355 : f32 to vector<128x8xf32>
      %select_n3A_357 = arith.select %eq3A_335, %broadcast_in_dim3A_356, %select_n3A_322 : vector<128x8xi1>, vector<128x8xf32>
      %reduce_max3A_358 = arith.constant dense<0xFF800000> : vector<128xf32>
      %reduce_max3A_359 = vector.multi_reduction <maximumf>, %select_n3A_357, %reduce_max3A_358 [1] : vector<128x8xf32> to vector<128xf32>
      %broadcast_in_dim3A_360 = vector.shape_cast %reduce_max3A_359 : vector<128xf32> to vector<128x1xf32>
      %eq3A_361 = vector.broadcast %broadcast_in_dim3A_360 : vector<128x1xf32> to vector<128x8xf32>
      %eq3A_362 = arith.cmpf oeq, %select_n3A_357, %eq3A_361 : vector<128x8xf32>
      %jit3A_363 = arith.constant 8 : i32
      %broadcast_in_dim3A_364 = vector.broadcast %jit3A_363 : i32 to vector<128x8xi32>
      %select_n3A_365 = arith.select %eq3A_362, %iota3A_49, %broadcast_in_dim3A_364 : vector<128x8xi1>, vector<128x8xi32>
      %reduce_min3A_366 = arith.constant dense<2147483647> : vector<128xi32>
      %reduce_min3A_367 = vector.multi_reduction <minsi>, %select_n3A_365, %reduce_min3A_366 [1] : vector<128x8xi32> to vector<128xi32>
      %broadcast_in_dim3A_368 = vector.shape_cast %reduce_min3A_367 : vector<128xi32> to vector<128x1xi32>
      %eq3A_369 = vector.broadcast %broadcast_in_dim3A_368 : vector<128x1xi32> to vector<128x8xi32>
      %eq3A_370 = arith.cmpi eq, %iota3A_49, %eq3A_369 : vector<128x8xi32>
      %eq3A_371 = arith.constant 7 : i32
      %eq3A_372 = vector.broadcast %eq3A_371 : i32 to vector<128x8xi32>
      %eq3A_373 = arith.cmpi eq, %iota3A_49, %eq3A_372 : vector<128x8xi32>
      %broadcast_in_dim3A_374 = vector.shape_cast %reduce_max3A_359 : vector<128xf32> to vector<128x1xf32>
      %broadcast_in_dim3A_375 = vector.shape_cast %broadcast_in_dim3A_374 : vector<128x1xf32> to vector<128x1xf32>
      %broadcast_in_dim3A_376 = vector.broadcast %broadcast_in_dim3A_375 : vector<128x1xf32> to vector<128x8xf32>
      %select_n3A_377 = arith.select %eq3A_373, %broadcast_in_dim3A_376, %select_n3A_342 : vector<128x8xi1>, vector<128x8xf32>
      %eq3A_378 = arith.constant 7 : i32
      %eq3A_379 = vector.broadcast %eq3A_378 : i32 to vector<128x8xi32>
      %eq3A_380 = arith.cmpi eq, %iota3A_49, %eq3A_379 : vector<128x8xi32>
      %jit3A_381 = arith.constant 0 : i32
      %broadcast_in_dim3A_382 = vector.broadcast %jit3A_381 : i32 to vector<128x8xi32>
      %select_n3A_383 = arith.select %eq3A_370, %get3A_108, %broadcast_in_dim3A_382 : vector<128x8xi1>, vector<128x8xi32>
      %reduce_sum3A_384 = arith.constant dense<0> : vector<128xi32>
      %reduce_sum3A_385 = vector.multi_reduction <add>, %select_n3A_383, %reduce_sum3A_384 [1] : vector<128x8xi32> to vector<128xi32>
      %broadcast_in_dim3A_386 = vector.shape_cast %reduce_sum3A_385 : vector<128xi32> to vector<128x1xi32>
      %broadcast_in_dim3A_387 = vector.shape_cast %broadcast_in_dim3A_386 : vector<128x1xi32> to vector<128x1xi32>
      %broadcast_in_dim3A_388 = vector.broadcast %broadcast_in_dim3A_387 : vector<128x1xi32> to vector<128x8xi32>
      %select_n3A_389 = arith.select %eq3A_380, %broadcast_in_dim3A_388, %select_n3A_354 : vector<128x8xi1>, vector<128x8xi32>
      %slice3A = vector.extract_strided_slice %select_n3A_377 {offsets = [0, 0], sizes = [128, 1], strides = [1, 1]} : vector<128x8xf32> to vector<128x1xf32>
      %sub3A = vector.broadcast %slice3A : vector<128x1xf32> to vector<128x8xf32>
      %sub3A_390 = arith.subf %select_n3A_377, %sub3A : vector<128x8xf32>
      %exp3A = math.exp %sub3A_390 : vector<128x8xf32>
      %reduce_sum3A_391 = arith.constant dense<0.000000e+00> : vector<128xf32>
      %reduce_sum3A_392 = vector.multi_reduction <add>, %exp3A, %reduce_sum3A_391 [1] : vector<128x8xf32> to vector<128xf32>
      %broadcast_in_dim3A_393 = vector.shape_cast %reduce_sum3A_392 : vector<128xf32> to vector<128x1xf32>
      %div3A_394 = vector.broadcast %broadcast_in_dim3A_393 : vector<128x1xf32> to vector<128x8xf32>
      %div3A_395 = arith.divf %exp3A, %div3A_394 : vector<128x8xf32>
      %swap3A_396 = arith.constant 0 : index
      %swap3A_397 = arith.constant 0 : index
      %swap3A_398 = vector.load %arg3[%swap3A_396, %swap3A_397] : memref<128x8xf32, #tpu.memory_space<vmem>>, vector<128x8xf32>
      tpu.vector_store %arg3[%swap3A_396, %swap3A_397], %select_n3A_377 {strides = array<i32>} : memref<128x8xf32, #tpu.memory_space<vmem>>, vector<128x8xf32>,
      %swap3A_399 = arith.constant 0 : index
      %swap3A_400 = arith.constant 0 : index
      %swap3A_401 = vector.load %arg4[%swap3A_399, %swap3A_400] : memref<128x8xi32, #tpu.memory_space<vmem>>, vector<128x8xi32>
      tpu.vector_store %arg4[%swap3A_399, %swap3A_400], %select_n3A_389 {strides = array<i32>} : memref<128x8xi32, #tpu.memory_space<vmem>>, vector<128x8xi32>,
      %swap3A_402 = arith.constant 0 : index
      %swap3A_403 = arith.constant 0 : index
      %swap3A_404 = vector.load %arg5[%swap3A_402, %swap3A_403] : memref<128x8xf32, #tpu.memory_space<vmem>>, vector<128x8xf32>
      tpu.vector_store %arg5[%swap3A_402, %swap3A_403], %div3A_395 {strides = array<i32>} : memref<128x8xf32, #tpu.memory_space<vmem>>, vector<128x8xf32>,
    } else {
    }
    return
  }
  func.func @transform_0(%arg0: i32) -> (i32, i32) {
    %c0_i32 = arith.constant 0 : i32
    %c0_i32_0 = arith.constant 0 : i32
    %c0_i32_1 = arith.constant 0 : i32
    return %c0_i32, %c0_i32_0 : i32, i32
  }
  func.func @transform_1(%arg0: i32) -> (i32, i32) {
    %c0_i32 = arith.constant 0 : i32
    %c0_i32_0 = arith.constant 0 : i32
    return %arg0, %c0_i32 : i32, i32
  }
  func.func @transform_2(%arg0: i32) -> (i32, i32) {
    %c0_i32 = arith.constant 0 : i32
    %c0_i32_0 = arith.constant 0 : i32
    %c0_i32_1 = arith.constant 0 : i32
    return %c0_i32, %c0_i32_0 : i32, i32
  }
  func.func @transform_3(%arg0: i32) -> (i32, i32) {
    %c0_i32 = arith.constant 0 : i32
    %c0_i32_0 = arith.constant 0 : i32
    %c0_i32_1 = arith.constant 0 : i32
    return %c0_i32, %c0_i32_0 : i32, i32
  }
  func.func @transform_4(%arg0: i32) -> (i32, i32) {
    %c0_i32 = arith.constant 0 : i32
    %c0_i32_0 = arith.constant 0 : i32
    %c0_i32_1 = arith.constant 0 : i32
    return %c0_i32, %c0_i32_0 : i32, i32
  }
}

</mosaic_0001>

<sc_bundles>
// kernel: kernel.4.cloned.1.call-start
scs
__scs_entry_jumppad:
0x0: {  	(pc) =	sbr.rel $0x88, $3  }
0x1: {  	(tag) =	ssettag $0x0;
	lr =	simm.s32 $0x1  }
0x2: {  	[smem:$0x3F9E] =	sst lr;
	_ =	strace $0xD0000000  }
0x3: {  	_ = 	snop  }
0x4: {  	_ = 	snop  }
0x5: {  	_ = 	snop  }
0x6: {  	_ = 	snop  }
0x7: {  	_ = 	snop  }
__scs_overlays_trampoline_lowered:
0x8: {  	[smem:$0x3FAD] =	sst s0  }
0x9: {  	[smem:$0x3FAE] =	sst s1  }
0xa: {  	[smem:$0x3FAF] =	sst s2  }
0xb: {  	[smem:$0x3FB0] =	sst s3  }
0xc: {  	[smem:$0x3FB1] =	sst s4  }
0xd: {  	[smem:$0x3FB2] =	sst s5  }
0xe: {  	[smem:$0x3FB3] =	sst s6  }
0xf: {  	[smem:$0x3FB4] =	sst s7  }
0x10: {  	[smem:$0x3FB5] =	sst s8  }
0x11: {  	[smem:$0x3FB6] =	sst s9;
	s0 =	simm.s32 @!p0 $0x0  }
0x12: {  	s1 =	sld [smem:$0x3F9C];
	s0 =	simm.s32 @p0 $0x1  }
0x13: {  	[smem:$0x3FB7] =	sst s0;
	s0 =	simm.s32 @!p1 $0x0  }
0x14: {  	s2 =	sld [smem:$0x3F9B];
	s0 =	simm.s32 @p1 $0x1  }
0x15: {  	[smem:$0x3FB8] =	sst s0;
	s0 =	simm.s32 @!p2 $0x0  }
0x16: {  	s3 =	sld [smem:$0x3FDB];
	s0 =	simm.s32 @p2 $0x1  }
0x17: {  	s4 =	simm.s32 $0x1BF5;
	[smem:$0x3FBA] =	sst s0  }
0x18: {  	s0 =	sld [smem:$0x3F9D];
	_ =	swait.ge [sflag:s4], $0x0  }
0x19: {  	s7 =	sld [smem:$0x3F9E]  }
0x1a: {  	s8 =	sadd.s32 $0xFFFFE003, lr  }
0x1b: {  	s9 =	sadd.s32 $0xFFFFFEF7, lr;
	s5 =	simm.s32 $0xFFFFFFFF;
	p2 =	slt.u32 s8, $0xFFFFF086  }
0x1c: {  	p1 =	slt.u32 s9, $0xF7A;
	s5 =	simm.s32 @!p2 $0x0  }
0x1d: {  	s5 =	simm.s32 @p1 $0x1;
	p0 =	seq.s32 s7, s2  }
0x1e: {  	s7 =	smul.u32 @!p0 $0xF7A, s2;
	p2 =	seq.s32 @!p0 s5, $0x0  }
0x1f: {  	s9 =	smul.u32 $0xF7A, s1;
	s8 =	simm.s32 @!p0 $0x1BF5;
	p2 =	por !p2, p0  }
0x20: {  	[sflag:s8] =	ssyncset.s32 @!p0 $0xFFFFF086;
	s6 =	sadd.s32 @!p0 s3, s7;
	s7 =	simm.s32 @!p0 $0x108  }
0x21: {  	s3 =	sadd.s32 s3, s9;
	s6 =	sadd.s32 @!p0 $0x88, s6;
	s7 =	simm.s32 @p2 $0x1082  }
0x22: {  	[simem:s7], [sflag:s8] =	dma.local @!p0 [hbm:s6], $0xF7A  }
0x23: {  	s9 =	sor.u32 $0xD0000000, s2;
	s6 =	simm.s32 $0x108;
	_ =	swait.ge @!p0 [sflag:s8], $0x0  }
0x24: {  	s3 =	sadd.s32 $0x88, s3;
	s6 =	simm.s32 @!p1 $0x1082;
	[sflag:s4] =	ssyncset.s32 $0xFFFFF086  }
0x25: {  	[simem:s6], [sflag:s4] =	dma.local [hbm:s3], $0xF7A  }
0x26: {  	[smem:$0x3F9E] =	sst s1;
	(tag) =	ssettag s2;
	_ =	strace s9  }
0x27: {  	s1 =	sld [smem:$0x3FAE]  }
0x28: {  	s2 =	sld [smem:$0x3FAF]  }
0x29: {  	s4 =	sld [smem:$0x3FB1]  }
0x2a: {  	p0 =	seq.s32 s5, $0x0;
	s5 =	sld [smem:$0x3FB2]  }
0x2b: {  	s6 =	sld [smem:$0x3FB3]  }
0x2c: {  	s7 =	sld [smem:$0x3FB4]  }
0x2d: {  	s3 =	simm.s32 $0x108;
	s8 =	sld [smem:$0x3FB5]  }
0x2e: {  	s3 =	simm.s32 @!p0 $0x1082;
	s9 =	sld [smem:$0x3FB6]  }
0x2f: {  	lr =	sadd.s32 s0, s3;
	s0 =	sld [smem:$0x3FAD]  }
0x30: {  	s3 =	sld [smem:$0x3FB0]  }
0x31: {  	[smem:$0x3FB9] =	sst s10  }
0x32: {  	s10 =	sld [smem:$0x3FB7];
	_ =	sdelay $0x3  }
0x33: {  	p0 =	seq.s32 s10, $0x1;
	s10 =	sld [smem:$0x3FB9];
	_ =	sdelay $0x3  }
0x34: {  	[smem:$0x3FB9] =	sst s10  }
0x35: {  	s10 =	sld [smem:$0x3FB8];
	_ =	sdelay $0x3  }
0x36: {  	p1 =	seq.s32 s10, $0x1;
	s10 =	sld [smem:$0x3FB9];
	_ =	sdelay $0x3  }
0x37: {  	[smem:$0x3FB9] =	sst s10  }
0x38: {  	s10 =	sld [smem:$0x3FBA]  }
0x39: {  	_ = 	snop;
	(pc) =	sbr.ind lr, $3  }
0x3a: {  	_ = 	snop  }
0x3b: {  	_ = 	snop  }
0x3c: {  	p2 =	seq.s32 s10, $0x1;
	s10 =	sld [smem:$0x3FB9]  }
0x3d: {  	_ =	shalt  }
0x3e: {  	_ =	shalt  }
0x3f: {  	_ =	shalt  }
0x40: {  	_ =	shalt  }
0x41: {  	_ =	shalt  }
0x42: {  	_ =	shalt  }
0x43: {  	_ =	shalt  }
0x44: {  	_ =	shalt  }
0x45: {  	_ =	shalt  }
0x46: {  	_ =	shalt  }
0x47: {  	_ =	shalt  }
0x48: {  	_ =	shalt  }
0x49: {  	_ =	shalt  }
0x4a: {  	_ =	shalt  }
0x4b: {  	_ =	shalt  }
0x4c: {  	_ =	shalt  }
0x4d: {  	_ =	shalt  }
0x4e: {  	_ =	shalt  }
0x4f: {  	_ =	shalt  }
0x50: {  	_ =	shalt  }
0x51: {  	_ =	shalt  }
0x52: {  	_ =	shalt  }
0x53: {  	_ =	shalt  }
0x54: {  	_ =	shalt  }
0x55: {  	_ =	shalt  }
0x56: {  	_ =	shalt  }
0x57: {  	_ =	shalt  }
0x58: {  	_ =	shalt  }
0x59: {  	_ =	shalt  }
0x5a: {  	_ =	shalt  }
0x5b: {  	_ =	shalt  }
0x5c: {  	_ =	shalt  }
0x5d: {  	_ =	shalt  }
0x5e: {  	_ =	shalt  }
0x5f: {  	_ =	shalt  }
0x60: {  	_ =	shalt  }
0x61: {  	_ =	shalt  }
0x62: {  	_ =	shalt  }
0x63: {  	_ =	shalt  }
0x64: {  	_ =	shalt  }
0x65: {  	_ =	shalt  }
0x66: {  	_ =	shalt  }
0x67: {  	_ =	shalt  }
0x68: {  	_ =	shalt  }
0x69: {  	_ =	shalt  }
0x6a: {  	_ =	shalt  }
0x6b: {  	_ =	shalt  }
0x6c: {  	_ =	shalt  }
0x6d: {  	_ =	shalt  }
0x6e: {  	_ =	shalt  }
0x6f: {  	_ =	shalt  }
0x70: {  	_ =	shalt  }
0x71: {  	_ =	shalt  }
0x72: {  	_ =	shalt  }
0x73: {  	_ =	shalt  }
0x74: {  	_ =	shalt  }
0x75: {  	_ =	shalt  }
0x76: {  	_ =	shalt  }
0x77: {  	_ =	shalt  }
0x78: {  	_ =	shalt  }
0x79: {  	_ =	shalt  }
0x7a: {  	_ =	shalt  }
0x7b: {  	_ =	shalt  }
0x7c: {  	_ =	shalt  }
0x7d: {  	_ =	shalt  }
0x7e: {  	_ =	shalt  }
0x7f: {  	_ =	shalt  }
0x80: {  	_ =	shalt  }
0x81: {  	_ =	shalt  }
0x82: {  	_ =	shalt  }
0x83: {  	_ =	shalt  }
0x84: {  	_ =	shalt  }
0x85: {  	_ =	shalt  }
0x86: {  	_ =	shalt  }
0x87: {  	_ =	shalt  }
.Lfunc_end0:
.L_simem_size_0:
called_computation_lowered:
.L_overlay_start_0:
0x88: {  	s2 =	sld [smem:$0x3FD9]  }
0x89: {  	s3 =	sld [smem:$0x3FFE];
	_ =	sdelay $0x1  }
0x8a: {  	s1 =	srdreg.scid  }
0x8b: {  	s0 =	sand.u32 $0x1, s1  }
0x8c: {  	s14 =	sshll.u32 s0, $0xA;
	s2 =	sadd.s32 s3, s2  }
0x8d: {  	s2 =	sadd.s32 s2, s14  }
0x8e: {  	[smem:$0x3FC5] =	sst s2  }
0x8f: {  	_ = 	snop  }
0x90: {  	s2 =	sld [smem:$0x3FD0];
	_ =	sdelay $0x2  }
0x91: {  	s15 =	simm.s32 $0xA;
	s4 =	simm.s32 $0x10  }
0x92: {  	[smem:s4], [sflag:s15] =	dma.local [hbm:s2], $0x1  }
0x93: {  	_ =	swait.eq [sflag:s15], $0x1  }
0x94: {  	[sflag:s15] =	ssyncset.done $0x0  }
0x95: {  	[sflag:s15] =	ssyncadd.s32 $0xFFFFFFFF  }
0x96: {  	s16 =	sld [smem:$0x10];
	(tm) =	ssettm $0x1  }
0x97: {  	s17 =	sld [smem:$0x3FFB];
	_ =	sdelay $0x3  }
0x98: {  	_ =	strace s17  }
0x99: {  	s3 =	sld [smem:$0x3FFC];
	_ =	sdelay $0x3  }
0x9a: {  	_ =	strace s3  }
0x9b: {  	s3 =	sld [smem:$0x3FFD];
	_ =	sdelay $0x3  }
0x9c: {  	_ =	strace s3  }
0x9d: {  	_ =	strace $0x8FFFFFFF  }
0x9e: {  	s18 =	sld [smem:$0x3FDB];
	_ =	sdelay $0x1  }
0x9f: {  	s19 =	simm.s32 $_scs_section_size  }
0xa0: {  	s5 =	simm.s32 $_size__tile_overlayer_lowered;
	s6 =	simm.s32 $_tile_overlayer_lowered  }
0xa1: {  	s22 =	simm.s32 $0x1BFF;
	s21 =	sshll.u32 s6, $0x1;
	s3 =	sadd.s32 s19, s18  }
0xa2: {  	s7 =	simm.s32 $0x0;
	s20 =	sshll.u32 s5, $0x1;
	s5 =	sadd.s32 s21, s3  }
0xa3: {  	[timem:s7], [sflag:s22] =	dma.local [hbm:s5], s20  }
0xa4: {  	_ =	swait.ge [sflag:s22], s20  }
0xa5: {  	s4 =	ssub.s32 $0x0, s20;
	[sflag:s22] =	ssyncset.done $0x0  }
0xa6: {  	[sflag:s22] =	ssyncadd.s32 s4;
	_ =	sdelay $0x1  }
0xa7: {  	s23 =	simm.s32 $0x1B8B  }
0xa8: {  	_ =	swait.ge [sflag:s23], $0x1  }
0xa9: {  	[sflag:s23] =	ssyncset.done $0x0  }
0xaa: {  	s25 =	simm.s32 $0x1B8E;
	s24 =	sld [smem:$0x3FFE];
	[sflag:s23] =	ssyncadd.s32 $0xFFFFFFFF  }
0xab: {  	s26 =	simm.s32 $execute0_lowered;
	[smem:$0x3FD2] =	sst s25  }
0xac: {  	s5 =	sshll.u32 s26, $0x1;
	_ =	strace $0x80000046;
	[dreg:$0x1] =	wrdreg $0xFFFFFFFF  }
0xad: {  	s28 =	simm.s32 $_size_execute0_lowered;
	s3 =	sadd.s32 s3, s5;
	[dreg:$0x0] =	wrdreg $0x0  }
0xae: {  	s5 =	sshll.u32 s28, $0x1;
	[dreg:$0x2] =	wrdreg s3  }
0xaf: {  	[dreg:$0x3] =	wrdreg s5  }
0xb0: {  	[dreg:$0x4] =	wrdreg $0xC0  }
0xb1: {  	_ =	task [dreg:s7], $0x5FFFF  }
0xb2: {  	[dreg:$0x1] =	wrdreg $0xFFFFFFFF  }
0xb3: {  	[dreg:$0x0] =	wrdreg $0x60  }
0xb4: {  	[dreg:$0x2] =	wrdreg s24  }
0xb5: {  	[dreg:$0x3] =	wrdreg s16  }
0xb6: {  	[dreg:$0x4] =	wrdreg $0x9  }
0xb7: {  	_ =	task.clear_ibuf [dreg:s7], $0x5FFFF;
	_ =	strace $0x90000046  }
0xb8: {  	s29 =	simm.s32 $0x9;
	_ =	strace $0x80000048  }
0xb9: {  	_ =	swait.ge [sflag:s29], $0x1  }
0xba: {  	[sflag:s29] =	ssyncadd.s32 $0xFFFFFFFF  }
0xbb: {  	_ =	strace $0x90000048  }
0xbc: {  	_ =	sfence  }
0xbd: {  	s30 =	sld [smem:$0x0];
	_ =	sdelay $0x2  }
0xbe: {  	s31 =	sshll.u32 s1, $0xD;
	s1 =	sshrl.u32 s1, $0x2  }
0xbf: {  	s3 =	sand.u32 $0x4000, s31;
	s1 =	sadd.s32 s1, s30  }
0xc0: {  	s0 =	sor.u32 s3, s0;
	s1 =	sshll.u32 s1, $0x11  }
0xc1: {  	s0 =	sor.u32 s1, s0  }
0xc2: {  	s0 =	sadd.s32 $0x8F2B, s0  }
0xc3: {  	[sflag:s0] =	ssyncadd.remote.s32 $0x1  }
0xc4: {  	_ =	sfence.sel $0xFFFF  }
0xc5: {  	[dreg:$0x0] =	wrdreg $0xFFFFFFFF;
	(pc) =	sbr.abs _section_cstart, $3  }
0xc6: {  	[dreg:$0x1] =	wrdreg $0xFFFFFFFF  }
0xc7: {  	_ =	task.clear_ibuf [dreg:s7], $0x2FFFF;
	_ =	strace $0x9FFFFFFF  }
0xc8: {  	(tm) =	ssettm $0x7FFFFFFF  }
0xc9: {  	_ =	shalt  }
tec
execute0_lowered:
.L_overlay_start_1:
0x0: {  	(tag) =	ssettag $0x1  }
0x1: {  	s4 =	rddreg [dreg:$0x0]  }
0x2: {  	s5 =	rddreg [dreg:$0x1]  }
0x3: {  	s0 =	rddreg [dreg:$0x2];
	s2 =	simm.s32 $0x0;
	s3 =	srdreg.scid  }
0x4: {  	s1 =	stileid.u32;
	s11 =	simm.s32 $0x80;
	s12 =	simm.s32 $0x180  }
0x5: {  	s13 =	simm.s32 $0x1;
	s14 =	simm.s32 $0x1180;
	[smem:$0x7FF] =	sst s2  }
0x6: {  	s6 =	sand.u32 $0x1, s3;
	s7 =	sshll.u32 s1, $0x3;
	s3 =	sadd.s32 $0xF44600, s4  }
0x7: {  	s31 =	sshll.u32 s1, $0x7;
	_ =	strace $0x80000047;
	s8 =	sshll.u32 s6, $0x2  }
0x8: {  	v3 =	vimm.s32 $0x3;
	s30 =	ssub.s32 $0x2, s6;
	s6 =	sshll.u32 s6, $0x6;
	s7 =	sor.u32 s8, s7  }
0x9: {  	v4 =	vimm.s32 $0x4;
	v5 =	vimm.s32 $0x5;
	v6 =	vimm.s32 $0x6;
	s10 =	sshrl.u32 s30, $0x1;
	s6 =	sadd.s32 s6, s4;
	s9 =	sadd.s32 s7, s4  }
0xa: {  	v7 =	vimm.s32 $0x7;
	v8 =	vimm.s32 $0x8;
	v9 =	vimm.s32 $0x9;
	s8 =	ssub.s32 s30, s10;
	s4 =	sadd.s32 s5, s7;
	s6 =	sadd.s32 s31, s6  }
0xb: {  	v10 =	vimm.s32 $0xA;
	v11 =	vimm.s32 $0xB;
	v12 =	vimm.s32 $0xC;
	s10 =	simm.s32 $0x20;
	s5 =	sadd.s32 $0x2000, s9;
	s6 =	sadd.s32 $0x2200, s6  }
0xc: {  	v13 =	vimm.s32 $0xD;
	v14 =	vimm.s32 $0xE;
	v15 =	vimm.s32 $0xF;
	s7 =	smax.u32 s8, $0x1;
	s8 =	simm.s32 $0x2;
	s9 =	simm.s32 $0x100  }
.LBB2_1:
0xd: {  	[tilespmem:s2], [sflag:$0x2] =	stream.linear.gather [hbm4b:s4+s2], $0x20, $0x38;
	[tilespmem:$0x1380] =	vst v63  }
0xe: {  	_ =	swait.ge [sflag:s8], $0x20  }
0xf: {  	[sflag:s8] =	ssyncset.done $0x0  }
0x10: {  	[sflag:s8] =	ssyncadd.s32 $0xFFFFFFE0  }
0x11: {  	[tilespmem:s9], [sflag:$0x2] =	stream.linear.gather [hbm4b:s5+s2], $0x20, $0x38;
	[tilespmem:$0x1380] =	vst v63  }
0x12: {  	_ =	swait.ge [sflag:s8], $0x20  }
0x13: {  	[sflag:s8] =	ssyncset.done $0x0  }
0x14: {  	[sflag:s8] =	ssyncadd.s32 $0xFFFFFFE0  }
0x15: {  	v16 =	vld [tilespmem:$0x0]  }
0x16: {  	v17 =	vld [tilespmem:$0x10];
	_ =	sdelay $0x3  }
0x17: {  	v16 =	vshrl.u32 v16, $0x1  }
0x18: {  	[tilespmem:$0x80] =	vst v16;
	v16 =	vshrl.u32 v17, $0x1  }
0x19: {  	[tilespmem:$0x90] =	vst v16  }
0x1a: {  	[tilespmem:s12], [sflag:$0x1] =	stream.indirect.gather [hbm4b:s3+s10], $0x80, s11, s10, $0xb8;
	[tilespmem:$0x1380] =	vst v63  }
0x1b: {  	_ =	swait.ge [sflag:s13], $0x1000  }
0x1c: {  	[sflag:s13] =	ssyncset.done $0x0  }
0x1d: {  	[sflag:s13] =	ssyncadd.s32 $0xFFFFF000  }
0x1e: {  	v16 =	vld [tilespmem:$0x100]  }
0x1f: {  	v17 =	vld [tilespmem:$0x0]  }
0x20: {  	v19 =	vld [tilespmem:$0x180]  }
0x21: {  	v22 =	vld [tilespmem:$0x1C0]  }
0x22: {  	v23 =	vld [tilespmem:$0x200]  }
0x23: {  	v24 =	vld [tilespmem:$0x240]  }
0x24: {  	v26 =	vld [tilespmem:$0x280]  }
0x25: {  	v27 =	vld [tilespmem:$0x2C0]  }
0x26: {  	v31 =	vld [tilespmem:$0x300]  }
0x27: {  	v29 =	vld [tilespmem:$0x340]  }
0x28: {  	v32 =	vld [tilespmem:$0x380]  }
0x29: {  	v33 =	vld [tilespmem:$0x3C0]  }
0x2a: {  	v34 =	vld [tilespmem:$0x400]  }
0x2b: {  	v35 =	vld [tilespmem:$0x440]  }
0x2c: {  	v36 =	vld [tilespmem:$0x480]  }
0x2d: {  	v37 =	vld [tilespmem:$0x4C0]  }
0x2e: {  	v1 =	vimm.s32 $0x0;
	v40 =	vld [tilespmem:$0x190]  }
0x2f: {  	v0 =	vimm.s32 $0x1;
	v41 =	vld [tilespmem:$0x1D0];
	v18 =	vperm.xlane v17, v1  }
0x30: {  	v2 =	vimm.s32 $0x2;
	v50 =	vld [tilespmem:$0x390];
	v21 =	vperm.xlane v16, v1;
	v20 =	vperm.xlane v16, v0  }
0x31: {  	v51 =	vld [tilespmem:$0x3D0];
	v28 =	vperm.xlane v17, v0;
	v42 =	vperm.xlane v17, v2  }
0x32: {  	v22 =	vsub.f32 v22, v19;
	v44 =	vperm.xlane v17, v3;
	v24 =	vsub.f32 v24, v23  }
0x33: {  	v38 =	vld [tilespmem:$0x500];
	v46 =	vperm.xlane v17, v4;
	v27 =	vsub.f32 v27, v26;
	v29 =	vsub.f32 v29, v31  }
0x34: {  	v39 =	vld [tilespmem:$0x540];
	v59 =	vperm.xlane v17, v5;
	v33 =	vsub.f32 v33, v32;
	v35 =	vsub.f32 v35, v34  }
0x35: {  	v43 =	vld [tilespmem:$0x210];
	v54 =	vperm.xlane v17, v6;
	v17 =	vperm.xlane v17, v7;
	v41 =	vsub.f32 v41, v40  }
0x36: {  	v45 =	vld [tilespmem:$0x250];
	v37 =	vsub.f32 v37, v36;
	v51 =	vsub.f32 v51, v50;
	v25 =	vand.u32 $0x1, v18  }
0x37: {  	v47 =	vld [tilespmem:$0x2D0];
	v18 =	vperm.xlane v16, v2;
	v56 =	vand.u32 $0x1, v28;
	v30 =	vcvt.s32.f32 v25  }
0x38: {  	v49 =	vld [tilespmem:$0x310];
	v57 =	vand.u32 $0x1, v42;
	v44 =	vand.u32 $0x1, v44;
	v28 =	vcvt.s32.f32 v56  }
0x39: {  	v52 =	vld [tilespmem:$0x410];
	v58 =	vand.u32 $0x1, v46;
	v25 =	vcvt.s32.f32 v57;
	v22 =	vmul.f32 v30, v22  }
0x3a: {  	v53 =	vld [tilespmem:$0x450];
	v60 =	vand.u32 $0x1, v59;
	v54 =	vand.u32 $0x1, v54;
	v24 =	vmul.f32 v28, v24  }
0x3b: {  	v42 =	vld [tilespmem:$0x290];
	v27 =	vmul.f32 v25, v27;
	v48 =	vadd.f32 v22, v19;
	v19 =	vperm.xlane v16, v3  }
0x3c: {  	v46 =	vld [tilespmem:$0x350];
	v22 =	vcvt.s32.f32 v44;
	v24 =	vadd.f32 v24, v23;
	v23 =	vcvt.s32.f32 v58  }
0x3d: {  	v59 =	vld [tilespmem:$0x2E0];
	v26 =	vadd.f32 v27, v26;
	v27 =	vperm.xlane v16, v5;
	v48 =	vmul.f32 v48, v21  }
0x3e: {  	v17 =	vand.u32 $0x1, v17;
	v56 =	vld [tilespmem:$0x510];
	v61 =	vmul.f32 v22, v29;
	v29 =	vcvt.s32.f32 v60  }
0x3f: {  	v57 =	vld [tilespmem:$0x1A0];
	v24 =	vmul.f32 v24, v20;
	v33 =	vmul.f32 v23, v33;
	v48 =	vadd.f32 $0.0e+00, v48  }
0x40: {  	v26 =	vmul.f32 v26, v18;
	v31 =	vadd.f32 v61, v31;
	v63 =	vmul.f32 v29, v35;
	v35 =	vld [tilespmem:$0x550]  }
0x41: {  	v44 =	vld [tilespmem:$0x4D0];
	v32 =	vadd.f32 v33, v32;
	v62 =	vadd.f32 v24, v48;
	v24 =	vperm.xlane v16, v4  }
0x42: {  	v61 =	vsub.f32 v45, v43;
	v31 =	vmul.f32 v31, v19;
	v33 =	vadd.f32 v63, v34;
	v34 =	vld [tilespmem:$0x1E0]  }
0x43: {  	v58 =	vld [tilespmem:$0x260];
	v55 =	vadd.f32 v26, v62;
	v26 =	vperm.xlane v16, v6;
	v60 =	vmul.f32 v32, v24  }
0x44: {  	v45 =	vld [tilespmem:$0x2A0];
	v63 =	vsub.f32 v47, v42;
	v32 =	vcvt.s32.f32 v54;
	v62 =	vmul.f32 v28, v61  }
0x45: {  	v48 =	vld [tilespmem:$0x490];
	v33 =	vmul.f32 v33, v27;
	v35 =	vsub.f32 v35, v56;
	v31 =	vadd.f32 v31, v55  }
0x46: {  	v47 =	vld [tilespmem:$0x320];
	v61 =	vadd.f32 v62, v43;
	v62 =	vmul.f32 v25, v63;
	v63 =	vsub.f32 v46, v49  }
0x47: {  	v54 =	vld [tilespmem:$0x220];
	v37 =	vmul.f32 v32, v37;
	v34 =	vsub.f32 v34, v57;
	v55 =	vadd.f32 v60, v31  }
0x48: {  	v46 =	vld [tilespmem:$0x3E0];
	v31 =	vperm.xlane v16, v7;
	v16 =	vmul.f32 v30, v41;
	v60 =	vsub.f32 v39, v38  }
0x49: {  	v41 =	vld [tilespmem:$0x3A0];
	v39 =	vmul.f32 v61, v20;
	v43 =	vmul.f32 v22, v63;
	v63 =	vsub.f32 v53, v52  }
0x4a: {  	v53 =	vld [tilespmem:$0x520];
	v55 =	vadd.f32 v33, v55;
	v16 =	vadd.f32 v16, v40;
	v33 =	vcvt.s32.f32 v17  }
0x4b: {  	v17 =	vadd.f32 v37, v36;
	v37 =	vld [tilespmem:$0x360];
	v40 =	vadd.f32 v62, v42;
	v62 =	vmul.f32 v23, v51  }
0x4c: {  	v42 =	vld [tilespmem:$0x420];
	v61 =	vadd.f32 v43, v49;
	v49 =	vmul.f32 v29, v63;
	v16 =	vmul.f32 v16, v21  }
0x4d: {  	v51 =	vld [tilespmem:$0x4E0];
	v63 =	vsub.f32 v59, v45;
	v17 =	vmul.f32 v17, v26;
	v36 =	vmul.f32 v33, v60  }
0x4e: {  	v60 =	vmul.f32 v40, v18;
	v43 =	vadd.f32 v62, v50;
	v50 =	vld [tilespmem:$0x560];
	v62 =	vadd.f32 v49, v52  }
0x4f: {  	v49 =	vld [tilespmem:$0x1F0];
	v52 =	vmul.f32 v25, v63;
	v46 =	vsub.f32 v46, v41;
	v16 =	vadd.f32 $0.0e+00, v16  }
0x50: {  	v40 =	vmul.f32 v61, v19;
	v17 =	vadd.f32 v17, v55;
	v55 =	vld [tilespmem:$0x460];
	v36 =	vadd.f32 v36, v38  }
0x51: {  	v35 =	vmul.f32 v33, v35;
	v61 =	vmul.f32 v43, v24;
	v45 =	vadd.f32 v52, v45;
	v52 =	vld [tilespmem:$0x330]  }
0x52: {  	v59 =	vmul.f32 v23, v46;
	v46 =	vld [tilespmem:$0x3F0];
	v16 =	vadd.f32 v39, v16;
	v36 =	vmul.f32 v36, v31  }
0x53: {  	v35 =	vadd.f32 v35, v56;
	v37 =	vsub.f32 v37, v47;
	v39 =	vld [tilespmem:$0x4A0];
	v63 =	vmul.f32 v45, v18  }
0x54: {  	v45 =	vld [tilespmem:$0x3B0];
	v38 =	vadd.f32 v60, v16;
	v16 =	vadd.f32 v36, v17;
	v17 =	vmul.f32 v30, v34  }
0x55: {  	v37 =	vmul.f32 v22, v37;
	v56 =	vsub.f32 v50, v53;
	v60 =	vsub.f32 v58, v54;
	v36 =	vld [tilespmem:$0x1B0]  }
0x56: {  	v35 =	vmul.f32 v35, v31;
	v38 =	vadd.f32 v40, v38;
	v17 =	vadd.f32 v17, v57;
	v57 =	vld [tilespmem:$0x230]  }
0x57: {  	v37 =	vadd.f32 v37, v47;
	v34 =	vmul.f32 v28, v60;
	v60 =	vmul.f32 v62, v27;
	v62 =	vld [tilespmem:$0x270]  }
0x58: {  	v58 =	vld [tilespmem:$0x2F0];
	v38 =	vadd.f32 v61, v38;
	v61 =	vsub.f32 v44, v48;
	v17 =	vmul.f32 v17, v21  }
0x59: {  	v47 =	vld [tilespmem:$0x470];
	v40 =	vadd.f32 v59, v41;
	v59 =	vmul.f32 v33, v56;
	v34 =	vadd.f32 v34, v54  }
0x5a: {  	v51 =	vsub.f32 v51, v39;
	v54 =	vld [tilespmem:$0x2B0];
	v43 =	vmul.f32 v32, v61;
	v17 =	vadd.f32 $0.0e+00, v17  }
0x5b: {  	v44 =	vld [tilespmem:$0x680];
	v34 =	vmul.f32 v34, v20;
	v38 =	vadd.f32 v60, v38;
	v60 =	vsub.f32 v55, v42  }
0x5c: {  	v37 =	vmul.f32 v37, v19;
	v61 =	vsub.f32 v49, v36;
	v49 =	vld [tilespmem:$0x4B0];
	v62 =	vsub.f32 v62, v57  }
0x5d: {  	v40 =	vmul.f32 v40, v24;
	v55 =	vld [tilespmem:$0x4F0];
	v43 =	vadd.f32 v43, v48;
	v17 =	vadd.f32 v34, v17  }
0x5e: {  	v48 =	vld [tilespmem:$0x370];
	v41 =	vmul.f32 v29, v60;
	v30 =	vmul.f32 v30, v61;
	v61 =	vsub.f32 v46, v45  }
0x5f: {  	v34 =	vld [tilespmem:$0x430];
	v28 =	vmul.f32 v28, v62;
	v58 =	vsub.f32 v58, v54;
	v17 =	vadd.f32 v63, v17  }
0x60: {  	v46 =	vld [tilespmem:$0x740];
	v43 =	vmul.f32 v43, v26;
	v63 =	vadd.f32 v41, v42;
	v30 =	vadd.f32 v30, v36  }
0x61: {  	v41 =	vld [tilespmem:$0x570];
	v42 =	vmul.f32 v32, v51;
	v28 =	vadd.f32 v28, v57;
	v25 =	vmul.f32 v25, v58  }
0x62: {  	v36 =	vld [tilespmem:$0x100];
	v50 =	vmul.f32 v23, v61;
	v38 =	vadd.f32 v43, v38;
	v37 =	vadd.f32 v37, v17  }
0x63: {  	v21 =	vmul.f32 v30, v21;
	v30 =	vld [tilespmem:$0x580];
	v39 =	vadd.f32 v42, v39;
	v25 =	vadd.f32 v25, v54  }
0x64: {  	v43 =	vld [tilespmem:$0x5C0];
	v20 =	vmul.f32 v28, v20;
	v60 =	vsub.f32 v48, v52;
	v62 =	vsub.f32 v47, v34  }
0x65: {  	v42 =	vld [tilespmem:$0x640];
	v17 =	vadd.f32 v35, v38;
	v37 =	vadd.f32 v40, v37;
	v40 =	vmul.f32 v63, v27  }
0x66: {  	v28 =	vld [tilespmem:$0x600];
	v21 =	vadd.f32 $0.0e+00, v21;
	v39 =	vmul.f32 v39, v26;
	v63 =	vsub.f32 v55, v49  }
0x67: {  	v47 =	vld [tilespmem:$0x6C0];
	v18 =	vmul.f32 v25, v18;
	v51 =	vmul.f32 v29, v62;
	v37 =	vadd.f32 v40, v37  }
0x68: {  	v35 =	vld [tilespmem:$0x0];
	v40 =	vadd.f32 v59, v53;
	v20 =	vadd.f32 v20, v21;
	v21 =	vmul.f32 v22, v60  }
0x69: {  	v48 =	vld [tilespmem:$0x700];
	v22 =	vmul.f32 v32, v63;
	v23 =	vadd.f32 v51, v34;
	v62 =	vsub.f32 v43, v30  }
0x6a: {  	v38 =	vld [tilespmem:$0x530];
	v25 =	vperm.xlane v36, v10;
	v18 =	vadd.f32 v18, v20;
	v21 =	vadd.f32 v21, v52  }
0x6b: {  	v43 =	vld [tilespmem:$0x590];
	v54 =	vmul.f32 v40, v31;
	v55 =	vadd.f32 v22, v49;
	v22 =	vperm.xlane v36, v13  }
0x6c: {  	v51 =	vld [tilespmem:$0x5D0];
	v20 =	vadd.f32 v50, v45;
	v58 =	vmul.f32 v23, v27;
	v27 =	vperm.xlane v36, v8  }
0x6d: {  	v57 =	vadd.f32 v39, v37;
	v39 =	vld [tilespmem:$0x880];
	v60 =	vperm.xlane v35, v8;
	v23 =	vperm.xlane v36, v12  }
0x6e: {  	v40 =	vld [tilespmem:$0x8C0];
	v42 =	vsub.f32 v42, v28;
	v61 =	vperm.xlane v35, v9;
	v63 =	vperm.xlane v35, v10  }
0x6f: {  	v45 =	vld [tilespmem:$0x900];
	v41 =	vsub.f32 v41, v38;
	v19 =	vmul.f32 v21, v19;
	v20 =	vmul.f32 v20, v24  }
0x70: {  	v49 =	vld [tilespmem:$0x940];
	v47 =	vsub.f32 v47, v44;
	v34 =	vmul.f32 v55, v26;
	v26 =	vperm.xlane v36, v9  }
0x71: {  	v46 =	vsub.f32 v46, v48;
	v24 =	vperm.xlane v36, v11;
	v53 =	vmul.f32 v33, v41  }
0x72: {  	v37 =	vld [tilespmem:$0x840];
	v21 =	vand.u32 $0x1, v60;
	v29 =	vand.u32 $0x1, v61;
	v61 =	vperm.xlane v35, v12  }
0x73: {  	v50 =	vld [tilespmem:$0x650];
	v59 =	vadd.f32 v19, v18;
	v18 =	vadd.f32 v54, v57;
	v21 =	vcvt.s32.f32 v21  }
0x74: {  	v52 =	vld [tilespmem:$0x690];
	v32 =	vcvt.s32.f32 v29;
	v51 =	vsub.f32 v51, v43;
	v56 =	vadd.f32 v53, v38  }
0x75: {  	v57 =	vperm.xlane v35, v11;
	v54 =	vld [tilespmem:$0x610];
	v40 =	vsub.f32 v40, v39;
	v49 =	vsub.f32 v49, v45  }
0x76: {  	v41 =	vld [tilespmem:$0x780];
	v20 =	vadd.f32 v20, v59;
	v59 =	vand.u32 $0x1, v63;
	v42 =	vmul.f32 v32, v42  }
0x77: {  	v33 =	vld [tilespmem:$0x7C0];
	v60 =	vand.u32 $0x1, v57;
	v63 =	vperm.xlane v35, v13;
	v19 =	vmul.f32 v56, v31  }
0x78: {  	v38 =	vld [tilespmem:$0x800];
	v31 =	vcvt.s32.f32 v59;
	v29 =	vcvt.s32.f32 v60;
	v20 =	vadd.f32 v58, v20  }
0x79: {  	v55 =	vld [tilespmem:$0x710];
	v58 =	vmul.f32 v21, v62;
	v28 =	vadd.f32 v42, v28;
	v56 =	vand.u32 $0x1, v63  }
0x7a: {  	v53 =	vld [tilespmem:$0x6D0];
	v62 =	vmul.f32 v31, v47;
	v60 =	vmul.f32 v29, v46;
	v50 =	vsub.f32 v50, v54  }
0x7b: {  	v57 =	vld [tilespmem:$0x790];
	v30 =	vadd.f32 v58, v30;
	v20 =	vadd.f32 v34, v20;
	v34 =	vand.u32 $0x1, v61  }
0x7c: {  	v59 =	vld [tilespmem:$0x810];
	v28 =	vmul.f32 v28, v26;
	v61 =	vsub.f32 v33, v41;
	v33 =	vcvt.s32.f32 v56  }
0x7d: {  	v47 =	vld [tilespmem:$0x750];
	v37 =	vsub.f32 v37, v38;
	v42 =	vadd.f32 v62, v44;
	v34 =	vcvt.s32.f32 v34  }
0x7e: {  	v46 =	vld [tilespmem:$0x7D0];
	v44 =	vadd.f32 v60, v48;
	v62 =	vperm.xlane v35, v14;
	v30 =	vmul.f32 v30, v27  }
0x7f: {  	v58 =	vld [tilespmem:$0x890];
	v63 =	vsub.f32 v53, v52;
	v37 =	vmul.f32 v33, v37;
	v42 =	vmul.f32 v42, v25  }
0x80: {  	v48 =	vld [tilespmem:$0x850];
	v19 =	vadd.f32 v19, v20;
	v56 =	vmul.f32 v34, v61;
	v44 =	vmul.f32 v44, v24  }
0x81: {  	v60 =	vld [tilespmem:$0x8D0];
	v61 =	vperm.xlane v35, v15;
	v30 =	vadd.f32 $0.0e+00, v30;
	v37 =	vadd.f32 v37, v38  }
0x82: {  	v38 =	vmul.f32 v21, v51;
	v51 =	vld [tilespmem:$0x5A0];
	v47 =	vsub.f32 v47, v55;
	v41 =	vadd.f32 v56, v41  }
0x83: {  	v56 =	vld [tilespmem:$0x910];
	v53 =	vand.u32 $0x1, v61;
	v30 =	vadd.f32 v28, v30;
	v28 =	vperm.xlane v36, v14  }
0x84: {  	v61 =	vld [tilespmem:$0x6E0];
	v37 =	vmul.f32 v37, v22;
	v38 =	vadd.f32 v38, v43;
	v43 =	vmul.f32 v31, v63  }
0x85: {  	v46 =	vsub.f32 v46, v57;
	v47 =	vmul.f32 v29, v47;
	v63 =	vld [tilespmem:$0x7A0];
	v41 =	vmul.f32 v41, v23  }
0x86: {  	v42 =	vadd.f32 v42, v30;
	v30 =	vperm.xlane v36, v15;
	v36 =	vand.u32 $0x1, v62;
	v62 =	vld [tilespmem:$0x5E0]  }
0x87: {  	v43 =	vadd.f32 v43, v52;
	v52 =	vld [tilespmem:$0x760];
	v35 =	vcvt.s32.f32 v36;
	v36 =	vmul.f32 v32, v50  }
0x88: {  	v38 =	vmul.f32 v38, v27;
	v47 =	vadd.f32 v47, v55;
	v55 =	vsub.f32 v48, v59;
	v48 =	vld [tilespmem:$0x820]  }
0x89: {  	v50 =	vld [tilespmem:$0x660];
	v42 =	vadd.f32 v44, v42;
	v54 =	vadd.f32 v36, v54;
	v40 =	vmul.f32 v35, v40  }
0x8a: {  	v44 =	vld [tilespmem:$0x950];
	v38 =	vadd.f32 $0.0e+00, v38;
	v43 =	vmul.f32 v43, v25;
	v36 =	vcvt.s32.f32 v53  }
0x8b: {  	v53 =	vld [tilespmem:$0x720];
	v41 =	vadd.f32 v41, v42;
	v54 =	vmul.f32 v54, v26;
	v39 =	vadd.f32 v40, v39  }
0x8c: {  	v42 =	vld [tilespmem:$0x620];
	v40 =	vmul.f32 v34, v46;
	v49 =	vmul.f32 v36, v49;
	v62 =	vsub.f32 v62, v51  }
0x8d: {  	v46 =	vmul.f32 v33, v55;
	v55 =	vld [tilespmem:$0x920];
	v37 =	vadd.f32 v37, v41;
	v38 =	vadd.f32 v54, v38  }
0x8e: {  	v41 =	vld [tilespmem:$0x6A0];
	v40 =	vadd.f32 v40, v57;
	v39 =	vmul.f32 v39, v28;
	v45 =	vadd.f32 v49, v45  }
0x8f: {  	v54 =	vld [tilespmem:$0x7E0];
	v46 =	vadd.f32 v46, v59;
	v62 =	vmul.f32 v21, v62;
	v44 =	vsub.f32 v44, v56  }
0x90: {  	v38 =	vadd.f32 v43, v38;
	v43 =	vmul.f32 v47, v24;
	v47 =	vld [tilespmem:$0x860];
	v40 =	vmul.f32 v40, v23  }
0x91: {  	v37 =	vadd.f32 v39, v37;
	v59 =	vsub.f32 v50, v42;
	v50 =	vld [tilespmem:$0x960];
	v44 =	vmul.f32 v36, v44  }
0x92: {  	v57 =	vld [tilespmem:$0x8A0];
	v39 =	vmul.f32 v45, v30;
	v62 =	vadd.f32 v62, v51;
	v38 =	vadd.f32 v43, v38  }
0x93: {  	v43 =	vld [tilespmem:$0x8E0];
	v45 =	vmul.f32 v32, v59;
	v61 =	vsub.f32 v61, v41;
	v44 =	vadd.f32 v44, v56  }
0x94: {  	v49 =	vld [tilespmem:$0x5B0];
	v20 =	vadd.f32 v39, v37;
	v38 =	vadd.f32 v40, v38;
	v40 =	vmul.f32 v46, v22  }
0x95: {  	v39 =	vld [tilespmem:$0x630];
	v54 =	vsub.f32 v54, v63;
	v44 =	vmul.f32 v44, v30;
	v47 =	vsub.f32 v47, v48  }
0x96: {  	v46 =	vld [tilespmem:$0x670];
	v56 =	vsub.f32 v50, v55;
	v37 =	vadd.f32 v40, v38;
	v38 =	vmul.f32 v62, v27  }
0x97: {  	v59 =	vld [tilespmem:$0x5F0];
	v40 =	vadd.f32 v45, v42;
	v42 =	vmul.f32 v31, v61;
	v62 =	vsub.f32 v52, v53  }
0x98: {  	v61 =	vsub.f32 v60, v58;
	v52 =	vld [tilespmem:$0x6B0];
	v47 =	vmul.f32 v33, v47;
	v43 =	vsub.f32 v43, v57  }
0x99: {  	v45 =	vld [tilespmem:$0x6F0];
	v38 =	vadd.f32 $0.0e+00, v38;
	v40 =	vmul.f32 v40, v26;
	v41 =	vadd.f32 v42, v41  }
0x9a: {  	v60 =	vld [tilespmem:$0x730];
	v42 =	vmul.f32 v29, v62;
	v51 =	vmul.f32 v35, v61;
	v47 =	vadd.f32 v47, v48  }
0x9b: {  	v61 =	vmul.f32 v34, v54;
	v54 =	vld [tilespmem:$0x7B0];
	v46 =	vsub.f32 v46, v39;
	v38 =	vadd.f32 v40, v38  }
0x9c: {  	v40 =	vmul.f32 v41, v25;
	v62 =	vadd.f32 v42, v53;
	v42 =	vld [tilespmem:$0x770];
	v51 =	vadd.f32 v51, v58  }
0x9d: {  	v41 =	vld [tilespmem:$0x7F0];
	v53 =	vadd.f32 v61, v63;
	v61 =	vsub.f32 v59, v49;
	v32 =	vmul.f32 v32, v46  }
0x9e: {  	v59 =	vld [tilespmem:$0x830];
	v38 =	vadd.f32 v40, v38;
	v62 =	vmul.f32 v62, v24;
	v51 =	vmul.f32 v51, v28  }
0x9f: {  	v58 =	vmul.f32 v36, v56;
	v40 =	vld [tilespmem:$0x870];
	v21 =	vmul.f32 v21, v61;
	v32 =	vadd.f32 v32, v39  }
0xa0: {  	v47 =	vmul.f32 v47, v22;
	v38 =	vadd.f32 v62, v38;
	v37 =	vadd.f32 v51, v37  }
0xa1: {  	v50 =	vld [tilespmem:$0xC00];
	v53 =	vmul.f32 v53, v23;
	v49 =	vadd.f32 v21, v49;
	v62 =	vsub.f32 v45, v52  }
0xa2: {  	v48 =	vld [tilespmem:$0x8B0];
	v63 =	vsub.f32 v42, v60;
	v26 =	vmul.f32 v32, v26;
	v41 =	vsub.f32 v41, v54  }
0xa3: {  	v45 =	vld [tilespmem:$0x110];
	v38 =	vadd.f32 v53, v38;
	v21 =	vadd.f32 v44, v37;
	v27 =	vmul.f32 v49, v27  }
0xa4: {  	v51 =	vld [tilespmem:$0x8F0];
	v31 =	vmul.f32 v31, v62;
	v49 =	vmul.f32 v35, v43;
	v62 =	vsub.f32 v40, v59  }
0xa5: {  	v53 =	vld [tilespmem:$0x930];
	v61 =	vmul.f32 v34, v41;
	v38 =	vadd.f32 v47, v38;
	v27 =	vadd.f32 $0.0e+00, v27  }
0xa6: {  	v44 =	vld [tilespmem:$0x970];
	v29 =	vmul.f32 v29, v63;
	v31 =	vadd.f32 v31, v52;
	v32 =	vadd.f32 v49, v57  }
0xa7: {  	v46 =	vld [tilespmem:$0x980];
	v57 =	vadd.f32 v58, v55;
	v52 =	vadd.f32 v61, v54;
	v54 =	vmul.f32 v33, v62  }
0xa8: {  	v39 =	vld [tilespmem:$0x10];
	v60 =	vadd.f32 v29, v60;
	v29 =	vperm.xlane v45, v4;
	v25 =	vmul.f32 v31, v25  }
0xa9: {  	v42 =	vld [tilespmem:$0xB80];
	v63 =	vsub.f32 v51, v48;
	v61 =	vmul.f32 v32, v28;
	v33 =	vmul.f32 v57, v30  }
0xaa: {  	v37 =	vld [tilespmem:$0x9C0];
	v26 =	vadd.f32 v26, v27;
	v32 =	vperm.xlane v45, v1;
	v31 =	vperm.xlane v45, v2  }
0xab: {  	v43 =	vld [tilespmem:$0xA00];
	v27 =	vperm.xlane v45, v7;
	v24 =	vmul.f32 v60, v24;
	v40 =	vsub.f32 v44, v53  }
0xac: {  	v47 =	vld [tilespmem:$0xA40];
	v56 =	vmul.f32 v35, v63;
	v23 =	vmul.f32 v52, v23;
	v59 =	vadd.f32 v54, v59  }
0xad: {  	v55 =	vld [tilespmem:$0xD40];
	v25 =	vadd.f32 v25, v26;
	v63 =	vadd.f32 v61, v38;
	v26 =	vperm.xlane v45, v6  }
0xae: {  	v54 =	vld [tilespmem:$0xD00];
	v61 =	vperm.xlane v39, v2;
	v58 =	vmul.f32 v36, v40;
	v60 =	vadd.f32 v56, v48  }
0xaf: {  	v41 =	vld [tilespmem:$0xA80];
	v22 =	vmul.f32 v59, v22;
	v59 =	vperm.xlane v39, v0  }
0xb0: {  	v49 =	vld [tilespmem:$0xB00];
	v24 =	vadd.f32 v24, v25;
	v25 =	vadd.f32 v58, v53;
	v62 =	vmul.f32 v60, v28  }
0xb1: {  	v36 =	vld [tilespmem:$0xB40];
	v47 =	vsub.f32 v47, v43;
	v58 =	vperm.xlane v39, v1;
	v28 =	vperm.xlane v45, v5  }
0xb2: {  	v51 =	vld [tilespmem:$0xC40];
	v23 =	vadd.f32 v23, v24;
	v24 =	vand.u32 $0x1, v59;
	v38 =	vmul.f32 v25, v30  }
0xb3: {  	v57 =	vld [tilespmem:$0xA10];
	v55 =	vsub.f32 v55, v54;
	v25 =	vperm.xlane v45, v0;
	v30 =	vperm.xlane v45, v3  }
0xb4: {  	v44 =	vld [tilespmem:$0xAC0];
	v60 =	vand.u32 $0x1, v58;
	v35 =	vcvt.s32.f32 v24;
	v24 =	vand.u32 $0x1, v61  }
0xb5: {  	v52 =	vld [tilespmem:$0xC80];
	v0 =	vperm.xlane v39, v7;
	v23 =	vadd.f32 v22, v23;
	v22 =	vadd.f32 v33, v63  }
0xb6: {  	v53 =	vld [tilespmem:$0xCC0];
	v40 =	vcvt.s32.f32 v60;
	v63 =	vperm.xlane v39, v3;
	v36 =	vsub.f32 v36, v49  }
0xb7: {  	v2 =	vld [tilespmem:$0x1050];
	v60 =	vperm.xlane v39, v4;
	v23 =	vadd.f32 v62, v23;
	v62 =	vsub.f32 v37, v46  }
0xb8: {  	v48 =	vld [tilespmem:$0xBC0];
	v0 =	vand.u32 $0x1, v0;
	v37 =	vcvt.s32.f32 v24;
	v24 =	vand.u32 $0x1, v63  }
0xb9: {  	v56 =	vld [tilespmem:$0x9D0];
	v34 =	vand.u32 $0x1, v60;
	v60 =	vperm.xlane v39, v5;
	v33 =	vmul.f32 v40, v62  }
0xba: {  	v1 =	vld [tilespmem:$0xF90];
	v23 =	vadd.f32 v38, v23;
	v38 =	vcvt.s32.f32 v24;
	v24 =	vsub.f32 v44, v41  }
0xbb: {  	v45 =	vld [tilespmem:$0x990];
	v53 =	vsub.f32 v53, v52;
	v33 =	vadd.f32 v33, v46;
	v46 =	vmul.f32 v35, v47  }
0xbc: {  	v34 =	vcvt.s32.f32 v34;
	v44 =	vld [tilespmem:$0xB10];
	v60 =	vand.u32 $0x1, v60;
	v24 =	vmul.f32 v37, v24  }
0xbd: {  	v62 =	vperm.xlane v39, v6;
	v61 =	vmul.f32 v33, v32;
	v43 =	vadd.f32 v46, v43;
	v46 =	vld [tilespmem:$0xB50]  }
0xbe: {  	v59 =	vld [tilespmem:$0xA90];
	v36 =	vmul.f32 v38, v36;
	v24 =	vadd.f32 v24, v41;
	v41 =	vsub.f32 v48, v42  }
0xbf: {  	v58 =	vld [tilespmem:$0xA50];
	v62 =	vand.u32 $0x1, v62;
	v61 =	vadd.f32 $0.0e+00, v61;
	v43 =	vmul.f32 v43, v25  }
0xc0: {  	v63 =	vld [tilespmem:$0xBD0];
	v56 =	vsub.f32 v56, v45;
	v39 =	vcvt.s32.f32 v62;
	v41 =	vmul.f32 v34, v41  }
0xc1: {  	v47 =	vld [tilespmem:$0xAD0];
	v36 =	vadd.f32 v36, v49;
	v24 =	vmul.f32 v24, v31;
	v43 =	vadd.f32 v43, v61  }
0xc2: {  	v62 =	vld [tilespmem:$0xCD0];
	v33 =	vcvt.s32.f32 v60;
	v41 =	vadd.f32 v41, v42;
	v46 =	vsub.f32 v46, v44  }
0xc3: {  	v60 =	vld [tilespmem:$0xB90];
	v24 =	vadd.f32 v24, v43;
	v43 =	vmul.f32 v36, v30;
	v36 =	vcvt.s32.f32 v0  }
0xc4: {  	v48 =	vld [tilespmem:$0xC10];
	v0 =	vsub.f32 v51, v50;
	v51 =	vmul.f32 v40, v56;
	v41 =	vmul.f32 v41, v29  }
0xc5: {  	v61 =	vld [tilespmem:$0xC50];
	v46 =	vmul.f32 v38, v46;
	v24 =	vadd.f32 v43, v24;
	v43 =	vsub.f32 v58, v57  }
0xc6: {  	v49 =	vld [tilespmem:$0xC90];
	v0 =	vmul.f32 v33, v0;
	v45 =	vadd.f32 v51, v45;
	v55 =	vmul.f32 v36, v55  }
0xc7: {  	v42 =	vld [tilespmem:$0xD10];
	v24 =	vadd.f32 v41, v24;
	v41 =	vmul.f32 v35, v43;
	v43 =	vsub.f32 v47, v59  }
0xc8: {  	v58 =	vld [tilespmem:$0x9A0];
	v44 =	vadd.f32 v46, v44;
	v0 =	vadd.f32 v0, v50;
	v50 =	vmul.f32 v39, v53  }
0xc9: {  	v51 =	vld [tilespmem:$0x9E0];
	v45 =	vmul.f32 v45, v32;
	v41 =	vadd.f32 v41, v57;
	v43 =	vmul.f32 v37, v43  }
0xca: {  	v61 =	vsub.f32 v61, v48;
	v47 =	vld [tilespmem:$0xA20];
	v0 =	vmul.f32 v0, v28;
	v50 =	vadd.f32 v50, v52  }
0xcb: {  	v53 =	vld [tilespmem:$0xA60];
	v45 =	vadd.f32 $0.0e+00, v45;
	v41 =	vmul.f32 v41, v25;
	v43 =	vadd.f32 v43, v59  }
0xcc: {  	v57 =	vld [tilespmem:$0xAA0];
	v0 =	vadd.f32 v0, v24;
	v24 =	vmul.f32 v50, v26;
	v50 =	vsub.f32 v63, v60  }
0xcd: {  	v46 =	vmul.f32 v33, v61;
	v52 =	vld [tilespmem:$0xAE0];
	v41 =	vadd.f32 v41, v45;
	v43 =	vmul.f32 v43, v31  }
0xce: {  	v54 =	vadd.f32 v55, v54;
	v45 =	vld [tilespmem:$0xBA0];
	v0 =	vadd.f32 v24, v0;
	v24 =	vmul.f32 v34, v50  }
0xcf: {  	v46 =	vadd.f32 v46, v48;
	v50 =	vld [tilespmem:$0xBE0];
	v41 =	vadd.f32 v43, v41;
	v43 =	vmul.f32 v44, v30  }
0xd0: {  	v56 =	vld [tilespmem:$0xD50];
	v24 =	vadd.f32 v24, v60;
	v60 =	vsub.f32 v62, v49  }
0xd1: {  	v59 =	vld [tilespmem:$0xB20];
	v41 =	vadd.f32 v43, v41;
	v43 =	vsub.f32 v51, v58  }
0xd2: {  	v63 =	vld [tilespmem:$0xB60];
	v53 =	vsub.f32 v53, v47;
	v62 =	vmul.f32 v54, v27;
	v24 =	vmul.f32 v24, v29  }
0xd3: {  	v61 =	vld [tilespmem:$0xC60];
	v52 =	vsub.f32 v52, v57;
	v48 =	vmul.f32 v39, v60;
	v43 =	vmul.f32 v40, v43  }
0xd4: {  	v44 =	vld [tilespmem:$0xC20];
	v50 =	vsub.f32 v50, v45;
	v24 =	vadd.f32 v24, v41;
	v41 =	vmul.f32 v46, v28  }
0xd5: {  	v53 =	vmul.f32 v35, v53;
	v54 =	vld [tilespmem:$0x9B0];
	v46 =	vadd.f32 v48, v49;
	v43 =	vadd.f32 v43, v58  }
0xd6: {  	v50 =	vmul.f32 v34, v50;
	v41 =	vadd.f32 v41, v24;
	v58 =	vld [tilespmem:$0x9F0];
	v24 =	vadd.f32 v62, v0  }
0xd7: {  	v46 =	vmul.f32 v46, v26;
	v62 =	vsub.f32 v63, v59;
	v63 =	vsub.f32 v56, v42;
	v56 =	vld [tilespmem:$0xAB0]  }
0xd8: {  	v45 =	vadd.f32 v50, v45;
	v50 =	vld [tilespmem:$0xC70];
	v0 =	vmul.f32 v43, v32  }
0xd9: {  	v43 =	vadd.f32 v53, v47;
	v47 =	vld [tilespmem:$0xA30];
	v41 =	vadd.f32 v46, v41;
	v46 =	vmul.f32 v37, v52  }
0xda: {  	v52 =	vld [tilespmem:$0xA70];
	v49 =	vmul.f32 v38, v62  }
0xdb: {  	v46 =	vadd.f32 v46, v57;
	v57 =	vld [tilespmem:$0xAF0]  }
0xdc: {  	v0 =	vadd.f32 $0.0e+00, v0;
	v43 =	vmul.f32 v43, v25;
	v49 =	vadd.f32 v49, v59;
	v59 =	vld [tilespmem:$0xB70]  }
0xdd: {  	v62 =	vsub.f32 v58, v54;
	v58 =	vld [tilespmem:$0xB30]  }
0xde: {  	v53 =	vmul.f32 v36, v63;
	v0 =	vadd.f32 v43, v0;
	v46 =	vmul.f32 v46, v31;
	v43 =	vld [tilespmem:$0xC30]  }
0xdf: {  	v40 =	vmul.f32 v40, v62;
	v63 =	vsub.f32 v52, v47;
	v52 =	vld [tilespmem:$0xBB0]  }
0xe0: {  	v42 =	vadd.f32 v53, v42;
	v62 =	vmul.f32 v49, v30;
	v49 =	vld [tilespmem:$0xBF0];
	v0 =	vadd.f32 v46, v0  }
0xe1: {  	v51 =	vld [tilespmem:$0xCA0];
	v40 =	vadd.f32 v40, v54;
	v35 =	vmul.f32 v35, v63;
	v63 =	vsub.f32 v57, v56  }
0xe2: {  	v60 =	vld [tilespmem:$0xCE0];
	v45 =	vmul.f32 v45, v29;
	v57 =	vsub.f32 v61, v44;
	v0 =	vadd.f32 v62, v0  }
0xe3: {  	v55 =	vld [tilespmem:$0xD20];
	v59 =	vsub.f32 v59, v58;
	v32 =	vmul.f32 v40, v32;
	v35 =	vadd.f32 v35, v47  }
0xe4: {  	v48 =	vld [tilespmem:$0xD60];
	v37 =	vmul.f32 v37, v63;
	v62 =	vmul.f32 v33, v57;
	v57 =	vsub.f32 v50, v43  }
0xe5: {  	v42 =	vmul.f32 v42, v27;
	v61 =	vld [tilespmem:$0xCF0];
	v0 =	vadd.f32 v45, v0;
	v63 =	vsub.f32 v49, v52  }
0xe6: {  	v40 =	vld [tilespmem:$0xCB0];
	v38 =	vmul.f32 v38, v59;
	v32 =	vadd.f32 $0.0e+00, v32;
	v37 =	vadd.f32 v37, v56  }
0xe7: {  	v53 =	vld [tilespmem:$0xD70];
	v25 =	vmul.f32 v35, v25;
	v44 =	vadd.f32 v62, v44;
	v56 =	vsub.f32 v60, v51  }
0xe8: {  	v35 =	vld [tilespmem:$0xD30];
	v33 =	vmul.f32 v33, v57;
	v54 =	vadd.f32 v38, v58;
	v34 =	vmul.f32 v34, v63  }
0xe9: {  	v50 =	vld [tilespmem:$0xD80];
	v32 =	vadd.f32 v25, v32;
	v31 =	vmul.f32 v37, v31;
	v38 =	vmul.f32 v44, v28  }
0xea: {  	v45 =	vld [tilespmem:$0x10];
	v59 =	vmul.f32 v39, v56;
	v62 =	vadd.f32 v33, v43;
	v58 =	vadd.f32 v34, v52  }
0xeb: {  	v25 =	vld [tilespmem:$0x110];
	v30 =	vmul.f32 v54, v30;
	v60 =	vsub.f32 v61, v40;
	v61 =	vsub.f32 v48, v55  }
0xec: {  	v37 =	vld [tilespmem:$0xDC0];
	v31 =	vadd.f32 v31, v32;
	v34 =	vadd.f32 v59, v51;
	v28 =	vmul.f32 v62, v28  }
0xed: {  	v47 =	vld [tilespmem:$0xEC0];
	v0 =	vadd.f32 v38, v0;
	v63 =	vmul.f32 v39, v60;
	v52 =	vsub.f32 v53, v35  }
0xee: {  	v43 =	vld [tilespmem:$0xE80];
	v29 =	vmul.f32 v58, v29;
	v53 =	vmul.f32 v36, v61;
	v30 =	vadd.f32 v30, v31  }
0xef: {  	v46 =	vld [tilespmem:$0xE00];
	v57 =	vmul.f32 v34, v26;
	v54 =	vadd.f32 v63, v40;
	v56 =	vmul.f32 v36, v52  }
0xf0: {  	v49 =	vld [tilespmem:$0xF00];
	v58 =	vadd.f32 v53, v55;
	v34 =	vperm.xlane v25, v9;
	v33 =	vperm.xlane v25, v10  }
0xf1: {  	v44 =	vld [tilespmem:$0x1100];
	v32 =	vperm.xlane v25, v11;
	v63 =	vperm.xlane v45, v9;
	v37 =	vsub.f32 v37, v50  }
0xf2: {  	v38 =	vld [tilespmem:$0xF40];
	v0 =	vadd.f32 v57, v0;
	v60 =	vadd.f32 v56, v35;
	v61 =	vmul.f32 v58, v27  }
0xf3: {  	v48 =	vld [tilespmem:$0xE40];
	v31 =	vperm.xlane v25, v13;
	v47 =	vsub.f32 v47, v43;
	v29 =	vadd.f32 v29, v30  }
0xf4: {  	v51 =	vld [tilespmem:$0xF80];
	v62 =	vmul.f32 v60, v27;
	v27 =	vadd.f32 v61, v0;
	v0 =	vperm.xlane v45, v8  }
0xf5: {  	v52 =	vld [tilespmem:$0xFC0];
	v30 =	vperm.xlane v25, v12;
	v59 =	vmul.f32 v54, v26;
	v26 =	vadd.f32 v42, v41  }
0xf6: {  	v53 =	vld [tilespmem:$0x1000];
	v35 =	vperm.xlane v25, v8;
	v36 =	vand.u32 $0x1, v63;
	v0 =	vand.u32 $0x1, v0  }
0xf7: {  	v55 =	vld [tilespmem:$0x1080];
	v38 =	vsub.f32 v38, v49;
	v41 =	vcvt.s32.f32 v0;
	v0 =	vperm.xlane v45, v10  }
0xf8: {  	v57 =	vld [tilespmem:$0x1140];
	v28 =	vadd.f32 v28, v29;
	v29 =	vperm.xlane v25, v14;
	v42 =	vcvt.s32.f32 v36  }
0xf9: {  	v54 =	vld [tilespmem:$0x1040];
	v60 =	vperm.xlane v45, v11;
	v0 =	vand.u32 $0x1, v0;
	v37 =	vmul.f32 v41, v37  }
0xfa: {  	v56 =	vld [tilespmem:$0x10C0];
	v28 =	vadd.f32 v59, v28;
	v39 =	vcvt.s32.f32 v0;
	v0 =	vsub.f32 v48, v46  }
0xfb: {  	v58 =	vld [tilespmem:$0xD90];
	v61 =	vand.u32 $0x1, v60;
	v60 =	vperm.xlane v45, v13;
	v37 =	vadd.f32 v37, v50  }
0xfc: {  	v63 =	vld [tilespmem:$0xF50];
	v28 =	vadd.f32 v62, v28;
	v62 =	vperm.xlane v45, v12;
	v0 =	vmul.f32 v42, v0  }
0xfd: {  	v52 =	vsub.f32 v52, v51;
	v36 =	vcvt.s32.f32 v61;
	v61 =	vld [tilespmem:$0xE90];
	v37 =	vmul.f32 v37, v35  }
0xfe: {  	v40 =	vand.u32 $0x1, v62;
	v48 =	vld [tilespmem:$0xDD0];
	v0 =	vadd.f32 v0, v46;
	v46 =	vmul.f32 v39, v47  }
0xff: {  	v60 =	vand.u32 $0x1, v60;
	v40 =	vcvt.s32.f32 v40;
	v47 =	vld [tilespmem:$0xED0];
	v37 =	vadd.f32 $0.0e+00, v37  }
0x100: {  	v59 =	vld [tilespmem:$0xE50];
	v0 =	vmul.f32 v0, v34;
	v43 =	vadd.f32 v46, v43;
	v46 =	vmul.f32 v36, v38  }
0x101: {  	v54 =	vsub.f32 v54, v53;
	v62 =	vld [tilespmem:$0xF10];
	v38 =	vcvt.s32.f32 v60;
	v60 =	vperm.xlane v45, v14  }
0x102: {  	v50 =	vld [tilespmem:$0xE10];
	v0 =	vadd.f32 v0, v37;
	v37 =	vmul.f32 v43, v33;
	v43 =	vadd.f32 v46, v49  }
0x103: {  	v52 =	vmul.f32 v40, v52;
	v48 =	vsub.f32 v48, v58;
	v46 =	vld [tilespmem:$0xFD0];
	v49 =	vand.u32 $0x1, v60  }
0x104: {  	v60 =	vld [tilespmem:$0x1010];
	v47 =	vsub.f32 v47, v61;
	v0 =	vadd.f32 v37, v0;
	v43 =	vmul.f32 v43, v32  }
0x105: {  	v37 =	vcvt.s32.f32 v49;
	v49 =	vadd.f32 v52, v51;
	v51 =	vmul.f32 v38, v54;
	v52 =	vld [tilespmem:$0x1090]  }
0x106: {  	v56 =	vsub.f32 v56, v55;
	v54 =	vld [tilespmem:$0x10D0];
	v47 =	vmul.f32 v39, v47;
	v0 =	vadd.f32 v43, v0  }
0x107: {  	v43 =	vmul.f32 v41, v48;
	v48 =	vsub.f32 v59, v50;
	v51 =	vadd.f32 v51, v53;
	v53 =	vld [tilespmem:$0x1110]  }
0x108: {  	v63 =	vsub.f32 v63, v62;
	v45 =	vperm.xlane v45, v15;
	v49 =	vmul.f32 v49, v30;
	v59 =	vld [tilespmem:$0xE20]  }
0x109: {  	v47 =	vadd.f32 v47, v61;
	v61 =	vld [tilespmem:$0xEA0];
	v43 =	vadd.f32 v43, v58;
	v48 =	vmul.f32 v42, v48  }
0x10a: {  	v56 =	vmul.f32 v37, v56;
	v58 =	vld [tilespmem:$0x1150];
	v0 =	vadd.f32 v49, v0;
	v49 =	vmul.f32 v51, v31  }
0x10b: {  	v45 =	vand.u32 $0x1, v45;
	v51 =	vld [tilespmem:$0xDA0];
	v43 =	vmul.f32 v43, v35;
	v48 =	vadd.f32 v48, v50  }
0x10c: {  	v45 =	vcvt.s32.f32 v45;
	v55 =	vadd.f32 v56, v55;
	v50 =	vld [tilespmem:$0xDE0];
	v0 =	vadd.f32 v49, v0  }
0x10d: {  	v56 =	vld [tilespmem:$0xE60];
	v49 =	vmul.f32 v36, v63;
	v43 =	vadd.f32 $0.0e+00, v43;
	v48 =	vmul.f32 v48, v34  }
0x10e: {  	v46 =	vsub.f32 v46, v1;
	v2 =	vsub.f32 v2, v60;
	v55 =	vmul.f32 v55, v29;
	v63 =	vld [tilespmem:$0xEE0]  }
0x10f: {  	v47 =	vmul.f32 v47, v33;
	v49 =	vadd.f32 v49, v62;
	v62 =	vld [tilespmem:$0xF20];
	v48 =	vadd.f32 v48, v43  }
0x110: {  	v43 =	vadd.f32 v55, v0;
	v0 =	vmul.f32 v40, v46;
	v46 =	vld [tilespmem:$0xF60];
	v55 =	vsub.f32 v57, v44  }
0x111: {  	v57 =	vld [tilespmem:$0x1060];
	v47 =	vadd.f32 v47, v48;
	v48 =	vmul.f32 v49, v32;
	v49 =	vsub.f32 v50, v51  }
0x112: {  	v50 =	vld [tilespmem:$0xFA0];
	v0 =	vadd.f32 v0, v1;
	v1 =	vmul.f32 v38, v2;
	v55 =	vmul.f32 v45, v55  }
0x113: {  	v2 =	vld [tilespmem:$0xFE0];
	v47 =	vadd.f32 v48, v47;
	v48 =	vsub.f32 v54, v52;
	v49 =	vmul.f32 v41, v49  }
0x114: {  	v56 =	vsub.f32 v56, v59;
	v54 =	vld [tilespmem:$0x1020];
	v0 =	vmul.f32 v0, v30;
	v1 =	vadd.f32 v1, v60  }
0x115: {  	v60 =	vld [tilespmem:$0xDF0];
	v44 =	vadd.f32 v55, v44;
	v48 =	vmul.f32 v37, v48;
	v49 =	vadd.f32 v49, v51  }
0x116: {  	v51 =	vld [tilespmem:$0xDB0];
	v0 =	vadd.f32 v0, v47;
	v47 =	vmul.f32 v42, v56;
	v56 =	vsub.f32 v63, v61  }
0x117: {  	v46 =	vsub.f32 v46, v62;
	v1 =	vmul.f32 v1, v31;
	v48 =	vadd.f32 v48, v52;
	v52 =	vld [tilespmem:$0xE30]  }
0x118: {  	v2 =	vsub.f32 v2, v50;
	v49 =	vmul.f32 v49, v35;
	v63 =	vmul.f32 v39, v56;
	v56 =	vld [tilespmem:$0xE70]  }
0x119: {  	v47 =	vadd.f32 v47, v59;
	v0 =	vadd.f32 v1, v0;
	v59 =	vld [tilespmem:$0xEB0];
	v1 =	vmul.f32 v48, v29  }
0x11a: {  	v46 =	vmul.f32 v36, v46;
	v48 =	vadd.f32 $0.0e+00, v49;
	v49 =	vld [tilespmem:$0x10A0];
	v55 =	vadd.f32 v63, v61  }
0x11b: {  	v47 =	vmul.f32 v47, v34;
	v0 =	vadd.f32 v1, v0;
	v1 =	vsub.f32 v60, v51;
	v60 =	vld [tilespmem:$0xEF0]  }
0x11c: {  	v61 =	vmul.f32 v55, v33;
	v55 =	vld [tilespmem:$0x10E0]  }
0x11d: {  	v46 =	vadd.f32 v46, v62;
	v2 =	vmul.f32 v40, v2;
	v47 =	vadd.f32 v47, v48;
	v48 =	vld [tilespmem:$0xF70]  }
0x11e: {  	v58 =	vsub.f32 v58, v53;
	v63 =	vsub.f32 v56, v52;
	v56 =	vld [tilespmem:$0xF30];
	v1 =	vmul.f32 v41, v1  }
0x11f: {  	v46 =	vmul.f32 v46, v32;
	v2 =	vadd.f32 v2, v50;
	v47 =	vadd.f32 v61, v47;
	v61 =	vld [tilespmem:$0x1070]  }
0x120: {  	v58 =	vmul.f32 v45, v58;
	v41 =	vmul.f32 v42, v63;
	v42 =	vld [tilespmem:$0xFB0];
	v1 =	vadd.f32 v1, v51  }
0x121: {  	v2 =	vmul.f32 v2, v30;
	v46 =	vadd.f32 v46, v47;
	v51 =	vsub.f32 v60, v59;
	v60 =	vld [tilespmem:$0xFF0]  }
0x122: {  	v53 =	vadd.f32 v58, v53;
	v58 =	vadd.f32 v41, v52;
	v41 =	vld [tilespmem:$0x1030];
	v1 =	vmul.f32 v1, v35  }
0x123: {  	v50 =	vld [tilespmem:$0x1160];
	v48 =	vsub.f32 v48, v56;
	v2 =	vadd.f32 v2, v46;
	v39 =	vmul.f32 v39, v51  }
0x124: {  	v35 =	vld [tilespmem:$0x1120];
	v46 =	vsub.f32 v55, v49;
	v34 =	vmul.f32 v58, v34;
	v1 =	vadd.f32 $0.0e+00, v1  }
0x125: {  	v58 =	vsub.f32 v57, v54;
	v62 =	vmul.f32 v36, v48;
	v48 =	vld [tilespmem:$0x10B0];
	v39 =	vadd.f32 v39, v59  }
0x126: {  	v52 =	vmul.f32 v37, v46;
	v59 =	vld [tilespmem:$0x10F0];
	v1 =	vadd.f32 v34, v1;
	v63 =	vsub.f32 v60, v42  }
0x127: {  	v47 =	vld [tilespmem:$0x1130];
	v34 =	vadd.f32 v62, v56;
	v60 =	vsub.f32 v61, v41;
	v61 =	vmul.f32 v38, v58  }
0x128: {  	[tilespmem:$0x11B0] =	vst v19;
	v62 =	vld [tilespmem:$0x1170];
	v19 =	vadd.f32 v52, v49;
	v33 =	vmul.f32 v39, v33;
	v36 =	vmul.f32 v40, v63  }
0x129: {  	[tilespmem:$0x1190] =	vst v17;
	v25 =	vperm.xlane v25, v15;
	v55 =	vsub.f32 v50, v35;
	v17 =	vadd.f32 v61, v54  }
0x12a: {  	[tilespmem:$0x1180] =	vst v16;
	v16 =	vmul.f32 v34, v32;
	v1 =	vadd.f32 v33, v1;
	v63 =	vadd.f32 v36, v42  }
0x12b: {  	[tilespmem:$0x11A0] =	vst v18;
	v42 =	vmul.f32 v38, v60;
	v17 =	vmul.f32 v17, v31;
	v54 =	vsub.f32 v59, v48  }
0x12c: {  	[tilespmem:$0x1200] =	vst v20;
	v59 =	vmul.f32 v44, v25;
	v1 =	vadd.f32 v16, v1;
	v16 =	vmul.f32 v63, v30  }
0x12d: {  	[tilespmem:$0x1210] =	vst v21;
	v56 =	vsub.f32 v62, v47;
	v51 =	vadd.f32 v42, v41;
	v57 =	vmul.f32 v37, v54  }
0x12e: {  	[tilespmem:$0x1220] =	vst v22;
	v60 =	vmul.f32 v53, v25;
	v1 =	vadd.f32 v16, v1;
	v16 =	vmul.f32 v45, v55  }
0x12f: {  	[tilespmem:$0x1230] =	vst v23;
	v58 =	vmul.f32 v45, v56;
	v18 =	vmul.f32 v51, v31;
	v21 =	vadd.f32 v57, v48  }
0x130: {  	[tilespmem:$0x1280] =	vst v24;
	v2 =	vadd.f32 v17, v2;
	v17 =	vmul.f32 v19, v29;
	v16 =	vadd.f32 v16, v35  }
0x131: {  	[tilespmem:$0x1290] =	vst v26;
	v62 =	vadd.f32 v58, v47;
	v1 =	vadd.f32 v18, v1;
	v61 =	vmul.f32 v21, v29  }
0x132: {  	[tilespmem:$0x12A0] =	vst v27;
	v63 =	vadd.f32 v59, v43;
	v2 =	vadd.f32 v17, v2;
	v16 =	vmul.f32 v16, v25  }
0x133: {  	[tilespmem:$0x12B0] =	vst v28;
	v0 =	vadd.f32 v60, v0;
	v17 =	vmul.f32 v62, v25;
	v1 =	vadd.f32 v61, v1  }
0x134: {  	[tilespmem:$0x1300] =	vst v63;
	v2 =	vadd.f32 v16, v2  }
0x135: {  	[tilespmem:$0x1310] =	vst v0;
	v0 =	vadd.f32 v17, v1  }
0x136: {  	p0 =	sne.s32 s7, $0x1;
	[tilespmem:$0x1320] =	vst v2  }
.Ltmp0:
0x137: {  	[tilespmem:$0x1330] =	vst v0;
	(pc) =	sbr.rel @p0 .LBB2_1-.Ltmp0, $4  }
0x138: {  	[hbm4b:s6+s2] =	stream.linear.scatter [tilespmem:s14], [sflag:$0x2], $0x200, $0x38;
	[tilespmem:$0x1380] =	vst v63  }
0x139: {  	_ =	swait.ge [sflag:s8], $0x200  }
0x13a: {  	[sflag:s8] =	ssyncset.done $0x0  }
0x13b: {  	s7 =	sadd.s32 $0xFFFFFFFF, s7;
	[sflag:s8] =	ssyncadd.s32 $0xFFFFFE00  }
0x13c: {  	_ =	sfence.sel $0x180000  }
0x13d: {  	[bflag:$0x0] =	sbarrier.arrive $0xFFFF  }
0x13e: {  	p0 =	sne.s32 s1, $0x0;
	_ =	strace $0x90000047  }
0x13f: {  	s0 =	sadd.s32 @!p0 $0x100000, s0;
	[bflag:$0x2] =	sbarrier.arrive $0xFFFF  }
0x140: {  	[sflag:s0] =	ssyncadd.tile.s32 @!p0 $0x1;
	_ =	shalt  }
.Lfunc_end2:
_tile_overlayer_lowered:
.L_overlay_start_2:
0x141: {  	(tag) =	ssettag $0x2  }
0x142: {  	s0 =	rddreg [dreg:$0x0];
	s2 =	stileid.u32  }
0x143: {  	s1 =	rddreg [dreg:$0x1];
	p0 =	sne.s32 s2, $0x0  }
0x144: {  	s3 =	rddreg [dreg:$0x2];
	[bflag:$0x3] =	sbarrier.arrive $0xFFFF;
	s2 =	simm.s32 @!p0 $0x1C02  }
0x145: {  	[timem:s3], [sflag:s2] =	dma.local @!p0 [hbm:s0], s1  }
0x146: {  	s0 =	simm.s32 @!p0 $0x2  }
0x147: {  	_ =	swait.ge @!p0 [sflag:s0], s1  }
0x148: {  	s1 =	ssub.s32 @!p0 $0x0, s1;
	[sflag:s0] =	ssyncset.done @!p0 $0x0  }
0x149: {  	[sflag:s0] =	ssyncadd.s32 @!p0 s1  }
0x14a: {  	[bflag:$0x3] =	sbarrier.arrive $0xFFFF  }
0x14b: {  	_ =	shalt  }

</sc_bundles>
